<compile_context>
chip_gen: v7x
topology: tpu7x:2x2x1
jax: 0.10.2.dev20260603
libtpu: 0.0.44.dev20260713+nightly
codegen_flags: <defaults>
</compile_context>

<pallas_src>
import functools

import jax
import jax.numpy as jnp
from jax import lax
from jax.experimental import pallas as pl
from jax.experimental.pallas import tpu as pltpu
from jax.experimental.pallas import tpu_sc as plsc

D = 128
NC, NS = 2, 16
NW = NC * NS
N_PAD = 10240
E_PAD = 327680
EPW = E_PAD // NW
CHUNK = 128
N_CHUNKS = EPW // CHUNK
ROWS_PER_W = N_PAD // NW
STRIPE = N_PAD // NS

_mesh = plsc.VectorSubcoreMesh(core_axis_name="c", subcore_axis_name="s")


R0 = 472
R1 = 640 - R0


@functools.partial(
    pl.kernel,
    out_type=jax.ShapeDtypeStruct((N_PAD, D), jnp.float32),
    mesh=_mesh,
    scratch_types=[
        pltpu.VMEM((R0,), jnp.int32),
        pltpu.VMEM((R0, D), jnp.float32),
        pltpu.SemaphoreType.DMA,
    ],
)
def _emb_gather(table_hbm, ids_hbm, x_hbm, idx_v, rows_v, sem):
    cid = lax.axis_index("c")
    base = lax.axis_index("s") * STRIPE

    @pl.when(cid == 0)
    def _():
        pltpu.sync_copy(ids_hbm.at[pl.ds(base, R0)], idx_v)
        pltpu.async_copy(table_hbm.at[idx_v], rows_v, sem).wait()
        pltpu.sync_copy(rows_v, x_hbm.at[pl.ds(base, R0)])

    @pl.when(cid == 1)
    def _():
        iv = idx_v.at[pl.ds(0, R1)]
        rv = rows_v.at[pl.ds(0, R1)]
        pltpu.sync_copy(ids_hbm.at[pl.ds(base + R0, R1)], iv)
        pltpu.async_copy(table_hbm.at[iv], rv, sem).wait()
        pltpu.sync_copy(rv, x_hbm.at[pl.ds(base + R0, R1)])


NBUF = 2
IR = 4
TOTAL_CHUNKS = E_PAD // CHUNK
CPP = TOTAL_CHUNKS // NS
C0 = 120
C1 = CPP - C0


@functools.partial(
    pl.kernel,
    out_type=jax.ShapeDtypeStruct((NC, N_PAD, D), jnp.float32),
    mesh=_mesh,
    scratch_types=[
        pltpu.VMEM((IR, 2, CHUNK), jnp.int32),
    ] + [pltpu.VMEM((CHUNK, D), jnp.float32)] * NBUF
      + [pltpu.SemaphoreType.DMA] * (NBUF + IR)
      + [pltpu.VMEM_SHARED((N_PAD, D), jnp.float32)],
)
def _edge_scatter(x_hbm, idx_hbm, out_hbm, ring, r0, r1,
                  g0, g1, i0, i1, i2, i3, agg_sh):
    rows = (r0, r1)
    gsem = (g0, g1)
    isem = (i0, i1, i2, i3)
    cid = lax.axis_index("c")
    sid = lax.axis_index("s")
    cpc = jnp.where(cid == 0, C0, C1)
    gbase = sid * CPP + cid * C0

    def fire_idx(k, m):
        pltpu.async_copy(idx_hbm.at[gbase + k], ring.at[m], isem[m])

    def wait_idx(k, m):
        pltpu.make_async_copy(idx_hbm.at[gbase + k], ring.at[m],
                              isem[m]).wait()

    def fire_g(k, b, m):
        pltpu.async_copy(x_hbm.at[ring.at[m, 0]], rows[b], gsem[b])

    def wait_g(k, b, m):
        pltpu.make_async_copy(x_hbm.at[ring.at[m, 0]], rows[b],
                              gsem[b]).wait()

    for m in range(IR):
        fire_idx(m, m)

    def zbody(i, _):
        for j in range(D // 16):
            rows[0][i, pl.ds(j * 16, 16)] = jnp.zeros((16,), jnp.float32)
        return ()

    lax.fori_loop(0, CHUNK, zbody, ())
    for t in range(STRIPE // CHUNK):
        pltpu.sync_copy(rows[0],
                        agg_sh.at[pl.ds(sid * STRIPE + t * CHUNK, CHUNK)])
    plsc.subcore_barrier()

    for k in range(NBUF):
        wait_idx(k, k)
        fire_g(k, k, k)

    def step(k, m, b, do_idx, do_g):
        wait_g(k, b, m)
        pltpu.sync_copy(rows[b], agg_sh.at[ring.at[m, 1]], add=True)
        if do_idx:
            fire_idx(k + IR, m)
        if do_g:
            m2 = (m + NBUF) % IR
            wait_idx(k + NBUF, m2)
            fire_g(k + NBUF, b, m2)

    def obody(k0, _):
        for m in range(IR):
            step(k0 * IR + m, m, m % NBUF, True, True)
        return ()

    lax.fori_loop(0, (cpc - IR) // IR, obody, ())
    for m in range(IR):
        k = cpc - IR + m
        step(k, m, m % NBUF, False, m + NBUF < IR)

    plsc.subcore_barrier()
    pltpu.sync_copy(agg_sh.at[pl.ds(sid * STRIPE, STRIPE)],
                    out_hbm.at[cid, pl.ds(sid * STRIPE, STRIPE)])


_BR = 1024


def _mm_body(p_ref, w_ref, b_ref, o_ref):
    x = p_ref[0] + p_ref[1]
    y = jnp.dot(x, w_ref[...], preferred_element_type=jnp.float32)
    o_ref[...] = jnp.maximum(y + b_ref[...], 0.0)


def _mm_relu(partials, W, b):
    return pl.pallas_call(
        _mm_body,
        grid=(N_PAD // _BR,),
        in_specs=[
            pl.BlockSpec((NC, _BR, D), lambda i: (0, i, 0)),
            pl.BlockSpec((D, D), lambda i: (0, 0)),
            pl.BlockSpec((1, D), lambda i: (0, 0)),
        ],
        out_specs=pl.BlockSpec((_BR, D), lambda i: (i, 0)),
        out_shape=jax.ShapeDtypeStruct((N_PAD, D), jnp.float32),
    )(partials, W, b.reshape(1, D))


def kernel(cncpt_ids, edge_index, emb_table, W1, b1, W2, b2):
    n = cncpt_ids.shape[0]
    e = edge_index.shape[1]
    ids_pad = jnp.pad(cncpt_ids.astype(jnp.int32), (0, N_PAD - n))
    src_pad = jnp.pad(edge_index[0].astype(jnp.int32),
                      (0, E_PAD - e)).reshape(NW, N_CHUNKS, CHUNK)
    dst_pad = jnp.pad(edge_index[1].astype(jnp.int32), (0, E_PAD - e),
                      constant_values=n).reshape(NW, N_CHUNKS, CHUNK)
    idx_pair = jnp.stack([src_pad.reshape(-1, CHUNK),
                          dst_pad.reshape(-1, CHUNK)],
                         axis=1)

    x = _emb_gather(emb_table, ids_pad)
    p1 = _edge_scatter(x, idx_pair)
    h1 = _mm_relu(p1, W1, b1)
    p2 = _edge_scatter(h1, idx_pair)
    h2 = _mm_relu(p2, W2, b2)
    return h2[:n]

# --- scband reference (transcript-rebuilt; emitter-appended) ---
"""Pipeline reference for scband-knowledge-aware-graph-networks-19774029431053 (READ-ONLY COPY).

The authoritative reference and input builder live on the scoring server;
editing this copy changes nothing except your own understanding.
"""

import jax, jax.numpy as jnp
import numpy as np

N_NODES = 10000
N_EDGES = 320000
CONCEPT_NUM = 50000
CONCEPT_DIM = 128
HIDDEN_DIM = 128
OUT_DIM = 128

def setup_inputs(seed: int = 0) -> dict:
    key = jax.random.key(seed)
    k1, k2, k3, k4, k5, k6, k7 = jax.random.split(key, 7)
    cncpt_ids = jax.random.randint(k1, (N_NODES,), 0, CONCEPT_NUM, dtype=jnp.int64 if jax.config.jax_enable_x64 else jnp.int32)
    edge_index = jax.random.randint(k2, (2, N_EDGES), 0, N_NODES, dtype=jnp.int64 if jax.config.jax_enable_x64 else jnp.int32)
    bias = float(np.sqrt(6.0 / CONCEPT_DIM))
    emb_table = jax.random.uniform(k3, (CONCEPT_NUM, CONCEPT_DIM), minval=-bias, maxval=bias, dtype=jnp.float32)
    W1 = jax.random.normal(k4, (CONCEPT_DIM, HIDDEN_DIM), dtype=jnp.float32) * (1.0 / np.sqrt(CONCEPT_DIM))
    b1 = jax.random.normal(k5, (HIDDEN_DIM,), dtype=jnp.float32) * 0.02
    W2 = jax.random.normal(k6, (HIDDEN_DIM, OUT_DIM), dtype=jnp.float32) * (1.0 / np.sqrt(HIDDEN_DIM))
    b2 = jax.random.normal(k7, (OUT_DIM,), dtype=jnp.float32) * 0.02
    return {"cncpt_ids": cncpt_ids, "edge_index": edge_index, "emb_table": emb_table, "W1": W1, "b1": b1, "W2": W2, "b2": b2}

def reference(cncpt_ids, edge_index, emb_table, W1, b1, W2, b2):
    # GCN_Encoder forward: embedding lookup -> two GraphConvLayers
    # gcn_msg = copy_src('h'), gcn_reduce = sum -> scatter-add of src features into dst
    src = edge_index[0]
    dst = edge_index[1]
    n = cncpt_ids.shape[0]
    # features = concept_emd(g.ndata['cncpt_ids'])
    x = jnp.take(emb_table, cncpt_ids, axis=0)
    # layer 1: h = relu(Linear(sum_{j in N(i)} x_j))
    msg1 = jnp.take(x, src, axis=0)
    agg1 = jax.ops.segment_sum(msg1, dst, num_segments=n)
    h1 = jax.nn.relu(agg1 @ W1 + b1)
    # layer 2
    msg2 = jnp.take(h1, src, axis=0)
    agg2 = jax.ops.segment_sum(msg2, dst, num_segments=n)
    h2 = jax.nn.relu(agg2 @ W2 + b2)
    return h2

if __name__ == "__main__":
    import jax
    _d = setup_inputs()
    print(jax.jit(kernel)(*tuple(_d.values())))

</pallas_src>

<mosaic_0001>
#map = affine_map<(d0, d1) -> (0, 0)>
#map1 = affine_map<(d0, d1) -> (0)>
module attributes {stable_mosaic.version = 14 : i64} {
  func.func @_emb_gather(%arg0: i32, %arg1: i32, %arg2: memref<50000x128xf32, #tpu.memory_space<hbm>>, %arg3: memref<10240xi32, #tpu.memory_space<hbm>>, %arg4: memref<10240x128xf32, #tpu.memory_space<hbm>>, %arg5: memref<472xi32, #tpu.memory_space<vmem>>, %arg6: memref<472x128xf32, #tpu.memory_space<vmem>>, %arg7: memref<!tpu.dma_semaphore, #tpu.memory_space<semaphore_mem>>) attributes {dimension_semantics = [#tpu.dimension_semantics<core_parallel>, #tpu.dimension_semantics<subcore_parallel>], iteration_bounds = array<i64: 2, 16>, scalar_prefetch = 0 : i64, scratch_operands = 3 : i64, tpu.core_type = #tpu.core_type<sc_vector_subcore>, window_params = [{transform_indices = #map}, {transform_indices = #map1}, {transform_indices = #map}]} {
    %mul3A = arith.constant 640 : i32
    %mul3A_0 = arith.muli %arg1, %mul3A : i32
    %eq3A = arith.constant 0 : i32
    %eq3A_1 = arith.cmpi eq, %arg0, %eq3A : i32
    %convert_element_type3A = arith.extui %eq3A_1 : i1 to i32
    %cond3A = arith.constant 0 : i32
    %cond3A_2 = arith.cmpi ne, %convert_element_type3A, %cond3A : i32
    scf.if %cond3A_2 {
      "tpu.region"() ({
        %run_scoped3A = tpu.sem_alloc : memref<!tpu.dma_semaphore, #tpu.memory_space<semaphore_mem>>
        %dma_start3A_12 = tpu.memref_slice %arg3[%mul3A_0] : memref<10240xi32, #tpu.memory_space<hbm>> -> memref<472xi32, #tpu.memory_space<hbm>>
        %dma_start3A_13 = tpu.memref_slice %arg3[%mul3A_0] : memref<10240xi32, #tpu.memory_space<hbm>> -> memref<472xi32, #tpu.memory_space<hbm>>
        tpu.enqueue_dma source(%dma_start3A_13 : memref<472xi32, #tpu.memory_space<hbm>>) target(%arg5 : memref<472xi32, #tpu.memory_space<vmem>>) target_semaphore(%run_scoped3A : memref<!tpu.dma_semaphore, #tpu.memory_space<semaphore_mem>>)
        %dma_wait3A_14 = tpu.memref_slice %arg3[%mul3A_0] : memref<10240xi32, #tpu.memory_space<hbm>> -> memref<472xi32, #tpu.memory_space<hbm>>
        %dma_wait3A_15 = tpu.memref_slice %arg3[%mul3A_0] : memref<10240xi32, #tpu.memory_space<hbm>> -> memref<472xi32, #tpu.memory_space<hbm>>
        tpu.wait_dma2 semaphore(%run_scoped3A : memref<!tpu.dma_semaphore, #tpu.memory_space<semaphore_mem>>) src(%dma_wait3A_15 : memref<472xi32, #tpu.memory_space<hbm>>) dst(%arg5 : memref<472xi32, #tpu.memory_space<vmem>>)
        tpu.yield
      }) : () -> ()
      %dma_start3A = arith.constant 0 : i32
      %dma_start3A_8 = arith.constant 0 : i32
      %dma_start3A_9 = tpu.memref_slice %arg2[%dma_start3A, %dma_start3A_8] : memref<50000x128xf32, #tpu.memory_space<hbm>> -> memref<50000x128xf32, #tpu.memory_space<hbm>>
      tpu.enqueue_indirect_dma source(%dma_start3A_9 : memref<50000x128xf32, #tpu.memory_space<hbm>>) target(%arg6 : memref<472x128xf32, #tpu.memory_space<vmem>>) offsets(%arg5 : memref<472xi32, #tpu.memory_space<vmem>>) semaphore(%arg7 : memref<!tpu.dma_semaphore, #tpu.memory_space<semaphore_mem>>)
      %dma_wait3A = arith.constant 0 : i32
      %dma_wait3A_10 = arith.constant 0 : i32
      %dma_wait3A_11 = tpu.memref_slice %arg2[%dma_wait3A, %dma_wait3A_10] : memref<50000x128xf32, #tpu.memory_space<hbm>> -> memref<50000x128xf32, #tpu.memory_space<hbm>>
      tpu.wait_indirect_dma semaphore(%arg7 : memref<!tpu.dma_semaphore, #tpu.memory_space<semaphore_mem>>) src(%dma_wait3A_11 : memref<50000x128xf32, #tpu.memory_space<hbm>>) dst(%arg6 : memref<472x128xf32, #tpu.memory_space<vmem>>)
      "tpu.region"() ({
        %run_scoped3A = tpu.sem_alloc : memref<!tpu.dma_semaphore, #tpu.memory_space<semaphore_mem>>
        %dma_start3A_12 = arith.constant 0 : i32
        %dma_start3A_13 = tpu.memref_slice %arg4[%mul3A_0, %dma_start3A_12] : memref<10240x128xf32, #tpu.memory_space<hbm>> -> memref<472x128xf32, #tpu.memory_space<hbm>>
        %dma_start3A_14 = arith.constant 0 : i32
        %dma_start3A_15 = tpu.memref_slice %arg4[%mul3A_0, %dma_start3A_14] : memref<10240x128xf32, #tpu.memory_space<hbm>> -> memref<472x128xf32, #tpu.memory_space<hbm>>
        tpu.enqueue_dma source(%arg6 : memref<472x128xf32, #tpu.memory_space<vmem>>) target(%dma_start3A_15 : memref<472x128xf32, #tpu.memory_space<hbm>>) target_semaphore(%run_scoped3A : memref<!tpu.dma_semaphore, #tpu.memory_space<semaphore_mem>>)
        %dma_wait3A_16 = arith.constant 0 : i32
        %dma_wait3A_17 = tpu.memref_slice %arg4[%mul3A_0, %dma_wait3A_16] : memref<10240x128xf32, #tpu.memory_space<hbm>> -> memref<472x128xf32, #tpu.memory_space<hbm>>
        %dma_wait3A_18 = arith.constant 0 : i32
        %dma_wait3A_19 = tpu.memref_slice %arg4[%mul3A_0, %dma_wait3A_18] : memref<10240x128xf32, #tpu.memory_space<hbm>> -> memref<472x128xf32, #tpu.memory_space<hbm>>
        tpu.wait_dma2 semaphore(%run_scoped3A : memref<!tpu.dma_semaphore, #tpu.memory_space<semaphore_mem>>) src(%arg6 : memref<472x128xf32, #tpu.memory_space<vmem>>) dst(%dma_wait3A_19 : memref<472x128xf32, #tpu.memory_space<hbm>>)
        tpu.yield
      }) : () -> ()
    } else {
    }
    %eq3A_3 = arith.constant 1 : i32
    %eq3A_4 = arith.cmpi eq, %arg0, %eq3A_3 : i32
    %convert_element_type3A_5 = arith.extui %eq3A_4 : i1 to i32
    %cond3A_6 = arith.constant 0 : i32
    %cond3A_7 = arith.cmpi ne, %convert_element_type3A_5, %cond3A_6 : i32
    scf.if %cond3A_7 {
      %add3A = arith.constant 472 : i32
      %add3A_8 = arith.addi %mul3A_0, %add3A : i32
      "tpu.region"() ({
        %run_scoped3A = tpu.sem_alloc : memref<!tpu.dma_semaphore, #tpu.memory_space<semaphore_mem>>
        %dma_start3A_25 = arith.constant 0 : i32
        %dma_start3A_26 = tpu.memref_slice %arg5[%dma_start3A_25] : memref<472xi32, #tpu.memory_space<vmem>> -> memref<168xi32, #tpu.memory_space<vmem>>
        %dma_start3A_27 = tpu.memref_slice %arg3[%add3A_8] : memref<10240xi32, #tpu.memory_space<hbm>> -> memref<168xi32, #tpu.memory_space<hbm>>
        %dma_start3A_28 = arith.constant 0 : i32
        %dma_start3A_29 = tpu.memref_slice %arg5[%dma_start3A_28] : memref<472xi32, #tpu.memory_space<vmem>> -> memref<168xi32, #tpu.memory_space<vmem>>
        %dma_start3A_30 = tpu.memref_slice %arg3[%add3A_8] : memref<10240xi32, #tpu.memory_space<hbm>> -> memref<168xi32, #tpu.memory_space<hbm>>
        tpu.enqueue_dma source(%dma_start3A_30 : memref<168xi32, #tpu.memory_space<hbm>>) target(%dma_start3A_29 : memref<168xi32, #tpu.memory_space<vmem>>) target_semaphore(%run_scoped3A : memref<!tpu.dma_semaphore, #tpu.memory_space<semaphore_mem>>)
        %dma_wait3A_31 = arith.constant 0 : i32
        %dma_wait3A_32 = tpu.memref_slice %arg5[%dma_wait3A_31] : memref<472xi32, #tpu.memory_space<vmem>> -> memref<168xi32, #tpu.memory_space<vmem>>
        %dma_wait3A_33 = tpu.memref_slice %arg3[%add3A_8] : memref<10240xi32, #tpu.memory_space<hbm>> -> memref<168xi32, #tpu.memory_space<hbm>>
        %dma_wait3A_34 = arith.constant 0 : i32
        %dma_wait3A_35 = tpu.memref_slice %arg5[%dma_wait3A_34] : memref<472xi32, #tpu.memory_space<vmem>> -> memref<168xi32, #tpu.memory_space<vmem>>
        %dma_wait3A_36 = tpu.memref_slice %arg3[%add3A_8] : memref<10240xi32, #tpu.memory_space<hbm>> -> memref<168xi32, #tpu.memory_space<hbm>>
        tpu.wait_dma2 semaphore(%run_scoped3A : memref<!tpu.dma_semaphore, #tpu.memory_space<semaphore_mem>>) src(%dma_wait3A_36 : memref<168xi32, #tpu.memory_space<hbm>>) dst(%dma_wait3A_35 : memref<168xi32, #tpu.memory_space<vmem>>)
        tpu.yield
      }) : () -> ()
      %dma_start3A = arith.constant 0 : i32
      %dma_start3A_9 = arith.constant 0 : i32
      %dma_start3A_10 = tpu.memref_slice %arg6[%dma_start3A, %dma_start3A_9] : memref<472x128xf32, #tpu.memory_space<vmem>> -> memref<168x128xf32, #tpu.memory_space<vmem>>
      %dma_start3A_11 = arith.constant 0 : i32
      %dma_start3A_12 = tpu.memref_slice %arg5[%dma_start3A_11] : memref<472xi32, #tpu.memory_space<vmem>> -> memref<168xi32, #tpu.memory_space<vmem>>
      %dma_start3A_13 = arith.constant 0 : i32
      %dma_start3A_14 = arith.constant 0 : i32
      %dma_start3A_15 = tpu.memref_slice %arg2[%dma_start3A_13, %dma_start3A_14] : memref<50000x128xf32, #tpu.memory_space<hbm>> -> memref<50000x128xf32, #tpu.memory_space<hbm>>
      tpu.enqueue_indirect_dma source(%dma_start3A_15 : memref<50000x128xf32, #tpu.memory_space<hbm>>) target(%dma_start3A_10 : memref<168x128xf32, #tpu.memory_space<vmem>>) offsets(%dma_start3A_12 : memref<168xi32, #tpu.memory_space<vmem>>) semaphore(%arg7 : memref<!tpu.dma_semaphore, #tpu.memory_space<semaphore_mem>>)
      %dma_wait3A = arith.constant 0 : i32
      %dma_wait3A_16 = arith.constant 0 : i32
      %dma_wait3A_17 = tpu.memref_slice %arg6[%dma_wait3A, %dma_wait3A_16] : memref<472x128xf32, #tpu.memory_space<vmem>> -> memref<168x128xf32, #tpu.memory_space<vmem>>
      %dma_wait3A_18 = arith.constant 0 : i32
      %dma_wait3A_19 = tpu.memref_slice %arg5[%dma_wait3A_18] : memref<472xi32, #tpu.memory_space<vmem>> -> memref<168xi32, #tpu.memory_space<vmem>>
      %dma_wait3A_20 = arith.constant 0 : i32
      %dma_wait3A_21 = arith.constant 0 : i32
      %dma_wait3A_22 = tpu.memref_slice %arg2[%dma_wait3A_20, %dma_wait3A_21] : memref<50000x128xf32, #tpu.memory_space<hbm>> -> memref<50000x128xf32, #tpu.memory_space<hbm>>
      tpu.wait_indirect_dma semaphore(%arg7 : memref<!tpu.dma_semaphore, #tpu.memory_space<semaphore_mem>>) src(%dma_wait3A_22 : memref<50000x128xf32, #tpu.memory_space<hbm>>) dst(%dma_wait3A_17 : memref<168x128xf32, #tpu.memory_space<vmem>>)
      %add3A_23 = arith.constant 472 : i32
      %add3A_24 = arith.addi %mul3A_0, %add3A_23 : i32
      "tpu.region"() ({
        %run_scoped3A = tpu.sem_alloc : memref<!tpu.dma_semaphore, #tpu.memory_space<semaphore_mem>>
        %dma_start3A_25 = arith.constant 0 : i32
        %dma_start3A_26 = arith.constant 0 : i32
        %dma_start3A_27 = tpu.memref_slice %arg6[%dma_start3A_25, %dma_start3A_26] : memref<472x128xf32, #tpu.memory_space<vmem>> -> memref<168x128xf32, #tpu.memory_space<vmem>>
        %dma_start3A_28 = arith.constant 0 : i32
        %dma_start3A_29 = tpu.memref_slice %arg4[%add3A_24, %dma_start3A_28] : memref<10240x128xf32, #tpu.memory_space<hbm>> -> memref<168x128xf32, #tpu.memory_space<hbm>>
        %dma_start3A_30 = arith.constant 0 : i32
        %dma_start3A_31 = tpu.memref_slice %arg4[%add3A_24, %dma_start3A_30] : memref<10240x128xf32, #tpu.memory_space<hbm>> -> memref<168x128xf32, #tpu.memory_space<hbm>>
        %dma_start3A_32 = arith.constant 0 : i32
        %dma_start3A_33 = arith.constant 0 : i32
        %dma_start3A_34 = tpu.memref_slice %arg6[%dma_start3A_32, %dma_start3A_33] : memref<472x128xf32, #tpu.memory_space<vmem>> -> memref<168x128xf32, #tpu.memory_space<vmem>>
        tpu.enqueue_dma source(%dma_start3A_34 : memref<168x128xf32, #tpu.memory_space<vmem>>) target(%dma_start3A_31 : memref<168x128xf32, #tpu.memory_space<hbm>>) target_semaphore(%run_scoped3A : memref<!tpu.dma_semaphore, #tpu.memory_space<semaphore_mem>>)
        %dma_wait3A_35 = arith.constant 0 : i32
        %dma_wait3A_36 = arith.constant 0 : i32
        %dma_wait3A_37 = tpu.memref_slice %arg6[%dma_wait3A_35, %dma_wait3A_36] : memref<472x128xf32, #tpu.memory_space<vmem>> -> memref<168x128xf32, #tpu.memory_space<vmem>>
        %dma_wait3A_38 = arith.constant 0 : i32
        %dma_wait3A_39 = tpu.memref_slice %arg4[%add3A_24, %dma_wait3A_38] : memref<10240x128xf32, #tpu.memory_space<hbm>> -> memref<168x128xf32, #tpu.memory_space<hbm>>
        %dma_wait3A_40 = arith.constant 0 : i32
        %dma_wait3A_41 = tpu.memref_slice %arg4[%add3A_24, %dma_wait3A_40] : memref<10240x128xf32, #tpu.memory_space<hbm>> -> memref<168x128xf32, #tpu.memory_space<hbm>>
        %dma_wait3A_42 = arith.constant 0 : i32
        %dma_wait3A_43 = arith.constant 0 : i32
        %dma_wait3A_44 = tpu.memref_slice %arg6[%dma_wait3A_42, %dma_wait3A_43] : memref<472x128xf32, #tpu.memory_space<vmem>> -> memref<168x128xf32, #tpu.memory_space<vmem>>
        tpu.wait_dma2 semaphore(%run_scoped3A : memref<!tpu.dma_semaphore, #tpu.memory_space<semaphore_mem>>) src(%dma_wait3A_44 : memref<168x128xf32, #tpu.memory_space<vmem>>) dst(%dma_wait3A_41 : memref<168x128xf32, #tpu.memory_space<hbm>>)
        tpu.yield
      }) : () -> ()
    } else {
    }
    return
  }
}

#map = affine_map<(d0, d1) -> (0, 0)>
#map1 = affine_map<(d0, d1) -> (0, 0, 0)>
module attributes {stable_mosaic.version = 14 : i64} {
  func.func @_edge_scatter(%arg0: i32, %arg1: i32, %arg2: memref<10240x128xf32, #tpu.memory_space<hbm>>, %arg3: memref<2560x2x128xi32, #tpu.memory_space<hbm>>, %arg4: memref<2x10240x128xf32, #tpu.memory_space<hbm>>, %arg5: memref<4x2x128xi32, #tpu.memory_space<vmem>>, %arg6: memref<128x128xf32, #tpu.memory_space<vmem>>, %arg7: memref<128x128xf32, #tpu.memory_space<vmem>>, %arg8: memref<!tpu.dma_semaphore, #tpu.memory_space<semaphore_mem>>, %arg9: memref<!tpu.dma_semaphore, #tpu.memory_space<semaphore_mem>>, %arg10: memref<!tpu.dma_semaphore, #tpu.memory_space<semaphore_mem>>, %arg11: memref<!tpu.dma_semaphore, #tpu.memory_space<semaphore_mem>>, %arg12: memref<!tpu.dma_semaphore, #tpu.memory_space<semaphore_mem>>, %arg13: memref<!tpu.dma_semaphore, #tpu.memory_space<semaphore_mem>>, %arg14: memref<10240x128xf32, #tpu.memory_space<vmem_shared>>) attributes {dimension_semantics = [#tpu.dimension_semantics<core_parallel>, #tpu.dimension_semantics<subcore_parallel>], iteration_bounds = array<i64: 2, 16>, scalar_prefetch = 0 : i64, scratch_operands = 10 : i64, tpu.core_type = #tpu.core_type<sc_vector_subcore>, window_params = [{transform_indices = #map}, {transform_indices = #map1}, {transform_indices = #map1}]} {
    %eq3A = arith.constant 0 : i32
    %eq3A_0 = arith.cmpi eq, %arg0, %eq3A : i32
    %jit3A = arith.constant 120 : i32
    %jit3A_1 = arith.constant 40 : i32
    %select_n3A = arith.select %eq3A_0, %jit3A, %jit3A_1 : i32
    %mul3A = arith.constant 160 : i32
    %mul3A_2 = arith.muli %arg1, %mul3A : i32
    %mul3A_3 = arith.constant 120 : i32
    %mul3A_4 = arith.muli %arg0, %mul3A_3 : i32
    %add3A = arith.addi %mul3A_2, %mul3A_4 : i32
    %add3A_5 = arith.constant 0 : i32
    %add3A_6 = arith.addi %add3A, %add3A_5 : i32
    %dma_start3A = arith.constant 0 : i32
    %dma_start3A_7 = arith.constant 0 : i32
    %dma_start3A_8 = arith.constant 0 : i32
    %dma_start3A_9 = tpu.memref_slice %arg5[%dma_start3A, %dma_start3A_7, %dma_start3A_8] : memref<4x2x128xi32, #tpu.memory_space<vmem>> -> memref<1x2x128xi32, #tpu.memory_space<vmem>>
    %dma_start3A_10 = tpu.memref_squeeze %dma_start3A_9 : memref<1x2x128xi32, #tpu.memory_space<vmem>> -> memref<2x128xi32, #tpu.memory_space<vmem>>
    %dma_start3A_11 = arith.constant 0 : i32
    %dma_start3A_12 = arith.constant 0 : i32
    %dma_start3A_13 = tpu.memref_slice %arg3[%add3A_6, %dma_start3A_11, %dma_start3A_12] : memref<2560x2x128xi32, #tpu.memory_space<hbm>> -> memref<1x2x128xi32, #tpu.memory_space<hbm>>
    %dma_start3A_14 = tpu.memref_squeeze %dma_start3A_13 : memref<1x2x128xi32, #tpu.memory_space<hbm>> -> memref<2x128xi32, #tpu.memory_space<hbm>>
    %dma_start3A_15 = arith.constant 0 : i32
    %dma_start3A_16 = arith.constant 0 : i32
    %dma_start3A_17 = tpu.memref_slice %arg5[%dma_start3A, %dma_start3A_15, %dma_start3A_16] : memref<4x2x128xi32, #tpu.memory_space<vmem>> -> memref<1x2x128xi32, #tpu.memory_space<vmem>>
    %dma_start3A_18 = tpu.memref_squeeze %dma_start3A_17 : memref<1x2x128xi32, #tpu.memory_space<vmem>> -> memref<2x128xi32, #tpu.memory_space<vmem>>
    %dma_start3A_19 = arith.constant 0 : i32
    %dma_start3A_20 = arith.constant 0 : i32
    %dma_start3A_21 = tpu.memref_slice %arg3[%add3A_6, %dma_start3A_19, %dma_start3A_20] : memref<2560x2x128xi32, #tpu.memory_space<hbm>> -> memref<1x2x128xi32, #tpu.memory_space<hbm>>
    %dma_start3A_22 = tpu.memref_squeeze %dma_start3A_21 : memref<1x2x128xi32, #tpu.memory_space<hbm>> -> memref<2x128xi32, #tpu.memory_space<hbm>>
    tpu.enqueue_dma source(%dma_start3A_22 : memref<2x128xi32, #tpu.memory_space<hbm>>) target(%dma_start3A_18 : memref<2x128xi32, #tpu.memory_space<vmem>>) target_semaphore(%arg10 : memref<!tpu.dma_semaphore, #tpu.memory_space<semaphore_mem>>)
    %add3A_23 = arith.constant 1 : i32
    %add3A_24 = arith.addi %add3A, %add3A_23 : i32
    %dma_start3A_25 = arith.constant 1 : i32
    %dma_start3A_26 = arith.constant 0 : i32
    %dma_start3A_27 = arith.constant 0 : i32
    %dma_start3A_28 = tpu.memref_slice %arg5[%dma_start3A_25, %dma_start3A_26, %dma_start3A_27] : memref<4x2x128xi32, #tpu.memory_space<vmem>> -> memref<1x2x128xi32, #tpu.memory_space<vmem>>
    %dma_start3A_29 = tpu.memref_squeeze %dma_start3A_28 : memref<1x2x128xi32, #tpu.memory_space<vmem>> -> memref<2x128xi32, #tpu.memory_space<vmem>>
    %dma_start3A_30 = arith.constant 0 : i32
    %dma_start3A_31 = arith.constant 0 : i32
    %dma_start3A_32 = tpu.memref_slice %arg3[%add3A_24, %dma_start3A_30, %dma_start3A_31] : memref<2560x2x128xi32, #tpu.memory_space<hbm>> -> memref<1x2x128xi32, #tpu.memory_space<hbm>>
    %dma_start3A_33 = tpu.memref_squeeze %dma_start3A_32 : memref<1x2x128xi32, #tpu.memory_space<hbm>> -> memref<2x128xi32, #tpu.memory_space<hbm>>
    %dma_start3A_34 = arith.constant 0 : i32
    %dma_start3A_35 = arith.constant 0 : i32
    %dma_start3A_36 = tpu.memref_slice %arg5[%dma_start3A_25, %dma_start3A_34, %dma_start3A_35] : memref<4x2x128xi32, #tpu.memory_space<vmem>> -> memref<1x2x128xi32, #tpu.memory_space<vmem>>
    %dma_start3A_37 = tpu.memref_squeeze %dma_start3A_36 : memref<1x2x128xi32, #tpu.memory_space<vmem>> -> memref<2x128xi32, #tpu.memory_space<vmem>>
    %dma_start3A_38 = arith.constant 0 : i32
    %dma_start3A_39 = arith.constant 0 : i32
    %dma_start3A_40 = tpu.memref_slice %arg3[%add3A_24, %dma_start3A_38, %dma_start3A_39] : memref<2560x2x128xi32, #tpu.memory_space<hbm>> -> memref<1x2x128xi32, #tpu.memory_space<hbm>>
    %dma_start3A_41 = tpu.memref_squeeze %dma_start3A_40 : memref<1x2x128xi32, #tpu.memory_space<hbm>> -> memref<2x128xi32, #tpu.memory_space<hbm>>
    tpu.enqueue_dma source(%dma_start3A_41 : memref<2x128xi32, #tpu.memory_space<hbm>>) target(%dma_start3A_37 : memref<2x128xi32, #tpu.memory_space<vmem>>) target_semaphore(%arg11 : memref<!tpu.dma_semaphore, #tpu.memory_space<semaphore_mem>>)
    %add3A_42 = arith.constant 2 : i32
    %add3A_43 = arith.addi %add3A, %add3A_42 : i32
    %dma_start3A_44 = arith.constant 2 : i32
    %dma_start3A_45 = arith.constant 0 : i32
    %dma_start3A_46 = arith.constant 0 : i32
    %dma_start3A_47 = tpu.memref_slice %arg5[%dma_start3A_44, %dma_start3A_45, %dma_start3A_46] : memref<4x2x128xi32, #tpu.memory_space<vmem>> -> memref<1x2x128xi32, #tpu.memory_space<vmem>>
    %dma_start3A_48 = tpu.memref_squeeze %dma_start3A_47 : memref<1x2x128xi32, #tpu.memory_space<vmem>> -> memref<2x128xi32, #tpu.memory_space<vmem>>
    %dma_start3A_49 = arith.constant 0 : i32
    %dma_start3A_50 = arith.constant 0 : i32
    %dma_start3A_51 = tpu.memref_slice %arg3[%add3A_43, %dma_start3A_49, %dma_start3A_50] : memref<2560x2x128xi32, #tpu.memory_space<hbm>> -> memref<1x2x128xi32, #tpu.memory_space<hbm>>
    %dma_start3A_52 = tpu.memref_squeeze %dma_start3A_51 : memref<1x2x128xi32, #tpu.memory_space<hbm>> -> memref<2x128xi32, #tpu.memory_space<hbm>>
    %dma_start3A_53 = arith.constant 0 : i32
    %dma_start3A_54 = arith.constant 0 : i32
    %dma_start3A_55 = tpu.memref_slice %arg5[%dma_start3A_44, %dma_start3A_53, %dma_start3A_54] : memref<4x2x128xi32, #tpu.memory_space<vmem>> -> memref<1x2x128xi32, #tpu.memory_space<vmem>>
    %dma_start3A_56 = tpu.memref_squeeze %dma_start3A_55 : memref<1x2x128xi32, #tpu.memory_space<vmem>> -> memref<2x128xi32, #tpu.memory_space<vmem>>
    %dma_start3A_57 = arith.constant 0 : i32
    %dma_start3A_58 = arith.constant 0 : i32
    %dma_start3A_59 = tpu.memref_slice %arg3[%add3A_43, %dma_start3A_57, %dma_start3A_58] : memref<2560x2x128xi32, #tpu.memory_space<hbm>> -> memref<1x2x128xi32, #tpu.memory_space<hbm>>
    %dma_start3A_60 = tpu.memref_squeeze %dma_start3A_59 : memref<1x2x128xi32, #tpu.memory_space<hbm>> -> memref<2x128xi32, #tpu.memory_space<hbm>>
    tpu.enqueue_dma source(%dma_start3A_60 : memref<2x128xi32, #tpu.memory_space<hbm>>) target(%dma_start3A_56 : memref<2x128xi32, #tpu.memory_space<vmem>>) target_semaphore(%arg12 : memref<!tpu.dma_semaphore, #tpu.memory_space<semaphore_mem>>)
    %add3A_61 = arith.constant 3 : i32
    %add3A_62 = arith.addi %add3A, %add3A_61 : i32
    %dma_start3A_63 = arith.constant 3 : i32
    %dma_start3A_64 = arith.constant 0 : i32
    %dma_start3A_65 = arith.constant 0 : i32
    %dma_start3A_66 = tpu.memref_slice %arg5[%dma_start3A_63, %dma_start3A_64, %dma_start3A_65] : memref<4x2x128xi32, #tpu.memory_space<vmem>> -> memref<1x2x128xi32, #tpu.memory_space<vmem>>
    %dma_start3A_67 = tpu.memref_squeeze %dma_start3A_66 : memref<1x2x128xi32, #tpu.memory_space<vmem>> -> memref<2x128xi32, #tpu.memory_space<vmem>>
    %dma_start3A_68 = arith.constant 0 : i32
    %dma_start3A_69 = arith.constant 0 : i32
    %dma_start3A_70 = tpu.memref_slice %arg3[%add3A_62, %dma_start3A_68, %dma_start3A_69] : memref<2560x2x128xi32, #tpu.memory_space<hbm>> -> memref<1x2x128xi32, #tpu.memory_space<hbm>>
    %dma_start3A_71 = tpu.memref_squeeze %dma_start3A_70 : memref<1x2x128xi32, #tpu.memory_space<hbm>> -> memref<2x128xi32, #tpu.memory_space<hbm>>
    %dma_start3A_72 = arith.constant 0 : i32
    %dma_start3A_73 = arith.constant 0 : i32
    %dma_start3A_74 = tpu.memref_slice %arg5[%dma_start3A_63, %dma_start3A_72, %dma_start3A_73] : memref<4x2x128xi32, #tpu.memory_space<vmem>> -> memref<1x2x128xi32, #tpu.memory_space<vmem>>
    %dma_start3A_75 = tpu.memref_squeeze %dma_start3A_74 : memref<1x2x128xi32, #tpu.memory_space<vmem>> -> memref<2x128xi32, #tpu.memory_space<vmem>>
    %dma_start3A_76 = arith.constant 0 : i32
    %dma_start3A_77 = arith.constant 0 : i32
    %dma_start3A_78 = tpu.memref_slice %arg3[%add3A_62, %dma_start3A_76, %dma_start3A_77] : memref<2560x2x128xi32, #tpu.memory_space<hbm>> -> memref<1x2x128xi32, #tpu.memory_space<hbm>>
    %dma_start3A_79 = tpu.memref_squeeze %dma_start3A_78 : memref<1x2x128xi32, #tpu.memory_space<hbm>> -> memref<2x128xi32, #tpu.memory_space<hbm>>
    tpu.enqueue_dma source(%dma_start3A_79 : memref<2x128xi32, #tpu.memory_space<hbm>>) target(%dma_start3A_75 : memref<2x128xi32, #tpu.memory_space<vmem>>) target_semaphore(%arg13 : memref<!tpu.dma_semaphore, #tpu.memory_space<semaphore_mem>>)
    %scan3A = arith.constant 0 : i32
    %scan3A_80 = arith.constant 128 : i32
    %scan3A_81 = arith.addi %scan3A, %scan3A_80 : i32
    %scan3A_82 = arith.constant 1 : i32
    scf.for %scan3A_305 = %scan3A to %scan3A_81 step %scan3A_82  : i32 {
      %broadcast_in_dim3A = arith.constant 0.000000e+00 : f32
      %broadcast_in_dim3A_306 = vector.broadcast %broadcast_in_dim3A : f32 to vector<16xf32>
      %swap3A = arith.index_cast %scan3A_305 : i32 to index
      %swap3A_307 = arith.constant 0 : index
      %swap3A_308 = tpu.vector_load %arg6[%swap3A, %swap3A_307] {strides = array<i32>} : memref<128x128xf32, #tpu.memory_space<vmem>>, vector<1x16xf32>,
      %swap3A_309 = vector.shape_cast %swap3A_308 : vector<1x16xf32> to vector<16xf32>
      %swap3A_310 = vector.shape_cast %broadcast_in_dim3A_306 : vector<16xf32> to vector<1x16xf32>
      tpu.vector_store %arg6[%swap3A, %swap3A_307], %swap3A_310 {strides = array<i32>} : memref<128x128xf32, #tpu.memory_space<vmem>>, vector<1x16xf32>,
      %broadcast_in_dim3A_311 = arith.constant 0.000000e+00 : f32
      %broadcast_in_dim3A_312 = vector.broadcast %broadcast_in_dim3A_311 : f32 to vector<16xf32>
      %swap3A_313 = arith.index_cast %scan3A_305 : i32 to index
      %swap3A_314 = arith.constant 16 : index
      %swap3A_315 = tpu.vector_load %arg6[%swap3A_313, %swap3A_314] {strides = array<i32>} : memref<128x128xf32, #tpu.memory_space<vmem>>, vector<1x16xf32>,
      %swap3A_316 = vector.shape_cast %swap3A_315 : vector<1x16xf32> to vector<16xf32>
      %swap3A_317 = vector.shape_cast %broadcast_in_dim3A_312 : vector<16xf32> to vector<1x16xf32>
      tpu.vector_store %arg6[%swap3A_313, %swap3A_314], %swap3A_317 {strides = array<i32>} : memref<128x128xf32, #tpu.memory_space<vmem>>, vector<1x16xf32>,
      %broadcast_in_dim3A_318 = arith.constant 0.000000e+00 : f32
      %broadcast_in_dim3A_319 = vector.broadcast %broadcast_in_dim3A_318 : f32 to vector<16xf32>
      %swap3A_320 = arith.index_cast %scan3A_305 : i32 to index
      %swap3A_321 = arith.constant 32 : index
      %swap3A_322 = tpu.vector_load %arg6[%swap3A_320, %swap3A_321] {strides = array<i32>} : memref<128x128xf32, #tpu.memory_space<vmem>>, vector<1x16xf32>,
      %swap3A_323 = vector.shape_cast %swap3A_322 : vector<1x16xf32> to vector<16xf32>
      %swap3A_324 = vector.shape_cast %broadcast_in_dim3A_319 : vector<16xf32> to vector<1x16xf32>
      tpu.vector_store %arg6[%swap3A_320, %swap3A_321], %swap3A_324 {strides = array<i32>} : memref<128x128xf32, #tpu.memory_space<vmem>>, vector<1x16xf32>,
      %broadcast_in_dim3A_325 = arith.constant 0.000000e+00 : f32
      %broadcast_in_dim3A_326 = vector.broadcast %broadcast_in_dim3A_325 : f32 to vector<16xf32>
      %swap3A_327 = arith.index_cast %scan3A_305 : i32 to index
      %swap3A_328 = arith.constant 48 : index
      %swap3A_329 = tpu.vector_load %arg6[%swap3A_327, %swap3A_328] {strides = array<i32>} : memref<128x128xf32, #tpu.memory_space<vmem>>, vector<1x16xf32>,
      %swap3A_330 = vector.shape_cast %swap3A_329 : vector<1x16xf32> to vector<16xf32>
      %swap3A_331 = vector.shape_cast %broadcast_in_dim3A_326 : vector<16xf32> to vector<1x16xf32>
      tpu.vector_store %arg6[%swap3A_327, %swap3A_328], %swap3A_331 {strides = array<i32>} : memref<128x128xf32, #tpu.memory_space<vmem>>, vector<1x16xf32>,
      %broadcast_in_dim3A_332 = arith.constant 0.000000e+00 : f32
      %broadcast_in_dim3A_333 = vector.broadcast %broadcast_in_dim3A_332 : f32 to vector<16xf32>
      %swap3A_334 = arith.index_cast %scan3A_305 : i32 to index
      %swap3A_335 = arith.constant 64 : index
      %swap3A_336 = tpu.vector_load %arg6[%swap3A_334, %swap3A_335] {strides = array<i32>} : memref<128x128xf32, #tpu.memory_space<vmem>>, vector<1x16xf32>,
      %swap3A_337 = vector.shape_cast %swap3A_336 : vector<1x16xf32> to vector<16xf32>
      %swap3A_338 = vector.shape_cast %broadcast_in_dim3A_333 : vector<16xf32> to vector<1x16xf32>
      tpu.vector_store %arg6[%swap3A_334, %swap3A_335], %swap3A_338 {strides = array<i32>} : memref<128x128xf32, #tpu.memory_space<vmem>>, vector<1x16xf32>,
      %broadcast_in_dim3A_339 = arith.constant 0.000000e+00 : f32
      %broadcast_in_dim3A_340 = vector.broadcast %broadcast_in_dim3A_339 : f32 to vector<16xf32>
      %swap3A_341 = arith.index_cast %scan3A_305 : i32 to index
      %swap3A_342 = arith.constant 80 : index
      %swap3A_343 = tpu.vector_load %arg6[%swap3A_341, %swap3A_342] {strides = array<i32>} : memref<128x128xf32, #tpu.memory_space<vmem>>, vector<1x16xf32>,
      %swap3A_344 = vector.shape_cast %swap3A_343 : vector<1x16xf32> to vector<16xf32>
      %swap3A_345 = vector.shape_cast %broadcast_in_dim3A_340 : vector<16xf32> to vector<1x16xf32>
      tpu.vector_store %arg6[%swap3A_341, %swap3A_342], %swap3A_345 {strides = array<i32>} : memref<128x128xf32, #tpu.memory_space<vmem>>, vector<1x16xf32>,
      %broadcast_in_dim3A_346 = arith.constant 0.000000e+00 : f32
      %broadcast_in_dim3A_347 = vector.broadcast %broadcast_in_dim3A_346 : f32 to vector<16xf32>
      %swap3A_348 = arith.index_cast %scan3A_305 : i32 to index
      %swap3A_349 = arith.constant 96 : index
      %swap3A_350 = tpu.vector_load %arg6[%swap3A_348, %swap3A_349] {strides = array<i32>} : memref<128x128xf32, #tpu.memory_space<vmem>>, vector<1x16xf32>,
      %swap3A_351 = vector.shape_cast %swap3A_350 : vector<1x16xf32> to vector<16xf32>
      %swap3A_352 = vector.shape_cast %broadcast_in_dim3A_347 : vector<16xf32> to vector<1x16xf32>
      tpu.vector_store %arg6[%swap3A_348, %swap3A_349], %swap3A_352 {strides = array<i32>} : memref<128x128xf32, #tpu.memory_space<vmem>>, vector<1x16xf32>,
      %broadcast_in_dim3A_353 = arith.constant 0.000000e+00 : f32
      %broadcast_in_dim3A_354 = vector.broadcast %broadcast_in_dim3A_353 : f32 to vector<16xf32>
      %swap3A_355 = arith.index_cast %scan3A_305 : i32 to index
      %swap3A_356 = arith.constant 112 : index
      %swap3A_357 = tpu.vector_load %arg6[%swap3A_355, %swap3A_356] {strides = array<i32>} : memref<128x128xf32, #tpu.memory_space<vmem>>, vector<1x16xf32>,
      %swap3A_358 = vector.shape_cast %swap3A_357 : vector<1x16xf32> to vector<16xf32>
      %swap3A_359 = vector.shape_cast %broadcast_in_dim3A_354 : vector<16xf32> to vector<1x16xf32>
      tpu.vector_store %arg6[%swap3A_355, %swap3A_356], %swap3A_359 {strides = array<i32>} : memref<128x128xf32, #tpu.memory_space<vmem>>, vector<1x16xf32>,
    }
    %scan3A_83 = arith.constant 128 : i32
    %mul3A_84 = arith.constant 640 : i32
    %mul3A_85 = arith.muli %arg1, %mul3A_84 : i32
    %add3A_86 = arith.constant 0 : i32
    %add3A_87 = arith.addi %mul3A_85, %add3A_86 : i32
    "tpu.region"() ({
      %run_scoped3A_305 = tpu.sem_alloc : memref<!tpu.dma_semaphore, #tpu.memory_space<semaphore_mem>>
      %dma_start3A_306 = arith.constant 0 : i32
      %dma_start3A_307 = tpu.memref_slice %arg14[%add3A_87, %dma_start3A_306] : memref<10240x128xf32, #tpu.memory_space<vmem_shared>> -> memref<128x128xf32, #tpu.memory_space<vmem_shared>>
      %dma_start3A_308 = arith.constant 0 : i32
      %dma_start3A_309 = tpu.memref_slice %arg14[%add3A_87, %dma_start3A_308] : memref<10240x128xf32, #tpu.memory_space<vmem_shared>> -> memref<128x128xf32, #tpu.memory_space<vmem_shared>>
      tpu.enqueue_dma source(%arg6 : memref<128x128xf32, #tpu.memory_space<vmem>>) target(%dma_start3A_309 : memref<128x128xf32, #tpu.memory_space<vmem_shared>>) target_semaphore(%run_scoped3A_305 : memref<!tpu.dma_semaphore, #tpu.memory_space<semaphore_mem>>)
      %dma_wait3A_310 = arith.constant 0 : i32
      %dma_wait3A_311 = tpu.memref_slice %arg14[%add3A_87, %dma_wait3A_310] : memref<10240x128xf32, #tpu.memory_space<vmem_shared>> -> memref<128x128xf32, #tpu.memory_space<vmem_shared>>
      %dma_wait3A_312 = arith.constant 0 : i32
      %dma_wait3A_313 = tpu.memref_slice %arg14[%add3A_87, %dma_wait3A_312] : memref<10240x128xf32, #tpu.memory_space<vmem_shared>> -> memref<128x128xf32, #tpu.memory_space<vmem_shared>>
      tpu.wait_dma2 semaphore(%run_scoped3A_305 : memref<!tpu.dma_semaphore, #tpu.memory_space<semaphore_mem>>) src(%arg6 : memref<128x128xf32, #tpu.memory_space<vmem>>) dst(%dma_wait3A_313 : memref<128x128xf32, #tpu.memory_space<vmem_shared>>)
      tpu.yield
    }) : () -> ()
    %mul3A_88 = arith.constant 640 : i32
    %mul3A_89 = arith.muli %arg1, %mul3A_88 : i32
    %add3A_90 = arith.constant 128 : i32
    %add3A_91 = arith.addi %mul3A_89, %add3A_90 : i32
    "tpu.region"() ({
      %run_scoped3A_305 = tpu.sem_alloc : memref<!tpu.dma_semaphore, #tpu.memory_space<semaphore_mem>>
      %dma_start3A_306 = arith.constant 0 : i32
      %dma_start3A_307 = tpu.memref_slice %arg14[%add3A_91, %dma_start3A_306] : memref<10240x128xf32, #tpu.memory_space<vmem_shared>> -> memref<128x128xf32, #tpu.memory_space<vmem_shared>>
      %dma_start3A_308 = arith.constant 0 : i32
      %dma_start3A_309 = tpu.memref_slice %arg14[%add3A_91, %dma_start3A_308] : memref<10240x128xf32, #tpu.memory_space<vmem_shared>> -> memref<128x128xf32, #tpu.memory_space<vmem_shared>>
      tpu.enqueue_dma source(%arg6 : memref<128x128xf32, #tpu.memory_space<vmem>>) target(%dma_start3A_309 : memref<128x128xf32, #tpu.memory_space<vmem_shared>>) target_semaphore(%run_scoped3A_305 : memref<!tpu.dma_semaphore, #tpu.memory_space<semaphore_mem>>)
      %dma_wait3A_310 = arith.constant 0 : i32
      %dma_wait3A_311 = tpu.memref_slice %arg14[%add3A_91, %dma_wait3A_310] : memref<10240x128xf32, #tpu.memory_space<vmem_shared>> -> memref<128x128xf32, #tpu.memory_space<vmem_shared>>
      %dma_wait3A_312 = arith.constant 0 : i32
      %dma_wait3A_313 = tpu.memref_slice %arg14[%add3A_91, %dma_wait3A_312] : memref<10240x128xf32, #tpu.memory_space<vmem_shared>> -> memref<128x128xf32, #tpu.memory_space<vmem_shared>>
      tpu.wait_dma2 semaphore(%run_scoped3A_305 : memref<!tpu.dma_semaphore, #tpu.memory_space<semaphore_mem>>) src(%arg6 : memref<128x128xf32, #tpu.memory_space<vmem>>) dst(%dma_wait3A_313 : memref<128x128xf32, #tpu.memory_space<vmem_shared>>)
      tpu.yield
    }) : () -> ()
    %mul3A_92 = arith.constant 640 : i32
    %mul3A_93 = arith.muli %arg1, %mul3A_92 : i32
    %add3A_94 = arith.constant 256 : i32
    %add3A_95 = arith.addi %mul3A_93, %add3A_94 : i32
    "tpu.region"() ({
      %run_scoped3A_305 = tpu.sem_alloc : memref<!tpu.dma_semaphore, #tpu.memory_space<semaphore_mem>>
      %dma_start3A_306 = arith.constant 0 : i32
      %dma_start3A_307 = tpu.memref_slice %arg14[%add3A_95, %dma_start3A_306] : memref<10240x128xf32, #tpu.memory_space<vmem_shared>> -> memref<128x128xf32, #tpu.memory_space<vmem_shared>>
      %dma_start3A_308 = arith.constant 0 : i32
      %dma_start3A_309 = tpu.memref_slice %arg14[%add3A_95, %dma_start3A_308] : memref<10240x128xf32, #tpu.memory_space<vmem_shared>> -> memref<128x128xf32, #tpu.memory_space<vmem_shared>>
      tpu.enqueue_dma source(%arg6 : memref<128x128xf32, #tpu.memory_space<vmem>>) target(%dma_start3A_309 : memref<128x128xf32, #tpu.memory_space<vmem_shared>>) target_semaphore(%run_scoped3A_305 : memref<!tpu.dma_semaphore, #tpu.memory_space<semaphore_mem>>)
      %dma_wait3A_310 = arith.constant 0 : i32
      %dma_wait3A_311 = tpu.memref_slice %arg14[%add3A_95, %dma_wait3A_310] : memref<10240x128xf32, #tpu.memory_space<vmem_shared>> -> memref<128x128xf32, #tpu.memory_space<vmem_shared>>
      %dma_wait3A_312 = arith.constant 0 : i32
      %dma_wait3A_313 = tpu.memref_slice %arg14[%add3A_95, %dma_wait3A_312] : memref<10240x128xf32, #tpu.memory_space<vmem_shared>> -> memref<128x128xf32, #tpu.memory_space<vmem_shared>>
      tpu.wait_dma2 semaphore(%run_scoped3A_305 : memref<!tpu.dma_semaphore, #tpu.memory_space<semaphore_mem>>) src(%arg6 : memref<128x128xf32, #tpu.memory_space<vmem>>) dst(%dma_wait3A_313 : memref<128x128xf32, #tpu.memory_space<vmem_shared>>)
      tpu.yield
    }) : () -> ()
    %mul3A_96 = arith.constant 640 : i32
    %mul3A_97 = arith.muli %arg1, %mul3A_96 : i32
    %add3A_98 = arith.constant 384 : i32
    %add3A_99 = arith.addi %mul3A_97, %add3A_98 : i32
    "tpu.region"() ({
      %run_scoped3A_305 = tpu.sem_alloc : memref<!tpu.dma_semaphore, #tpu.memory_space<semaphore_mem>>
      %dma_start3A_306 = arith.constant 0 : i32
      %dma_start3A_307 = tpu.memref_slice %arg14[%add3A_99, %dma_start3A_306] : memref<10240x128xf32, #tpu.memory_space<vmem_shared>> -> memref<128x128xf32, #tpu.memory_space<vmem_shared>>
      %dma_start3A_308 = arith.constant 0 : i32
      %dma_start3A_309 = tpu.memref_slice %arg14[%add3A_99, %dma_start3A_308] : memref<10240x128xf32, #tpu.memory_space<vmem_shared>> -> memref<128x128xf32, #tpu.memory_space<vmem_shared>>
      tpu.enqueue_dma source(%arg6 : memref<128x128xf32, #tpu.memory_space<vmem>>) target(%dma_start3A_309 : memref<128x128xf32, #tpu.memory_space<vmem_shared>>) target_semaphore(%run_scoped3A_305 : memref<!tpu.dma_semaphore, #tpu.memory_space<semaphore_mem>>)
      %dma_wait3A_310 = arith.constant 0 : i32
      %dma_wait3A_311 = tpu.memref_slice %arg14[%add3A_99, %dma_wait3A_310] : memref<10240x128xf32, #tpu.memory_space<vmem_shared>> -> memref<128x128xf32, #tpu.memory_space<vmem_shared>>
      %dma_wait3A_312 = arith.constant 0 : i32
      %dma_wait3A_313 = tpu.memref_slice %arg14[%add3A_99, %dma_wait3A_312] : memref<10240x128xf32, #tpu.memory_space<vmem_shared>> -> memref<128x128xf32, #tpu.memory_space<vmem_shared>>
      tpu.wait_dma2 semaphore(%run_scoped3A_305 : memref<!tpu.dma_semaphore, #tpu.memory_space<semaphore_mem>>) src(%arg6 : memref<128x128xf32, #tpu.memory_space<vmem>>) dst(%dma_wait3A_313 : memref<128x128xf32, #tpu.memory_space<vmem_shared>>)
      tpu.yield
    }) : () -> ()
    %mul3A_100 = arith.constant 640 : i32
    %mul3A_101 = arith.muli %arg1, %mul3A_100 : i32
    %add3A_102 = arith.constant 512 : i32
    %add3A_103 = arith.addi %mul3A_101, %add3A_102 : i32
    "tpu.region"() ({
      %run_scoped3A_305 = tpu.sem_alloc : memref<!tpu.dma_semaphore, #tpu.memory_space<semaphore_mem>>
      %dma_start3A_306 = arith.constant 0 : i32
      %dma_start3A_307 = tpu.memref_slice %arg14[%add3A_103, %dma_start3A_306] : memref<10240x128xf32, #tpu.memory_space<vmem_shared>> -> memref<128x128xf32, #tpu.memory_space<vmem_shared>>
      %dma_start3A_308 = arith.constant 0 : i32
      %dma_start3A_309 = tpu.memref_slice %arg14[%add3A_103, %dma_start3A_308] : memref<10240x128xf32, #tpu.memory_space<vmem_shared>> -> memref<128x128xf32, #tpu.memory_space<vmem_shared>>
      tpu.enqueue_dma source(%arg6 : memref<128x128xf32, #tpu.memory_space<vmem>>) target(%dma_start3A_309 : memref<128x128xf32, #tpu.memory_space<vmem_shared>>) target_semaphore(%run_scoped3A_305 : memref<!tpu.dma_semaphore, #tpu.memory_space<semaphore_mem>>)
      %dma_wait3A_310 = arith.constant 0 : i32
      %dma_wait3A_311 = tpu.memref_slice %arg14[%add3A_103, %dma_wait3A_310] : memref<10240x128xf32, #tpu.memory_space<vmem_shared>> -> memref<128x128xf32, #tpu.memory_space<vmem_shared>>
      %dma_wait3A_312 = arith.constant 0 : i32
      %dma_wait3A_313 = tpu.memref_slice %arg14[%add3A_103, %dma_wait3A_312] : memref<10240x128xf32, #tpu.memory_space<vmem_shared>> -> memref<128x128xf32, #tpu.memory_space<vmem_shared>>
      tpu.wait_dma2 semaphore(%run_scoped3A_305 : memref<!tpu.dma_semaphore, #tpu.memory_space<semaphore_mem>>) src(%arg6 : memref<128x128xf32, #tpu.memory_space<vmem>>) dst(%dma_wait3A_313 : memref<128x128xf32, #tpu.memory_space<vmem_shared>>)
      tpu.yield
    }) : () -> ()
    %barrier3A = arith.constant 0 : index
    tpu.barrier barrier_id(%barrier3A)
    %add3A_104 = arith.constant 0 : i32
    %add3A_105 = arith.addi %add3A, %add3A_104 : i32
    %dma_wait3A = arith.constant 0 : i32
    %dma_wait3A_106 = arith.constant 0 : i32
    %dma_wait3A_107 = arith.constant 0 : i32
    %dma_wait3A_108 = tpu.memref_slice %arg5[%dma_wait3A, %dma_wait3A_106, %dma_wait3A_107] : memref<4x2x128xi32, #tpu.memory_space<vmem>> -> memref<1x2x128xi32, #tpu.memory_space<vmem>>
    %dma_wait3A_109 = tpu.memref_squeeze %dma_wait3A_108 : memref<1x2x128xi32, #tpu.memory_space<vmem>> -> memref<2x128xi32, #tpu.memory_space<vmem>>
    %dma_wait3A_110 = arith.constant 0 : i32
    %dma_wait3A_111 = arith.constant 0 : i32
    %dma_wait3A_112 = tpu.memref_slice %arg3[%add3A_105, %dma_wait3A_110, %dma_wait3A_111] : memref<2560x2x128xi32, #tpu.memory_space<hbm>> -> memref<1x2x128xi32, #tpu.memory_space<hbm>>
    %dma_wait3A_113 = tpu.memref_squeeze %dma_wait3A_112 : memref<1x2x128xi32, #tpu.memory_space<hbm>> -> memref<2x128xi32, #tpu.memory_space<hbm>>
    %dma_wait3A_114 = arith.constant 0 : i32
    %dma_wait3A_115 = arith.constant 0 : i32
    %dma_wait3A_116 = tpu.memref_slice %arg5[%dma_wait3A, %dma_wait3A_114, %dma_wait3A_115] : memref<4x2x128xi32, #tpu.memory_space<vmem>> -> memref<1x2x128xi32, #tpu.memory_space<vmem>>
    %dma_wait3A_117 = tpu.memref_squeeze %dma_wait3A_116 : memref<1x2x128xi32, #tpu.memory_space<vmem>> -> memref<2x128xi32, #tpu.memory_space<vmem>>
    %dma_wait3A_118 = arith.constant 0 : i32
    %dma_wait3A_119 = arith.constant 0 : i32
    %dma_wait3A_120 = tpu.memref_slice %arg3[%add3A_105, %dma_wait3A_118, %dma_wait3A_119] : memref<2560x2x128xi32, #tpu.memory_space<hbm>> -> memref<1x2x128xi32, #tpu.memory_space<hbm>>
    %dma_wait3A_121 = tpu.memref_squeeze %dma_wait3A_120 : memref<1x2x128xi32, #tpu.memory_space<hbm>> -> memref<2x128xi32, #tpu.memory_space<hbm>>
    tpu.wait_dma2 semaphore(%arg10 : memref<!tpu.dma_semaphore, #tpu.memory_space<semaphore_mem>>) src(%dma_wait3A_121 : memref<2x128xi32, #tpu.memory_space<hbm>>) dst(%dma_wait3A_117 : memref<2x128xi32, #tpu.memory_space<vmem>>)
    %dma_start3A_122 = arith.constant 0 : i32
    %dma_start3A_123 = arith.constant 0 : i32
    %dma_start3A_124 = arith.constant 0 : i32
    %dma_start3A_125 = tpu.memref_slice %arg5[%dma_start3A_122, %dma_start3A_123, %dma_start3A_124] : memref<4x2x128xi32, #tpu.memory_space<vmem>> -> memref<1x1x128xi32, #tpu.memory_space<vmem>>
    %dma_start3A_126 = tpu.memref_squeeze %dma_start3A_125 : memref<1x1x128xi32, #tpu.memory_space<vmem>> -> memref<128xi32, #tpu.memory_space<vmem>>
    %dma_start3A_127 = arith.constant 0 : i32
    %dma_start3A_128 = arith.constant 0 : i32
    %dma_start3A_129 = tpu.memref_slice %arg2[%dma_start3A_127, %dma_start3A_128] : memref<10240x128xf32, #tpu.memory_space<hbm>> -> memref<10240x128xf32, #tpu.memory_space<hbm>>
    tpu.enqueue_indirect_dma source(%dma_start3A_129 : memref<10240x128xf32, #tpu.memory_space<hbm>>) target(%arg6 : memref<128x128xf32, #tpu.memory_space<vmem>>) offsets(%dma_start3A_126 : memref<128xi32, #tpu.memory_space<vmem>>) semaphore(%arg8 : memref<!tpu.dma_semaphore, #tpu.memory_space<semaphore_mem>>)
    %add3A_130 = arith.constant 1 : i32
    %add3A_131 = arith.addi %add3A, %add3A_130 : i32
    %dma_wait3A_132 = arith.constant 1 : i32
    %dma_wait3A_133 = arith.constant 0 : i32
    %dma_wait3A_134 = arith.constant 0 : i32
    %dma_wait3A_135 = tpu.memref_slice %arg5[%dma_wait3A_132, %dma_wait3A_133, %dma_wait3A_134] : memref<4x2x128xi32, #tpu.memory_space<vmem>> -> memref<1x2x128xi32, #tpu.memory_space<vmem>>
    %dma_wait3A_136 = tpu.memref_squeeze %dma_wait3A_135 : memref<1x2x128xi32, #tpu.memory_space<vmem>> -> memref<2x128xi32, #tpu.memory_space<vmem>>
    %dma_wait3A_137 = arith.constant 0 : i32
    %dma_wait3A_138 = arith.constant 0 : i32
    %dma_wait3A_139 = tpu.memref_slice %arg3[%add3A_131, %dma_wait3A_137, %dma_wait3A_138] : memref<2560x2x128xi32, #tpu.memory_space<hbm>> -> memref<1x2x128xi32, #tpu.memory_space<hbm>>
    %dma_wait3A_140 = tpu.memref_squeeze %dma_wait3A_139 : memref<1x2x128xi32, #tpu.memory_space<hbm>> -> memref<2x128xi32, #tpu.memory_space<hbm>>
    %dma_wait3A_141 = arith.constant 0 : i32
    %dma_wait3A_142 = arith.constant 0 : i32
    %dma_wait3A_143 = tpu.memref_slice %arg5[%dma_wait3A_132, %dma_wait3A_141, %dma_wait3A_142] : memref<4x2x128xi32, #tpu.memory_space<vmem>> -> memref<1x2x128xi32, #tpu.memory_space<vmem>>
    %dma_wait3A_144 = tpu.memref_squeeze %dma_wait3A_143 : memref<1x2x128xi32, #tpu.memory_space<vmem>> -> memref<2x128xi32, #tpu.memory_space<vmem>>
    %dma_wait3A_145 = arith.constant 0 : i32
    %dma_wait3A_146 = arith.constant 0 : i32
    %dma_wait3A_147 = tpu.memref_slice %arg3[%add3A_131, %dma_wait3A_145, %dma_wait3A_146] : memref<2560x2x128xi32, #tpu.memory_space<hbm>> -> memref<1x2x128xi32, #tpu.memory_space<hbm>>
    %dma_wait3A_148 = tpu.memref_squeeze %dma_wait3A_147 : memref<1x2x128xi32, #tpu.memory_space<hbm>> -> memref<2x128xi32, #tpu.memory_space<hbm>>
    tpu.wait_dma2 semaphore(%arg11 : memref<!tpu.dma_semaphore, #tpu.memory_space<semaphore_mem>>) src(%dma_wait3A_148 : memref<2x128xi32, #tpu.memory_space<hbm>>) dst(%dma_wait3A_144 : memref<2x128xi32, #tpu.memory_space<vmem>>)
    %dma_start3A_149 = arith.constant 1 : i32
    %dma_start3A_150 = arith.constant 0 : i32
    %dma_start3A_151 = arith.constant 0 : i32
    %dma_start3A_152 = tpu.memref_slice %arg5[%dma_start3A_149, %dma_start3A_150, %dma_start3A_151] : memref<4x2x128xi32, #tpu.memory_space<vmem>> -> memref<1x1x128xi32, #tpu.memory_space<vmem>>
    %dma_start3A_153 = tpu.memref_squeeze %dma_start3A_152 : memref<1x1x128xi32, #tpu.memory_space<vmem>> -> memref<128xi32, #tpu.memory_space<vmem>>
    %dma_start3A_154 = arith.constant 0 : i32
    %dma_start3A_155 = arith.constant 0 : i32
    %dma_start3A_156 = tpu.memref_slice %arg2[%dma_start3A_154, %dma_start3A_155] : memref<10240x128xf32, #tpu.memory_space<hbm>> -> memref<10240x128xf32, #tpu.memory_space<hbm>>
    tpu.enqueue_indirect_dma source(%dma_start3A_156 : memref<10240x128xf32, #tpu.memory_space<hbm>>) target(%arg7 : memref<128x128xf32, #tpu.memory_space<vmem>>) offsets(%dma_start3A_153 : memref<128xi32, #tpu.memory_space<vmem>>) semaphore(%arg9 : memref<!tpu.dma_semaphore, #tpu.memory_space<semaphore_mem>>)
    %sub3A = arith.constant 4 : i32
    %sub3A_157 = arith.subi %select_n3A, %sub3A : i32
    %jit3A_158 = arith.constant 4 : i32
    %div3A = arith.divsi %sub3A_157, %jit3A_158 : i32
    %sign3A = arith.constant 0 : i32
    %sign3A_159 = arith.cmpi sgt, %sub3A_157, %sign3A : i32
    %sign3A_160 = arith.extui %sign3A_159 : i1 to i32
    %sign3A_161 = arith.constant 0 : i32
    %sign3A_162 = arith.cmpi slt, %sub3A_157, %sign3A_161 : i32
    %sign3A_163 = arith.extui %sign3A_162 : i1 to i32
    %sign3A_164 = arith.subi %sign3A_160, %sign3A_163 : i32
    %sign3A_165 = arith.constant 0 : i32
    %sign3A_166 = arith.cmpi sgt, %jit3A_158, %sign3A_165 : i32
    %sign3A_167 = arith.extui %sign3A_166 : i1 to i32
    %sign3A_168 = arith.constant 0 : i32
    %sign3A_169 = arith.cmpi slt, %jit3A_158, %sign3A_168 : i32
    %sign3A_170 = arith.extui %sign3A_169 : i1 to i32
    %sign3A_171 = arith.subi %sign3A_167, %sign3A_170 : i32
    %ne3A = arith.cmpi ne, %sign3A_164, %sign3A_171 : i32
    %rem3A = arith.remsi %sub3A_157, %jit3A_158 : i32
    %ne3A_172 = arith.constant 0 : i32
    %ne3A_173 = arith.cmpi ne, %rem3A, %ne3A_172 : i32
    %and3A = arith.andi %ne3A, %ne3A_173 : i1
    %sub3A_174 = arith.constant 1 : i32
    %sub3A_175 = arith.subi %div3A, %sub3A_174 : i32
    %select_n3A_176 = arith.select %and3A, %sub3A_175, %div3A : i32
    %while3A = arith.constant 0 : i32
    %while3A_177 = arith.subi %select_n3A_176, %while3A : i32
    %while3A_178 = arith.addi %while3A, %while3A_177 : i32
    %while3A_179 = arith.constant 1 : i32
    %while3A_180 = arith.divsi %while3A_177, %while3A_179 : i32
    %while3A_181 = arith.muli %while3A_180, %while3A_179 : i32
    %while3A_182 = arith.addi %while3A, %while3A_181 : i32
    %while3A_183 = arith.constant 1 : i32
    scf.for %while3A_305 = %while3A to %while3A_182 step %while3A_183  : i32 {
      %mul3A_306 = arith.constant 4 : i32
      %mul3A_307 = arith.muli %while3A_305, %mul3A_306 : i32
      %add3A_308 = arith.constant 0 : i32
      %add3A_309 = arith.addi %mul3A_307, %add3A_308 : i32
      %dma_wait3A_310 = arith.constant 0 : i32
      %dma_wait3A_311 = arith.constant 0 : i32
      %dma_wait3A_312 = arith.constant 0 : i32
      %dma_wait3A_313 = tpu.memref_slice %arg5[%dma_wait3A_310, %dma_wait3A_311, %dma_wait3A_312] : memref<4x2x128xi32, #tpu.memory_space<vmem>> -> memref<1x1x128xi32, #tpu.memory_space<vmem>>
      %dma_wait3A_314 = tpu.memref_squeeze %dma_wait3A_313 : memref<1x1x128xi32, #tpu.memory_space<vmem>> -> memref<128xi32, #tpu.memory_space<vmem>>
      %dma_wait3A_315 = arith.constant 0 : i32
      %dma_wait3A_316 = arith.constant 0 : i32
      %dma_wait3A_317 = tpu.memref_slice %arg2[%dma_wait3A_315, %dma_wait3A_316] : memref<10240x128xf32, #tpu.memory_space<hbm>> -> memref<10240x128xf32, #tpu.memory_space<hbm>>
      tpu.wait_indirect_dma semaphore(%arg8 : memref<!tpu.dma_semaphore, #tpu.memory_space<semaphore_mem>>) src(%dma_wait3A_317 : memref<10240x128xf32, #tpu.memory_space<hbm>>) dst(%arg6 : memref<128x128xf32, #tpu.memory_space<vmem>>)
      %run_scoped3A_318 = arith.constant 0 : i32
      %run_scoped3A_319 = arith.constant 1 : i32
      "tpu.region"() ({
        %run_scoped3A_562 = tpu.sem_alloc : memref<!tpu.dma_semaphore, #tpu.memory_space<semaphore_mem>>
        %dma_start3A_563 = arith.constant 0 : i32
        %dma_start3A_564 = tpu.memref_slice %arg5[%run_scoped3A_318, %run_scoped3A_319, %dma_start3A_563] : memref<4x2x128xi32, #tpu.memory_space<vmem>> -> memref<1x1x128xi32, #tpu.memory_space<vmem>>
        %dma_start3A_565 = tpu.memref_squeeze %dma_start3A_564 : memref<1x1x128xi32, #tpu.memory_space<vmem>> -> memref<128xi32, #tpu.memory_space<vmem>>
        %dma_start3A_566 = arith.constant 0 : i32
        %dma_start3A_567 = arith.constant 0 : i32
        %dma_start3A_568 = tpu.memref_slice %arg14[%dma_start3A_566, %dma_start3A_567] : memref<10240x128xf32, #tpu.memory_space<vmem_shared>> -> memref<10240x128xf32, #tpu.memory_space<vmem_shared>>
        tpu.enqueue_indirect_dma source(%arg6 : memref<128x128xf32, #tpu.memory_space<vmem>>) target(%dma_start3A_568 : memref<10240x128xf32, #tpu.memory_space<vmem_shared>>) offsets(%dma_start3A_565 : memref<128xi32, #tpu.memory_space<vmem>>) semaphore(%run_scoped3A_562 : memref<!tpu.dma_semaphore, #tpu.memory_space<semaphore_mem>>) {add = true}
        %dma_wait3A_569 = arith.constant 0 : i32
        %dma_wait3A_570 = tpu.memref_slice %arg5[%run_scoped3A_318, %run_scoped3A_319, %dma_wait3A_569] : memref<4x2x128xi32, #tpu.memory_space<vmem>> -> memref<1x1x128xi32, #tpu.memory_space<vmem>>
        %dma_wait3A_571 = tpu.memref_squeeze %dma_wait3A_570 : memref<1x1x128xi32, #tpu.memory_space<vmem>> -> memref<128xi32, #tpu.memory_space<vmem>>
        %dma_wait3A_572 = arith.constant 0 : i32
        %dma_wait3A_573 = arith.constant 0 : i32
        %dma_wait3A_574 = tpu.memref_slice %arg14[%dma_wait3A_572, %dma_wait3A_573] : memref<10240x128xf32, #tpu.memory_space<vmem_shared>> -> memref<10240x128xf32, #tpu.memory_space<vmem_shared>>
        tpu.wait_indirect_dma semaphore(%run_scoped3A_562 : memref<!tpu.dma_semaphore, #tpu.memory_space<semaphore_mem>>) src(%arg6 : memref<128x128xf32, #tpu.memory_space<vmem>>) dst(%dma_wait3A_574 : memref<10240x128xf32, #tpu.memory_space<vmem_shared>>)
        tpu.yield
      }) : () -> ()
      %add3A_320 = arith.constant 4 : i32
      %add3A_321 = arith.addi %add3A_309, %add3A_320 : i32
      %add3A_322 = arith.addi %add3A, %add3A_321 : i32
      %dma_start3A_323 = arith.constant 0 : i32
      %dma_start3A_324 = arith.constant 0 : i32
      %dma_start3A_325 = arith.constant 0 : i32
      %dma_start3A_326 = tpu.memref_slice %arg5[%dma_start3A_323, %dma_start3A_324, %dma_start3A_325] : memref<4x2x128xi32, #tpu.memory_space<vmem>> -> memref<1x2x128xi32, #tpu.memory_space<vmem>>
      %dma_start3A_327 = tpu.memref_squeeze %dma_start3A_326 : memref<1x2x128xi32, #tpu.memory_space<vmem>> -> memref<2x128xi32, #tpu.memory_space<vmem>>
      %dma_start3A_328 = arith.constant 0 : i32
      %dma_start3A_329 = arith.constant 0 : i32
      %dma_start3A_330 = tpu.memref_slice %arg3[%add3A_322, %dma_start3A_328, %dma_start3A_329] : memref<2560x2x128xi32, #tpu.memory_space<hbm>> -> memref<1x2x128xi32, #tpu.memory_space<hbm>>
      %dma_start3A_331 = tpu.memref_squeeze %dma_start3A_330 : memref<1x2x128xi32, #tpu.memory_space<hbm>> -> memref<2x128xi32, #tpu.memory_space<hbm>>
      %dma_start3A_332 = arith.constant 0 : i32
      %dma_start3A_333 = arith.constant 0 : i32
      %dma_start3A_334 = tpu.memref_slice %arg5[%dma_start3A_323, %dma_start3A_332, %dma_start3A_333] : memref<4x2x128xi32, #tpu.memory_space<vmem>> -> memref<1x2x128xi32, #tpu.memory_space<vmem>>
      %dma_start3A_335 = tpu.memref_squeeze %dma_start3A_334 : memref<1x2x128xi32, #tpu.memory_space<vmem>> -> memref<2x128xi32, #tpu.memory_space<vmem>>
      %dma_start3A_336 = arith.constant 0 : i32
      %dma_start3A_337 = arith.constant 0 : i32
      %dma_start3A_338 = tpu.memref_slice %arg3[%add3A_322, %dma_start3A_336, %dma_start3A_337] : memref<2560x2x128xi32, #tpu.memory_space<hbm>> -> memref<1x2x128xi32, #tpu.memory_space<hbm>>
      %dma_start3A_339 = tpu.memref_squeeze %dma_start3A_338 : memref<1x2x128xi32, #tpu.memory_space<hbm>> -> memref<2x128xi32, #tpu.memory_space<hbm>>
      tpu.enqueue_dma source(%dma_start3A_339 : memref<2x128xi32, #tpu.memory_space<hbm>>) target(%dma_start3A_335 : memref<2x128xi32, #tpu.memory_space<vmem>>) target_semaphore(%arg10 : memref<!tpu.dma_semaphore, #tpu.memory_space<semaphore_mem>>)
      %add3A_340 = arith.constant 2 : i32
      %add3A_341 = arith.addi %add3A_309, %add3A_340 : i32
      %add3A_342 = arith.addi %add3A, %add3A_341 : i32
      %dma_wait3A_343 = arith.constant 2 : i32
      %dma_wait3A_344 = arith.constant 0 : i32
      %dma_wait3A_345 = arith.constant 0 : i32
      %dma_wait3A_346 = tpu.memref_slice %arg5[%dma_wait3A_343, %dma_wait3A_344, %dma_wait3A_345] : memref<4x2x128xi32, #tpu.memory_space<vmem>> -> memref<1x2x128xi32, #tpu.memory_space<vmem>>
      %dma_wait3A_347 = tpu.memref_squeeze %dma_wait3A_346 : memref<1x2x128xi32, #tpu.memory_space<vmem>> -> memref<2x128xi32, #tpu.memory_space<vmem>>
      %dma_wait3A_348 = arith.constant 0 : i32
      %dma_wait3A_349 = arith.constant 0 : i32
      %dma_wait3A_350 = tpu.memref_slice %arg3[%add3A_342, %dma_wait3A_348, %dma_wait3A_349] : memref<2560x2x128xi32, #tpu.memory_space<hbm>> -> memref<1x2x128xi32, #tpu.memory_space<hbm>>
      %dma_wait3A_351 = tpu.memref_squeeze %dma_wait3A_350 : memref<1x2x128xi32, #tpu.memory_space<hbm>> -> memref<2x128xi32, #tpu.memory_space<hbm>>
      %dma_wait3A_352 = arith.constant 0 : i32
      %dma_wait3A_353 = arith.constant 0 : i32
      %dma_wait3A_354 = tpu.memref_slice %arg5[%dma_wait3A_343, %dma_wait3A_352, %dma_wait3A_353] : memref<4x2x128xi32, #tpu.memory_space<vmem>> -> memref<1x2x128xi32, #tpu.memory_space<vmem>>
      %dma_wait3A_355 = tpu.memref_squeeze %dma_wait3A_354 : memref<1x2x128xi32, #tpu.memory_space<vmem>> -> memref<2x128xi32, #tpu.memory_space<vmem>>
      %dma_wait3A_356 = arith.constant 0 : i32
      %dma_wait3A_357 = arith.constant 0 : i32
      %dma_wait3A_358 = tpu.memref_slice %arg3[%add3A_342, %dma_wait3A_356, %dma_wait3A_357] : memref<2560x2x128xi32, #tpu.memory_space<hbm>> -> memref<1x2x128xi32, #tpu.memory_space<hbm>>
      %dma_wait3A_359 = tpu.memref_squeeze %dma_wait3A_358 : memref<1x2x128xi32, #tpu.memory_space<hbm>> -> memref<2x128xi32, #tpu.memory_space<hbm>>
      tpu.wait_dma2 semaphore(%arg12 : memref<!tpu.dma_semaphore, #tpu.memory_space<semaphore_mem>>) src(%dma_wait3A_359 : memref<2x128xi32, #tpu.memory_space<hbm>>) dst(%dma_wait3A_355 : memref<2x128xi32, #tpu.memory_space<vmem>>)
      %add3A_360 = arith.constant 2 : i32
      %add3A_361 = arith.addi %add3A_309, %add3A_360 : i32
      %dma_start3A_362 = arith.constant 2 : i32
      %dma_start3A_363 = arith.constant 0 : i32
      %dma_start3A_364 = arith.constant 0 : i32
      %dma_start3A_365 = tpu.memref_slice %arg5[%dma_start3A_362, %dma_start3A_363, %dma_start3A_364] : memref<4x2x128xi32, #tpu.memory_space<vmem>> -> memref<1x1x128xi32, #tpu.memory_space<vmem>>
      %dma_start3A_366 = tpu.memref_squeeze %dma_start3A_365 : memref<1x1x128xi32, #tpu.memory_space<vmem>> -> memref<128xi32, #tpu.memory_space<vmem>>
      %dma_start3A_367 = arith.constant 0 : i32
      %dma_start3A_368 = arith.constant 0 : i32
      %dma_start3A_369 = tpu.memref_slice %arg2[%dma_start3A_367, %dma_start3A_368] : memref<10240x128xf32, #tpu.memory_space<hbm>> -> memref<10240x128xf32, #tpu.memory_space<hbm>>
      tpu.enqueue_indirect_dma source(%dma_start3A_369 : memref<10240x128xf32, #tpu.memory_space<hbm>>) target(%arg6 : memref<128x128xf32, #tpu.memory_space<vmem>>) offsets(%dma_start3A_366 : memref<128xi32, #tpu.memory_space<vmem>>) semaphore(%arg8 : memref<!tpu.dma_semaphore, #tpu.memory_space<semaphore_mem>>)
      %mul3A_370 = arith.constant 4 : i32
      %mul3A_371 = arith.muli %while3A_305, %mul3A_370 : i32
      %add3A_372 = arith.constant 1 : i32
      %add3A_373 = arith.addi %mul3A_371, %add3A_372 : i32
      %dma_wait3A_374 = arith.constant 1 : i32
      %dma_wait3A_375 = arith.constant 0 : i32
      %dma_wait3A_376 = arith.constant 0 : i32
      %dma_wait3A_377 = tpu.memref_slice %arg5[%dma_wait3A_374, %dma_wait3A_375, %dma_wait3A_376] : memref<4x2x128xi32, #tpu.memory_space<vmem>> -> memref<1x1x128xi32, #tpu.memory_space<vmem>>
      %dma_wait3A_378 = tpu.memref_squeeze %dma_wait3A_377 : memref<1x1x128xi32, #tpu.memory_space<vmem>> -> memref<128xi32, #tpu.memory_space<vmem>>
      %dma_wait3A_379 = arith.constant 0 : i32
      %dma_wait3A_380 = arith.constant 0 : i32
      %dma_wait3A_381 = tpu.memref_slice %arg2[%dma_wait3A_379, %dma_wait3A_380] : memref<10240x128xf32, #tpu.memory_space<hbm>> -> memref<10240x128xf32, #tpu.memory_space<hbm>>
      tpu.wait_indirect_dma semaphore(%arg9 : memref<!tpu.dma_semaphore, #tpu.memory_space<semaphore_mem>>) src(%dma_wait3A_381 : memref<10240x128xf32, #tpu.memory_space<hbm>>) dst(%arg7 : memref<128x128xf32, #tpu.memory_space<vmem>>)
      %run_scoped3A_382 = arith.constant 1 : i32
      %run_scoped3A_383 = arith.constant 1 : i32
      "tpu.region"() ({
        %run_scoped3A_562 = tpu.sem_alloc : memref<!tpu.dma_semaphore, #tpu.memory_space<semaphore_mem>>
        %dma_start3A_563 = arith.constant 0 : i32
        %dma_start3A_564 = tpu.memref_slice %arg5[%run_scoped3A_382, %run_scoped3A_383, %dma_start3A_563] : memref<4x2x128xi32, #tpu.memory_space<vmem>> -> memref<1x1x128xi32, #tpu.memory_space<vmem>>
        %dma_start3A_565 = tpu.memref_squeeze %dma_start3A_564 : memref<1x1x128xi32, #tpu.memory_space<vmem>> -> memref<128xi32, #tpu.memory_space<vmem>>
        %dma_start3A_566 = arith.constant 0 : i32
        %dma_start3A_567 = arith.constant 0 : i32
        %dma_start3A_568 = tpu.memref_slice %arg14[%dma_start3A_566, %dma_start3A_567] : memref<10240x128xf32, #tpu.memory_space<vmem_shared>> -> memref<10240x128xf32, #tpu.memory_space<vmem_shared>>
        tpu.enqueue_indirect_dma source(%arg7 : memref<128x128xf32, #tpu.memory_space<vmem>>) target(%dma_start3A_568 : memref<10240x128xf32, #tpu.memory_space<vmem_shared>>) offsets(%dma_start3A_565 : memref<128xi32, #tpu.memory_space<vmem>>) semaphore(%run_scoped3A_562 : memref<!tpu.dma_semaphore, #tpu.memory_space<semaphore_mem>>) {add = true}
        %dma_wait3A_569 = arith.constant 0 : i32
        %dma_wait3A_570 = tpu.memref_slice %arg5[%run_scoped3A_382, %run_scoped3A_383, %dma_wait3A_569] : memref<4x2x128xi32, #tpu.memory_space<vmem>> -> memref<1x1x128xi32, #tpu.memory_space<vmem>>
        %dma_wait3A_571 = tpu.memref_squeeze %dma_wait3A_570 : memref<1x1x128xi32, #tpu.memory_space<vmem>> -> memref<128xi32, #tpu.memory_space<vmem>>
        %dma_wait3A_572 = arith.constant 0 : i32
        %dma_wait3A_573 = arith.constant 0 : i32
        %dma_wait3A_574 = tpu.memref_slice %arg14[%dma_wait3A_572, %dma_wait3A_573] : memref<10240x128xf32, #tpu.memory_space<vmem_shared>> -> memref<10240x128xf32, #tpu.memory_space<vmem_shared>>
        tpu.wait_indirect_dma semaphore(%run_scoped3A_562 : memref<!tpu.dma_semaphore, #tpu.memory_space<semaphore_mem>>) src(%arg7 : memref<128x128xf32, #tpu.memory_space<vmem>>) dst(%dma_wait3A_574 : memref<10240x128xf32, #tpu.memory_space<vmem_shared>>)
        tpu.yield
      }) : () -> ()
      %add3A_384 = arith.constant 4 : i32
      %add3A_385 = arith.addi %add3A_373, %add3A_384 : i32
      %add3A_386 = arith.addi %add3A, %add3A_385 : i32
      %dma_start3A_387 = arith.constant 1 : i32
      %dma_start3A_388 = arith.constant 0 : i32
      %dma_start3A_389 = arith.constant 0 : i32
      %dma_start3A_390 = tpu.memref_slice %arg5[%dma_start3A_387, %dma_start3A_388, %dma_start3A_389] : memref<4x2x128xi32, #tpu.memory_space<vmem>> -> memref<1x2x128xi32, #tpu.memory_space<vmem>>
      %dma_start3A_391 = tpu.memref_squeeze %dma_start3A_390 : memref<1x2x128xi32, #tpu.memory_space<vmem>> -> memref<2x128xi32, #tpu.memory_space<vmem>>
      %dma_start3A_392 = arith.constant 0 : i32
      %dma_start3A_393 = arith.constant 0 : i32
      %dma_start3A_394 = tpu.memref_slice %arg3[%add3A_386, %dma_start3A_392, %dma_start3A_393] : memref<2560x2x128xi32, #tpu.memory_space<hbm>> -> memref<1x2x128xi32, #tpu.memory_space<hbm>>
      %dma_start3A_395 = tpu.memref_squeeze %dma_start3A_394 : memref<1x2x128xi32, #tpu.memory_space<hbm>> -> memref<2x128xi32, #tpu.memory_space<hbm>>
      %dma_start3A_396 = arith.constant 0 : i32
      %dma_start3A_397 = arith.constant 0 : i32
      %dma_start3A_398 = tpu.memref_slice %arg5[%dma_start3A_387, %dma_start3A_396, %dma_start3A_397] : memref<4x2x128xi32, #tpu.memory_space<vmem>> -> memref<1x2x128xi32, #tpu.memory_space<vmem>>
      %dma_start3A_399 = tpu.memref_squeeze %dma_start3A_398 : memref<1x2x128xi32, #tpu.memory_space<vmem>> -> memref<2x128xi32, #tpu.memory_space<vmem>>
      %dma_start3A_400 = arith.constant 0 : i32
      %dma_start3A_401 = arith.constant 0 : i32
      %dma_start3A_402 = tpu.memref_slice %arg3[%add3A_386, %dma_start3A_400, %dma_start3A_401] : memref<2560x2x128xi32, #tpu.memory_space<hbm>> -> memref<1x2x128xi32, #tpu.memory_space<hbm>>
      %dma_start3A_403 = tpu.memref_squeeze %dma_start3A_402 : memref<1x2x128xi32, #tpu.memory_space<hbm>> -> memref<2x128xi32, #tpu.memory_space<hbm>>
      tpu.enqueue_dma source(%dma_start3A_403 : memref<2x128xi32, #tpu.memory_space<hbm>>) target(%dma_start3A_399 : memref<2x128xi32, #tpu.memory_space<vmem>>) target_semaphore(%arg11 : memref<!tpu.dma_semaphore, #tpu.memory_space<semaphore_mem>>)
      %add3A_404 = arith.constant 2 : i32
      %add3A_405 = arith.addi %add3A_373, %add3A_404 : i32
      %add3A_406 = arith.addi %add3A, %add3A_405 : i32
      %dma_wait3A_407 = arith.constant 3 : i32
      %dma_wait3A_408 = arith.constant 0 : i32
      %dma_wait3A_409 = arith.constant 0 : i32
      %dma_wait3A_410 = tpu.memref_slice %arg5[%dma_wait3A_407, %dma_wait3A_408, %dma_wait3A_409] : memref<4x2x128xi32, #tpu.memory_space<vmem>> -> memref<1x2x128xi32, #tpu.memory_space<vmem>>
      %dma_wait3A_411 = tpu.memref_squeeze %dma_wait3A_410 : memref<1x2x128xi32, #tpu.memory_space<vmem>> -> memref<2x128xi32, #tpu.memory_space<vmem>>
      %dma_wait3A_412 = arith.constant 0 : i32
      %dma_wait3A_413 = arith.constant 0 : i32
      %dma_wait3A_414 = tpu.memref_slice %arg3[%add3A_406, %dma_wait3A_412, %dma_wait3A_413] : memref<2560x2x128xi32, #tpu.memory_space<hbm>> -> memref<1x2x128xi32, #tpu.memory_space<hbm>>
      %dma_wait3A_415 = tpu.memref_squeeze %dma_wait3A_414 : memref<1x2x128xi32, #tpu.memory_space<hbm>> -> memref<2x128xi32, #tpu.memory_space<hbm>>
      %dma_wait3A_416 = arith.constant 0 : i32
      %dma_wait3A_417 = arith.constant 0 : i32
      %dma_wait3A_418 = tpu.memref_slice %arg5[%dma_wait3A_407, %dma_wait3A_416, %dma_wait3A_417] : memref<4x2x128xi32, #tpu.memory_space<vmem>> -> memref<1x2x128xi32, #tpu.memory_space<vmem>>
      %dma_wait3A_419 = tpu.memref_squeeze %dma_wait3A_418 : memref<1x2x128xi32, #tpu.memory_space<vmem>> -> memref<2x128xi32, #tpu.memory_space<vmem>>
      %dma_wait3A_420 = arith.constant 0 : i32
      %dma_wait3A_421 = arith.constant 0 : i32
      %dma_wait3A_422 = tpu.memref_slice %arg3[%add3A_406, %dma_wait3A_420, %dma_wait3A_421] : memref<2560x2x128xi32, #tpu.memory_space<hbm>> -> memref<1x2x128xi32, #tpu.memory_space<hbm>>
      %dma_wait3A_423 = tpu.memref_squeeze %dma_wait3A_422 : memref<1x2x128xi32, #tpu.memory_space<hbm>> -> memref<2x128xi32, #tpu.memory_space<hbm>>
      tpu.wait_dma2 semaphore(%arg13 : memref<!tpu.dma_semaphore, #tpu.memory_space<semaphore_mem>>) src(%dma_wait3A_423 : memref<2x128xi32, #tpu.memory_space<hbm>>) dst(%dma_wait3A_419 : memref<2x128xi32, #tpu.memory_space<vmem>>)
      %add3A_424 = arith.constant 2 : i32
      %add3A_425 = arith.addi %add3A_373, %add3A_424 : i32
      %dma_start3A_426 = arith.constant 3 : i32
      %dma_start3A_427 = arith.constant 0 : i32
      %dma_start3A_428 = arith.constant 0 : i32
      %dma_start3A_429 = tpu.memref_slice %arg5[%dma_start3A_426, %dma_start3A_427, %dma_start3A_428] : memref<4x2x128xi32, #tpu.memory_space<vmem>> -> memref<1x1x128xi32, #tpu.memory_space<vmem>>
      %dma_start3A_430 = tpu.memref_squeeze %dma_start3A_429 : memref<1x1x128xi32, #tpu.memory_space<vmem>> -> memref<128xi32, #tpu.memory_space<vmem>>
      %dma_start3A_431 = arith.constant 0 : i32
      %dma_start3A_432 = arith.constant 0 : i32
      %dma_start3A_433 = tpu.memref_slice %arg2[%dma_start3A_431, %dma_start3A_432] : memref<10240x128xf32, #tpu.memory_space<hbm>> -> memref<10240x128xf32, #tpu.memory_space<hbm>>
      tpu.enqueue_indirect_dma source(%dma_start3A_433 : memref<10240x128xf32, #tpu.memory_space<hbm>>) target(%arg7 : memref<128x128xf32, #tpu.memory_space<vmem>>) offsets(%dma_start3A_430 : memref<128xi32, #tpu.memory_space<vmem>>) semaphore(%arg9 : memref<!tpu.dma_semaphore, #tpu.memory_space<semaphore_mem>>)
      %mul3A_434 = arith.constant 4 : i32
      %mul3A_435 = arith.muli %while3A_305, %mul3A_434 : i32
      %add3A_436 = arith.constant 2 : i32
      %add3A_437 = arith.addi %mul3A_435, %add3A_436 : i32
      %dma_wait3A_438 = arith.constant 2 : i32
      %dma_wait3A_439 = arith.constant 0 : i32
      %dma_wait3A_440 = arith.constant 0 : i32
      %dma_wait3A_441 = tpu.memref_slice %arg5[%dma_wait3A_438, %dma_wait3A_439, %dma_wait3A_440] : memref<4x2x128xi32, #tpu.memory_space<vmem>> -> memref<1x1x128xi32, #tpu.memory_space<vmem>>
      %dma_wait3A_442 = tpu.memref_squeeze %dma_wait3A_441 : memref<1x1x128xi32, #tpu.memory_space<vmem>> -> memref<128xi32, #tpu.memory_space<vmem>>
      %dma_wait3A_443 = arith.constant 0 : i32
      %dma_wait3A_444 = arith.constant 0 : i32
      %dma_wait3A_445 = tpu.memref_slice %arg2[%dma_wait3A_443, %dma_wait3A_444] : memref<10240x128xf32, #tpu.memory_space<hbm>> -> memref<10240x128xf32, #tpu.memory_space<hbm>>
      tpu.wait_indirect_dma semaphore(%arg8 : memref<!tpu.dma_semaphore, #tpu.memory_space<semaphore_mem>>) src(%dma_wait3A_445 : memref<10240x128xf32, #tpu.memory_space<hbm>>) dst(%arg6 : memref<128x128xf32, #tpu.memory_space<vmem>>)
      %run_scoped3A_446 = arith.constant 2 : i32
      %run_scoped3A_447 = arith.constant 1 : i32
      "tpu.region"() ({
        %run_scoped3A_562 = tpu.sem_alloc : memref<!tpu.dma_semaphore, #tpu.memory_space<semaphore_mem>>
        %dma_start3A_563 = arith.constant 0 : i32
        %dma_start3A_564 = tpu.memref_slice %arg5[%run_scoped3A_446, %run_scoped3A_447, %dma_start3A_563] : memref<4x2x128xi32, #tpu.memory_space<vmem>> -> memref<1x1x128xi32, #tpu.memory_space<vmem>>
        %dma_start3A_565 = tpu.memref_squeeze %dma_start3A_564 : memref<1x1x128xi32, #tpu.memory_space<vmem>> -> memref<128xi32, #tpu.memory_space<vmem>>
        %dma_start3A_566 = arith.constant 0 : i32
        %dma_start3A_567 = arith.constant 0 : i32
        %dma_start3A_568 = tpu.memref_slice %arg14[%dma_start3A_566, %dma_start3A_567] : memref<10240x128xf32, #tpu.memory_space<vmem_shared>> -> memref<10240x128xf32, #tpu.memory_space<vmem_shared>>
        tpu.enqueue_indirect_dma source(%arg6 : memref<128x128xf32, #tpu.memory_space<vmem>>) target(%dma_start3A_568 : memref<10240x128xf32, #tpu.memory_space<vmem_shared>>) offsets(%dma_start3A_565 : memref<128xi32, #tpu.memory_space<vmem>>) semaphore(%run_scoped3A_562 : memref<!tpu.dma_semaphore, #tpu.memory_space<semaphore_mem>>) {add = true}
        %dma_wait3A_569 = arith.constant 0 : i32
        %dma_wait3A_570 = tpu.memref_slice %arg5[%run_scoped3A_446, %run_scoped3A_447, %dma_wait3A_569] : memref<4x2x128xi32, #tpu.memory_space<vmem>> -> memref<1x1x128xi32, #tpu.memory_space<vmem>>
        %dma_wait3A_571 = tpu.memref_squeeze %dma_wait3A_570 : memref<1x1x128xi32, #tpu.memory_space<vmem>> -> memref<128xi32, #tpu.memory_space<vmem>>
        %dma_wait3A_572 = arith.constant 0 : i32
        %dma_wait3A_573 = arith.constant 0 : i32
        %dma_wait3A_574 = tpu.memref_slice %arg14[%dma_wait3A_572, %dma_wait3A_573] : memref<10240x128xf32, #tpu.memory_space<vmem_shared>> -> memref<10240x128xf32, #tpu.memory_space<vmem_shared>>
        tpu.wait_indirect_dma semaphore(%run_scoped3A_562 : memref<!tpu.dma_semaphore, #tpu.memory_space<semaphore_mem>>) src(%arg6 : memref<128x128xf32, #tpu.memory_space<vmem>>) dst(%dma_wait3A_574 : memref<10240x128xf32, #tpu.memory_space<vmem_shared>>)
        tpu.yield
      }) : () -> ()
      %add3A_448 = arith.constant 4 : i32
      %add3A_449 = arith.addi %add3A_437, %add3A_448 : i32
      %add3A_450 = arith.addi %add3A, %add3A_449 : i32
      %dma_start3A_451 = arith.constant 2 : i32
      %dma_start3A_452 = arith.constant 0 : i32
      %dma_start3A_453 = arith.constant 0 : i32
      %dma_start3A_454 = tpu.memref_slice %arg5[%dma_start3A_451, %dma_start3A_452, %dma_start3A_453] : memref<4x2x128xi32, #tpu.memory_space<vmem>> -> memref<1x2x128xi32, #tpu.memory_space<vmem>>
      %dma_start3A_455 = tpu.memref_squeeze %dma_start3A_454 : memref<1x2x128xi32, #tpu.memory_space<vmem>> -> memref<2x128xi32, #tpu.memory_space<vmem>>
      %dma_start3A_456 = arith.constant 0 : i32
      %dma_start3A_457 = arith.constant 0 : i32
      %dma_start3A_458 = tpu.memref_slice %arg3[%add3A_450, %dma_start3A_456, %dma_start3A_457] : memref<2560x2x128xi32, #tpu.memory_space<hbm>> -> memref<1x2x128xi32, #tpu.memory_space<hbm>>
      %dma_start3A_459 = tpu.memref_squeeze %dma_start3A_458 : memref<1x2x128xi32, #tpu.memory_space<hbm>> -> memref<2x128xi32, #tpu.memory_space<hbm>>
      %dma_start3A_460 = arith.constant 0 : i32
      %dma_start3A_461 = arith.constant 0 : i32
      %dma_start3A_462 = tpu.memref_slice %arg5[%dma_start3A_451, %dma_start3A_460, %dma_start3A_461] : memref<4x2x128xi32, #tpu.memory_space<vmem>> -> memref<1x2x128xi32, #tpu.memory_space<vmem>>
      %dma_start3A_463 = tpu.memref_squeeze %dma_start3A_462 : memref<1x2x128xi32, #tpu.memory_space<vmem>> -> memref<2x128xi32, #tpu.memory_space<vmem>>
      %dma_start3A_464 = arith.constant 0 : i32
      %dma_start3A_465 = arith.constant 0 : i32
      %dma_start3A_466 = tpu.memref_slice %arg3[%add3A_450, %dma_start3A_464, %dma_start3A_465] : memref<2560x2x128xi32, #tpu.memory_space<hbm>> -> memref<1x2x128xi32, #tpu.memory_space<hbm>>
      %dma_start3A_467 = tpu.memref_squeeze %dma_start3A_466 : memref<1x2x128xi32, #tpu.memory_space<hbm>> -> memref<2x128xi32, #tpu.memory_space<hbm>>
      tpu.enqueue_dma source(%dma_start3A_467 : memref<2x128xi32, #tpu.memory_space<hbm>>) target(%dma_start3A_463 : memref<2x128xi32, #tpu.memory_space<vmem>>) target_semaphore(%arg12 : memref<!tpu.dma_semaphore, #tpu.memory_space<semaphore_mem>>)
      %add3A_468 = arith.constant 2 : i32
      %add3A_469 = arith.addi %add3A_437, %add3A_468 : i32
      %add3A_470 = arith.addi %add3A, %add3A_469 : i32
      %dma_wait3A_471 = arith.constant 0 : i32
      %dma_wait3A_472 = arith.constant 0 : i32
      %dma_wait3A_473 = arith.constant 0 : i32
      %dma_wait3A_474 = tpu.memref_slice %arg5[%dma_wait3A_471, %dma_wait3A_472, %dma_wait3A_473] : memref<4x2x128xi32, #tpu.memory_space<vmem>> -> memref<1x2x128xi32, #tpu.memory_space<vmem>>
      %dma_wait3A_475 = tpu.memref_squeeze %dma_wait3A_474 : memref<1x2x128xi32, #tpu.memory_space<vmem>> -> memref<2x128xi32, #tpu.memory_space<vmem>>
      %dma_wait3A_476 = arith.constant 0 : i32
      %dma_wait3A_477 = arith.constant 0 : i32
      %dma_wait3A_478 = tpu.memref_slice %arg3[%add3A_470, %dma_wait3A_476, %dma_wait3A_477] : memref<2560x2x128xi32, #tpu.memory_space<hbm>> -> memref<1x2x128xi32, #tpu.memory_space<hbm>>
      %dma_wait3A_479 = tpu.memref_squeeze %dma_wait3A_478 : memref<1x2x128xi32, #tpu.memory_space<hbm>> -> memref<2x128xi32, #tpu.memory_space<hbm>>
      %dma_wait3A_480 = arith.constant 0 : i32
      %dma_wait3A_481 = arith.constant 0 : i32
      %dma_wait3A_482 = tpu.memref_slice %arg5[%dma_wait3A_471, %dma_wait3A_480, %dma_wait3A_481] : memref<4x2x128xi32, #tpu.memory_space<vmem>> -> memref<1x2x128xi32, #tpu.memory_space<vmem>>
      %dma_wait3A_483 = tpu.memref_squeeze %dma_wait3A_482 : memref<1x2x128xi32, #tpu.memory_space<vmem>> -> memref<2x128xi32, #tpu.memory_space<vmem>>
      %dma_wait3A_484 = arith.constant 0 : i32
      %dma_wait3A_485 = arith.constant 0 : i32
      %dma_wait3A_486 = tpu.memref_slice %arg3[%add3A_470, %dma_wait3A_484, %dma_wait3A_485] : memref<2560x2x128xi32, #tpu.memory_space<hbm>> -> memref<1x2x128xi32, #tpu.memory_space<hbm>>
      %dma_wait3A_487 = tpu.memref_squeeze %dma_wait3A_486 : memref<1x2x128xi32, #tpu.memory_space<hbm>> -> memref<2x128xi32, #tpu.memory_space<hbm>>
      tpu.wait_dma2 semaphore(%arg10 : memref<!tpu.dma_semaphore, #tpu.memory_space<semaphore_mem>>) src(%dma_wait3A_487 : memref<2x128xi32, #tpu.memory_space<hbm>>) dst(%dma_wait3A_483 : memref<2x128xi32, #tpu.memory_space<vmem>>)
      %add3A_488 = arith.constant 2 : i32
      %add3A_489 = arith.addi %add3A_437, %add3A_488 : i32
      %dma_start3A_490 = arith.constant 0 : i32
      %dma_start3A_491 = arith.constant 0 : i32
      %dma_start3A_492 = arith.constant 0 : i32
      %dma_start3A_493 = tpu.memref_slice %arg5[%dma_start3A_490, %dma_start3A_491, %dma_start3A_492] : memref<4x2x128xi32, #tpu.memory_space<vmem>> -> memref<1x1x128xi32, #tpu.memory_space<vmem>>
      %dma_start3A_494 = tpu.memref_squeeze %dma_start3A_493 : memref<1x1x128xi32, #tpu.memory_space<vmem>> -> memref<128xi32, #tpu.memory_space<vmem>>
      %dma_start3A_495 = arith.constant 0 : i32
      %dma_start3A_496 = arith.constant 0 : i32
      %dma_start3A_497 = tpu.memref_slice %arg2[%dma_start3A_495, %dma_start3A_496] : memref<10240x128xf32, #tpu.memory_space<hbm>> -> memref<10240x128xf32, #tpu.memory_space<hbm>>
      tpu.enqueue_indirect_dma source(%dma_start3A_497 : memref<10240x128xf32, #tpu.memory_space<hbm>>) target(%arg6 : memref<128x128xf32, #tpu.memory_space<vmem>>) offsets(%dma_start3A_494 : memref<128xi32, #tpu.memory_space<vmem>>) semaphore(%arg8 : memref<!tpu.dma_semaphore, #tpu.memory_space<semaphore_mem>>)
      %mul3A_498 = arith.constant 4 : i32
      %mul3A_499 = arith.muli %while3A_305, %mul3A_498 : i32
      %add3A_500 = arith.constant 3 : i32
      %add3A_501 = arith.addi %mul3A_499, %add3A_500 : i32
      %dma_wait3A_502 = arith.constant 3 : i32
      %dma_wait3A_503 = arith.constant 0 : i32
      %dma_wait3A_504 = arith.constant 0 : i32
      %dma_wait3A_505 = tpu.memref_slice %arg5[%dma_wait3A_502, %dma_wait3A_503, %dma_wait3A_504] : memref<4x2x128xi32, #tpu.memory_space<vmem>> -> memref<1x1x128xi32, #tpu.memory_space<vmem>>
      %dma_wait3A_506 = tpu.memref_squeeze %dma_wait3A_505 : memref<1x1x128xi32, #tpu.memory_space<vmem>> -> memref<128xi32, #tpu.memory_space<vmem>>
      %dma_wait3A_507 = arith.constant 0 : i32
      %dma_wait3A_508 = arith.constant 0 : i32
      %dma_wait3A_509 = tpu.memref_slice %arg2[%dma_wait3A_507, %dma_wait3A_508] : memref<10240x128xf32, #tpu.memory_space<hbm>> -> memref<10240x128xf32, #tpu.memory_space<hbm>>
      tpu.wait_indirect_dma semaphore(%arg9 : memref<!tpu.dma_semaphore, #tpu.memory_space<semaphore_mem>>) src(%dma_wait3A_509 : memref<10240x128xf32, #tpu.memory_space<hbm>>) dst(%arg7 : memref<128x128xf32, #tpu.memory_space<vmem>>)
      %run_scoped3A_510 = arith.constant 3 : i32
      %run_scoped3A_511 = arith.constant 1 : i32
      "tpu.region"() ({
        %run_scoped3A_562 = tpu.sem_alloc : memref<!tpu.dma_semaphore, #tpu.memory_space<semaphore_mem>>
        %dma_start3A_563 = arith.constant 0 : i32
        %dma_start3A_564 = tpu.memref_slice %arg5[%run_scoped3A_510, %run_scoped3A_511, %dma_start3A_563] : memref<4x2x128xi32, #tpu.memory_space<vmem>> -> memref<1x1x128xi32, #tpu.memory_space<vmem>>
        %dma_start3A_565 = tpu.memref_squeeze %dma_start3A_564 : memref<1x1x128xi32, #tpu.memory_space<vmem>> -> memref<128xi32, #tpu.memory_space<vmem>>
        %dma_start3A_566 = arith.constant 0 : i32
        %dma_start3A_567 = arith.constant 0 : i32
        %dma_start3A_568 = tpu.memref_slice %arg14[%dma_start3A_566, %dma_start3A_567] : memref<10240x128xf32, #tpu.memory_space<vmem_shared>> -> memref<10240x128xf32, #tpu.memory_space<vmem_shared>>
        tpu.enqueue_indirect_dma source(%arg7 : memref<128x128xf32, #tpu.memory_space<vmem>>) target(%dma_start3A_568 : memref<10240x128xf32, #tpu.memory_space<vmem_shared>>) offsets(%dma_start3A_565 : memref<128xi32, #tpu.memory_space<vmem>>) semaphore(%run_scoped3A_562 : memref<!tpu.dma_semaphore, #tpu.memory_space<semaphore_mem>>) {add = true}
        %dma_wait3A_569 = arith.constant 0 : i32
        %dma_wait3A_570 = tpu.memref_slice %arg5[%run_scoped3A_510, %run_scoped3A_511, %dma_wait3A_569] : memref<4x2x128xi32, #tpu.memory_space<vmem>> -> memref<1x1x128xi32, #tpu.memory_space<vmem>>
        %dma_wait3A_571 = tpu.memref_squeeze %dma_wait3A_570 : memref<1x1x128xi32, #tpu.memory_space<vmem>> -> memref<128xi32, #tpu.memory_space<vmem>>
        %dma_wait3A_572 = arith.constant 0 : i32
        %dma_wait3A_573 = arith.constant 0 : i32
        %dma_wait3A_574 = tpu.memref_slice %arg14[%dma_wait3A_572, %dma_wait3A_573] : memref<10240x128xf32, #tpu.memory_space<vmem_shared>> -> memref<10240x128xf32, #tpu.memory_space<vmem_shared>>
        tpu.wait_indirect_dma semaphore(%run_scoped3A_562 : memref<!tpu.dma_semaphore, #tpu.memory_space<semaphore_mem>>) src(%arg7 : memref<128x128xf32, #tpu.memory_space<vmem>>) dst(%dma_wait3A_574 : memref<10240x128xf32, #tpu.memory_space<vmem_shared>>)
        tpu.yield
      }) : () -> ()
      %add3A_512 = arith.constant 4 : i32
      %add3A_513 = arith.addi %add3A_501, %add3A_512 : i32
      %add3A_514 = arith.addi %add3A, %add3A_513 : i32
      %dma_start3A_515 = arith.constant 3 : i32
      %dma_start3A_516 = arith.constant 0 : i32
      %dma_start3A_517 = arith.constant 0 : i32
      %dma_start3A_518 = tpu.memref_slice %arg5[%dma_start3A_515, %dma_start3A_516, %dma_start3A_517] : memref<4x2x128xi32, #tpu.memory_space<vmem>> -> memref<1x2x128xi32, #tpu.memory_space<vmem>>
      %dma_start3A_519 = tpu.memref_squeeze %dma_start3A_518 : memref<1x2x128xi32, #tpu.memory_space<vmem>> -> memref<2x128xi32, #tpu.memory_space<vmem>>
      %dma_start3A_520 = arith.constant 0 : i32
      %dma_start3A_521 = arith.constant 0 : i32
      %dma_start3A_522 = tpu.memref_slice %arg3[%add3A_514, %dma_start3A_520, %dma_start3A_521] : memref<2560x2x128xi32, #tpu.memory_space<hbm>> -> memref<1x2x128xi32, #tpu.memory_space<hbm>>
      %dma_start3A_523 = tpu.memref_squeeze %dma_start3A_522 : memref<1x2x128xi32, #tpu.memory_space<hbm>> -> memref<2x128xi32, #tpu.memory_space<hbm>>
      %dma_start3A_524 = arith.constant 0 : i32
      %dma_start3A_525 = arith.constant 0 : i32
      %dma_start3A_526 = tpu.memref_slice %arg5[%dma_start3A_515, %dma_start3A_524, %dma_start3A_525] : memref<4x2x128xi32, #tpu.memory_space<vmem>> -> memref<1x2x128xi32, #tpu.memory_space<vmem>>
      %dma_start3A_527 = tpu.memref_squeeze %dma_start3A_526 : memref<1x2x128xi32, #tpu.memory_space<vmem>> -> memref<2x128xi32, #tpu.memory_space<vmem>>
      %dma_start3A_528 = arith.constant 0 : i32
      %dma_start3A_529 = arith.constant 0 : i32
      %dma_start3A_530 = tpu.memref_slice %arg3[%add3A_514, %dma_start3A_528, %dma_start3A_529] : memref<2560x2x128xi32, #tpu.memory_space<hbm>> -> memref<1x2x128xi32, #tpu.memory_space<hbm>>
      %dma_start3A_531 = tpu.memref_squeeze %dma_start3A_530 : memref<1x2x128xi32, #tpu.memory_space<hbm>> -> memref<2x128xi32, #tpu.memory_space<hbm>>
      tpu.enqueue_dma source(%dma_start3A_531 : memref<2x128xi32, #tpu.memory_space<hbm>>) target(%dma_start3A_527 : memref<2x128xi32, #tpu.memory_space<vmem>>) target_semaphore(%arg13 : memref<!tpu.dma_semaphore, #tpu.memory_space<semaphore_mem>>)
      %add3A_532 = arith.constant 2 : i32
      %add3A_533 = arith.addi %add3A_501, %add3A_532 : i32
      %add3A_534 = arith.addi %add3A, %add3A_533 : i32
      %dma_wait3A_535 = arith.constant 1 : i32
      %dma_wait3A_536 = arith.constant 0 : i32
      %dma_wait3A_537 = arith.constant 0 : i32
      %dma_wait3A_538 = tpu.memref_slice %arg5[%dma_wait3A_535, %dma_wait3A_536, %dma_wait3A_537] : memref<4x2x128xi32, #tpu.memory_space<vmem>> -> memref<1x2x128xi32, #tpu.memory_space<vmem>>
      %dma_wait3A_539 = tpu.memref_squeeze %dma_wait3A_538 : memref<1x2x128xi32, #tpu.memory_space<vmem>> -> memref<2x128xi32, #tpu.memory_space<vmem>>
      %dma_wait3A_540 = arith.constant 0 : i32
      %dma_wait3A_541 = arith.constant 0 : i32
      %dma_wait3A_542 = tpu.memref_slice %arg3[%add3A_534, %dma_wait3A_540, %dma_wait3A_541] : memref<2560x2x128xi32, #tpu.memory_space<hbm>> -> memref<1x2x128xi32, #tpu.memory_space<hbm>>
      %dma_wait3A_543 = tpu.memref_squeeze %dma_wait3A_542 : memref<1x2x128xi32, #tpu.memory_space<hbm>> -> memref<2x128xi32, #tpu.memory_space<hbm>>
      %dma_wait3A_544 = arith.constant 0 : i32
      %dma_wait3A_545 = arith.constant 0 : i32
      %dma_wait3A_546 = tpu.memref_slice %arg5[%dma_wait3A_535, %dma_wait3A_544, %dma_wait3A_545] : memref<4x2x128xi32, #tpu.memory_space<vmem>> -> memref<1x2x128xi32, #tpu.memory_space<vmem>>
      %dma_wait3A_547 = tpu.memref_squeeze %dma_wait3A_546 : memref<1x2x128xi32, #tpu.memory_space<vmem>> -> memref<2x128xi32, #tpu.memory_space<vmem>>
      %dma_wait3A_548 = arith.constant 0 : i32
      %dma_wait3A_549 = arith.constant 0 : i32
      %dma_wait3A_550 = tpu.memref_slice %arg3[%add3A_534, %dma_wait3A_548, %dma_wait3A_549] : memref<2560x2x128xi32, #tpu.memory_space<hbm>> -> memref<1x2x128xi32, #tpu.memory_space<hbm>>
      %dma_wait3A_551 = tpu.memref_squeeze %dma_wait3A_550 : memref<1x2x128xi32, #tpu.memory_space<hbm>> -> memref<2x128xi32, #tpu.memory_space<hbm>>
      tpu.wait_dma2 semaphore(%arg11 : memref<!tpu.dma_semaphore, #tpu.memory_space<semaphore_mem>>) src(%dma_wait3A_551 : memref<2x128xi32, #tpu.memory_space<hbm>>) dst(%dma_wait3A_547 : memref<2x128xi32, #tpu.memory_space<vmem>>)
      %add3A_552 = arith.constant 2 : i32
      %add3A_553 = arith.addi %add3A_501, %add3A_552 : i32
      %dma_start3A_554 = arith.constant 1 : i32
      %dma_start3A_555 = arith.constant 0 : i32
      %dma_start3A_556 = arith.constant 0 : i32
      %dma_start3A_557 = tpu.memref_slice %arg5[%dma_start3A_554, %dma_start3A_555, %dma_start3A_556] : memref<4x2x128xi32, #tpu.memory_space<vmem>> -> memref<1x1x128xi32, #tpu.memory_space<vmem>>
      %dma_start3A_558 = tpu.memref_squeeze %dma_start3A_557 : memref<1x1x128xi32, #tpu.memory_space<vmem>> -> memref<128xi32, #tpu.memory_space<vmem>>
      %dma_start3A_559 = arith.constant 0 : i32
      %dma_start3A_560 = arith.constant 0 : i32
      %dma_start3A_561 = tpu.memref_slice %arg2[%dma_start3A_559, %dma_start3A_560] : memref<10240x128xf32, #tpu.memory_space<hbm>> -> memref<10240x128xf32, #tpu.memory_space<hbm>>
      tpu.enqueue_indirect_dma source(%dma_start3A_561 : memref<10240x128xf32, #tpu.memory_space<hbm>>) target(%arg7 : memref<128x128xf32, #tpu.memory_space<vmem>>) offsets(%dma_start3A_558 : memref<128xi32, #tpu.memory_space<vmem>>) semaphore(%arg9 : memref<!tpu.dma_semaphore, #tpu.memory_space<semaphore_mem>>)
    }
    %while3A_184 = arith.constant 1 : i32
    scf.for %while3A_305 = %while3A_182 to %while3A_178 step %while3A_184  : i32 {
      %mul3A_306 = arith.constant 4 : i32
      %mul3A_307 = arith.muli %while3A_305, %mul3A_306 : i32
      %add3A_308 = arith.constant 0 : i32
      %add3A_309 = arith.addi %mul3A_307, %add3A_308 : i32
      %dma_wait3A_310 = arith.constant 0 : i32
      %dma_wait3A_311 = arith.constant 0 : i32
      %dma_wait3A_312 = arith.constant 0 : i32
      %dma_wait3A_313 = tpu.memref_slice %arg5[%dma_wait3A_310, %dma_wait3A_311, %dma_wait3A_312] : memref<4x2x128xi32, #tpu.memory_space<vmem>> -> memref<1x1x128xi32, #tpu.memory_space<vmem>>
      %dma_wait3A_314 = tpu.memref_squeeze %dma_wait3A_313 : memref<1x1x128xi32, #tpu.memory_space<vmem>> -> memref<128xi32, #tpu.memory_space<vmem>>
      %dma_wait3A_315 = arith.constant 0 : i32
      %dma_wait3A_316 = arith.constant 0 : i32
      %dma_wait3A_317 = tpu.memref_slice %arg2[%dma_wait3A_315, %dma_wait3A_316] : memref<10240x128xf32, #tpu.memory_space<hbm>> -> memref<10240x128xf32, #tpu.memory_space<hbm>>
      tpu.wait_indirect_dma semaphore(%arg8 : memref<!tpu.dma_semaphore, #tpu.memory_space<semaphore_mem>>) src(%dma_wait3A_317 : memref<10240x128xf32, #tpu.memory_space<hbm>>) dst(%arg6 : memref<128x128xf32, #tpu.memory_space<vmem>>)
      %run_scoped3A_318 = arith.constant 0 : i32
      %run_scoped3A_319 = arith.constant 1 : i32
      "tpu.region"() ({
        %run_scoped3A_562 = tpu.sem_alloc : memref<!tpu.dma_semaphore, #tpu.memory_space<semaphore_mem>>
        %dma_start3A_563 = arith.constant 0 : i32
        %dma_start3A_564 = tpu.memref_slice %arg5[%run_scoped3A_318, %run_scoped3A_319, %dma_start3A_563] : memref<4x2x128xi32, #tpu.memory_space<vmem>> -> memref<1x1x128xi32, #tpu.memory_space<vmem>>
        %dma_start3A_565 = tpu.memref_squeeze %dma_start3A_564 : memref<1x1x128xi32, #tpu.memory_space<vmem>> -> memref<128xi32, #tpu.memory_space<vmem>>
        %dma_start3A_566 = arith.constant 0 : i32
        %dma_start3A_567 = arith.constant 0 : i32
        %dma_start3A_568 = tpu.memref_slice %arg14[%dma_start3A_566, %dma_start3A_567] : memref<10240x128xf32, #tpu.memory_space<vmem_shared>> -> memref<10240x128xf32, #tpu.memory_space<vmem_shared>>
        tpu.enqueue_indirect_dma source(%arg6 : memref<128x128xf32, #tpu.memory_space<vmem>>) target(%dma_start3A_568 : memref<10240x128xf32, #tpu.memory_space<vmem_shared>>) offsets(%dma_start3A_565 : memref<128xi32, #tpu.memory_space<vmem>>) semaphore(%run_scoped3A_562 : memref<!tpu.dma_semaphore, #tpu.memory_space<semaphore_mem>>) {add = true}
        %dma_wait3A_569 = arith.constant 0 : i32
        %dma_wait3A_570 = tpu.memref_slice %arg5[%run_scoped3A_318, %run_scoped3A_319, %dma_wait3A_569] : memref<4x2x128xi32, #tpu.memory_space<vmem>> -> memref<1x1x128xi32, #tpu.memory_space<vmem>>
        %dma_wait3A_571 = tpu.memref_squeeze %dma_wait3A_570 : memref<1x1x128xi32, #tpu.memory_space<vmem>> -> memref<128xi32, #tpu.memory_space<vmem>>
        %dma_wait3A_572 = arith.constant 0 : i32
        %dma_wait3A_573 = arith.constant 0 : i32
        %dma_wait3A_574 = tpu.memref_slice %arg14[%dma_wait3A_572, %dma_wait3A_573] : memref<10240x128xf32, #tpu.memory_space<vmem_shared>> -> memref<10240x128xf32, #tpu.memory_space<vmem_shared>>
        tpu.wait_indirect_dma semaphore(%run_scoped3A_562 : memref<!tpu.dma_semaphore, #tpu.memory_space<semaphore_mem>>) src(%arg6 : memref<128x128xf32, #tpu.memory_space<vmem>>) dst(%dma_wait3A_574 : memref<10240x128xf32, #tpu.memory_space<vmem_shared>>)
        tpu.yield
      }) : () -> ()
      %add3A_320 = arith.constant 4 : i32
      %add3A_321 = arith.addi %add3A_309, %add3A_320 : i32
      %add3A_322 = arith.addi %add3A, %add3A_321 : i32
      %dma_start3A_323 = arith.constant 0 : i32
      %dma_start3A_324 = arith.constant 0 : i32
      %dma_start3A_325 = arith.constant 0 : i32
      %dma_start3A_326 = tpu.memref_slice %arg5[%dma_start3A_323, %dma_start3A_324, %dma_start3A_325] : memref<4x2x128xi32, #tpu.memory_space<vmem>> -> memref<1x2x128xi32, #tpu.memory_space<vmem>>
      %dma_start3A_327 = tpu.memref_squeeze %dma_start3A_326 : memref<1x2x128xi32, #tpu.memory_space<vmem>> -> memref<2x128xi32, #tpu.memory_space<vmem>>
      %dma_start3A_328 = arith.constant 0 : i32
      %dma_start3A_329 = arith.constant 0 : i32
      %dma_start3A_330 = tpu.memref_slice %arg3[%add3A_322, %dma_start3A_328, %dma_start3A_329] : memref<2560x2x128xi32, #tpu.memory_space<hbm>> -> memref<1x2x128xi32, #tpu.memory_space<hbm>>
      %dma_start3A_331 = tpu.memref_squeeze %dma_start3A_330 : memref<1x2x128xi32, #tpu.memory_space<hbm>> -> memref<2x128xi32, #tpu.memory_space<hbm>>
      %dma_start3A_332 = arith.constant 0 : i32
      %dma_start3A_333 = arith.constant 0 : i32
      %dma_start3A_334 = tpu.memref_slice %arg5[%dma_start3A_323, %dma_start3A_332, %dma_start3A_333] : memref<4x2x128xi32, #tpu.memory_space<vmem>> -> memref<1x2x128xi32, #tpu.memory_space<vmem>>
      %dma_start3A_335 = tpu.memref_squeeze %dma_start3A_334 : memref<1x2x128xi32, #tpu.memory_space<vmem>> -> memref<2x128xi32, #tpu.memory_space<vmem>>
      %dma_start3A_336 = arith.constant 0 : i32
      %dma_start3A_337 = arith.constant 0 : i32
      %dma_start3A_338 = tpu.memref_slice %arg3[%add3A_322, %dma_start3A_336, %dma_start3A_337] : memref<2560x2x128xi32, #tpu.memory_space<hbm>> -> memref<1x2x128xi32, #tpu.memory_space<hbm>>
      %dma_start3A_339 = tpu.memref_squeeze %dma_start3A_338 : memref<1x2x128xi32, #tpu.memory_space<hbm>> -> memref<2x128xi32, #tpu.memory_space<hbm>>
      tpu.enqueue_dma source(%dma_start3A_339 : memref<2x128xi32, #tpu.memory_space<hbm>>) target(%dma_start3A_335 : memref<2x128xi32, #tpu.memory_space<vmem>>) target_semaphore(%arg10 : memref<!tpu.dma_semaphore, #tpu.memory_space<semaphore_mem>>)
      %add3A_340 = arith.constant 2 : i32
      %add3A_341 = arith.addi %add3A_309, %add3A_340 : i32
      %add3A_342 = arith.addi %add3A, %add3A_341 : i32
      %dma_wait3A_343 = arith.constant 2 : i32
      %dma_wait3A_344 = arith.constant 0 : i32
      %dma_wait3A_345 = arith.constant 0 : i32
      %dma_wait3A_346 = tpu.memref_slice %arg5[%dma_wait3A_343, %dma_wait3A_344, %dma_wait3A_345] : memref<4x2x128xi32, #tpu.memory_space<vmem>> -> memref<1x2x128xi32, #tpu.memory_space<vmem>>
      %dma_wait3A_347 = tpu.memref_squeeze %dma_wait3A_346 : memref<1x2x128xi32, #tpu.memory_space<vmem>> -> memref<2x128xi32, #tpu.memory_space<vmem>>
      %dma_wait3A_348 = arith.constant 0 : i32
      %dma_wait3A_349 = arith.constant 0 : i32
      %dma_wait3A_350 = tpu.memref_slice %arg3[%add3A_342, %dma_wait3A_348, %dma_wait3A_349] : memref<2560x2x128xi32, #tpu.memory_space<hbm>> -> memref<1x2x128xi32, #tpu.memory_space<hbm>>
      %dma_wait3A_351 = tpu.memref_squeeze %dma_wait3A_350 : memref<1x2x128xi32, #tpu.memory_space<hbm>> -> memref<2x128xi32, #tpu.memory_space<hbm>>
      %dma_wait3A_352 = arith.constant 0 : i32
      %dma_wait3A_353 = arith.constant 0 : i32
      %dma_wait3A_354 = tpu.memref_slice %arg5[%dma_wait3A_343, %dma_wait3A_352, %dma_wait3A_353] : memref<4x2x128xi32, #tpu.memory_space<vmem>> -> memref<1x2x128xi32, #tpu.memory_space<vmem>>
      %dma_wait3A_355 = tpu.memref_squeeze %dma_wait3A_354 : memref<1x2x128xi32, #tpu.memory_space<vmem>> -> memref<2x128xi32, #tpu.memory_space<vmem>>
      %dma_wait3A_356 = arith.constant 0 : i32
      %dma_wait3A_357 = arith.constant 0 : i32
      %dma_wait3A_358 = tpu.memref_slice %arg3[%add3A_342, %dma_wait3A_356, %dma_wait3A_357] : memref<2560x2x128xi32, #tpu.memory_space<hbm>> -> memref<1x2x128xi32, #tpu.memory_space<hbm>>
      %dma_wait3A_359 = tpu.memref_squeeze %dma_wait3A_358 : memref<1x2x128xi32, #tpu.memory_space<hbm>> -> memref<2x128xi32, #tpu.memory_space<hbm>>
      tpu.wait_dma2 semaphore(%arg12 : memref<!tpu.dma_semaphore, #tpu.memory_space<semaphore_mem>>) src(%dma_wait3A_359 : memref<2x128xi32, #tpu.memory_space<hbm>>) dst(%dma_wait3A_355 : memref<2x128xi32, #tpu.memory_space<vmem>>)
      %add3A_360 = arith.constant 2 : i32
      %add3A_361 = arith.addi %add3A_309, %add3A_360 : i32
      %dma_start3A_362 = arith.constant 2 : i32
      %dma_start3A_363 = arith.constant 0 : i32
      %dma_start3A_364 = arith.constant 0 : i32
      %dma_start3A_365 = tpu.memref_slice %arg5[%dma_start3A_362, %dma_start3A_363, %dma_start3A_364] : memref<4x2x128xi32, #tpu.memory_space<vmem>> -> memref<1x1x128xi32, #tpu.memory_space<vmem>>
      %dma_start3A_366 = tpu.memref_squeeze %dma_start3A_365 : memref<1x1x128xi32, #tpu.memory_space<vmem>> -> memref<128xi32, #tpu.memory_space<vmem>>
      %dma_start3A_367 = arith.constant 0 : i32
      %dma_start3A_368 = arith.constant 0 : i32
      %dma_start3A_369 = tpu.memref_slice %arg2[%dma_start3A_367, %dma_start3A_368] : memref<10240x128xf32, #tpu.memory_space<hbm>> -> memref<10240x128xf32, #tpu.memory_space<hbm>>
      tpu.enqueue_indirect_dma source(%dma_start3A_369 : memref<10240x128xf32, #tpu.memory_space<hbm>>) target(%arg6 : memref<128x128xf32, #tpu.memory_space<vmem>>) offsets(%dma_start3A_366 : memref<128xi32, #tpu.memory_space<vmem>>) semaphore(%arg8 : memref<!tpu.dma_semaphore, #tpu.memory_space<semaphore_mem>>)
      %mul3A_370 = arith.constant 4 : i32
      %mul3A_371 = arith.muli %while3A_305, %mul3A_370 : i32
      %add3A_372 = arith.constant 1 : i32
      %add3A_373 = arith.addi %mul3A_371, %add3A_372 : i32
      %dma_wait3A_374 = arith.constant 1 : i32
      %dma_wait3A_375 = arith.constant 0 : i32
      %dma_wait3A_376 = arith.constant 0 : i32
      %dma_wait3A_377 = tpu.memref_slice %arg5[%dma_wait3A_374, %dma_wait3A_375, %dma_wait3A_376] : memref<4x2x128xi32, #tpu.memory_space<vmem>> -> memref<1x1x128xi32, #tpu.memory_space<vmem>>
      %dma_wait3A_378 = tpu.memref_squeeze %dma_wait3A_377 : memref<1x1x128xi32, #tpu.memory_space<vmem>> -> memref<128xi32, #tpu.memory_space<vmem>>
      %dma_wait3A_379 = arith.constant 0 : i32
      %dma_wait3A_380 = arith.constant 0 : i32
      %dma_wait3A_381 = tpu.memref_slice %arg2[%dma_wait3A_379, %dma_wait3A_380] : memref<10240x128xf32, #tpu.memory_space<hbm>> -> memref<10240x128xf32, #tpu.memory_space<hbm>>
      tpu.wait_indirect_dma semaphore(%arg9 : memref<!tpu.dma_semaphore, #tpu.memory_space<semaphore_mem>>) src(%dma_wait3A_381 : memref<10240x128xf32, #tpu.memory_space<hbm>>) dst(%arg7 : memref<128x128xf32, #tpu.memory_space<vmem>>)
      %run_scoped3A_382 = arith.constant 1 : i32
      %run_scoped3A_383 = arith.constant 1 : i32
      "tpu.region"() ({
        %run_scoped3A_562 = tpu.sem_alloc : memref<!tpu.dma_semaphore, #tpu.memory_space<semaphore_mem>>
        %dma_start3A_563 = arith.constant 0 : i32
        %dma_start3A_564 = tpu.memref_slice %arg5[%run_scoped3A_382, %run_scoped3A_383, %dma_start3A_563] : memref<4x2x128xi32, #tpu.memory_space<vmem>> -> memref<1x1x128xi32, #tpu.memory_space<vmem>>
        %dma_start3A_565 = tpu.memref_squeeze %dma_start3A_564 : memref<1x1x128xi32, #tpu.memory_space<vmem>> -> memref<128xi32, #tpu.memory_space<vmem>>
        %dma_start3A_566 = arith.constant 0 : i32
        %dma_start3A_567 = arith.constant 0 : i32
        %dma_start3A_568 = tpu.memref_slice %arg14[%dma_start3A_566, %dma_start3A_567] : memref<10240x128xf32, #tpu.memory_space<vmem_shared>> -> memref<10240x128xf32, #tpu.memory_space<vmem_shared>>
        tpu.enqueue_indirect_dma source(%arg7 : memref<128x128xf32, #tpu.memory_space<vmem>>) target(%dma_start3A_568 : memref<10240x128xf32, #tpu.memory_space<vmem_shared>>) offsets(%dma_start3A_565 : memref<128xi32, #tpu.memory_space<vmem>>) semaphore(%run_scoped3A_562 : memref<!tpu.dma_semaphore, #tpu.memory_space<semaphore_mem>>) {add = true}
        %dma_wait3A_569 = arith.constant 0 : i32
        %dma_wait3A_570 = tpu.memref_slice %arg5[%run_scoped3A_382, %run_scoped3A_383, %dma_wait3A_569] : memref<4x2x128xi32, #tpu.memory_space<vmem>> -> memref<1x1x128xi32, #tpu.memory_space<vmem>>
        %dma_wait3A_571 = tpu.memref_squeeze %dma_wait3A_570 : memref<1x1x128xi32, #tpu.memory_space<vmem>> -> memref<128xi32, #tpu.memory_space<vmem>>
        %dma_wait3A_572 = arith.constant 0 : i32
        %dma_wait3A_573 = arith.constant 0 : i32
        %dma_wait3A_574 = tpu.memref_slice %arg14[%dma_wait3A_572, %dma_wait3A_573] : memref<10240x128xf32, #tpu.memory_space<vmem_shared>> -> memref<10240x128xf32, #tpu.memory_space<vmem_shared>>
        tpu.wait_indirect_dma semaphore(%run_scoped3A_562 : memref<!tpu.dma_semaphore, #tpu.memory_space<semaphore_mem>>) src(%arg7 : memref<128x128xf32, #tpu.memory_space<vmem>>) dst(%dma_wait3A_574 : memref<10240x128xf32, #tpu.memory_space<vmem_shared>>)
        tpu.yield
      }) : () -> ()
      %add3A_384 = arith.constant 4 : i32
      %add3A_385 = arith.addi %add3A_373, %add3A_384 : i32
      %add3A_386 = arith.addi %add3A, %add3A_385 : i32
      %dma_start3A_387 = arith.constant 1 : i32
      %dma_start3A_388 = arith.constant 0 : i32
      %dma_start3A_389 = arith.constant 0 : i32
      %dma_start3A_390 = tpu.memref_slice %arg5[%dma_start3A_387, %dma_start3A_388, %dma_start3A_389] : memref<4x2x128xi32, #tpu.memory_space<vmem>> -> memref<1x2x128xi32, #tpu.memory_space<vmem>>
      %dma_start3A_391 = tpu.memref_squeeze %dma_start3A_390 : memref<1x2x128xi32, #tpu.memory_space<vmem>> -> memref<2x128xi32, #tpu.memory_space<vmem>>
      %dma_start3A_392 = arith.constant 0 : i32
      %dma_start3A_393 = arith.constant 0 : i32
      %dma_start3A_394 = tpu.memref_slice %arg3[%add3A_386, %dma_start3A_392, %dma_start3A_393] : memref<2560x2x128xi32, #tpu.memory_space<hbm>> -> memref<1x2x128xi32, #tpu.memory_space<hbm>>
      %dma_start3A_395 = tpu.memref_squeeze %dma_start3A_394 : memref<1x2x128xi32, #tpu.memory_space<hbm>> -> memref<2x128xi32, #tpu.memory_space<hbm>>
      %dma_start3A_396 = arith.constant 0 : i32
      %dma_start3A_397 = arith.constant 0 : i32
      %dma_start3A_398 = tpu.memref_slice %arg5[%dma_start3A_387, %dma_start3A_396, %dma_start3A_397] : memref<4x2x128xi32, #tpu.memory_space<vmem>> -> memref<1x2x128xi32, #tpu.memory_space<vmem>>
      %dma_start3A_399 = tpu.memref_squeeze %dma_start3A_398 : memref<1x2x128xi32, #tpu.memory_space<vmem>> -> memref<2x128xi32, #tpu.memory_space<vmem>>
      %dma_start3A_400 = arith.constant 0 : i32
      %dma_start3A_401 = arith.constant 0 : i32
      %dma_start3A_402 = tpu.memref_slice %arg3[%add3A_386, %dma_start3A_400, %dma_start3A_401] : memref<2560x2x128xi32, #tpu.memory_space<hbm>> -> memref<1x2x128xi32, #tpu.memory_space<hbm>>
      %dma_start3A_403 = tpu.memref_squeeze %dma_start3A_402 : memref<1x2x128xi32, #tpu.memory_space<hbm>> -> memref<2x128xi32, #tpu.memory_space<hbm>>
      tpu.enqueue_dma source(%dma_start3A_403 : memref<2x128xi32, #tpu.memory_space<hbm>>) target(%dma_start3A_399 : memref<2x128xi32, #tpu.memory_space<vmem>>) target_semaphore(%arg11 : memref<!tpu.dma_semaphore, #tpu.memory_space<semaphore_mem>>)
      %add3A_404 = arith.constant 2 : i32
      %add3A_405 = arith.addi %add3A_373, %add3A_404 : i32
      %add3A_406 = arith.addi %add3A, %add3A_405 : i32
      %dma_wait3A_407 = arith.constant 3 : i32
      %dma_wait3A_408 = arith.constant 0 : i32
      %dma_wait3A_409 = arith.constant 0 : i32
      %dma_wait3A_410 = tpu.memref_slice %arg5[%dma_wait3A_407, %dma_wait3A_408, %dma_wait3A_409] : memref<4x2x128xi32, #tpu.memory_space<vmem>> -> memref<1x2x128xi32, #tpu.memory_space<vmem>>
      %dma_wait3A_411 = tpu.memref_squeeze %dma_wait3A_410 : memref<1x2x128xi32, #tpu.memory_space<vmem>> -> memref<2x128xi32, #tpu.memory_space<vmem>>
      %dma_wait3A_412 = arith.constant 0 : i32
      %dma_wait3A_413 = arith.constant 0 : i32
      %dma_wait3A_414 = tpu.memref_slice %arg3[%add3A_406, %dma_wait3A_412, %dma_wait3A_413] : memref<2560x2x128xi32, #tpu.memory_space<hbm>> -> memref<1x2x128xi32, #tpu.memory_space<hbm>>
      %dma_wait3A_415 = tpu.memref_squeeze %dma_wait3A_414 : memref<1x2x128xi32, #tpu.memory_space<hbm>> -> memref<2x128xi32, #tpu.memory_space<hbm>>
      %dma_wait3A_416 = arith.constant 0 : i32
      %dma_wait3A_417 = arith.constant 0 : i32
      %dma_wait3A_418 = tpu.memref_slice %arg5[%dma_wait3A_407, %dma_wait3A_416, %dma_wait3A_417] : memref<4x2x128xi32, #tpu.memory_space<vmem>> -> memref<1x2x128xi32, #tpu.memory_space<vmem>>
      %dma_wait3A_419 = tpu.memref_squeeze %dma_wait3A_418 : memref<1x2x128xi32, #tpu.memory_space<vmem>> -> memref<2x128xi32, #tpu.memory_space<vmem>>
      %dma_wait3A_420 = arith.constant 0 : i32
      %dma_wait3A_421 = arith.constant 0 : i32
      %dma_wait3A_422 = tpu.memref_slice %arg3[%add3A_406, %dma_wait3A_420, %dma_wait3A_421] : memref<2560x2x128xi32, #tpu.memory_space<hbm>> -> memref<1x2x128xi32, #tpu.memory_space<hbm>>
      %dma_wait3A_423 = tpu.memref_squeeze %dma_wait3A_422 : memref<1x2x128xi32, #tpu.memory_space<hbm>> -> memref<2x128xi32, #tpu.memory_space<hbm>>
      tpu.wait_dma2 semaphore(%arg13 : memref<!tpu.dma_semaphore, #tpu.memory_space<semaphore_mem>>) src(%dma_wait3A_423 : memref<2x128xi32, #tpu.memory_space<hbm>>) dst(%dma_wait3A_419 : memref<2x128xi32, #tpu.memory_space<vmem>>)
      %add3A_424 = arith.constant 2 : i32
      %add3A_425 = arith.addi %add3A_373, %add3A_424 : i32
      %dma_start3A_426 = arith.constant 3 : i32
      %dma_start3A_427 = arith.constant 0 : i32
      %dma_start3A_428 = arith.constant 0 : i32
      %dma_start3A_429 = tpu.memref_slice %arg5[%dma_start3A_426, %dma_start3A_427, %dma_start3A_428] : memref<4x2x128xi32, #tpu.memory_space<vmem>> -> memref<1x1x128xi32, #tpu.memory_space<vmem>>
      %dma_start3A_430 = tpu.memref_squeeze %dma_start3A_429 : memref<1x1x128xi32, #tpu.memory_space<vmem>> -> memref<128xi32, #tpu.memory_space<vmem>>
      %dma_start3A_431 = arith.constant 0 : i32
      %dma_start3A_432 = arith.constant 0 : i32
      %dma_start3A_433 = tpu.memref_slice %arg2[%dma_start3A_431, %dma_start3A_432] : memref<10240x128xf32, #tpu.memory_space<hbm>> -> memref<10240x128xf32, #tpu.memory_space<hbm>>
      tpu.enqueue_indirect_dma source(%dma_start3A_433 : memref<10240x128xf32, #tpu.memory_space<hbm>>) target(%arg7 : memref<128x128xf32, #tpu.memory_space<vmem>>) offsets(%dma_start3A_430 : memref<128xi32, #tpu.memory_space<vmem>>) semaphore(%arg9 : memref<!tpu.dma_semaphore, #tpu.memory_space<semaphore_mem>>)
      %mul3A_434 = arith.constant 4 : i32
      %mul3A_435 = arith.muli %while3A_305, %mul3A_434 : i32
      %add3A_436 = arith.constant 2 : i32
      %add3A_437 = arith.addi %mul3A_435, %add3A_436 : i32
      %dma_wait3A_438 = arith.constant 2 : i32
      %dma_wait3A_439 = arith.constant 0 : i32
      %dma_wait3A_440 = arith.constant 0 : i32
      %dma_wait3A_441 = tpu.memref_slice %arg5[%dma_wait3A_438, %dma_wait3A_439, %dma_wait3A_440] : memref<4x2x128xi32, #tpu.memory_space<vmem>> -> memref<1x1x128xi32, #tpu.memory_space<vmem>>
      %dma_wait3A_442 = tpu.memref_squeeze %dma_wait3A_441 : memref<1x1x128xi32, #tpu.memory_space<vmem>> -> memref<128xi32, #tpu.memory_space<vmem>>
      %dma_wait3A_443 = arith.constant 0 : i32
      %dma_wait3A_444 = arith.constant 0 : i32
      %dma_wait3A_445 = tpu.memref_slice %arg2[%dma_wait3A_443, %dma_wait3A_444] : memref<10240x128xf32, #tpu.memory_space<hbm>> -> memref<10240x128xf32, #tpu.memory_space<hbm>>
      tpu.wait_indirect_dma semaphore(%arg8 : memref<!tpu.dma_semaphore, #tpu.memory_space<semaphore_mem>>) src(%dma_wait3A_445 : memref<10240x128xf32, #tpu.memory_space<hbm>>) dst(%arg6 : memref<128x128xf32, #tpu.memory_space<vmem>>)
      %run_scoped3A_446 = arith.constant 2 : i32
      %run_scoped3A_447 = arith.constant 1 : i32
      "tpu.region"() ({
        %run_scoped3A_562 = tpu.sem_alloc : memref<!tpu.dma_semaphore, #tpu.memory_space<semaphore_mem>>
        %dma_start3A_563 = arith.constant 0 : i32
        %dma_start3A_564 = tpu.memref_slice %arg5[%run_scoped3A_446, %run_scoped3A_447, %dma_start3A_563] : memref<4x2x128xi32, #tpu.memory_space<vmem>> -> memref<1x1x128xi32, #tpu.memory_space<vmem>>
        %dma_start3A_565 = tpu.memref_squeeze %dma_start3A_564 : memref<1x1x128xi32, #tpu.memory_space<vmem>> -> memref<128xi32, #tpu.memory_space<vmem>>
        %dma_start3A_566 = arith.constant 0 : i32
        %dma_start3A_567 = arith.constant 0 : i32
        %dma_start3A_568 = tpu.memref_slice %arg14[%dma_start3A_566, %dma_start3A_567] : memref<10240x128xf32, #tpu.memory_space<vmem_shared>> -> memref<10240x128xf32, #tpu.memory_space<vmem_shared>>
        tpu.enqueue_indirect_dma source(%arg6 : memref<128x128xf32, #tpu.memory_space<vmem>>) target(%dma_start3A_568 : memref<10240x128xf32, #tpu.memory_space<vmem_shared>>) offsets(%dma_start3A_565 : memref<128xi32, #tpu.memory_space<vmem>>) semaphore(%run_scoped3A_562 : memref<!tpu.dma_semaphore, #tpu.memory_space<semaphore_mem>>) {add = true}
        %dma_wait3A_569 = arith.constant 0 : i32
        %dma_wait3A_570 = tpu.memref_slice %arg5[%run_scoped3A_446, %run_scoped3A_447, %dma_wait3A_569] : memref<4x2x128xi32, #tpu.memory_space<vmem>> -> memref<1x1x128xi32, #tpu.memory_space<vmem>>
        %dma_wait3A_571 = tpu.memref_squeeze %dma_wait3A_570 : memref<1x1x128xi32, #tpu.memory_space<vmem>> -> memref<128xi32, #tpu.memory_space<vmem>>
        %dma_wait3A_572 = arith.constant 0 : i32
        %dma_wait3A_573 = arith.constant 0 : i32
        %dma_wait3A_574 = tpu.memref_slice %arg14[%dma_wait3A_572, %dma_wait3A_573] : memref<10240x128xf32, #tpu.memory_space<vmem_shared>> -> memref<10240x128xf32, #tpu.memory_space<vmem_shared>>
        tpu.wait_indirect_dma semaphore(%run_scoped3A_562 : memref<!tpu.dma_semaphore, #tpu.memory_space<semaphore_mem>>) src(%arg6 : memref<128x128xf32, #tpu.memory_space<vmem>>) dst(%dma_wait3A_574 : memref<10240x128xf32, #tpu.memory_space<vmem_shared>>)
        tpu.yield
      }) : () -> ()
      %add3A_448 = arith.constant 4 : i32
      %add3A_449 = arith.addi %add3A_437, %add3A_448 : i32
      %add3A_450 = arith.addi %add3A, %add3A_449 : i32
      %dma_start3A_451 = arith.constant 2 : i32
      %dma_start3A_452 = arith.constant 0 : i32
      %dma_start3A_453 = arith.constant 0 : i32
      %dma_start3A_454 = tpu.memref_slice %arg5[%dma_start3A_451, %dma_start3A_452, %dma_start3A_453] : memref<4x2x128xi32, #tpu.memory_space<vmem>> -> memref<1x2x128xi32, #tpu.memory_space<vmem>>
      %dma_start3A_455 = tpu.memref_squeeze %dma_start3A_454 : memref<1x2x128xi32, #tpu.memory_space<vmem>> -> memref<2x128xi32, #tpu.memory_space<vmem>>
      %dma_start3A_456 = arith.constant 0 : i32
      %dma_start3A_457 = arith.constant 0 : i32
      %dma_start3A_458 = tpu.memref_slice %arg3[%add3A_450, %dma_start3A_456, %dma_start3A_457] : memref<2560x2x128xi32, #tpu.memory_space<hbm>> -> memref<1x2x128xi32, #tpu.memory_space<hbm>>
      %dma_start3A_459 = tpu.memref_squeeze %dma_start3A_458 : memref<1x2x128xi32, #tpu.memory_space<hbm>> -> memref<2x128xi32, #tpu.memory_space<hbm>>
      %dma_start3A_460 = arith.constant 0 : i32
      %dma_start3A_461 = arith.constant 0 : i32
      %dma_start3A_462 = tpu.memref_slice %arg5[%dma_start3A_451, %dma_start3A_460, %dma_start3A_461] : memref<4x2x128xi32, #tpu.memory_space<vmem>> -> memref<1x2x128xi32, #tpu.memory_space<vmem>>
      %dma_start3A_463 = tpu.memref_squeeze %dma_start3A_462 : memref<1x2x128xi32, #tpu.memory_space<vmem>> -> memref<2x128xi32, #tpu.memory_space<vmem>>
      %dma_start3A_464 = arith.constant 0 : i32
      %dma_start3A_465 = arith.constant 0 : i32
      %dma_start3A_466 = tpu.memref_slice %arg3[%add3A_450, %dma_start3A_464, %dma_start3A_465] : memref<2560x2x128xi32, #tpu.memory_space<hbm>> -> memref<1x2x128xi32, #tpu.memory_space<hbm>>
      %dma_start3A_467 = tpu.memref_squeeze %dma_start3A_466 : memref<1x2x128xi32, #tpu.memory_space<hbm>> -> memref<2x128xi32, #tpu.memory_space<hbm>>
      tpu.enqueue_dma source(%dma_start3A_467 : memref<2x128xi32, #tpu.memory_space<hbm>>) target(%dma_start3A_463 : memref<2x128xi32, #tpu.memory_space<vmem>>) target_semaphore(%arg12 : memref<!tpu.dma_semaphore, #tpu.memory_space<semaphore_mem>>)
      %add3A_468 = arith.constant 2 : i32
      %add3A_469 = arith.addi %add3A_437, %add3A_468 : i32
      %add3A_470 = arith.addi %add3A, %add3A_469 : i32
      %dma_wait3A_471 = arith.constant 0 : i32
      %dma_wait3A_472 = arith.constant 0 : i32
      %dma_wait3A_473 = arith.constant 0 : i32
      %dma_wait3A_474 = tpu.memref_slice %arg5[%dma_wait3A_471, %dma_wait3A_472, %dma_wait3A_473] : memref<4x2x128xi32, #tpu.memory_space<vmem>> -> memref<1x2x128xi32, #tpu.memory_space<vmem>>
      %dma_wait3A_475 = tpu.memref_squeeze %dma_wait3A_474 : memref<1x2x128xi32, #tpu.memory_space<vmem>> -> memref<2x128xi32, #tpu.memory_space<vmem>>
      %dma_wait3A_476 = arith.constant 0 : i32
      %dma_wait3A_477 = arith.constant 0 : i32
      %dma_wait3A_478 = tpu.memref_slice %arg3[%add3A_470, %dma_wait3A_476, %dma_wait3A_477] : memref<2560x2x128xi32, #tpu.memory_space<hbm>> -> memref<1x2x128xi32, #tpu.memory_space<hbm>>
      %dma_wait3A_479 = tpu.memref_squeeze %dma_wait3A_478 : memref<1x2x128xi32, #tpu.memory_space<hbm>> -> memref<2x128xi32, #tpu.memory_space<hbm>>
      %dma_wait3A_480 = arith.constant 0 : i32
      %dma_wait3A_481 = arith.constant 0 : i32
      %dma_wait3A_482 = tpu.memref_slice %arg5[%dma_wait3A_471, %dma_wait3A_480, %dma_wait3A_481] : memref<4x2x128xi32, #tpu.memory_space<vmem>> -> memref<1x2x128xi32, #tpu.memory_space<vmem>>
      %dma_wait3A_483 = tpu.memref_squeeze %dma_wait3A_482 : memref<1x2x128xi32, #tpu.memory_space<vmem>> -> memref<2x128xi32, #tpu.memory_space<vmem>>
      %dma_wait3A_484 = arith.constant 0 : i32
      %dma_wait3A_485 = arith.constant 0 : i32
      %dma_wait3A_486 = tpu.memref_slice %arg3[%add3A_470, %dma_wait3A_484, %dma_wait3A_485] : memref<2560x2x128xi32, #tpu.memory_space<hbm>> -> memref<1x2x128xi32, #tpu.memory_space<hbm>>
      %dma_wait3A_487 = tpu.memref_squeeze %dma_wait3A_486 : memref<1x2x128xi32, #tpu.memory_space<hbm>> -> memref<2x128xi32, #tpu.memory_space<hbm>>
      tpu.wait_dma2 semaphore(%arg10 : memref<!tpu.dma_semaphore, #tpu.memory_space<semaphore_mem>>) src(%dma_wait3A_487 : memref<2x128xi32, #tpu.memory_space<hbm>>) dst(%dma_wait3A_483 : memref<2x128xi32, #tpu.memory_space<vmem>>)
      %add3A_488 = arith.constant 2 : i32
      %add3A_489 = arith.addi %add3A_437, %add3A_488 : i32
      %dma_start3A_490 = arith.constant 0 : i32
      %dma_start3A_491 = arith.constant 0 : i32
      %dma_start3A_492 = arith.constant 0 : i32
      %dma_start3A_493 = tpu.memref_slice %arg5[%dma_start3A_490, %dma_start3A_491, %dma_start3A_492] : memref<4x2x128xi32, #tpu.memory_space<vmem>> -> memref<1x1x128xi32, #tpu.memory_space<vmem>>
      %dma_start3A_494 = tpu.memref_squeeze %dma_start3A_493 : memref<1x1x128xi32, #tpu.memory_space<vmem>> -> memref<128xi32, #tpu.memory_space<vmem>>
      %dma_start3A_495 = arith.constant 0 : i32
      %dma_start3A_496 = arith.constant 0 : i32
      %dma_start3A_497 = tpu.memref_slice %arg2[%dma_start3A_495, %dma_start3A_496] : memref<10240x128xf32, #tpu.memory_space<hbm>> -> memref<10240x128xf32, #tpu.memory_space<hbm>>
      tpu.enqueue_indirect_dma source(%dma_start3A_497 : memref<10240x128xf32, #tpu.memory_space<hbm>>) target(%arg6 : memref<128x128xf32, #tpu.memory_space<vmem>>) offsets(%dma_start3A_494 : memref<128xi32, #tpu.memory_space<vmem>>) semaphore(%arg8 : memref<!tpu.dma_semaphore, #tpu.memory_space<semaphore_mem>>)
      %mul3A_498 = arith.constant 4 : i32
      %mul3A_499 = arith.muli %while3A_305, %mul3A_498 : i32
      %add3A_500 = arith.constant 3 : i32
      %add3A_501 = arith.addi %mul3A_499, %add3A_500 : i32
      %dma_wait3A_502 = arith.constant 3 : i32
      %dma_wait3A_503 = arith.constant 0 : i32
      %dma_wait3A_504 = arith.constant 0 : i32
      %dma_wait3A_505 = tpu.memref_slice %arg5[%dma_wait3A_502, %dma_wait3A_503, %dma_wait3A_504] : memref<4x2x128xi32, #tpu.memory_space<vmem>> -> memref<1x1x128xi32, #tpu.memory_space<vmem>>
      %dma_wait3A_506 = tpu.memref_squeeze %dma_wait3A_505 : memref<1x1x128xi32, #tpu.memory_space<vmem>> -> memref<128xi32, #tpu.memory_space<vmem>>
      %dma_wait3A_507 = arith.constant 0 : i32
      %dma_wait3A_508 = arith.constant 0 : i32
      %dma_wait3A_509 = tpu.memref_slice %arg2[%dma_wait3A_507, %dma_wait3A_508] : memref<10240x128xf32, #tpu.memory_space<hbm>> -> memref<10240x128xf32, #tpu.memory_space<hbm>>
      tpu.wait_indirect_dma semaphore(%arg9 : memref<!tpu.dma_semaphore, #tpu.memory_space<semaphore_mem>>) src(%dma_wait3A_509 : memref<10240x128xf32, #tpu.memory_space<hbm>>) dst(%arg7 : memref<128x128xf32, #tpu.memory_space<vmem>>)
      %run_scoped3A_510 = arith.constant 3 : i32
      %run_scoped3A_511 = arith.constant 1 : i32
      "tpu.region"() ({
        %run_scoped3A_562 = tpu.sem_alloc : memref<!tpu.dma_semaphore, #tpu.memory_space<semaphore_mem>>
        %dma_start3A_563 = arith.constant 0 : i32
        %dma_start3A_564 = tpu.memref_slice %arg5[%run_scoped3A_510, %run_scoped3A_511, %dma_start3A_563] : memref<4x2x128xi32, #tpu.memory_space<vmem>> -> memref<1x1x128xi32, #tpu.memory_space<vmem>>
        %dma_start3A_565 = tpu.memref_squeeze %dma_start3A_564 : memref<1x1x128xi32, #tpu.memory_space<vmem>> -> memref<128xi32, #tpu.memory_space<vmem>>
        %dma_start3A_566 = arith.constant 0 : i32
        %dma_start3A_567 = arith.constant 0 : i32
        %dma_start3A_568 = tpu.memref_slice %arg14[%dma_start3A_566, %dma_start3A_567] : memref<10240x128xf32, #tpu.memory_space<vmem_shared>> -> memref<10240x128xf32, #tpu.memory_space<vmem_shared>>
        tpu.enqueue_indirect_dma source(%arg7 : memref<128x128xf32, #tpu.memory_space<vmem>>) target(%dma_start3A_568 : memref<10240x128xf32, #tpu.memory_space<vmem_shared>>) offsets(%dma_start3A_565 : memref<128xi32, #tpu.memory_space<vmem>>) semaphore(%run_scoped3A_562 : memref<!tpu.dma_semaphore, #tpu.memory_space<semaphore_mem>>) {add = true}
        %dma_wait3A_569 = arith.constant 0 : i32
        %dma_wait3A_570 = tpu.memref_slice %arg5[%run_scoped3A_510, %run_scoped3A_511, %dma_wait3A_569] : memref<4x2x128xi32, #tpu.memory_space<vmem>> -> memref<1x1x128xi32, #tpu.memory_space<vmem>>
        %dma_wait3A_571 = tpu.memref_squeeze %dma_wait3A_570 : memref<1x1x128xi32, #tpu.memory_space<vmem>> -> memref<128xi32, #tpu.memory_space<vmem>>
        %dma_wait3A_572 = arith.constant 0 : i32
        %dma_wait3A_573 = arith.constant 0 : i32
        %dma_wait3A_574 = tpu.memref_slice %arg14[%dma_wait3A_572, %dma_wait3A_573] : memref<10240x128xf32, #tpu.memory_space<vmem_shared>> -> memref<10240x128xf32, #tpu.memory_space<vmem_shared>>
        tpu.wait_indirect_dma semaphore(%run_scoped3A_562 : memref<!tpu.dma_semaphore, #tpu.memory_space<semaphore_mem>>) src(%arg7 : memref<128x128xf32, #tpu.memory_space<vmem>>) dst(%dma_wait3A_574 : memref<10240x128xf32, #tpu.memory_space<vmem_shared>>)
        tpu.yield
      }) : () -> ()
      %add3A_512 = arith.constant 4 : i32
      %add3A_513 = arith.addi %add3A_501, %add3A_512 : i32
      %add3A_514 = arith.addi %add3A, %add3A_513 : i32
      %dma_start3A_515 = arith.constant 3 : i32
      %dma_start3A_516 = arith.constant 0 : i32
      %dma_start3A_517 = arith.constant 0 : i32
      %dma_start3A_518 = tpu.memref_slice %arg5[%dma_start3A_515, %dma_start3A_516, %dma_start3A_517] : memref<4x2x128xi32, #tpu.memory_space<vmem>> -> memref<1x2x128xi32, #tpu.memory_space<vmem>>
      %dma_start3A_519 = tpu.memref_squeeze %dma_start3A_518 : memref<1x2x128xi32, #tpu.memory_space<vmem>> -> memref<2x128xi32, #tpu.memory_space<vmem>>
      %dma_start3A_520 = arith.constant 0 : i32
      %dma_start3A_521 = arith.constant 0 : i32
      %dma_start3A_522 = tpu.memref_slice %arg3[%add3A_514, %dma_start3A_520, %dma_start3A_521] : memref<2560x2x128xi32, #tpu.memory_space<hbm>> -> memref<1x2x128xi32, #tpu.memory_space<hbm>>
      %dma_start3A_523 = tpu.memref_squeeze %dma_start3A_522 : memref<1x2x128xi32, #tpu.memory_space<hbm>> -> memref<2x128xi32, #tpu.memory_space<hbm>>
      %dma_start3A_524 = arith.constant 0 : i32
      %dma_start3A_525 = arith.constant 0 : i32
      %dma_start3A_526 = tpu.memref_slice %arg5[%dma_start3A_515, %dma_start3A_524, %dma_start3A_525] : memref<4x2x128xi32, #tpu.memory_space<vmem>> -> memref<1x2x128xi32, #tpu.memory_space<vmem>>
      %dma_start3A_527 = tpu.memref_squeeze %dma_start3A_526 : memref<1x2x128xi32, #tpu.memory_space<vmem>> -> memref<2x128xi32, #tpu.memory_space<vmem>>
      %dma_start3A_528 = arith.constant 0 : i32
      %dma_start3A_529 = arith.constant 0 : i32
      %dma_start3A_530 = tpu.memref_slice %arg3[%add3A_514, %dma_start3A_528, %dma_start3A_529] : memref<2560x2x128xi32, #tpu.memory_space<hbm>> -> memref<1x2x128xi32, #tpu.memory_space<hbm>>
      %dma_start3A_531 = tpu.memref_squeeze %dma_start3A_530 : memref<1x2x128xi32, #tpu.memory_space<hbm>> -> memref<2x128xi32, #tpu.memory_space<hbm>>
      tpu.enqueue_dma source(%dma_start3A_531 : memref<2x128xi32, #tpu.memory_space<hbm>>) target(%dma_start3A_527 : memref<2x128xi32, #tpu.memory_space<vmem>>) target_semaphore(%arg13 : memref<!tpu.dma_semaphore, #tpu.memory_space<semaphore_mem>>)
      %add3A_532 = arith.constant 2 : i32
      %add3A_533 = arith.addi %add3A_501, %add3A_532 : i32
      %add3A_534 = arith.addi %add3A, %add3A_533 : i32
      %dma_wait3A_535 = arith.constant 1 : i32
      %dma_wait3A_536 = arith.constant 0 : i32
      %dma_wait3A_537 = arith.constant 0 : i32
      %dma_wait3A_538 = tpu.memref_slice %arg5[%dma_wait3A_535, %dma_wait3A_536, %dma_wait3A_537] : memref<4x2x128xi32, #tpu.memory_space<vmem>> -> memref<1x2x128xi32, #tpu.memory_space<vmem>>
      %dma_wait3A_539 = tpu.memref_squeeze %dma_wait3A_538 : memref<1x2x128xi32, #tpu.memory_space<vmem>> -> memref<2x128xi32, #tpu.memory_space<vmem>>
      %dma_wait3A_540 = arith.constant 0 : i32
      %dma_wait3A_541 = arith.constant 0 : i32
      %dma_wait3A_542 = tpu.memref_slice %arg3[%add3A_534, %dma_wait3A_540, %dma_wait3A_541] : memref<2560x2x128xi32, #tpu.memory_space<hbm>> -> memref<1x2x128xi32, #tpu.memory_space<hbm>>
      %dma_wait3A_543 = tpu.memref_squeeze %dma_wait3A_542 : memref<1x2x128xi32, #tpu.memory_space<hbm>> -> memref<2x128xi32, #tpu.memory_space<hbm>>
      %dma_wait3A_544 = arith.constant 0 : i32
      %dma_wait3A_545 = arith.constant 0 : i32
      %dma_wait3A_546 = tpu.memref_slice %arg5[%dma_wait3A_535, %dma_wait3A_544, %dma_wait3A_545] : memref<4x2x128xi32, #tpu.memory_space<vmem>> -> memref<1x2x128xi32, #tpu.memory_space<vmem>>
      %dma_wait3A_547 = tpu.memref_squeeze %dma_wait3A_546 : memref<1x2x128xi32, #tpu.memory_space<vmem>> -> memref<2x128xi32, #tpu.memory_space<vmem>>
      %dma_wait3A_548 = arith.constant 0 : i32
      %dma_wait3A_549 = arith.constant 0 : i32
      %dma_wait3A_550 = tpu.memref_slice %arg3[%add3A_534, %dma_wait3A_548, %dma_wait3A_549] : memref<2560x2x128xi32, #tpu.memory_space<hbm>> -> memref<1x2x128xi32, #tpu.memory_space<hbm>>
      %dma_wait3A_551 = tpu.memref_squeeze %dma_wait3A_550 : memref<1x2x128xi32, #tpu.memory_space<hbm>> -> memref<2x128xi32, #tpu.memory_space<hbm>>
      tpu.wait_dma2 semaphore(%arg11 : memref<!tpu.dma_semaphore, #tpu.memory_space<semaphore_mem>>) src(%dma_wait3A_551 : memref<2x128xi32, #tpu.memory_space<hbm>>) dst(%dma_wait3A_547 : memref<2x128xi32, #tpu.memory_space<vmem>>)
      %add3A_552 = arith.constant 2 : i32
      %add3A_553 = arith.addi %add3A_501, %add3A_552 : i32
      %dma_start3A_554 = arith.constant 1 : i32
      %dma_start3A_555 = arith.constant 0 : i32
      %dma_start3A_556 = arith.constant 0 : i32
      %dma_start3A_557 = tpu.memref_slice %arg5[%dma_start3A_554, %dma_start3A_555, %dma_start3A_556] : memref<4x2x128xi32, #tpu.memory_space<vmem>> -> memref<1x1x128xi32, #tpu.memory_space<vmem>>
      %dma_start3A_558 = tpu.memref_squeeze %dma_start3A_557 : memref<1x1x128xi32, #tpu.memory_space<vmem>> -> memref<128xi32, #tpu.memory_space<vmem>>
      %dma_start3A_559 = arith.constant 0 : i32
      %dma_start3A_560 = arith.constant 0 : i32
      %dma_start3A_561 = tpu.memref_slice %arg2[%dma_start3A_559, %dma_start3A_560] : memref<10240x128xf32, #tpu.memory_space<hbm>> -> memref<10240x128xf32, #tpu.memory_space<hbm>>
      tpu.enqueue_indirect_dma source(%dma_start3A_561 : memref<10240x128xf32, #tpu.memory_space<hbm>>) target(%arg7 : memref<128x128xf32, #tpu.memory_space<vmem>>) offsets(%dma_start3A_558 : memref<128xi32, #tpu.memory_space<vmem>>) semaphore(%arg9 : memref<!tpu.dma_semaphore, #tpu.memory_space<semaphore_mem>>)
    }
    %sub3A_185 = arith.constant 4 : i32
    %sub3A_186 = arith.subi %select_n3A, %sub3A_185 : i32
    %add3A_187 = arith.constant 0 : i32
    %add3A_188 = arith.addi %sub3A_186, %add3A_187 : i32
    %dma_wait3A_189 = arith.constant 0 : i32
    %dma_wait3A_190 = arith.constant 0 : i32
    %dma_wait3A_191 = arith.constant 0 : i32
    %dma_wait3A_192 = tpu.memref_slice %arg5[%dma_wait3A_189, %dma_wait3A_190, %dma_wait3A_191] : memref<4x2x128xi32, #tpu.memory_space<vmem>> -> memref<1x1x128xi32, #tpu.memory_space<vmem>>
    %dma_wait3A_193 = tpu.memref_squeeze %dma_wait3A_192 : memref<1x1x128xi32, #tpu.memory_space<vmem>> -> memref<128xi32, #tpu.memory_space<vmem>>
    %dma_wait3A_194 = arith.constant 0 : i32
    %dma_wait3A_195 = arith.constant 0 : i32
    %dma_wait3A_196 = tpu.memref_slice %arg2[%dma_wait3A_194, %dma_wait3A_195] : memref<10240x128xf32, #tpu.memory_space<hbm>> -> memref<10240x128xf32, #tpu.memory_space<hbm>>
    tpu.wait_indirect_dma semaphore(%arg8 : memref<!tpu.dma_semaphore, #tpu.memory_space<semaphore_mem>>) src(%dma_wait3A_196 : memref<10240x128xf32, #tpu.memory_space<hbm>>) dst(%arg6 : memref<128x128xf32, #tpu.memory_space<vmem>>)
    %run_scoped3A = arith.constant 0 : i32
    %run_scoped3A_197 = arith.constant 1 : i32
    "tpu.region"() ({
      %run_scoped3A_305 = tpu.sem_alloc : memref<!tpu.dma_semaphore, #tpu.memory_space<semaphore_mem>>
      %dma_start3A_306 = arith.constant 0 : i32
      %dma_start3A_307 = tpu.memref_slice %arg5[%run_scoped3A, %run_scoped3A_197, %dma_start3A_306] : memref<4x2x128xi32, #tpu.memory_space<vmem>> -> memref<1x1x128xi32, #tpu.memory_space<vmem>>
      %dma_start3A_308 = tpu.memref_squeeze %dma_start3A_307 : memref<1x1x128xi32, #tpu.memory_space<vmem>> -> memref<128xi32, #tpu.memory_space<vmem>>
      %dma_start3A_309 = arith.constant 0 : i32
      %dma_start3A_310 = arith.constant 0 : i32
      %dma_start3A_311 = tpu.memref_slice %arg14[%dma_start3A_309, %dma_start3A_310] : memref<10240x128xf32, #tpu.memory_space<vmem_shared>> -> memref<10240x128xf32, #tpu.memory_space<vmem_shared>>
      tpu.enqueue_indirect_dma source(%arg6 : memref<128x128xf32, #tpu.memory_space<vmem>>) target(%dma_start3A_311 : memref<10240x128xf32, #tpu.memory_space<vmem_shared>>) offsets(%dma_start3A_308 : memref<128xi32, #tpu.memory_space<vmem>>) semaphore(%run_scoped3A_305 : memref<!tpu.dma_semaphore, #tpu.memory_space<semaphore_mem>>) {add = true}
      %dma_wait3A_312 = arith.constant 0 : i32
      %dma_wait3A_313 = tpu.memref_slice %arg5[%run_scoped3A, %run_scoped3A_197, %dma_wait3A_312] : memref<4x2x128xi32, #tpu.memory_space<vmem>> -> memref<1x1x128xi32, #tpu.memory_space<vmem>>
      %dma_wait3A_314 = tpu.memref_squeeze %dma_wait3A_313 : memref<1x1x128xi32, #tpu.memory_space<vmem>> -> memref<128xi32, #tpu.memory_space<vmem>>
      %dma_wait3A_315 = arith.constant 0 : i32
      %dma_wait3A_316 = arith.constant 0 : i32
      %dma_wait3A_317 = tpu.memref_slice %arg14[%dma_wait3A_315, %dma_wait3A_316] : memref<10240x128xf32, #tpu.memory_space<vmem_shared>> -> memref<10240x128xf32, #tpu.memory_space<vmem_shared>>
      tpu.wait_indirect_dma semaphore(%run_scoped3A_305 : memref<!tpu.dma_semaphore, #tpu.memory_space<semaphore_mem>>) src(%arg6 : memref<128x128xf32, #tpu.memory_space<vmem>>) dst(%dma_wait3A_317 : memref<10240x128xf32, #tpu.memory_space<vmem_shared>>)
      tpu.yield
    }) : () -> ()
    %add3A_198 = arith.constant 2 : i32
    %add3A_199 = arith.addi %add3A_188, %add3A_198 : i32
    %add3A_200 = arith.addi %add3A, %add3A_199 : i32
    %dma_wait3A_201 = arith.constant 2 : i32
    %dma_wait3A_202 = arith.constant 0 : i32
    %dma_wait3A_203 = arith.constant 0 : i32
    %dma_wait3A_204 = tpu.memref_slice %arg5[%dma_wait3A_201, %dma_wait3A_202, %dma_wait3A_203] : memref<4x2x128xi32, #tpu.memory_space<vmem>> -> memref<1x2x128xi32, #tpu.memory_space<vmem>>
    %dma_wait3A_205 = tpu.memref_squeeze %dma_wait3A_204 : memref<1x2x128xi32, #tpu.memory_space<vmem>> -> memref<2x128xi32, #tpu.memory_space<vmem>>
    %dma_wait3A_206 = arith.constant 0 : i32
    %dma_wait3A_207 = arith.constant 0 : i32
    %dma_wait3A_208 = tpu.memref_slice %arg3[%add3A_200, %dma_wait3A_206, %dma_wait3A_207] : memref<2560x2x128xi32, #tpu.memory_space<hbm>> -> memref<1x2x128xi32, #tpu.memory_space<hbm>>
    %dma_wait3A_209 = tpu.memref_squeeze %dma_wait3A_208 : memref<1x2x128xi32, #tpu.memory_space<hbm>> -> memref<2x128xi32, #tpu.memory_space<hbm>>
    %dma_wait3A_210 = arith.constant 0 : i32
    %dma_wait3A_211 = arith.constant 0 : i32
    %dma_wait3A_212 = tpu.memref_slice %arg5[%dma_wait3A_201, %dma_wait3A_210, %dma_wait3A_211] : memref<4x2x128xi32, #tpu.memory_space<vmem>> -> memref<1x2x128xi32, #tpu.memory_space<vmem>>
    %dma_wait3A_213 = tpu.memref_squeeze %dma_wait3A_212 : memref<1x2x128xi32, #tpu.memory_space<vmem>> -> memref<2x128xi32, #tpu.memory_space<vmem>>
    %dma_wait3A_214 = arith.constant 0 : i32
    %dma_wait3A_215 = arith.constant 0 : i32
    %dma_wait3A_216 = tpu.memref_slice %arg3[%add3A_200, %dma_wait3A_214, %dma_wait3A_215] : memref<2560x2x128xi32, #tpu.memory_space<hbm>> -> memref<1x2x128xi32, #tpu.memory_space<hbm>>
    %dma_wait3A_217 = tpu.memref_squeeze %dma_wait3A_216 : memref<1x2x128xi32, #tpu.memory_space<hbm>> -> memref<2x128xi32, #tpu.memory_space<hbm>>
    tpu.wait_dma2 semaphore(%arg12 : memref<!tpu.dma_semaphore, #tpu.memory_space<semaphore_mem>>) src(%dma_wait3A_217 : memref<2x128xi32, #tpu.memory_space<hbm>>) dst(%dma_wait3A_213 : memref<2x128xi32, #tpu.memory_space<vmem>>)
    %add3A_218 = arith.constant 2 : i32
    %add3A_219 = arith.addi %add3A_188, %add3A_218 : i32
    %dma_start3A_220 = arith.constant 2 : i32
    %dma_start3A_221 = arith.constant 0 : i32
    %dma_start3A_222 = arith.constant 0 : i32
    %dma_start3A_223 = tpu.memref_slice %arg5[%dma_start3A_220, %dma_start3A_221, %dma_start3A_222] : memref<4x2x128xi32, #tpu.memory_space<vmem>> -> memref<1x1x128xi32, #tpu.memory_space<vmem>>
    %dma_start3A_224 = tpu.memref_squeeze %dma_start3A_223 : memref<1x1x128xi32, #tpu.memory_space<vmem>> -> memref<128xi32, #tpu.memory_space<vmem>>
    %dma_start3A_225 = arith.constant 0 : i32
    %dma_start3A_226 = arith.constant 0 : i32
    %dma_start3A_227 = tpu.memref_slice %arg2[%dma_start3A_225, %dma_start3A_226] : memref<10240x128xf32, #tpu.memory_space<hbm>> -> memref<10240x128xf32, #tpu.memory_space<hbm>>
    tpu.enqueue_indirect_dma source(%dma_start3A_227 : memref<10240x128xf32, #tpu.memory_space<hbm>>) target(%arg6 : memref<128x128xf32, #tpu.memory_space<vmem>>) offsets(%dma_start3A_224 : memref<128xi32, #tpu.memory_space<vmem>>) semaphore(%arg8 : memref<!tpu.dma_semaphore, #tpu.memory_space<semaphore_mem>>)
    %sub3A_228 = arith.constant 4 : i32
    %sub3A_229 = arith.subi %select_n3A, %sub3A_228 : i32
    %add3A_230 = arith.constant 1 : i32
    %add3A_231 = arith.addi %sub3A_229, %add3A_230 : i32
    %dma_wait3A_232 = arith.constant 1 : i32
    %dma_wait3A_233 = arith.constant 0 : i32
    %dma_wait3A_234 = arith.constant 0 : i32
    %dma_wait3A_235 = tpu.memref_slice %arg5[%dma_wait3A_232, %dma_wait3A_233, %dma_wait3A_234] : memref<4x2x128xi32, #tpu.memory_space<vmem>> -> memref<1x1x128xi32, #tpu.memory_space<vmem>>
    %dma_wait3A_236 = tpu.memref_squeeze %dma_wait3A_235 : memref<1x1x128xi32, #tpu.memory_space<vmem>> -> memref<128xi32, #tpu.memory_space<vmem>>
    %dma_wait3A_237 = arith.constant 0 : i32
    %dma_wait3A_238 = arith.constant 0 : i32
    %dma_wait3A_239 = tpu.memref_slice %arg2[%dma_wait3A_237, %dma_wait3A_238] : memref<10240x128xf32, #tpu.memory_space<hbm>> -> memref<10240x128xf32, #tpu.memory_space<hbm>>
    tpu.wait_indirect_dma semaphore(%arg9 : memref<!tpu.dma_semaphore, #tpu.memory_space<semaphore_mem>>) src(%dma_wait3A_239 : memref<10240x128xf32, #tpu.memory_space<hbm>>) dst(%arg7 : memref<128x128xf32, #tpu.memory_space<vmem>>)
    %run_scoped3A_240 = arith.constant 1 : i32
    %run_scoped3A_241 = arith.constant 1 : i32
    "tpu.region"() ({
      %run_scoped3A_305 = tpu.sem_alloc : memref<!tpu.dma_semaphore, #tpu.memory_space<semaphore_mem>>
      %dma_start3A_306 = arith.constant 0 : i32
      %dma_start3A_307 = tpu.memref_slice %arg5[%run_scoped3A_240, %run_scoped3A_241, %dma_start3A_306] : memref<4x2x128xi32, #tpu.memory_space<vmem>> -> memref<1x1x128xi32, #tpu.memory_space<vmem>>
      %dma_start3A_308 = tpu.memref_squeeze %dma_start3A_307 : memref<1x1x128xi32, #tpu.memory_space<vmem>> -> memref<128xi32, #tpu.memory_space<vmem>>
      %dma_start3A_309 = arith.constant 0 : i32
      %dma_start3A_310 = arith.constant 0 : i32
      %dma_start3A_311 = tpu.memref_slice %arg14[%dma_start3A_309, %dma_start3A_310] : memref<10240x128xf32, #tpu.memory_space<vmem_shared>> -> memref<10240x128xf32, #tpu.memory_space<vmem_shared>>
      tpu.enqueue_indirect_dma source(%arg7 : memref<128x128xf32, #tpu.memory_space<vmem>>) target(%dma_start3A_311 : memref<10240x128xf32, #tpu.memory_space<vmem_shared>>) offsets(%dma_start3A_308 : memref<128xi32, #tpu.memory_space<vmem>>) semaphore(%run_scoped3A_305 : memref<!tpu.dma_semaphore, #tpu.memory_space<semaphore_mem>>) {add = true}
      %dma_wait3A_312 = arith.constant 0 : i32
      %dma_wait3A_313 = tpu.memref_slice %arg5[%run_scoped3A_240, %run_scoped3A_241, %dma_wait3A_312] : memref<4x2x128xi32, #tpu.memory_space<vmem>> -> memref<1x1x128xi32, #tpu.memory_space<vmem>>
      %dma_wait3A_314 = tpu.memref_squeeze %dma_wait3A_313 : memref<1x1x128xi32, #tpu.memory_space<vmem>> -> memref<128xi32, #tpu.memory_space<vmem>>
      %dma_wait3A_315 = arith.constant 0 : i32
      %dma_wait3A_316 = arith.constant 0 : i32
      %dma_wait3A_317 = tpu.memref_slice %arg14[%dma_wait3A_315, %dma_wait3A_316] : memref<10240x128xf32, #tpu.memory_space<vmem_shared>> -> memref<10240x128xf32, #tpu.memory_space<vmem_shared>>
      tpu.wait_indirect_dma semaphore(%run_scoped3A_305 : memref<!tpu.dma_semaphore, #tpu.memory_space<semaphore_mem>>) src(%arg7 : memref<128x128xf32, #tpu.memory_space<vmem>>) dst(%dma_wait3A_317 : memref<10240x128xf32, #tpu.memory_space<vmem_shared>>)
      tpu.yield
    }) : () -> ()
    %add3A_242 = arith.constant 2 : i32
    %add3A_243 = arith.addi %add3A_231, %add3A_242 : i32
    %add3A_244 = arith.addi %add3A, %add3A_243 : i32
    %dma_wait3A_245 = arith.constant 3 : i32
    %dma_wait3A_246 = arith.constant 0 : i32
    %dma_wait3A_247 = arith.constant 0 : i32
    %dma_wait3A_248 = tpu.memref_slice %arg5[%dma_wait3A_245, %dma_wait3A_246, %dma_wait3A_247] : memref<4x2x128xi32, #tpu.memory_space<vmem>> -> memref<1x2x128xi32, #tpu.memory_space<vmem>>
    %dma_wait3A_249 = tpu.memref_squeeze %dma_wait3A_248 : memref<1x2x128xi32, #tpu.memory_space<vmem>> -> memref<2x128xi32, #tpu.memory_space<vmem>>
    %dma_wait3A_250 = arith.constant 0 : i32
    %dma_wait3A_251 = arith.constant 0 : i32
    %dma_wait3A_252 = tpu.memref_slice %arg3[%add3A_244, %dma_wait3A_250, %dma_wait3A_251] : memref<2560x2x128xi32, #tpu.memory_space<hbm>> -> memref<1x2x128xi32, #tpu.memory_space<hbm>>
    %dma_wait3A_253 = tpu.memref_squeeze %dma_wait3A_252 : memref<1x2x128xi32, #tpu.memory_space<hbm>> -> memref<2x128xi32, #tpu.memory_space<hbm>>
    %dma_wait3A_254 = arith.constant 0 : i32
    %dma_wait3A_255 = arith.constant 0 : i32
    %dma_wait3A_256 = tpu.memref_slice %arg5[%dma_wait3A_245, %dma_wait3A_254, %dma_wait3A_255] : memref<4x2x128xi32, #tpu.memory_space<vmem>> -> memref<1x2x128xi32, #tpu.memory_space<vmem>>
    %dma_wait3A_257 = tpu.memref_squeeze %dma_wait3A_256 : memref<1x2x128xi32, #tpu.memory_space<vmem>> -> memref<2x128xi32, #tpu.memory_space<vmem>>
    %dma_wait3A_258 = arith.constant 0 : i32
    %dma_wait3A_259 = arith.constant 0 : i32
    %dma_wait3A_260 = tpu.memref_slice %arg3[%add3A_244, %dma_wait3A_258, %dma_wait3A_259] : memref<2560x2x128xi32, #tpu.memory_space<hbm>> -> memref<1x2x128xi32, #tpu.memory_space<hbm>>
    %dma_wait3A_261 = tpu.memref_squeeze %dma_wait3A_260 : memref<1x2x128xi32, #tpu.memory_space<hbm>> -> memref<2x128xi32, #tpu.memory_space<hbm>>
    tpu.wait_dma2 semaphore(%arg13 : memref<!tpu.dma_semaphore, #tpu.memory_space<semaphore_mem>>) src(%dma_wait3A_261 : memref<2x128xi32, #tpu.memory_space<hbm>>) dst(%dma_wait3A_257 : memref<2x128xi32, #tpu.memory_space<vmem>>)
    %add3A_262 = arith.constant 2 : i32
    %add3A_263 = arith.addi %add3A_231, %add3A_262 : i32
    %dma_start3A_264 = arith.constant 3 : i32
    %dma_start3A_265 = arith.constant 0 : i32
    %dma_start3A_266 = arith.constant 0 : i32
    %dma_start3A_267 = tpu.memref_slice %arg5[%dma_start3A_264, %dma_start3A_265, %dma_start3A_266] : memref<4x2x128xi32, #tpu.memory_space<vmem>> -> memref<1x1x128xi32, #tpu.memory_space<vmem>>
    %dma_start3A_268 = tpu.memref_squeeze %dma_start3A_267 : memref<1x1x128xi32, #tpu.memory_space<vmem>> -> memref<128xi32, #tpu.memory_space<vmem>>
    %dma_start3A_269 = arith.constant 0 : i32
    %dma_start3A_270 = arith.constant 0 : i32
    %dma_start3A_271 = tpu.memref_slice %arg2[%dma_start3A_269, %dma_start3A_270] : memref<10240x128xf32, #tpu.memory_space<hbm>> -> memref<10240x128xf32, #tpu.memory_space<hbm>>
    tpu.enqueue_indirect_dma source(%dma_start3A_271 : memref<10240x128xf32, #tpu.memory_space<hbm>>) target(%arg7 : memref<128x128xf32, #tpu.memory_space<vmem>>) offsets(%dma_start3A_268 : memref<128xi32, #tpu.memory_space<vmem>>) semaphore(%arg9 : memref<!tpu.dma_semaphore, #tpu.memory_space<semaphore_mem>>)
    %sub3A_272 = arith.constant 4 : i32
    %sub3A_273 = arith.subi %select_n3A, %sub3A_272 : i32
    %add3A_274 = arith.constant 2 : i32
    %add3A_275 = arith.addi %sub3A_273, %add3A_274 : i32
    %dma_wait3A_276 = arith.constant 2 : i32
    %dma_wait3A_277 = arith.constant 0 : i32
    %dma_wait3A_278 = arith.constant 0 : i32
    %dma_wait3A_279 = tpu.memref_slice %arg5[%dma_wait3A_276, %dma_wait3A_277, %dma_wait3A_278] : memref<4x2x128xi32, #tpu.memory_space<vmem>> -> memref<1x1x128xi32, #tpu.memory_space<vmem>>
    %dma_wait3A_280 = tpu.memref_squeeze %dma_wait3A_279 : memref<1x1x128xi32, #tpu.memory_space<vmem>> -> memref<128xi32, #tpu.memory_space<vmem>>
    %dma_wait3A_281 = arith.constant 0 : i32
    %dma_wait3A_282 = arith.constant 0 : i32
    %dma_wait3A_283 = tpu.memref_slice %arg2[%dma_wait3A_281, %dma_wait3A_282] : memref<10240x128xf32, #tpu.memory_space<hbm>> -> memref<10240x128xf32, #tpu.memory_space<hbm>>
    tpu.wait_indirect_dma semaphore(%arg8 : memref<!tpu.dma_semaphore, #tpu.memory_space<semaphore_mem>>) src(%dma_wait3A_283 : memref<10240x128xf32, #tpu.memory_space<hbm>>) dst(%arg6 : memref<128x128xf32, #tpu.memory_space<vmem>>)
    %run_scoped3A_284 = arith.constant 2 : i32
    %run_scoped3A_285 = arith.constant 1 : i32
    "tpu.region"() ({
      %run_scoped3A_305 = tpu.sem_alloc : memref<!tpu.dma_semaphore, #tpu.memory_space<semaphore_mem>>
      %dma_start3A_306 = arith.constant 0 : i32
      %dma_start3A_307 = tpu.memref_slice %arg5[%run_scoped3A_284, %run_scoped3A_285, %dma_start3A_306] : memref<4x2x128xi32, #tpu.memory_space<vmem>> -> memref<1x1x128xi32, #tpu.memory_space<vmem>>
      %dma_start3A_308 = tpu.memref_squeeze %dma_start3A_307 : memref<1x1x128xi32, #tpu.memory_space<vmem>> -> memref<128xi32, #tpu.memory_space<vmem>>
      %dma_start3A_309 = arith.constant 0 : i32
      %dma_start3A_310 = arith.constant 0 : i32
      %dma_start3A_311 = tpu.memref_slice %arg14[%dma_start3A_309, %dma_start3A_310] : memref<10240x128xf32, #tpu.memory_space<vmem_shared>> -> memref<10240x128xf32, #tpu.memory_space<vmem_shared>>
      tpu.enqueue_indirect_dma source(%arg6 : memref<128x128xf32, #tpu.memory_space<vmem>>) target(%dma_start3A_311 : memref<10240x128xf32, #tpu.memory_space<vmem_shared>>) offsets(%dma_start3A_308 : memref<128xi32, #tpu.memory_space<vmem>>) semaphore(%run_scoped3A_305 : memref<!tpu.dma_semaphore, #tpu.memory_space<semaphore_mem>>) {add = true}
      %dma_wait3A_312 = arith.constant 0 : i32
      %dma_wait3A_313 = tpu.memref_slice %arg5[%run_scoped3A_284, %run_scoped3A_285, %dma_wait3A_312] : memref<4x2x128xi32, #tpu.memory_space<vmem>> -> memref<1x1x128xi32, #tpu.memory_space<vmem>>
      %dma_wait3A_314 = tpu.memref_squeeze %dma_wait3A_313 : memref<1x1x128xi32, #tpu.memory_space<vmem>> -> memref<128xi32, #tpu.memory_space<vmem>>
      %dma_wait3A_315 = arith.constant 0 : i32
      %dma_wait3A_316 = arith.constant 0 : i32
      %dma_wait3A_317 = tpu.memref_slice %arg14[%dma_wait3A_315, %dma_wait3A_316] : memref<10240x128xf32, #tpu.memory_space<vmem_shared>> -> memref<10240x128xf32, #tpu.memory_space<vmem_shared>>
      tpu.wait_indirect_dma semaphore(%run_scoped3A_305 : memref<!tpu.dma_semaphore, #tpu.memory_space<semaphore_mem>>) src(%arg6 : memref<128x128xf32, #tpu.memory_space<vmem>>) dst(%dma_wait3A_317 : memref<10240x128xf32, #tpu.memory_space<vmem_shared>>)
      tpu.yield
    }) : () -> ()
    %sub3A_286 = arith.constant 4 : i32
    %sub3A_287 = arith.subi %select_n3A, %sub3A_286 : i32
    %add3A_288 = arith.constant 3 : i32
    %add3A_289 = arith.addi %sub3A_287, %add3A_288 : i32
    %dma_wait3A_290 = arith.constant 3 : i32
    %dma_wait3A_291 = arith.constant 0 : i32
    %dma_wait3A_292 = arith.constant 0 : i32
    %dma_wait3A_293 = tpu.memref_slice %arg5[%dma_wait3A_290, %dma_wait3A_291, %dma_wait3A_292] : memref<4x2x128xi32, #tpu.memory_space<vmem>> -> memref<1x1x128xi32, #tpu.memory_space<vmem>>
    %dma_wait3A_294 = tpu.memref_squeeze %dma_wait3A_293 : memref<1x1x128xi32, #tpu.memory_space<vmem>> -> memref<128xi32, #tpu.memory_space<vmem>>
    %dma_wait3A_295 = arith.constant 0 : i32
    %dma_wait3A_296 = arith.constant 0 : i32
    %dma_wait3A_297 = tpu.memref_slice %arg2[%dma_wait3A_295, %dma_wait3A_296] : memref<10240x128xf32, #tpu.memory_space<hbm>> -> memref<10240x128xf32, #tpu.memory_space<hbm>>
    tpu.wait_indirect_dma semaphore(%arg9 : memref<!tpu.dma_semaphore, #tpu.memory_space<semaphore_mem>>) src(%dma_wait3A_297 : memref<10240x128xf32, #tpu.memory_space<hbm>>) dst(%arg7 : memref<128x128xf32, #tpu.memory_space<vmem>>)
    %run_scoped3A_298 = arith.constant 3 : i32
    %run_scoped3A_299 = arith.constant 1 : i32
    "tpu.region"() ({
      %run_scoped3A_305 = tpu.sem_alloc : memref<!tpu.dma_semaphore, #tpu.memory_space<semaphore_mem>>
      %dma_start3A_306 = arith.constant 0 : i32
      %dma_start3A_307 = tpu.memref_slice %arg5[%run_scoped3A_298, %run_scoped3A_299, %dma_start3A_306] : memref<4x2x128xi32, #tpu.memory_space<vmem>> -> memref<1x1x128xi32, #tpu.memory_space<vmem>>
      %dma_start3A_308 = tpu.memref_squeeze %dma_start3A_307 : memref<1x1x128xi32, #tpu.memory_space<vmem>> -> memref<128xi32, #tpu.memory_space<vmem>>
      %dma_start3A_309 = arith.constant 0 : i32
      %dma_start3A_310 = arith.constant 0 : i32
      %dma_start3A_311 = tpu.memref_slice %arg14[%dma_start3A_309, %dma_start3A_310] : memref<10240x128xf32, #tpu.memory_space<vmem_shared>> -> memref<10240x128xf32, #tpu.memory_space<vmem_shared>>
      tpu.enqueue_indirect_dma source(%arg7 : memref<128x128xf32, #tpu.memory_space<vmem>>) target(%dma_start3A_311 : memref<10240x128xf32, #tpu.memory_space<vmem_shared>>) offsets(%dma_start3A_308 : memref<128xi32, #tpu.memory_space<vmem>>) semaphore(%run_scoped3A_305 : memref<!tpu.dma_semaphore, #tpu.memory_space<semaphore_mem>>) {add = true}
      %dma_wait3A_312 = arith.constant 0 : i32
      %dma_wait3A_313 = tpu.memref_slice %arg5[%run_scoped3A_298, %run_scoped3A_299, %dma_wait3A_312] : memref<4x2x128xi32, #tpu.memory_space<vmem>> -> memref<1x1x128xi32, #tpu.memory_space<vmem>>
      %dma_wait3A_314 = tpu.memref_squeeze %dma_wait3A_313 : memref<1x1x128xi32, #tpu.memory_space<vmem>> -> memref<128xi32, #tpu.memory_space<vmem>>
      %dma_wait3A_315 = arith.constant 0 : i32
      %dma_wait3A_316 = arith.constant 0 : i32
      %dma_wait3A_317 = tpu.memref_slice %arg14[%dma_wait3A_315, %dma_wait3A_316] : memref<10240x128xf32, #tpu.memory_space<vmem_shared>> -> memref<10240x128xf32, #tpu.memory_space<vmem_shared>>
      tpu.wait_indirect_dma semaphore(%run_scoped3A_305 : memref<!tpu.dma_semaphore, #tpu.memory_space<semaphore_mem>>) src(%arg7 : memref<128x128xf32, #tpu.memory_space<vmem>>) dst(%dma_wait3A_317 : memref<10240x128xf32, #tpu.memory_space<vmem_shared>>)
      tpu.yield
    }) : () -> ()
    %barrier3A_300 = arith.constant 0 : index
    tpu.barrier barrier_id(%barrier3A_300)
    %mul3A_301 = arith.constant 640 : i32
    %mul3A_302 = arith.muli %arg1, %mul3A_301 : i32
    %mul3A_303 = arith.constant 640 : i32
    %mul3A_304 = arith.muli %arg1, %mul3A_303 : i32
    "tpu.region"() ({
      %run_scoped3A_305 = tpu.sem_alloc : memref<!tpu.dma_semaphore, #tpu.memory_space<semaphore_mem>>
      %dma_start3A_306 = arith.constant 0 : i32
      %dma_start3A_307 = tpu.memref_slice %arg4[%arg0, %mul3A_304, %dma_start3A_306] : memref<2x10240x128xf32, #tpu.memory_space<hbm>> -> memref<1x640x128xf32, #tpu.memory_space<hbm>>
      %dma_start3A_308 = tpu.memref_squeeze %dma_start3A_307 : memref<1x640x128xf32, #tpu.memory_space<hbm>> -> memref<640x128xf32, #tpu.memory_space<hbm>>
      %dma_start3A_309 = arith.constant 0 : i32
      %dma_start3A_310 = tpu.memref_slice %arg14[%mul3A_302, %dma_start3A_309] : memref<10240x128xf32, #tpu.memory_space<vmem_shared>> -> memref<640x128xf32, #tpu.memory_space<vmem_shared>>
      tpu.enqueue_dma source(%dma_start3A_310 : memref<640x128xf32, #tpu.memory_space<vmem_shared>>) target(%dma_start3A_308 : memref<640x128xf32, #tpu.memory_space<hbm>>) target_semaphore(%run_scoped3A_305 : memref<!tpu.dma_semaphore, #tpu.memory_space<semaphore_mem>>)
      %dma_wait3A_311 = arith.constant 0 : i32
      %dma_wait3A_312 = tpu.memref_slice %arg4[%arg0, %mul3A_304, %dma_wait3A_311] : memref<2x10240x128xf32, #tpu.memory_space<hbm>> -> memref<1x640x128xf32, #tpu.memory_space<hbm>>
      %dma_wait3A_313 = tpu.memref_squeeze %dma_wait3A_312 : memref<1x640x128xf32, #tpu.memory_space<hbm>> -> memref<640x128xf32, #tpu.memory_space<hbm>>
      %dma_wait3A_314 = arith.constant 0 : i32
      %dma_wait3A_315 = tpu.memref_slice %arg14[%mul3A_302, %dma_wait3A_314] : memref<10240x128xf32, #tpu.memory_space<vmem_shared>> -> memref<640x128xf32, #tpu.memory_space<vmem_shared>>
      tpu.wait_dma2 semaphore(%run_scoped3A_305 : memref<!tpu.dma_semaphore, #tpu.memory_space<semaphore_mem>>) src(%dma_wait3A_315 : memref<640x128xf32, #tpu.memory_space<vmem_shared>>) dst(%dma_wait3A_313 : memref<640x128xf32, #tpu.memory_space<hbm>>)
      tpu.yield
    }) : () -> ()
    return
  }
}

#map = affine_map<(d0, d1) -> (0, 0)>
#map1 = affine_map<(d0, d1) -> (0, 0, 0)>
module attributes {stable_mosaic.version = 14 : i64} {
  func.func @_edge_scatter(%arg0: i32, %arg1: i32, %arg2: memref<10240x128xf32, #tpu.memory_space<hbm>>, %arg3: memref<2560x2x128xi32, #tpu.memory_space<hbm>>, %arg4: memref<2x10240x128xf32, #tpu.memory_space<hbm>>, %arg5: memref<4x2x128xi32, #tpu.memory_space<vmem>>, %arg6: memref<128x128xf32, #tpu.memory_space<vmem>>, %arg7: memref<128x128xf32, #tpu.memory_space<vmem>>, %arg8: memref<!tpu.dma_semaphore, #tpu.memory_space<semaphore_mem>>, %arg9: memref<!tpu.dma_semaphore, #tpu.memory_space<semaphore_mem>>, %arg10: memref<!tpu.dma_semaphore, #tpu.memory_space<semaphore_mem>>, %arg11: memref<!tpu.dma_semaphore, #tpu.memory_space<semaphore_mem>>, %arg12: memref<!tpu.dma_semaphore, #tpu.memory_space<semaphore_mem>>, %arg13: memref<!tpu.dma_semaphore, #tpu.memory_space<semaphore_mem>>, %arg14: memref<10240x128xf32, #tpu.memory_space<vmem_shared>>) attributes {dimension_semantics = [#tpu.dimension_semantics<core_parallel>, #tpu.dimension_semantics<subcore_parallel>], iteration_bounds = array<i64: 2, 16>, scalar_prefetch = 0 : i64, scratch_operands = 10 : i64, tpu.core_type = #tpu.core_type<sc_vector_subcore>, window_params = [{transform_indices = #map}, {transform_indices = #map1}, {transform_indices = #map1}]} {
    %eq3A = arith.constant 0 : i32
    %eq3A_0 = arith.cmpi eq, %arg0, %eq3A : i32
    %jit3A = arith.constant 120 : i32
    %jit3A_1 = arith.constant 40 : i32
    %select_n3A = arith.select %eq3A_0, %jit3A, %jit3A_1 : i32
    %mul3A = arith.constant 160 : i32
    %mul3A_2 = arith.muli %arg1, %mul3A : i32
    %mul3A_3 = arith.constant 120 : i32
    %mul3A_4 = arith.muli %arg0, %mul3A_3 : i32
    %add3A = arith.addi %mul3A_2, %mul3A_4 : i32
    %add3A_5 = arith.constant 0 : i32
    %add3A_6 = arith.addi %add3A, %add3A_5 : i32
    %dma_start3A = arith.constant 0 : i32
    %dma_start3A_7 = arith.constant 0 : i32
    %dma_start3A_8 = arith.constant 0 : i32
    %dma_start3A_9 = tpu.memref_slice %arg5[%dma_start3A, %dma_start3A_7, %dma_start3A_8] : memref<4x2x128xi32, #tpu.memory_space<vmem>> -> memref<1x2x128xi32, #tpu.memory_space<vmem>>
    %dma_start3A_10 = tpu.memref_squeeze %dma_start3A_9 : memref<1x2x128xi32, #tpu.memory_space<vmem>> -> memref<2x128xi32, #tpu.memory_space<vmem>>
    %dma_start3A_11 = arith.constant 0 : i32
    %dma_start3A_12 = arith.constant 0 : i32
    %dma_start3A_13 = tpu.memref_slice %arg3[%add3A_6, %dma_start3A_11, %dma_start3A_12] : memref<2560x2x128xi32, #tpu.memory_space<hbm>> -> memref<1x2x128xi32, #tpu.memory_space<hbm>>
    %dma_start3A_14 = tpu.memref_squeeze %dma_start3A_13 : memref<1x2x128xi32, #tpu.memory_space<hbm>> -> memref<2x128xi32, #tpu.memory_space<hbm>>
    %dma_start3A_15 = arith.constant 0 : i32
    %dma_start3A_16 = arith.constant 0 : i32
    %dma_start3A_17 = tpu.memref_slice %arg5[%dma_start3A, %dma_start3A_15, %dma_start3A_16] : memref<4x2x128xi32, #tpu.memory_space<vmem>> -> memref<1x2x128xi32, #tpu.memory_space<vmem>>
    %dma_start3A_18 = tpu.memref_squeeze %dma_start3A_17 : memref<1x2x128xi32, #tpu.memory_space<vmem>> -> memref<2x128xi32, #tpu.memory_space<vmem>>
    %dma_start3A_19 = arith.constant 0 : i32
    %dma_start3A_20 = arith.constant 0 : i32
    %dma_start3A_21 = tpu.memref_slice %arg3[%add3A_6, %dma_start3A_19, %dma_start3A_20] : memref<2560x2x128xi32, #tpu.memory_space<hbm>> -> memref<1x2x128xi32, #tpu.memory_space<hbm>>
    %dma_start3A_22 = tpu.memref_squeeze %dma_start3A_21 : memref<1x2x128xi32, #tpu.memory_space<hbm>> -> memref<2x128xi32, #tpu.memory_space<hbm>>
    tpu.enqueue_dma source(%dma_start3A_22 : memref<2x128xi32, #tpu.memory_space<hbm>>) target(%dma_start3A_18 : memref<2x128xi32, #tpu.memory_space<vmem>>) target_semaphore(%arg10 : memref<!tpu.dma_semaphore, #tpu.memory_space<semaphore_mem>>)
    %add3A_23 = arith.constant 1 : i32
    %add3A_24 = arith.addi %add3A, %add3A_23 : i32
    %dma_start3A_25 = arith.constant 1 : i32
    %dma_start3A_26 = arith.constant 0 : i32
    %dma_start3A_27 = arith.constant 0 : i32
    %dma_start3A_28 = tpu.memref_slice %arg5[%dma_start3A_25, %dma_start3A_26, %dma_start3A_27] : memref<4x2x128xi32, #tpu.memory_space<vmem>> -> memref<1x2x128xi32, #tpu.memory_space<vmem>>
    %dma_start3A_29 = tpu.memref_squeeze %dma_start3A_28 : memref<1x2x128xi32, #tpu.memory_space<vmem>> -> memref<2x128xi32, #tpu.memory_space<vmem>>
    %dma_start3A_30 = arith.constant 0 : i32
    %dma_start3A_31 = arith.constant 0 : i32
    %dma_start3A_32 = tpu.memref_slice %arg3[%add3A_24, %dma_start3A_30, %dma_start3A_31] : memref<2560x2x128xi32, #tpu.memory_space<hbm>> -> memref<1x2x128xi32, #tpu.memory_space<hbm>>
    %dma_start3A_33 = tpu.memref_squeeze %dma_start3A_32 : memref<1x2x128xi32, #tpu.memory_space<hbm>> -> memref<2x128xi32, #tpu.memory_space<hbm>>
    %dma_start3A_34 = arith.constant 0 : i32
    %dma_start3A_35 = arith.constant 0 : i32
    %dma_start3A_36 = tpu.memref_slice %arg5[%dma_start3A_25, %dma_start3A_34, %dma_start3A_35] : memref<4x2x128xi32, #tpu.memory_space<vmem>> -> memref<1x2x128xi32, #tpu.memory_space<vmem>>
    %dma_start3A_37 = tpu.memref_squeeze %dma_start3A_36 : memref<1x2x128xi32, #tpu.memory_space<vmem>> -> memref<2x128xi32, #tpu.memory_space<vmem>>
    %dma_start3A_38 = arith.constant 0 : i32
    %dma_start3A_39 = arith.constant 0 : i32
    %dma_start3A_40 = tpu.memref_slice %arg3[%add3A_24, %dma_start3A_38, %dma_start3A_39] : memref<2560x2x128xi32, #tpu.memory_space<hbm>> -> memref<1x2x128xi32, #tpu.memory_space<hbm>>
    %dma_start3A_41 = tpu.memref_squeeze %dma_start3A_40 : memref<1x2x128xi32, #tpu.memory_space<hbm>> -> memref<2x128xi32, #tpu.memory_space<hbm>>
    tpu.enqueue_dma source(%dma_start3A_41 : memref<2x128xi32, #tpu.memory_space<hbm>>) target(%dma_start3A_37 : memref<2x128xi32, #tpu.memory_space<vmem>>) target_semaphore(%arg11 : memref<!tpu.dma_semaphore, #tpu.memory_space<semaphore_mem>>)
    %add3A_42 = arith.constant 2 : i32
    %add3A_43 = arith.addi %add3A, %add3A_42 : i32
    %dma_start3A_44 = arith.constant 2 : i32
    %dma_start3A_45 = arith.constant 0 : i32
    %dma_start3A_46 = arith.constant 0 : i32
    %dma_start3A_47 = tpu.memref_slice %arg5[%dma_start3A_44, %dma_start3A_45, %dma_start3A_46] : memref<4x2x128xi32, #tpu.memory_space<vmem>> -> memref<1x2x128xi32, #tpu.memory_space<vmem>>
    %dma_start3A_48 = tpu.memref_squeeze %dma_start3A_47 : memref<1x2x128xi32, #tpu.memory_space<vmem>> -> memref<2x128xi32, #tpu.memory_space<vmem>>
    %dma_start3A_49 = arith.constant 0 : i32
    %dma_start3A_50 = arith.constant 0 : i32
    %dma_start3A_51 = tpu.memref_slice %arg3[%add3A_43, %dma_start3A_49, %dma_start3A_50] : memref<2560x2x128xi32, #tpu.memory_space<hbm>> -> memref<1x2x128xi32, #tpu.memory_space<hbm>>
    %dma_start3A_52 = tpu.memref_squeeze %dma_start3A_51 : memref<1x2x128xi32, #tpu.memory_space<hbm>> -> memref<2x128xi32, #tpu.memory_space<hbm>>
    %dma_start3A_53 = arith.constant 0 : i32
    %dma_start3A_54 = arith.constant 0 : i32
    %dma_start3A_55 = tpu.memref_slice %arg5[%dma_start3A_44, %dma_start3A_53, %dma_start3A_54] : memref<4x2x128xi32, #tpu.memory_space<vmem>> -> memref<1x2x128xi32, #tpu.memory_space<vmem>>
    %dma_start3A_56 = tpu.memref_squeeze %dma_start3A_55 : memref<1x2x128xi32, #tpu.memory_space<vmem>> -> memref<2x128xi32, #tpu.memory_space<vmem>>
    %dma_start3A_57 = arith.constant 0 : i32
    %dma_start3A_58 = arith.constant 0 : i32
    %dma_start3A_59 = tpu.memref_slice %arg3[%add3A_43, %dma_start3A_57, %dma_start3A_58] : memref<2560x2x128xi32, #tpu.memory_space<hbm>> -> memref<1x2x128xi32, #tpu.memory_space<hbm>>
    %dma_start3A_60 = tpu.memref_squeeze %dma_start3A_59 : memref<1x2x128xi32, #tpu.memory_space<hbm>> -> memref<2x128xi32, #tpu.memory_space<hbm>>
    tpu.enqueue_dma source(%dma_start3A_60 : memref<2x128xi32, #tpu.memory_space<hbm>>) target(%dma_start3A_56 : memref<2x128xi32, #tpu.memory_space<vmem>>) target_semaphore(%arg12 : memref<!tpu.dma_semaphore, #tpu.memory_space<semaphore_mem>>)
    %add3A_61 = arith.constant 3 : i32
    %add3A_62 = arith.addi %add3A, %add3A_61 : i32
    %dma_start3A_63 = arith.constant 3 : i32
    %dma_start3A_64 = arith.constant 0 : i32
    %dma_start3A_65 = arith.constant 0 : i32
    %dma_start3A_66 = tpu.memref_slice %arg5[%dma_start3A_63, %dma_start3A_64, %dma_start3A_65] : memref<4x2x128xi32, #tpu.memory_space<vmem>> -> memref<1x2x128xi32, #tpu.memory_space<vmem>>
    %dma_start3A_67 = tpu.memref_squeeze %dma_start3A_66 : memref<1x2x128xi32, #tpu.memory_space<vmem>> -> memref<2x128xi32, #tpu.memory_space<vmem>>
    %dma_start3A_68 = arith.constant 0 : i32
    %dma_start3A_69 = arith.constant 0 : i32
    %dma_start3A_70 = tpu.memref_slice %arg3[%add3A_62, %dma_start3A_68, %dma_start3A_69] : memref<2560x2x128xi32, #tpu.memory_space<hbm>> -> memref<1x2x128xi32, #tpu.memory_space<hbm>>
    %dma_start3A_71 = tpu.memref_squeeze %dma_start3A_70 : memref<1x2x128xi32, #tpu.memory_space<hbm>> -> memref<2x128xi32, #tpu.memory_space<hbm>>
    %dma_start3A_72 = arith.constant 0 : i32
    %dma_start3A_73 = arith.constant 0 : i32
    %dma_start3A_74 = tpu.memref_slice %arg5[%dma_start3A_63, %dma_start3A_72, %dma_start3A_73] : memref<4x2x128xi32, #tpu.memory_space<vmem>> -> memref<1x2x128xi32, #tpu.memory_space<vmem>>
    %dma_start3A_75 = tpu.memref_squeeze %dma_start3A_74 : memref<1x2x128xi32, #tpu.memory_space<vmem>> -> memref<2x128xi32, #tpu.memory_space<vmem>>
    %dma_start3A_76 = arith.constant 0 : i32
    %dma_start3A_77 = arith.constant 0 : i32
    %dma_start3A_78 = tpu.memref_slice %arg3[%add3A_62, %dma_start3A_76, %dma_start3A_77] : memref<2560x2x128xi32, #tpu.memory_space<hbm>> -> memref<1x2x128xi32, #tpu.memory_space<hbm>>
    %dma_start3A_79 = tpu.memref_squeeze %dma_start3A_78 : memref<1x2x128xi32, #tpu.memory_space<hbm>> -> memref<2x128xi32, #tpu.memory_space<hbm>>
    tpu.enqueue_dma source(%dma_start3A_79 : memref<2x128xi32, #tpu.memory_space<hbm>>) target(%dma_start3A_75 : memref<2x128xi32, #tpu.memory_space<vmem>>) target_semaphore(%arg13 : memref<!tpu.dma_semaphore, #tpu.memory_space<semaphore_mem>>)
    %scan3A = arith.constant 0 : i32
    %scan3A_80 = arith.constant 128 : i32
    %scan3A_81 = arith.addi %scan3A, %scan3A_80 : i32
    %scan3A_82 = arith.constant 1 : i32
    scf.for %scan3A_305 = %scan3A to %scan3A_81 step %scan3A_82  : i32 {
      %broadcast_in_dim3A = arith.constant 0.000000e+00 : f32
      %broadcast_in_dim3A_306 = vector.broadcast %broadcast_in_dim3A : f32 to vector<16xf32>
      %swap3A = arith.index_cast %scan3A_305 : i32 to index
      %swap3A_307 = arith.constant 0 : index
      %swap3A_308 = tpu.vector_load %arg6[%swap3A, %swap3A_307] {strides = array<i32>} : memref<128x128xf32, #tpu.memory_space<vmem>>, vector<1x16xf32>,
      %swap3A_309 = vector.shape_cast %swap3A_308 : vector<1x16xf32> to vector<16xf32>
      %swap3A_310 = vector.shape_cast %broadcast_in_dim3A_306 : vector<16xf32> to vector<1x16xf32>
      tpu.vector_store %arg6[%swap3A, %swap3A_307], %swap3A_310 {strides = array<i32>} : memref<128x128xf32, #tpu.memory_space<vmem>>, vector<1x16xf32>,
      %broadcast_in_dim3A_311 = arith.constant 0.000000e+00 : f32
      %broadcast_in_dim3A_312 = vector.broadcast %broadcast_in_dim3A_311 : f32 to vector<16xf32>
      %swap3A_313 = arith.index_cast %scan3A_305 : i32 to index
      %swap3A_314 = arith.constant 16 : index
      %swap3A_315 = tpu.vector_load %arg6[%swap3A_313, %swap3A_314] {strides = array<i32>} : memref<128x128xf32, #tpu.memory_space<vmem>>, vector<1x16xf32>,
      %swap3A_316 = vector.shape_cast %swap3A_315 : vector<1x16xf32> to vector<16xf32>
      %swap3A_317 = vector.shape_cast %broadcast_in_dim3A_312 : vector<16xf32> to vector<1x16xf32>
      tpu.vector_store %arg6[%swap3A_313, %swap3A_314], %swap3A_317 {strides = array<i32>} : memref<128x128xf32, #tpu.memory_space<vmem>>, vector<1x16xf32>,
      %broadcast_in_dim3A_318 = arith.constant 0.000000e+00 : f32
      %broadcast_in_dim3A_319 = vector.broadcast %broadcast_in_dim3A_318 : f32 to vector<16xf32>
      %swap3A_320 = arith.index_cast %scan3A_305 : i32 to index
      %swap3A_321 = arith.constant 32 : index
      %swap3A_322 = tpu.vector_load %arg6[%swap3A_320, %swap3A_321] {strides = array<i32>} : memref<128x128xf32, #tpu.memory_space<vmem>>, vector<1x16xf32>,
      %swap3A_323 = vector.shape_cast %swap3A_322 : vector<1x16xf32> to vector<16xf32>
      %swap3A_324 = vector.shape_cast %broadcast_in_dim3A_319 : vector<16xf32> to vector<1x16xf32>
      tpu.vector_store %arg6[%swap3A_320, %swap3A_321], %swap3A_324 {strides = array<i32>} : memref<128x128xf32, #tpu.memory_space<vmem>>, vector<1x16xf32>,
      %broadcast_in_dim3A_325 = arith.constant 0.000000e+00 : f32
      %broadcast_in_dim3A_326 = vector.broadcast %broadcast_in_dim3A_325 : f32 to vector<16xf32>
      %swap3A_327 = arith.index_cast %scan3A_305 : i32 to index
      %swap3A_328 = arith.constant 48 : index
      %swap3A_329 = tpu.vector_load %arg6[%swap3A_327, %swap3A_328] {strides = array<i32>} : memref<128x128xf32, #tpu.memory_space<vmem>>, vector<1x16xf32>,
      %swap3A_330 = vector.shape_cast %swap3A_329 : vector<1x16xf32> to vector<16xf32>
      %swap3A_331 = vector.shape_cast %broadcast_in_dim3A_326 : vector<16xf32> to vector<1x16xf32>
      tpu.vector_store %arg6[%swap3A_327, %swap3A_328], %swap3A_331 {strides = array<i32>} : memref<128x128xf32, #tpu.memory_space<vmem>>, vector<1x16xf32>,
      %broadcast_in_dim3A_332 = arith.constant 0.000000e+00 : f32
      %broadcast_in_dim3A_333 = vector.broadcast %broadcast_in_dim3A_332 : f32 to vector<16xf32>
      %swap3A_334 = arith.index_cast %scan3A_305 : i32 to index
      %swap3A_335 = arith.constant 64 : index
      %swap3A_336 = tpu.vector_load %arg6[%swap3A_334, %swap3A_335] {strides = array<i32>} : memref<128x128xf32, #tpu.memory_space<vmem>>, vector<1x16xf32>,
      %swap3A_337 = vector.shape_cast %swap3A_336 : vector<1x16xf32> to vector<16xf32>
      %swap3A_338 = vector.shape_cast %broadcast_in_dim3A_333 : vector<16xf32> to vector<1x16xf32>
      tpu.vector_store %arg6[%swap3A_334, %swap3A_335], %swap3A_338 {strides = array<i32>} : memref<128x128xf32, #tpu.memory_space<vmem>>, vector<1x16xf32>,
      %broadcast_in_dim3A_339 = arith.constant 0.000000e+00 : f32
      %broadcast_in_dim3A_340 = vector.broadcast %broadcast_in_dim3A_339 : f32 to vector<16xf32>
      %swap3A_341 = arith.index_cast %scan3A_305 : i32 to index
      %swap3A_342 = arith.constant 80 : index
      %swap3A_343 = tpu.vector_load %arg6[%swap3A_341, %swap3A_342] {strides = array<i32>} : memref<128x128xf32, #tpu.memory_space<vmem>>, vector<1x16xf32>,
      %swap3A_344 = vector.shape_cast %swap3A_343 : vector<1x16xf32> to vector<16xf32>
      %swap3A_345 = vector.shape_cast %broadcast_in_dim3A_340 : vector<16xf32> to vector<1x16xf32>
      tpu.vector_store %arg6[%swap3A_341, %swap3A_342], %swap3A_345 {strides = array<i32>} : memref<128x128xf32, #tpu.memory_space<vmem>>, vector<1x16xf32>,
      %broadcast_in_dim3A_346 = arith.constant 0.000000e+00 : f32
      %broadcast_in_dim3A_347 = vector.broadcast %broadcast_in_dim3A_346 : f32 to vector<16xf32>
      %swap3A_348 = arith.index_cast %scan3A_305 : i32 to index
      %swap3A_349 = arith.constant 96 : index
      %swap3A_350 = tpu.vector_load %arg6[%swap3A_348, %swap3A_349] {strides = array<i32>} : memref<128x128xf32, #tpu.memory_space<vmem>>, vector<1x16xf32>,
      %swap3A_351 = vector.shape_cast %swap3A_350 : vector<1x16xf32> to vector<16xf32>
      %swap3A_352 = vector.shape_cast %broadcast_in_dim3A_347 : vector<16xf32> to vector<1x16xf32>
      tpu.vector_store %arg6[%swap3A_348, %swap3A_349], %swap3A_352 {strides = array<i32>} : memref<128x128xf32, #tpu.memory_space<vmem>>, vector<1x16xf32>,
      %broadcast_in_dim3A_353 = arith.constant 0.000000e+00 : f32
      %broadcast_in_dim3A_354 = vector.broadcast %broadcast_in_dim3A_353 : f32 to vector<16xf32>
      %swap3A_355 = arith.index_cast %scan3A_305 : i32 to index
      %swap3A_356 = arith.constant 112 : index
      %swap3A_357 = tpu.vector_load %arg6[%swap3A_355, %swap3A_356] {strides = array<i32>} : memref<128x128xf32, #tpu.memory_space<vmem>>, vector<1x16xf32>,
      %swap3A_358 = vector.shape_cast %swap3A_357 : vector<1x16xf32> to vector<16xf32>
      %swap3A_359 = vector.shape_cast %broadcast_in_dim3A_354 : vector<16xf32> to vector<1x16xf32>
      tpu.vector_store %arg6[%swap3A_355, %swap3A_356], %swap3A_359 {strides = array<i32>} : memref<128x128xf32, #tpu.memory_space<vmem>>, vector<1x16xf32>,
    }
    %scan3A_83 = arith.constant 128 : i32
    %mul3A_84 = arith.constant 640 : i32
    %mul3A_85 = arith.muli %arg1, %mul3A_84 : i32
    %add3A_86 = arith.constant 0 : i32
    %add3A_87 = arith.addi %mul3A_85, %add3A_86 : i32
    "tpu.region"() ({
      %run_scoped3A_305 = tpu.sem_alloc : memref<!tpu.dma_semaphore, #tpu.memory_space<semaphore_mem>>
      %dma_start3A_306 = arith.constant 0 : i32
      %dma_start3A_307 = tpu.memref_slice %arg14[%add3A_87, %dma_start3A_306] : memref<10240x128xf32, #tpu.memory_space<vmem_shared>> -> memref<128x128xf32, #tpu.memory_space<vmem_shared>>
      %dma_start3A_308 = arith.constant 0 : i32
      %dma_start3A_309 = tpu.memref_slice %arg14[%add3A_87, %dma_start3A_308] : memref<10240x128xf32, #tpu.memory_space<vmem_shared>> -> memref<128x128xf32, #tpu.memory_space<vmem_shared>>
      tpu.enqueue_dma source(%arg6 : memref<128x128xf32, #tpu.memory_space<vmem>>) target(%dma_start3A_309 : memref<128x128xf32, #tpu.memory_space<vmem_shared>>) target_semaphore(%run_scoped3A_305 : memref<!tpu.dma_semaphore, #tpu.memory_space<semaphore_mem>>)
      %dma_wait3A_310 = arith.constant 0 : i32
      %dma_wait3A_311 = tpu.memref_slice %arg14[%add3A_87, %dma_wait3A_310] : memref<10240x128xf32, #tpu.memory_space<vmem_shared>> -> memref<128x128xf32, #tpu.memory_space<vmem_shared>>
      %dma_wait3A_312 = arith.constant 0 : i32
      %dma_wait3A_313 = tpu.memref_slice %arg14[%add3A_87, %dma_wait3A_312] : memref<10240x128xf32, #tpu.memory_space<vmem_shared>> -> memref<128x128xf32, #tpu.memory_space<vmem_shared>>
      tpu.wait_dma2 semaphore(%run_scoped3A_305 : memref<!tpu.dma_semaphore, #tpu.memory_space<semaphore_mem>>) src(%arg6 : memref<128x128xf32, #tpu.memory_space<vmem>>) dst(%dma_wait3A_313 : memref<128x128xf32, #tpu.memory_space<vmem_shared>>)
      tpu.yield
    }) : () -> ()
    %mul3A_88 = arith.constant 640 : i32
    %mul3A_89 = arith.muli %arg1, %mul3A_88 : i32
    %add3A_90 = arith.constant 128 : i32
    %add3A_91 = arith.addi %mul3A_89, %add3A_90 : i32
    "tpu.region"() ({
      %run_scoped3A_305 = tpu.sem_alloc : memref<!tpu.dma_semaphore, #tpu.memory_space<semaphore_mem>>
      %dma_start3A_306 = arith.constant 0 : i32
      %dma_start3A_307 = tpu.memref_slice %arg14[%add3A_91, %dma_start3A_306] : memref<10240x128xf32, #tpu.memory_space<vmem_shared>> -> memref<128x128xf32, #tpu.memory_space<vmem_shared>>
      %dma_start3A_308 = arith.constant 0 : i32
      %dma_start3A_309 = tpu.memref_slice %arg14[%add3A_91, %dma_start3A_308] : memref<10240x128xf32, #tpu.memory_space<vmem_shared>> -> memref<128x128xf32, #tpu.memory_space<vmem_shared>>
      tpu.enqueue_dma source(%arg6 : memref<128x128xf32, #tpu.memory_space<vmem>>) target(%dma_start3A_309 : memref<128x128xf32, #tpu.memory_space<vmem_shared>>) target_semaphore(%run_scoped3A_305 : memref<!tpu.dma_semaphore, #tpu.memory_space<semaphore_mem>>)
      %dma_wait3A_310 = arith.constant 0 : i32
      %dma_wait3A_311 = tpu.memref_slice %arg14[%add3A_91, %dma_wait3A_310] : memref<10240x128xf32, #tpu.memory_space<vmem_shared>> -> memref<128x128xf32, #tpu.memory_space<vmem_shared>>
      %dma_wait3A_312 = arith.constant 0 : i32
      %dma_wait3A_313 = tpu.memref_slice %arg14[%add3A_91, %dma_wait3A_312] : memref<10240x128xf32, #tpu.memory_space<vmem_shared>> -> memref<128x128xf32, #tpu.memory_space<vmem_shared>>
      tpu.wait_dma2 semaphore(%run_scoped3A_305 : memref<!tpu.dma_semaphore, #tpu.memory_space<semaphore_mem>>) src(%arg6 : memref<128x128xf32, #tpu.memory_space<vmem>>) dst(%dma_wait3A_313 : memref<128x128xf32, #tpu.memory_space<vmem_shared>>)
      tpu.yield
    }) : () -> ()
    %mul3A_92 = arith.constant 640 : i32
    %mul3A_93 = arith.muli %arg1, %mul3A_92 : i32
    %add3A_94 = arith.constant 256 : i32
    %add3A_95 = arith.addi %mul3A_93, %add3A_94 : i32
    "tpu.region"() ({
      %run_scoped3A_305 = tpu.sem_alloc : memref<!tpu.dma_semaphore, #tpu.memory_space<semaphore_mem>>
      %dma_start3A_306 = arith.constant 0 : i32
      %dma_start3A_307 = tpu.memref_slice %arg14[%add3A_95, %dma_start3A_306] : memref<10240x128xf32, #tpu.memory_space<vmem_shared>> -> memref<128x128xf32, #tpu.memory_space<vmem_shared>>
      %dma_start3A_308 = arith.constant 0 : i32
      %dma_start3A_309 = tpu.memref_slice %arg14[%add3A_95, %dma_start3A_308] : memref<10240x128xf32, #tpu.memory_space<vmem_shared>> -> memref<128x128xf32, #tpu.memory_space<vmem_shared>>
      tpu.enqueue_dma source(%arg6 : memref<128x128xf32, #tpu.memory_space<vmem>>) target(%dma_start3A_309 : memref<128x128xf32, #tpu.memory_space<vmem_shared>>) target_semaphore(%run_scoped3A_305 : memref<!tpu.dma_semaphore, #tpu.memory_space<semaphore_mem>>)
      %dma_wait3A_310 = arith.constant 0 : i32
      %dma_wait3A_311 = tpu.memref_slice %arg14[%add3A_95, %dma_wait3A_310] : memref<10240x128xf32, #tpu.memory_space<vmem_shared>> -> memref<128x128xf32, #tpu.memory_space<vmem_shared>>
      %dma_wait3A_312 = arith.constant 0 : i32
      %dma_wait3A_313 = tpu.memref_slice %arg14[%add3A_95, %dma_wait3A_312] : memref<10240x128xf32, #tpu.memory_space<vmem_shared>> -> memref<128x128xf32, #tpu.memory_space<vmem_shared>>
      tpu.wait_dma2 semaphore(%run_scoped3A_305 : memref<!tpu.dma_semaphore, #tpu.memory_space<semaphore_mem>>) src(%arg6 : memref<128x128xf32, #tpu.memory_space<vmem>>) dst(%dma_wait3A_313 : memref<128x128xf32, #tpu.memory_space<vmem_shared>>)
      tpu.yield
    }) : () -> ()
    %mul3A_96 = arith.constant 640 : i32
    %mul3A_97 = arith.muli %arg1, %mul3A_96 : i32
    %add3A_98 = arith.constant 384 : i32
    %add3A_99 = arith.addi %mul3A_97, %add3A_98 : i32
    "tpu.region"() ({
      %run_scoped3A_305 = tpu.sem_alloc : memref<!tpu.dma_semaphore, #tpu.memory_space<semaphore_mem>>
      %dma_start3A_306 = arith.constant 0 : i32
      %dma_start3A_307 = tpu.memref_slice %arg14[%add3A_99, %dma_start3A_306] : memref<10240x128xf32, #tpu.memory_space<vmem_shared>> -> memref<128x128xf32, #tpu.memory_space<vmem_shared>>
      %dma_start3A_308 = arith.constant 0 : i32
      %dma_start3A_309 = tpu.memref_slice %arg14[%add3A_99, %dma_start3A_308] : memref<10240x128xf32, #tpu.memory_space<vmem_shared>> -> memref<128x128xf32, #tpu.memory_space<vmem_shared>>
      tpu.enqueue_dma source(%arg6 : memref<128x128xf32, #tpu.memory_space<vmem>>) target(%dma_start3A_309 : memref<128x128xf32, #tpu.memory_space<vmem_shared>>) target_semaphore(%run_scoped3A_305 : memref<!tpu.dma_semaphore, #tpu.memory_space<semaphore_mem>>)
      %dma_wait3A_310 = arith.constant 0 : i32
      %dma_wait3A_311 = tpu.memref_slice %arg14[%add3A_99, %dma_wait3A_310] : memref<10240x128xf32, #tpu.memory_space<vmem_shared>> -> memref<128x128xf32, #tpu.memory_space<vmem_shared>>
      %dma_wait3A_312 = arith.constant 0 : i32
      %dma_wait3A_313 = tpu.memref_slice %arg14[%add3A_99, %dma_wait3A_312] : memref<10240x128xf32, #tpu.memory_space<vmem_shared>> -> memref<128x128xf32, #tpu.memory_space<vmem_shared>>
      tpu.wait_dma2 semaphore(%run_scoped3A_305 : memref<!tpu.dma_semaphore, #tpu.memory_space<semaphore_mem>>) src(%arg6 : memref<128x128xf32, #tpu.memory_space<vmem>>) dst(%dma_wait3A_313 : memref<128x128xf32, #tpu.memory_space<vmem_shared>>)
      tpu.yield
    }) : () -> ()
    %mul3A_100 = arith.constant 640 : i32
    %mul3A_101 = arith.muli %arg1, %mul3A_100 : i32
    %add3A_102 = arith.constant 512 : i32
    %add3A_103 = arith.addi %mul3A_101, %add3A_102 : i32
    "tpu.region"() ({
      %run_scoped3A_305 = tpu.sem_alloc : memref<!tpu.dma_semaphore, #tpu.memory_space<semaphore_mem>>
      %dma_start3A_306 = arith.constant 0 : i32
      %dma_start3A_307 = tpu.memref_slice %arg14[%add3A_103, %dma_start3A_306] : memref<10240x128xf32, #tpu.memory_space<vmem_shared>> -> memref<128x128xf32, #tpu.memory_space<vmem_shared>>
      %dma_start3A_308 = arith.constant 0 : i32
      %dma_start3A_309 = tpu.memref_slice %arg14[%add3A_103, %dma_start3A_308] : memref<10240x128xf32, #tpu.memory_space<vmem_shared>> -> memref<128x128xf32, #tpu.memory_space<vmem_shared>>
      tpu.enqueue_dma source(%arg6 : memref<128x128xf32, #tpu.memory_space<vmem>>) target(%dma_start3A_309 : memref<128x128xf32, #tpu.memory_space<vmem_shared>>) target_semaphore(%run_scoped3A_305 : memref<!tpu.dma_semaphore, #tpu.memory_space<semaphore_mem>>)
      %dma_wait3A_310 = arith.constant 0 : i32
      %dma_wait3A_311 = tpu.memref_slice %arg14[%add3A_103, %dma_wait3A_310] : memref<10240x128xf32, #tpu.memory_space<vmem_shared>> -> memref<128x128xf32, #tpu.memory_space<vmem_shared>>
      %dma_wait3A_312 = arith.constant 0 : i32
      %dma_wait3A_313 = tpu.memref_slice %arg14[%add3A_103, %dma_wait3A_312] : memref<10240x128xf32, #tpu.memory_space<vmem_shared>> -> memref<128x128xf32, #tpu.memory_space<vmem_shared>>
      tpu.wait_dma2 semaphore(%run_scoped3A_305 : memref<!tpu.dma_semaphore, #tpu.memory_space<semaphore_mem>>) src(%arg6 : memref<128x128xf32, #tpu.memory_space<vmem>>) dst(%dma_wait3A_313 : memref<128x128xf32, #tpu.memory_space<vmem_shared>>)
      tpu.yield
    }) : () -> ()
    %barrier3A = arith.constant 0 : index
    tpu.barrier barrier_id(%barrier3A)
    %add3A_104 = arith.constant 0 : i32
    %add3A_105 = arith.addi %add3A, %add3A_104 : i32
    %dma_wait3A = arith.constant 0 : i32
    %dma_wait3A_106 = arith.constant 0 : i32
    %dma_wait3A_107 = arith.constant 0 : i32
    %dma_wait3A_108 = tpu.memref_slice %arg5[%dma_wait3A, %dma_wait3A_106, %dma_wait3A_107] : memref<4x2x128xi32, #tpu.memory_space<vmem>> -> memref<1x2x128xi32, #tpu.memory_space<vmem>>
    %dma_wait3A_109 = tpu.memref_squeeze %dma_wait3A_108 : memref<1x2x128xi32, #tpu.memory_space<vmem>> -> memref<2x128xi32, #tpu.memory_space<vmem>>
    %dma_wait3A_110 = arith.constant 0 : i32
    %dma_wait3A_111 = arith.constant 0 : i32
    %dma_wait3A_112 = tpu.memref_slice %arg3[%add3A_105, %dma_wait3A_110, %dma_wait3A_111] : memref<2560x2x128xi32, #tpu.memory_space<hbm>> -> memref<1x2x128xi32, #tpu.memory_space<hbm>>
    %dma_wait3A_113 = tpu.memref_squeeze %dma_wait3A_112 : memref<1x2x128xi32, #tpu.memory_space<hbm>> -> memref<2x128xi32, #tpu.memory_space<hbm>>
    %dma_wait3A_114 = arith.constant 0 : i32
    %dma_wait3A_115 = arith.constant 0 : i32
    %dma_wait3A_116 = tpu.memref_slice %arg5[%dma_wait3A, %dma_wait3A_114, %dma_wait3A_115] : memref<4x2x128xi32, #tpu.memory_space<vmem>> -> memref<1x2x128xi32, #tpu.memory_space<vmem>>
    %dma_wait3A_117 = tpu.memref_squeeze %dma_wait3A_116 : memref<1x2x128xi32, #tpu.memory_space<vmem>> -> memref<2x128xi32, #tpu.memory_space<vmem>>
    %dma_wait3A_118 = arith.constant 0 : i32
    %dma_wait3A_119 = arith.constant 0 : i32
    %dma_wait3A_120 = tpu.memref_slice %arg3[%add3A_105, %dma_wait3A_118, %dma_wait3A_119] : memref<2560x2x128xi32, #tpu.memory_space<hbm>> -> memref<1x2x128xi32, #tpu.memory_space<hbm>>
    %dma_wait3A_121 = tpu.memref_squeeze %dma_wait3A_120 : memref<1x2x128xi32, #tpu.memory_space<hbm>> -> memref<2x128xi32, #tpu.memory_space<hbm>>
    tpu.wait_dma2 semaphore(%arg10 : memref<!tpu.dma_semaphore, #tpu.memory_space<semaphore_mem>>) src(%dma_wait3A_121 : memref<2x128xi32, #tpu.memory_space<hbm>>) dst(%dma_wait3A_117 : memref<2x128xi32, #tpu.memory_space<vmem>>)
    %dma_start3A_122 = arith.constant 0 : i32
    %dma_start3A_123 = arith.constant 0 : i32
    %dma_start3A_124 = arith.constant 0 : i32
    %dma_start3A_125 = tpu.memref_slice %arg5[%dma_start3A_122, %dma_start3A_123, %dma_start3A_124] : memref<4x2x128xi32, #tpu.memory_space<vmem>> -> memref<1x1x128xi32, #tpu.memory_space<vmem>>
    %dma_start3A_126 = tpu.memref_squeeze %dma_start3A_125 : memref<1x1x128xi32, #tpu.memory_space<vmem>> -> memref<128xi32, #tpu.memory_space<vmem>>
    %dma_start3A_127 = arith.constant 0 : i32
    %dma_start3A_128 = arith.constant 0 : i32
    %dma_start3A_129 = tpu.memref_slice %arg2[%dma_start3A_127, %dma_start3A_128] : memref<10240x128xf32, #tpu.memory_space<hbm>> -> memref<10240x128xf32, #tpu.memory_space<hbm>>
    tpu.enqueue_indirect_dma source(%dma_start3A_129 : memref<10240x128xf32, #tpu.memory_space<hbm>>) target(%arg6 : memref<128x128xf32, #tpu.memory_space<vmem>>) offsets(%dma_start3A_126 : memref<128xi32, #tpu.memory_space<vmem>>) semaphore(%arg8 : memref<!tpu.dma_semaphore, #tpu.memory_space<semaphore_mem>>)
    %add3A_130 = arith.constant 1 : i32
    %add3A_131 = arith.addi %add3A, %add3A_130 : i32
    %dma_wait3A_132 = arith.constant 1 : i32
    %dma_wait3A_133 = arith.constant 0 : i32
    %dma_wait3A_134 = arith.constant 0 : i32
    %dma_wait3A_135 = tpu.memref_slice %arg5[%dma_wait3A_132, %dma_wait3A_133, %dma_wait3A_134] : memref<4x2x128xi32, #tpu.memory_space<vmem>> -> memref<1x2x128xi32, #tpu.memory_space<vmem>>
    %dma_wait3A_136 = tpu.memref_squeeze %dma_wait3A_135 : memref<1x2x128xi32, #tpu.memory_space<vmem>> -> memref<2x128xi32, #tpu.memory_space<vmem>>
    %dma_wait3A_137 = arith.constant 0 : i32
    %dma_wait3A_138 = arith.constant 0 : i32
    %dma_wait3A_139 = tpu.memref_slice %arg3[%add3A_131, %dma_wait3A_137, %dma_wait3A_138] : memref<2560x2x128xi32, #tpu.memory_space<hbm>> -> memref<1x2x128xi32, #tpu.memory_space<hbm>>
    %dma_wait3A_140 = tpu.memref_squeeze %dma_wait3A_139 : memref<1x2x128xi32, #tpu.memory_space<hbm>> -> memref<2x128xi32, #tpu.memory_space<hbm>>
    %dma_wait3A_141 = arith.constant 0 : i32
    %dma_wait3A_142 = arith.constant 0 : i32
    %dma_wait3A_143 = tpu.memref_slice %arg5[%dma_wait3A_132, %dma_wait3A_141, %dma_wait3A_142] : memref<4x2x128xi32, #tpu.memory_space<vmem>> -> memref<1x2x128xi32, #tpu.memory_space<vmem>>
    %dma_wait3A_144 = tpu.memref_squeeze %dma_wait3A_143 : memref<1x2x128xi32, #tpu.memory_space<vmem>> -> memref<2x128xi32, #tpu.memory_space<vmem>>
    %dma_wait3A_145 = arith.constant 0 : i32
    %dma_wait3A_146 = arith.constant 0 : i32
    %dma_wait3A_147 = tpu.memref_slice %arg3[%add3A_131, %dma_wait3A_145, %dma_wait3A_146] : memref<2560x2x128xi32, #tpu.memory_space<hbm>> -> memref<1x2x128xi32, #tpu.memory_space<hbm>>
    %dma_wait3A_148 = tpu.memref_squeeze %dma_wait3A_147 : memref<1x2x128xi32, #tpu.memory_space<hbm>> -> memref<2x128xi32, #tpu.memory_space<hbm>>
    tpu.wait_dma2 semaphore(%arg11 : memref<!tpu.dma_semaphore, #tpu.memory_space<semaphore_mem>>) src(%dma_wait3A_148 : memref<2x128xi32, #tpu.memory_space<hbm>>) dst(%dma_wait3A_144 : memref<2x128xi32, #tpu.memory_space<vmem>>)
    %dma_start3A_149 = arith.constant 1 : i32
    %dma_start3A_150 = arith.constant 0 : i32
    %dma_start3A_151 = arith.constant 0 : i32
    %dma_start3A_152 = tpu.memref_slice %arg5[%dma_start3A_149, %dma_start3A_150, %dma_start3A_151] : memref<4x2x128xi32, #tpu.memory_space<vmem>> -> memref<1x1x128xi32, #tpu.memory_space<vmem>>
    %dma_start3A_153 = tpu.memref_squeeze %dma_start3A_152 : memref<1x1x128xi32, #tpu.memory_space<vmem>> -> memref<128xi32, #tpu.memory_space<vmem>>
    %dma_start3A_154 = arith.constant 0 : i32
    %dma_start3A_155 = arith.constant 0 : i32
    %dma_start3A_156 = tpu.memref_slice %arg2[%dma_start3A_154, %dma_start3A_155] : memref<10240x128xf32, #tpu.memory_space<hbm>> -> memref<10240x128xf32, #tpu.memory_space<hbm>>
    tpu.enqueue_indirect_dma source(%dma_start3A_156 : memref<10240x128xf32, #tpu.memory_space<hbm>>) target(%arg7 : memref<128x128xf32, #tpu.memory_space<vmem>>) offsets(%dma_start3A_153 : memref<128xi32, #tpu.memory_space<vmem>>) semaphore(%arg9 : memref<!tpu.dma_semaphore, #tpu.memory_space<semaphore_mem>>)
    %sub3A = arith.constant 4 : i32
    %sub3A_157 = arith.subi %select_n3A, %sub3A : i32
    %jit3A_158 = arith.constant 4 : i32
    %div3A = arith.divsi %sub3A_157, %jit3A_158 : i32
    %sign3A = arith.constant 0 : i32
    %sign3A_159 = arith.cmpi sgt, %sub3A_157, %sign3A : i32
    %sign3A_160 = arith.extui %sign3A_159 : i1 to i32
    %sign3A_161 = arith.constant 0 : i32
    %sign3A_162 = arith.cmpi slt, %sub3A_157, %sign3A_161 : i32
    %sign3A_163 = arith.extui %sign3A_162 : i1 to i32
    %sign3A_164 = arith.subi %sign3A_160, %sign3A_163 : i32
    %sign3A_165 = arith.constant 0 : i32
    %sign3A_166 = arith.cmpi sgt, %jit3A_158, %sign3A_165 : i32
    %sign3A_167 = arith.extui %sign3A_166 : i1 to i32
    %sign3A_168 = arith.constant 0 : i32
    %sign3A_169 = arith.cmpi slt, %jit3A_158, %sign3A_168 : i32
    %sign3A_170 = arith.extui %sign3A_169 : i1 to i32
    %sign3A_171 = arith.subi %sign3A_167, %sign3A_170 : i32
    %ne3A = arith.cmpi ne, %sign3A_164, %sign3A_171 : i32
    %rem3A = arith.remsi %sub3A_157, %jit3A_158 : i32
    %ne3A_172 = arith.constant 0 : i32
    %ne3A_173 = arith.cmpi ne, %rem3A, %ne3A_172 : i32
    %and3A = arith.andi %ne3A, %ne3A_173 : i1
    %sub3A_174 = arith.constant 1 : i32
    %sub3A_175 = arith.subi %div3A, %sub3A_174 : i32
    %select_n3A_176 = arith.select %and3A, %sub3A_175, %div3A : i32
    %while3A = arith.constant 0 : i32
    %while3A_177 = arith.subi %select_n3A_176, %while3A : i32
    %while3A_178 = arith.addi %while3A, %while3A_177 : i32
    %while3A_179 = arith.constant 1 : i32
    %while3A_180 = arith.divsi %while3A_177, %while3A_179 : i32
    %while3A_181 = arith.muli %while3A_180, %while3A_179 : i32
    %while3A_182 = arith.addi %while3A, %while3A_181 : i32
    %while3A_183 = arith.constant 1 : i32
    scf.for %while3A_305 = %while3A to %while3A_182 step %while3A_183  : i32 {
      %mul3A_306 = arith.constant 4 : i32
      %mul3A_307 = arith.muli %while3A_305, %mul3A_306 : i32
      %add3A_308 = arith.constant 0 : i32
      %add3A_309 = arith.addi %mul3A_307, %add3A_308 : i32
      %dma_wait3A_310 = arith.constant 0 : i32
      %dma_wait3A_311 = arith.constant 0 : i32
      %dma_wait3A_312 = arith.constant 0 : i32
      %dma_wait3A_313 = tpu.memref_slice %arg5[%dma_wait3A_310, %dma_wait3A_311, %dma_wait3A_312] : memref<4x2x128xi32, #tpu.memory_space<vmem>> -> memref<1x1x128xi32, #tpu.memory_space<vmem>>
      %dma_wait3A_314 = tpu.memref_squeeze %dma_wait3A_313 : memref<1x1x128xi32, #tpu.memory_space<vmem>> -> memref<128xi32, #tpu.memory_space<vmem>>
      %dma_wait3A_315 = arith.constant 0 : i32
      %dma_wait3A_316 = arith.constant 0 : i32
      %dma_wait3A_317 = tpu.memref_slice %arg2[%dma_wait3A_315, %dma_wait3A_316] : memref<10240x128xf32, #tpu.memory_space<hbm>> -> memref<10240x128xf32, #tpu.memory_space<hbm>>
      tpu.wait_indirect_dma semaphore(%arg8 : memref<!tpu.dma_semaphore, #tpu.memory_space<semaphore_mem>>) src(%dma_wait3A_317 : memref<10240x128xf32, #tpu.memory_space<hbm>>) dst(%arg6 : memref<128x128xf32, #tpu.memory_space<vmem>>)
      %run_scoped3A_318 = arith.constant 0 : i32
      %run_scoped3A_319 = arith.constant 1 : i32
      "tpu.region"() ({
        %run_scoped3A_562 = tpu.sem_alloc : memref<!tpu.dma_semaphore, #tpu.memory_space<semaphore_mem>>
        %dma_start3A_563 = arith.constant 0 : i32
        %dma_start3A_564 = tpu.memref_slice %arg5[%run_scoped3A_318, %run_scoped3A_319, %dma_start3A_563] : memref<4x2x128xi32, #tpu.memory_space<vmem>> -> memref<1x1x128xi32, #tpu.memory_space<vmem>>
        %dma_start3A_565 = tpu.memref_squeeze %dma_start3A_564 : memref<1x1x128xi32, #tpu.memory_space<vmem>> -> memref<128xi32, #tpu.memory_space<vmem>>
        %dma_start3A_566 = arith.constant 0 : i32
        %dma_start3A_567 = arith.constant 0 : i32
        %dma_start3A_568 = tpu.memref_slice %arg14[%dma_start3A_566, %dma_start3A_567] : memref<10240x128xf32, #tpu.memory_space<vmem_shared>> -> memref<10240x128xf32, #tpu.memory_space<vmem_shared>>
        tpu.enqueue_indirect_dma source(%arg6 : memref<128x128xf32, #tpu.memory_space<vmem>>) target(%dma_start3A_568 : memref<10240x128xf32, #tpu.memory_space<vmem_shared>>) offsets(%dma_start3A_565 : memref<128xi32, #tpu.memory_space<vmem>>) semaphore(%run_scoped3A_562 : memref<!tpu.dma_semaphore, #tpu.memory_space<semaphore_mem>>) {add = true}
        %dma_wait3A_569 = arith.constant 0 : i32
        %dma_wait3A_570 = tpu.memref_slice %arg5[%run_scoped3A_318, %run_scoped3A_319, %dma_wait3A_569] : memref<4x2x128xi32, #tpu.memory_space<vmem>> -> memref<1x1x128xi32, #tpu.memory_space<vmem>>
        %dma_wait3A_571 = tpu.memref_squeeze %dma_wait3A_570 : memref<1x1x128xi32, #tpu.memory_space<vmem>> -> memref<128xi32, #tpu.memory_space<vmem>>
        %dma_wait3A_572 = arith.constant 0 : i32
        %dma_wait3A_573 = arith.constant 0 : i32
        %dma_wait3A_574 = tpu.memref_slice %arg14[%dma_wait3A_572, %dma_wait3A_573] : memref<10240x128xf32, #tpu.memory_space<vmem_shared>> -> memref<10240x128xf32, #tpu.memory_space<vmem_shared>>
        tpu.wait_indirect_dma semaphore(%run_scoped3A_562 : memref<!tpu.dma_semaphore, #tpu.memory_space<semaphore_mem>>) src(%arg6 : memref<128x128xf32, #tpu.memory_space<vmem>>) dst(%dma_wait3A_574 : memref<10240x128xf32, #tpu.memory_space<vmem_shared>>)
        tpu.yield
      }) : () -> ()
      %add3A_320 = arith.constant 4 : i32
      %add3A_321 = arith.addi %add3A_309, %add3A_320 : i32
      %add3A_322 = arith.addi %add3A, %add3A_321 : i32
      %dma_start3A_323 = arith.constant 0 : i32
      %dma_start3A_324 = arith.constant 0 : i32
      %dma_start3A_325 = arith.constant 0 : i32
      %dma_start3A_326 = tpu.memref_slice %arg5[%dma_start3A_323, %dma_start3A_324, %dma_start3A_325] : memref<4x2x128xi32, #tpu.memory_space<vmem>> -> memref<1x2x128xi32, #tpu.memory_space<vmem>>
      %dma_start3A_327 = tpu.memref_squeeze %dma_start3A_326 : memref<1x2x128xi32, #tpu.memory_space<vmem>> -> memref<2x128xi32, #tpu.memory_space<vmem>>
      %dma_start3A_328 = arith.constant 0 : i32
      %dma_start3A_329 = arith.constant 0 : i32
      %dma_start3A_330 = tpu.memref_slice %arg3[%add3A_322, %dma_start3A_328, %dma_start3A_329] : memref<2560x2x128xi32, #tpu.memory_space<hbm>> -> memref<1x2x128xi32, #tpu.memory_space<hbm>>
      %dma_start3A_331 = tpu.memref_squeeze %dma_start3A_330 : memref<1x2x128xi32, #tpu.memory_space<hbm>> -> memref<2x128xi32, #tpu.memory_space<hbm>>
      %dma_start3A_332 = arith.constant 0 : i32
      %dma_start3A_333 = arith.constant 0 : i32
      %dma_start3A_334 = tpu.memref_slice %arg5[%dma_start3A_323, %dma_start3A_332, %dma_start3A_333] : memref<4x2x128xi32, #tpu.memory_space<vmem>> -> memref<1x2x128xi32, #tpu.memory_space<vmem>>
      %dma_start3A_335 = tpu.memref_squeeze %dma_start3A_334 : memref<1x2x128xi32, #tpu.memory_space<vmem>> -> memref<2x128xi32, #tpu.memory_space<vmem>>
      %dma_start3A_336 = arith.constant 0 : i32
      %dma_start3A_337 = arith.constant 0 : i32
      %dma_start3A_338 = tpu.memref_slice %arg3[%add3A_322, %dma_start3A_336, %dma_start3A_337] : memref<2560x2x128xi32, #tpu.memory_space<hbm>> -> memref<1x2x128xi32, #tpu.memory_space<hbm>>
      %dma_start3A_339 = tpu.memref_squeeze %dma_start3A_338 : memref<1x2x128xi32, #tpu.memory_space<hbm>> -> memref<2x128xi32, #tpu.memory_space<hbm>>
      tpu.enqueue_dma source(%dma_start3A_339 : memref<2x128xi32, #tpu.memory_space<hbm>>) target(%dma_start3A_335 : memref<2x128xi32, #tpu.memory_space<vmem>>) target_semaphore(%arg10 : memref<!tpu.dma_semaphore, #tpu.memory_space<semaphore_mem>>)
      %add3A_340 = arith.constant 2 : i32
      %add3A_341 = arith.addi %add3A_309, %add3A_340 : i32
      %add3A_342 = arith.addi %add3A, %add3A_341 : i32
      %dma_wait3A_343 = arith.constant 2 : i32
      %dma_wait3A_344 = arith.constant 0 : i32
      %dma_wait3A_345 = arith.constant 0 : i32
      %dma_wait3A_346 = tpu.memref_slice %arg5[%dma_wait3A_343, %dma_wait3A_344, %dma_wait3A_345] : memref<4x2x128xi32, #tpu.memory_space<vmem>> -> memref<1x2x128xi32, #tpu.memory_space<vmem>>
      %dma_wait3A_347 = tpu.memref_squeeze %dma_wait3A_346 : memref<1x2x128xi32, #tpu.memory_space<vmem>> -> memref<2x128xi32, #tpu.memory_space<vmem>>
      %dma_wait3A_348 = arith.constant 0 : i32
      %dma_wait3A_349 = arith.constant 0 : i32
      %dma_wait3A_350 = tpu.memref_slice %arg3[%add3A_342, %dma_wait3A_348, %dma_wait3A_349] : memref<2560x2x128xi32, #tpu.memory_space<hbm>> -> memref<1x2x128xi32, #tpu.memory_space<hbm>>
      %dma_wait3A_351 = tpu.memref_squeeze %dma_wait3A_350 : memref<1x2x128xi32, #tpu.memory_space<hbm>> -> memref<2x128xi32, #tpu.memory_space<hbm>>
      %dma_wait3A_352 = arith.constant 0 : i32
      %dma_wait3A_353 = arith.constant 0 : i32
      %dma_wait3A_354 = tpu.memref_slice %arg5[%dma_wait3A_343, %dma_wait3A_352, %dma_wait3A_353] : memref<4x2x128xi32, #tpu.memory_space<vmem>> -> memref<1x2x128xi32, #tpu.memory_space<vmem>>
      %dma_wait3A_355 = tpu.memref_squeeze %dma_wait3A_354 : memref<1x2x128xi32, #tpu.memory_space<vmem>> -> memref<2x128xi32, #tpu.memory_space<vmem>>
      %dma_wait3A_356 = arith.constant 0 : i32
      %dma_wait3A_357 = arith.constant 0 : i32
      %dma_wait3A_358 = tpu.memref_slice %arg3[%add3A_342, %dma_wait3A_356, %dma_wait3A_357] : memref<2560x2x128xi32, #tpu.memory_space<hbm>> -> memref<1x2x128xi32, #tpu.memory_space<hbm>>
      %dma_wait3A_359 = tpu.memref_squeeze %dma_wait3A_358 : memref<1x2x128xi32, #tpu.memory_space<hbm>> -> memref<2x128xi32, #tpu.memory_space<hbm>>
      tpu.wait_dma2 semaphore(%arg12 : memref<!tpu.dma_semaphore, #tpu.memory_space<semaphore_mem>>) src(%dma_wait3A_359 : memref<2x128xi32, #tpu.memory_space<hbm>>) dst(%dma_wait3A_355 : memref<2x128xi32, #tpu.memory_space<vmem>>)
      %add3A_360 = arith.constant 2 : i32
      %add3A_361 = arith.addi %add3A_309, %add3A_360 : i32
      %dma_start3A_362 = arith.constant 2 : i32
      %dma_start3A_363 = arith.constant 0 : i32
      %dma_start3A_364 = arith.constant 0 : i32
      %dma_start3A_365 = tpu.memref_slice %arg5[%dma_start3A_362, %dma_start3A_363, %dma_start3A_364] : memref<4x2x128xi32, #tpu.memory_space<vmem>> -> memref<1x1x128xi32, #tpu.memory_space<vmem>>
      %dma_start3A_366 = tpu.memref_squeeze %dma_start3A_365 : memref<1x1x128xi32, #tpu.memory_space<vmem>> -> memref<128xi32, #tpu.memory_space<vmem>>
      %dma_start3A_367 = arith.constant 0 : i32
      %dma_start3A_368 = arith.constant 0 : i32
      %dma_start3A_369 = tpu.memref_slice %arg2[%dma_start3A_367, %dma_start3A_368] : memref<10240x128xf32, #tpu.memory_space<hbm>> -> memref<10240x128xf32, #tpu.memory_space<hbm>>
      tpu.enqueue_indirect_dma source(%dma_start3A_369 : memref<10240x128xf32, #tpu.memory_space<hbm>>) target(%arg6 : memref<128x128xf32, #tpu.memory_space<vmem>>) offsets(%dma_start3A_366 : memref<128xi32, #tpu.memory_space<vmem>>) semaphore(%arg8 : memref<!tpu.dma_semaphore, #tpu.memory_space<semaphore_mem>>)
      %mul3A_370 = arith.constant 4 : i32
      %mul3A_371 = arith.muli %while3A_305, %mul3A_370 : i32
      %add3A_372 = arith.constant 1 : i32
      %add3A_373 = arith.addi %mul3A_371, %add3A_372 : i32
      %dma_wait3A_374 = arith.constant 1 : i32
      %dma_wait3A_375 = arith.constant 0 : i32
      %dma_wait3A_376 = arith.constant 0 : i32
      %dma_wait3A_377 = tpu.memref_slice %arg5[%dma_wait3A_374, %dma_wait3A_375, %dma_wait3A_376] : memref<4x2x128xi32, #tpu.memory_space<vmem>> -> memref<1x1x128xi32, #tpu.memory_space<vmem>>
      %dma_wait3A_378 = tpu.memref_squeeze %dma_wait3A_377 : memref<1x1x128xi32, #tpu.memory_space<vmem>> -> memref<128xi32, #tpu.memory_space<vmem>>
      %dma_wait3A_379 = arith.constant 0 : i32
      %dma_wait3A_380 = arith.constant 0 : i32
      %dma_wait3A_381 = tpu.memref_slice %arg2[%dma_wait3A_379, %dma_wait3A_380] : memref<10240x128xf32, #tpu.memory_space<hbm>> -> memref<10240x128xf32, #tpu.memory_space<hbm>>
      tpu.wait_indirect_dma semaphore(%arg9 : memref<!tpu.dma_semaphore, #tpu.memory_space<semaphore_mem>>) src(%dma_wait3A_381 : memref<10240x128xf32, #tpu.memory_space<hbm>>) dst(%arg7 : memref<128x128xf32, #tpu.memory_space<vmem>>)
      %run_scoped3A_382 = arith.constant 1 : i32
      %run_scoped3A_383 = arith.constant 1 : i32
      "tpu.region"() ({
        %run_scoped3A_562 = tpu.sem_alloc : memref<!tpu.dma_semaphore, #tpu.memory_space<semaphore_mem>>
        %dma_start3A_563 = arith.constant 0 : i32
        %dma_start3A_564 = tpu.memref_slice %arg5[%run_scoped3A_382, %run_scoped3A_383, %dma_start3A_563] : memref<4x2x128xi32, #tpu.memory_space<vmem>> -> memref<1x1x128xi32, #tpu.memory_space<vmem>>
        %dma_start3A_565 = tpu.memref_squeeze %dma_start3A_564 : memref<1x1x128xi32, #tpu.memory_space<vmem>> -> memref<128xi32, #tpu.memory_space<vmem>>
        %dma_start3A_566 = arith.constant 0 : i32
        %dma_start3A_567 = arith.constant 0 : i32
        %dma_start3A_568 = tpu.memref_slice %arg14[%dma_start3A_566, %dma_start3A_567] : memref<10240x128xf32, #tpu.memory_space<vmem_shared>> -> memref<10240x128xf32, #tpu.memory_space<vmem_shared>>
        tpu.enqueue_indirect_dma source(%arg7 : memref<128x128xf32, #tpu.memory_space<vmem>>) target(%dma_start3A_568 : memref<10240x128xf32, #tpu.memory_space<vmem_shared>>) offsets(%dma_start3A_565 : memref<128xi32, #tpu.memory_space<vmem>>) semaphore(%run_scoped3A_562 : memref<!tpu.dma_semaphore, #tpu.memory_space<semaphore_mem>>) {add = true}
        %dma_wait3A_569 = arith.constant 0 : i32
        %dma_wait3A_570 = tpu.memref_slice %arg5[%run_scoped3A_382, %run_scoped3A_383, %dma_wait3A_569] : memref<4x2x128xi32, #tpu.memory_space<vmem>> -> memref<1x1x128xi32, #tpu.memory_space<vmem>>
        %dma_wait3A_571 = tpu.memref_squeeze %dma_wait3A_570 : memref<1x1x128xi32, #tpu.memory_space<vmem>> -> memref<128xi32, #tpu.memory_space<vmem>>
        %dma_wait3A_572 = arith.constant 0 : i32
        %dma_wait3A_573 = arith.constant 0 : i32
        %dma_wait3A_574 = tpu.memref_slice %arg14[%dma_wait3A_572, %dma_wait3A_573] : memref<10240x128xf32, #tpu.memory_space<vmem_shared>> -> memref<10240x128xf32, #tpu.memory_space<vmem_shared>>
        tpu.wait_indirect_dma semaphore(%run_scoped3A_562 : memref<!tpu.dma_semaphore, #tpu.memory_space<semaphore_mem>>) src(%arg7 : memref<128x128xf32, #tpu.memory_space<vmem>>) dst(%dma_wait3A_574 : memref<10240x128xf32, #tpu.memory_space<vmem_shared>>)
        tpu.yield
      }) : () -> ()
      %add3A_384 = arith.constant 4 : i32
      %add3A_385 = arith.addi %add3A_373, %add3A_384 : i32
      %add3A_386 = arith.addi %add3A, %add3A_385 : i32
      %dma_start3A_387 = arith.constant 1 : i32
      %dma_start3A_388 = arith.constant 0 : i32
      %dma_start3A_389 = arith.constant 0 : i32
      %dma_start3A_390 = tpu.memref_slice %arg5[%dma_start3A_387, %dma_start3A_388, %dma_start3A_389] : memref<4x2x128xi32, #tpu.memory_space<vmem>> -> memref<1x2x128xi32, #tpu.memory_space<vmem>>
      %dma_start3A_391 = tpu.memref_squeeze %dma_start3A_390 : memref<1x2x128xi32, #tpu.memory_space<vmem>> -> memref<2x128xi32, #tpu.memory_space<vmem>>
      %dma_start3A_392 = arith.constant 0 : i32
      %dma_start3A_393 = arith.constant 0 : i32
      %dma_start3A_394 = tpu.memref_slice %arg3[%add3A_386, %dma_start3A_392, %dma_start3A_393] : memref<2560x2x128xi32, #tpu.memory_space<hbm>> -> memref<1x2x128xi32, #tpu.memory_space<hbm>>
      %dma_start3A_395 = tpu.memref_squeeze %dma_start3A_394 : memref<1x2x128xi32, #tpu.memory_space<hbm>> -> memref<2x128xi32, #tpu.memory_space<hbm>>
      %dma_start3A_396 = arith.constant 0 : i32
      %dma_start3A_397 = arith.constant 0 : i32
      %dma_start3A_398 = tpu.memref_slice %arg5[%dma_start3A_387, %dma_start3A_396, %dma_start3A_397] : memref<4x2x128xi32, #tpu.memory_space<vmem>> -> memref<1x2x128xi32, #tpu.memory_space<vmem>>
      %dma_start3A_399 = tpu.memref_squeeze %dma_start3A_398 : memref<1x2x128xi32, #tpu.memory_space<vmem>> -> memref<2x128xi32, #tpu.memory_space<vmem>>
      %dma_start3A_400 = arith.constant 0 : i32
      %dma_start3A_401 = arith.constant 0 : i32
      %dma_start3A_402 = tpu.memref_slice %arg3[%add3A_386, %dma_start3A_400, %dma_start3A_401] : memref<2560x2x128xi32, #tpu.memory_space<hbm>> -> memref<1x2x128xi32, #tpu.memory_space<hbm>>
      %dma_start3A_403 = tpu.memref_squeeze %dma_start3A_402 : memref<1x2x128xi32, #tpu.memory_space<hbm>> -> memref<2x128xi32, #tpu.memory_space<hbm>>
      tpu.enqueue_dma source(%dma_start3A_403 : memref<2x128xi32, #tpu.memory_space<hbm>>) target(%dma_start3A_399 : memref<2x128xi32, #tpu.memory_space<vmem>>) target_semaphore(%arg11 : memref<!tpu.dma_semaphore, #tpu.memory_space<semaphore_mem>>)
      %add3A_404 = arith.constant 2 : i32
      %add3A_405 = arith.addi %add3A_373, %add3A_404 : i32
      %add3A_406 = arith.addi %add3A, %add3A_405 : i32
      %dma_wait3A_407 = arith.constant 3 : i32
      %dma_wait3A_408 = arith.constant 0 : i32
      %dma_wait3A_409 = arith.constant 0 : i32
      %dma_wait3A_410 = tpu.memref_slice %arg5[%dma_wait3A_407, %dma_wait3A_408, %dma_wait3A_409] : memref<4x2x128xi32, #tpu.memory_space<vmem>> -> memref<1x2x128xi32, #tpu.memory_space<vmem>>
      %dma_wait3A_411 = tpu.memref_squeeze %dma_wait3A_410 : memref<1x2x128xi32, #tpu.memory_space<vmem>> -> memref<2x128xi32, #tpu.memory_space<vmem>>
      %dma_wait3A_412 = arith.constant 0 : i32
      %dma_wait3A_413 = arith.constant 0 : i32
      %dma_wait3A_414 = tpu.memref_slice %arg3[%add3A_406, %dma_wait3A_412, %dma_wait3A_413] : memref<2560x2x128xi32, #tpu.memory_space<hbm>> -> memref<1x2x128xi32, #tpu.memory_space<hbm>>
      %dma_wait3A_415 = tpu.memref_squeeze %dma_wait3A_414 : memref<1x2x128xi32, #tpu.memory_space<hbm>> -> memref<2x128xi32, #tpu.memory_space<hbm>>
      %dma_wait3A_416 = arith.constant 0 : i32
      %dma_wait3A_417 = arith.constant 0 : i32
      %dma_wait3A_418 = tpu.memref_slice %arg5[%dma_wait3A_407, %dma_wait3A_416, %dma_wait3A_417] : memref<4x2x128xi32, #tpu.memory_space<vmem>> -> memref<1x2x128xi32, #tpu.memory_space<vmem>>
      %dma_wait3A_419 = tpu.memref_squeeze %dma_wait3A_418 : memref<1x2x128xi32, #tpu.memory_space<vmem>> -> memref<2x128xi32, #tpu.memory_space<vmem>>
      %dma_wait3A_420 = arith.constant 0 : i32
      %dma_wait3A_421 = arith.constant 0 : i32
      %dma_wait3A_422 = tpu.memref_slice %arg3[%add3A_406, %dma_wait3A_420, %dma_wait3A_421] : memref<2560x2x128xi32, #tpu.memory_space<hbm>> -> memref<1x2x128xi32, #tpu.memory_space<hbm>>
      %dma_wait3A_423 = tpu.memref_squeeze %dma_wait3A_422 : memref<1x2x128xi32, #tpu.memory_space<hbm>> -> memref<2x128xi32, #tpu.memory_space<hbm>>
      tpu.wait_dma2 semaphore(%arg13 : memref<!tpu.dma_semaphore, #tpu.memory_space<semaphore_mem>>) src(%dma_wait3A_423 : memref<2x128xi32, #tpu.memory_space<hbm>>) dst(%dma_wait3A_419 : memref<2x128xi32, #tpu.memory_space<vmem>>)
      %add3A_424 = arith.constant 2 : i32
      %add3A_425 = arith.addi %add3A_373, %add3A_424 : i32
      %dma_start3A_426 = arith.constant 3 : i32
      %dma_start3A_427 = arith.constant 0 : i32
      %dma_start3A_428 = arith.constant 0 : i32
      %dma_start3A_429 = tpu.memref_slice %arg5[%dma_start3A_426, %dma_start3A_427, %dma_start3A_428] : memref<4x2x128xi32, #tpu.memory_space<vmem>> -> memref<1x1x128xi32, #tpu.memory_space<vmem>>
      %dma_start3A_430 = tpu.memref_squeeze %dma_start3A_429 : memref<1x1x128xi32, #tpu.memory_space<vmem>> -> memref<128xi32, #tpu.memory_space<vmem>>
      %dma_start3A_431 = arith.constant 0 : i32
      %dma_start3A_432 = arith.constant 0 : i32
      %dma_start3A_433 = tpu.memref_slice %arg2[%dma_start3A_431, %dma_start3A_432] : memref<10240x128xf32, #tpu.memory_space<hbm>> -> memref<10240x128xf32, #tpu.memory_space<hbm>>
      tpu.enqueue_indirect_dma source(%dma_start3A_433 : memref<10240x128xf32, #tpu.memory_space<hbm>>) target(%arg7 : memref<128x128xf32, #tpu.memory_space<vmem>>) offsets(%dma_start3A_430 : memref<128xi32, #tpu.memory_space<vmem>>) semaphore(%arg9 : memref<!tpu.dma_semaphore, #tpu.memory_space<semaphore_mem>>)
      %mul3A_434 = arith.constant 4 : i32
      %mul3A_435 = arith.muli %while3A_305, %mul3A_434 : i32
      %add3A_436 = arith.constant 2 : i32
      %add3A_437 = arith.addi %mul3A_435, %add3A_436 : i32
      %dma_wait3A_438 = arith.constant 2 : i32
      %dma_wait3A_439 = arith.constant 0 : i32
      %dma_wait3A_440 = arith.constant 0 : i32
      %dma_wait3A_441 = tpu.memref_slice %arg5[%dma_wait3A_438, %dma_wait3A_439, %dma_wait3A_440] : memref<4x2x128xi32, #tpu.memory_space<vmem>> -> memref<1x1x128xi32, #tpu.memory_space<vmem>>
      %dma_wait3A_442 = tpu.memref_squeeze %dma_wait3A_441 : memref<1x1x128xi32, #tpu.memory_space<vmem>> -> memref<128xi32, #tpu.memory_space<vmem>>
      %dma_wait3A_443 = arith.constant 0 : i32
      %dma_wait3A_444 = arith.constant 0 : i32
      %dma_wait3A_445 = tpu.memref_slice %arg2[%dma_wait3A_443, %dma_wait3A_444] : memref<10240x128xf32, #tpu.memory_space<hbm>> -> memref<10240x128xf32, #tpu.memory_space<hbm>>
      tpu.wait_indirect_dma semaphore(%arg8 : memref<!tpu.dma_semaphore, #tpu.memory_space<semaphore_mem>>) src(%dma_wait3A_445 : memref<10240x128xf32, #tpu.memory_space<hbm>>) dst(%arg6 : memref<128x128xf32, #tpu.memory_space<vmem>>)
      %run_scoped3A_446 = arith.constant 2 : i32
      %run_scoped3A_447 = arith.constant 1 : i32
      "tpu.region"() ({
        %run_scoped3A_562 = tpu.sem_alloc : memref<!tpu.dma_semaphore, #tpu.memory_space<semaphore_mem>>
        %dma_start3A_563 = arith.constant 0 : i32
        %dma_start3A_564 = tpu.memref_slice %arg5[%run_scoped3A_446, %run_scoped3A_447, %dma_start3A_563] : memref<4x2x128xi32, #tpu.memory_space<vmem>> -> memref<1x1x128xi32, #tpu.memory_space<vmem>>
        %dma_start3A_565 = tpu.memref_squeeze %dma_start3A_564 : memref<1x1x128xi32, #tpu.memory_space<vmem>> -> memref<128xi32, #tpu.memory_space<vmem>>
        %dma_start3A_566 = arith.constant 0 : i32
        %dma_start3A_567 = arith.constant 0 : i32
        %dma_start3A_568 = tpu.memref_slice %arg14[%dma_start3A_566, %dma_start3A_567] : memref<10240x128xf32, #tpu.memory_space<vmem_shared>> -> memref<10240x128xf32, #tpu.memory_space<vmem_shared>>
        tpu.enqueue_indirect_dma source(%arg6 : memref<128x128xf32, #tpu.memory_space<vmem>>) target(%dma_start3A_568 : memref<10240x128xf32, #tpu.memory_space<vmem_shared>>) offsets(%dma_start3A_565 : memref<128xi32, #tpu.memory_space<vmem>>) semaphore(%run_scoped3A_562 : memref<!tpu.dma_semaphore, #tpu.memory_space<semaphore_mem>>) {add = true}
        %dma_wait3A_569 = arith.constant 0 : i32
        %dma_wait3A_570 = tpu.memref_slice %arg5[%run_scoped3A_446, %run_scoped3A_447, %dma_wait3A_569] : memref<4x2x128xi32, #tpu.memory_space<vmem>> -> memref<1x1x128xi32, #tpu.memory_space<vmem>>
        %dma_wait3A_571 = tpu.memref_squeeze %dma_wait3A_570 : memref<1x1x128xi32, #tpu.memory_space<vmem>> -> memref<128xi32, #tpu.memory_space<vmem>>
        %dma_wait3A_572 = arith.constant 0 : i32
        %dma_wait3A_573 = arith.constant 0 : i32
        %dma_wait3A_574 = tpu.memref_slice %arg14[%dma_wait3A_572, %dma_wait3A_573] : memref<10240x128xf32, #tpu.memory_space<vmem_shared>> -> memref<10240x128xf32, #tpu.memory_space<vmem_shared>>
        tpu.wait_indirect_dma semaphore(%run_scoped3A_562 : memref<!tpu.dma_semaphore, #tpu.memory_space<semaphore_mem>>) src(%arg6 : memref<128x128xf32, #tpu.memory_space<vmem>>) dst(%dma_wait3A_574 : memref<10240x128xf32, #tpu.memory_space<vmem_shared>>)
        tpu.yield
      }) : () -> ()
      %add3A_448 = arith.constant 4 : i32
      %add3A_449 = arith.addi %add3A_437, %add3A_448 : i32
      %add3A_450 = arith.addi %add3A, %add3A_449 : i32
      %dma_start3A_451 = arith.constant 2 : i32
      %dma_start3A_452 = arith.constant 0 : i32
      %dma_start3A_453 = arith.constant 0 : i32
      %dma_start3A_454 = tpu.memref_slice %arg5[%dma_start3A_451, %dma_start3A_452, %dma_start3A_453] : memref<4x2x128xi32, #tpu.memory_space<vmem>> -> memref<1x2x128xi32, #tpu.memory_space<vmem>>
      %dma_start3A_455 = tpu.memref_squeeze %dma_start3A_454 : memref<1x2x128xi32, #tpu.memory_space<vmem>> -> memref<2x128xi32, #tpu.memory_space<vmem>>
      %dma_start3A_456 = arith.constant 0 : i32
      %dma_start3A_457 = arith.constant 0 : i32
      %dma_start3A_458 = tpu.memref_slice %arg3[%add3A_450, %dma_start3A_456, %dma_start3A_457] : memref<2560x2x128xi32, #tpu.memory_space<hbm>> -> memref<1x2x128xi32, #tpu.memory_space<hbm>>
      %dma_start3A_459 = tpu.memref_squeeze %dma_start3A_458 : memref<1x2x128xi32, #tpu.memory_space<hbm>> -> memref<2x128xi32, #tpu.memory_space<hbm>>
      %dma_start3A_460 = arith.constant 0 : i32
      %dma_start3A_461 = arith.constant 0 : i32
      %dma_start3A_462 = tpu.memref_slice %arg5[%dma_start3A_451, %dma_start3A_460, %dma_start3A_461] : memref<4x2x128xi32, #tpu.memory_space<vmem>> -> memref<1x2x128xi32, #tpu.memory_space<vmem>>
      %dma_start3A_463 = tpu.memref_squeeze %dma_start3A_462 : memref<1x2x128xi32, #tpu.memory_space<vmem>> -> memref<2x128xi32, #tpu.memory_space<vmem>>
      %dma_start3A_464 = arith.constant 0 : i32
      %dma_start3A_465 = arith.constant 0 : i32
      %dma_start3A_466 = tpu.memref_slice %arg3[%add3A_450, %dma_start3A_464, %dma_start3A_465] : memref<2560x2x128xi32, #tpu.memory_space<hbm>> -> memref<1x2x128xi32, #tpu.memory_space<hbm>>
      %dma_start3A_467 = tpu.memref_squeeze %dma_start3A_466 : memref<1x2x128xi32, #tpu.memory_space<hbm>> -> memref<2x128xi32, #tpu.memory_space<hbm>>
      tpu.enqueue_dma source(%dma_start3A_467 : memref<2x128xi32, #tpu.memory_space<hbm>>) target(%dma_start3A_463 : memref<2x128xi32, #tpu.memory_space<vmem>>) target_semaphore(%arg12 : memref<!tpu.dma_semaphore, #tpu.memory_space<semaphore_mem>>)
      %add3A_468 = arith.constant 2 : i32
      %add3A_469 = arith.addi %add3A_437, %add3A_468 : i32
      %add3A_470 = arith.addi %add3A, %add3A_469 : i32
      %dma_wait3A_471 = arith.constant 0 : i32
      %dma_wait3A_472 = arith.constant 0 : i32
      %dma_wait3A_473 = arith.constant 0 : i32
      %dma_wait3A_474 = tpu.memref_slice %arg5[%dma_wait3A_471, %dma_wait3A_472, %dma_wait3A_473] : memref<4x2x128xi32, #tpu.memory_space<vmem>> -> memref<1x2x128xi32, #tpu.memory_space<vmem>>
      %dma_wait3A_475 = tpu.memref_squeeze %dma_wait3A_474 : memref<1x2x128xi32, #tpu.memory_space<vmem>> -> memref<2x128xi32, #tpu.memory_space<vmem>>
      %dma_wait3A_476 = arith.constant 0 : i32
      %dma_wait3A_477 = arith.constant 0 : i32
      %dma_wait3A_478 = tpu.memref_slice %arg3[%add3A_470, %dma_wait3A_476, %dma_wait3A_477] : memref<2560x2x128xi32, #tpu.memory_space<hbm>> -> memref<1x2x128xi32, #tpu.memory_space<hbm>>
      %dma_wait3A_479 = tpu.memref_squeeze %dma_wait3A_478 : memref<1x2x128xi32, #tpu.memory_space<hbm>> -> memref<2x128xi32, #tpu.memory_space<hbm>>
      %dma_wait3A_480 = arith.constant 0 : i32
      %dma_wait3A_481 = arith.constant 0 : i32
      %dma_wait3A_482 = tpu.memref_slice %arg5[%dma_wait3A_471, %dma_wait3A_480, %dma_wait3A_481] : memref<4x2x128xi32, #tpu.memory_space<vmem>> -> memref<1x2x128xi32, #tpu.memory_space<vmem>>
      %dma_wait3A_483 = tpu.memref_squeeze %dma_wait3A_482 : memref<1x2x128xi32, #tpu.memory_space<vmem>> -> memref<2x128xi32, #tpu.memory_space<vmem>>
      %dma_wait3A_484 = arith.constant 0 : i32
      %dma_wait3A_485 = arith.constant 0 : i32
      %dma_wait3A_486 = tpu.memref_slice %arg3[%add3A_470, %dma_wait3A_484, %dma_wait3A_485] : memref<2560x2x128xi32, #tpu.memory_space<hbm>> -> memref<1x2x128xi32, #tpu.memory_space<hbm>>
      %dma_wait3A_487 = tpu.memref_squeeze %dma_wait3A_486 : memref<1x2x128xi32, #tpu.memory_space<hbm>> -> memref<2x128xi32, #tpu.memory_space<hbm>>
      tpu.wait_dma2 semaphore(%arg10 : memref<!tpu.dma_semaphore, #tpu.memory_space<semaphore_mem>>) src(%dma_wait3A_487 : memref<2x128xi32, #tpu.memory_space<hbm>>) dst(%dma_wait3A_483 : memref<2x128xi32, #tpu.memory_space<vmem>>)
      %add3A_488 = arith.constant 2 : i32
      %add3A_489 = arith.addi %add3A_437, %add3A_488 : i32
      %dma_start3A_490 = arith.constant 0 : i32
      %dma_start3A_491 = arith.constant 0 : i32
      %dma_start3A_492 = arith.constant 0 : i32
      %dma_start3A_493 = tpu.memref_slice %arg5[%dma_start3A_490, %dma_start3A_491, %dma_start3A_492] : memref<4x2x128xi32, #tpu.memory_space<vmem>> -> memref<1x1x128xi32, #tpu.memory_space<vmem>>
      %dma_start3A_494 = tpu.memref_squeeze %dma_start3A_493 : memref<1x1x128xi32, #tpu.memory_space<vmem>> -> memref<128xi32, #tpu.memory_space<vmem>>
      %dma_start3A_495 = arith.constant 0 : i32
      %dma_start3A_496 = arith.constant 0 : i32
      %dma_start3A_497 = tpu.memref_slice %arg2[%dma_start3A_495, %dma_start3A_496] : memref<10240x128xf32, #tpu.memory_space<hbm>> -> memref<10240x128xf32, #tpu.memory_space<hbm>>
      tpu.enqueue_indirect_dma source(%dma_start3A_497 : memref<10240x128xf32, #tpu.memory_space<hbm>>) target(%arg6 : memref<128x128xf32, #tpu.memory_space<vmem>>) offsets(%dma_start3A_494 : memref<128xi32, #tpu.memory_space<vmem>>) semaphore(%arg8 : memref<!tpu.dma_semaphore, #tpu.memory_space<semaphore_mem>>)
      %mul3A_498 = arith.constant 4 : i32
      %mul3A_499 = arith.muli %while3A_305, %mul3A_498 : i32
      %add3A_500 = arith.constant 3 : i32
      %add3A_501 = arith.addi %mul3A_499, %add3A_500 : i32
      %dma_wait3A_502 = arith.constant 3 : i32
      %dma_wait3A_503 = arith.constant 0 : i32
      %dma_wait3A_504 = arith.constant 0 : i32
      %dma_wait3A_505 = tpu.memref_slice %arg5[%dma_wait3A_502, %dma_wait3A_503, %dma_wait3A_504] : memref<4x2x128xi32, #tpu.memory_space<vmem>> -> memref<1x1x128xi32, #tpu.memory_space<vmem>>
      %dma_wait3A_506 = tpu.memref_squeeze %dma_wait3A_505 : memref<1x1x128xi32, #tpu.memory_space<vmem>> -> memref<128xi32, #tpu.memory_space<vmem>>
      %dma_wait3A_507 = arith.constant 0 : i32
      %dma_wait3A_508 = arith.constant 0 : i32
      %dma_wait3A_509 = tpu.memref_slice %arg2[%dma_wait3A_507, %dma_wait3A_508] : memref<10240x128xf32, #tpu.memory_space<hbm>> -> memref<10240x128xf32, #tpu.memory_space<hbm>>
      tpu.wait_indirect_dma semaphore(%arg9 : memref<!tpu.dma_semaphore, #tpu.memory_space<semaphore_mem>>) src(%dma_wait3A_509 : memref<10240x128xf32, #tpu.memory_space<hbm>>) dst(%arg7 : memref<128x128xf32, #tpu.memory_space<vmem>>)
      %run_scoped3A_510 = arith.constant 3 : i32
      %run_scoped3A_511 = arith.constant 1 : i32
      "tpu.region"() ({
        %run_scoped3A_562 = tpu.sem_alloc : memref<!tpu.dma_semaphore, #tpu.memory_space<semaphore_mem>>
        %dma_start3A_563 = arith.constant 0 : i32
        %dma_start3A_564 = tpu.memref_slice %arg5[%run_scoped3A_510, %run_scoped3A_511, %dma_start3A_563] : memref<4x2x128xi32, #tpu.memory_space<vmem>> -> memref<1x1x128xi32, #tpu.memory_space<vmem>>
        %dma_start3A_565 = tpu.memref_squeeze %dma_start3A_564 : memref<1x1x128xi32, #tpu.memory_space<vmem>> -> memref<128xi32, #tpu.memory_space<vmem>>
        %dma_start3A_566 = arith.constant 0 : i32
        %dma_start3A_567 = arith.constant 0 : i32
        %dma_start3A_568 = tpu.memref_slice %arg14[%dma_start3A_566, %dma_start3A_567] : memref<10240x128xf32, #tpu.memory_space<vmem_shared>> -> memref<10240x128xf32, #tpu.memory_space<vmem_shared>>
        tpu.enqueue_indirect_dma source(%arg7 : memref<128x128xf32, #tpu.memory_space<vmem>>) target(%dma_start3A_568 : memref<10240x128xf32, #tpu.memory_space<vmem_shared>>) offsets(%dma_start3A_565 : memref<128xi32, #tpu.memory_space<vmem>>) semaphore(%run_scoped3A_562 : memref<!tpu.dma_semaphore, #tpu.memory_space<semaphore_mem>>) {add = true}
        %dma_wait3A_569 = arith.constant 0 : i32
        %dma_wait3A_570 = tpu.memref_slice %arg5[%run_scoped3A_510, %run_scoped3A_511, %dma_wait3A_569] : memref<4x2x128xi32, #tpu.memory_space<vmem>> -> memref<1x1x128xi32, #tpu.memory_space<vmem>>
        %dma_wait3A_571 = tpu.memref_squeeze %dma_wait3A_570 : memref<1x1x128xi32, #tpu.memory_space<vmem>> -> memref<128xi32, #tpu.memory_space<vmem>>
        %dma_wait3A_572 = arith.constant 0 : i32
        %dma_wait3A_573 = arith.constant 0 : i32
        %dma_wait3A_574 = tpu.memref_slice %arg14[%dma_wait3A_572, %dma_wait3A_573] : memref<10240x128xf32, #tpu.memory_space<vmem_shared>> -> memref<10240x128xf32, #tpu.memory_space<vmem_shared>>
        tpu.wait_indirect_dma semaphore(%run_scoped3A_562 : memref<!tpu.dma_semaphore, #tpu.memory_space<semaphore_mem>>) src(%arg7 : memref<128x128xf32, #tpu.memory_space<vmem>>) dst(%dma_wait3A_574 : memref<10240x128xf32, #tpu.memory_space<vmem_shared>>)
        tpu.yield
      }) : () -> ()
      %add3A_512 = arith.constant 4 : i32
      %add3A_513 = arith.addi %add3A_501, %add3A_512 : i32
      %add3A_514 = arith.addi %add3A, %add3A_513 : i32
      %dma_start3A_515 = arith.constant 3 : i32
      %dma_start3A_516 = arith.constant 0 : i32
      %dma_start3A_517 = arith.constant 0 : i32
      %dma_start3A_518 = tpu.memref_slice %arg5[%dma_start3A_515, %dma_start3A_516, %dma_start3A_517] : memref<4x2x128xi32, #tpu.memory_space<vmem>> -> memref<1x2x128xi32, #tpu.memory_space<vmem>>
      %dma_start3A_519 = tpu.memref_squeeze %dma_start3A_518 : memref<1x2x128xi32, #tpu.memory_space<vmem>> -> memref<2x128xi32, #tpu.memory_space<vmem>>
      %dma_start3A_520 = arith.constant 0 : i32
      %dma_start3A_521 = arith.constant 0 : i32
      %dma_start3A_522 = tpu.memref_slice %arg3[%add3A_514, %dma_start3A_520, %dma_start3A_521] : memref<2560x2x128xi32, #tpu.memory_space<hbm>> -> memref<1x2x128xi32, #tpu.memory_space<hbm>>
      %dma_start3A_523 = tpu.memref_squeeze %dma_start3A_522 : memref<1x2x128xi32, #tpu.memory_space<hbm>> -> memref<2x128xi32, #tpu.memory_space<hbm>>
      %dma_start3A_524 = arith.constant 0 : i32
      %dma_start3A_525 = arith.constant 0 : i32
      %dma_start3A_526 = tpu.memref_slice %arg5[%dma_start3A_515, %dma_start3A_524, %dma_start3A_525] : memref<4x2x128xi32, #tpu.memory_space<vmem>> -> memref<1x2x128xi32, #tpu.memory_space<vmem>>
      %dma_start3A_527 = tpu.memref_squeeze %dma_start3A_526 : memref<1x2x128xi32, #tpu.memory_space<vmem>> -> memref<2x128xi32, #tpu.memory_space<vmem>>
      %dma_start3A_528 = arith.constant 0 : i32
      %dma_start3A_529 = arith.constant 0 : i32
      %dma_start3A_530 = tpu.memref_slice %arg3[%add3A_514, %dma_start3A_528, %dma_start3A_529] : memref<2560x2x128xi32, #tpu.memory_space<hbm>> -> memref<1x2x128xi32, #tpu.memory_space<hbm>>
      %dma_start3A_531 = tpu.memref_squeeze %dma_start3A_530 : memref<1x2x128xi32, #tpu.memory_space<hbm>> -> memref<2x128xi32, #tpu.memory_space<hbm>>
      tpu.enqueue_dma source(%dma_start3A_531 : memref<2x128xi32, #tpu.memory_space<hbm>>) target(%dma_start3A_527 : memref<2x128xi32, #tpu.memory_space<vmem>>) target_semaphore(%arg13 : memref<!tpu.dma_semaphore, #tpu.memory_space<semaphore_mem>>)
      %add3A_532 = arith.constant 2 : i32
      %add3A_533 = arith.addi %add3A_501, %add3A_532 : i32
      %add3A_534 = arith.addi %add3A, %add3A_533 : i32
      %dma_wait3A_535 = arith.constant 1 : i32
      %dma_wait3A_536 = arith.constant 0 : i32
      %dma_wait3A_537 = arith.constant 0 : i32
      %dma_wait3A_538 = tpu.memref_slice %arg5[%dma_wait3A_535, %dma_wait3A_536, %dma_wait3A_537] : memref<4x2x128xi32, #tpu.memory_space<vmem>> -> memref<1x2x128xi32, #tpu.memory_space<vmem>>
      %dma_wait3A_539 = tpu.memref_squeeze %dma_wait3A_538 : memref<1x2x128xi32, #tpu.memory_space<vmem>> -> memref<2x128xi32, #tpu.memory_space<vmem>>
      %dma_wait3A_540 = arith.constant 0 : i32
      %dma_wait3A_541 = arith.constant 0 : i32
      %dma_wait3A_542 = tpu.memref_slice %arg3[%add3A_534, %dma_wait3A_540, %dma_wait3A_541] : memref<2560x2x128xi32, #tpu.memory_space<hbm>> -> memref<1x2x128xi32, #tpu.memory_space<hbm>>
      %dma_wait3A_543 = tpu.memref_squeeze %dma_wait3A_542 : memref<1x2x128xi32, #tpu.memory_space<hbm>> -> memref<2x128xi32, #tpu.memory_space<hbm>>
      %dma_wait3A_544 = arith.constant 0 : i32
      %dma_wait3A_545 = arith.constant 0 : i32
      %dma_wait3A_546 = tpu.memref_slice %arg5[%dma_wait3A_535, %dma_wait3A_544, %dma_wait3A_545] : memref<4x2x128xi32, #tpu.memory_space<vmem>> -> memref<1x2x128xi32, #tpu.memory_space<vmem>>
      %dma_wait3A_547 = tpu.memref_squeeze %dma_wait3A_546 : memref<1x2x128xi32, #tpu.memory_space<vmem>> -> memref<2x128xi32, #tpu.memory_space<vmem>>
      %dma_wait3A_548 = arith.constant 0 : i32
      %dma_wait3A_549 = arith.constant 0 : i32
      %dma_wait3A_550 = tpu.memref_slice %arg3[%add3A_534, %dma_wait3A_548, %dma_wait3A_549] : memref<2560x2x128xi32, #tpu.memory_space<hbm>> -> memref<1x2x128xi32, #tpu.memory_space<hbm>>
      %dma_wait3A_551 = tpu.memref_squeeze %dma_wait3A_550 : memref<1x2x128xi32, #tpu.memory_space<hbm>> -> memref<2x128xi32, #tpu.memory_space<hbm>>
      tpu.wait_dma2 semaphore(%arg11 : memref<!tpu.dma_semaphore, #tpu.memory_space<semaphore_mem>>) src(%dma_wait3A_551 : memref<2x128xi32, #tpu.memory_space<hbm>>) dst(%dma_wait3A_547 : memref<2x128xi32, #tpu.memory_space<vmem>>)
      %add3A_552 = arith.constant 2 : i32
      %add3A_553 = arith.addi %add3A_501, %add3A_552 : i32
      %dma_start3A_554 = arith.constant 1 : i32
      %dma_start3A_555 = arith.constant 0 : i32
      %dma_start3A_556 = arith.constant 0 : i32
      %dma_start3A_557 = tpu.memref_slice %arg5[%dma_start3A_554, %dma_start3A_555, %dma_start3A_556] : memref<4x2x128xi32, #tpu.memory_space<vmem>> -> memref<1x1x128xi32, #tpu.memory_space<vmem>>
      %dma_start3A_558 = tpu.memref_squeeze %dma_start3A_557 : memref<1x1x128xi32, #tpu.memory_space<vmem>> -> memref<128xi32, #tpu.memory_space<vmem>>
      %dma_start3A_559 = arith.constant 0 : i32
      %dma_start3A_560 = arith.constant 0 : i32
      %dma_start3A_561 = tpu.memref_slice %arg2[%dma_start3A_559, %dma_start3A_560] : memref<10240x128xf32, #tpu.memory_space<hbm>> -> memref<10240x128xf32, #tpu.memory_space<hbm>>
      tpu.enqueue_indirect_dma source(%dma_start3A_561 : memref<10240x128xf32, #tpu.memory_space<hbm>>) target(%arg7 : memref<128x128xf32, #tpu.memory_space<vmem>>) offsets(%dma_start3A_558 : memref<128xi32, #tpu.memory_space<vmem>>) semaphore(%arg9 : memref<!tpu.dma_semaphore, #tpu.memory_space<semaphore_mem>>)
    }
    %while3A_184 = arith.constant 1 : i32
    scf.for %while3A_305 = %while3A_182 to %while3A_178 step %while3A_184  : i32 {
      %mul3A_306 = arith.constant 4 : i32
      %mul3A_307 = arith.muli %while3A_305, %mul3A_306 : i32
      %add3A_308 = arith.constant 0 : i32
      %add3A_309 = arith.addi %mul3A_307, %add3A_308 : i32
      %dma_wait3A_310 = arith.constant 0 : i32
      %dma_wait3A_311 = arith.constant 0 : i32
      %dma_wait3A_312 = arith.constant 0 : i32
      %dma_wait3A_313 = tpu.memref_slice %arg5[%dma_wait3A_310, %dma_wait3A_311, %dma_wait3A_312] : memref<4x2x128xi32, #tpu.memory_space<vmem>> -> memref<1x1x128xi32, #tpu.memory_space<vmem>>
      %dma_wait3A_314 = tpu.memref_squeeze %dma_wait3A_313 : memref<1x1x128xi32, #tpu.memory_space<vmem>> -> memref<128xi32, #tpu.memory_space<vmem>>
      %dma_wait3A_315 = arith.constant 0 : i32
      %dma_wait3A_316 = arith.constant 0 : i32
      %dma_wait3A_317 = tpu.memref_slice %arg2[%dma_wait3A_315, %dma_wait3A_316] : memref<10240x128xf32, #tpu.memory_space<hbm>> -> memref<10240x128xf32, #tpu.memory_space<hbm>>
      tpu.wait_indirect_dma semaphore(%arg8 : memref<!tpu.dma_semaphore, #tpu.memory_space<semaphore_mem>>) src(%dma_wait3A_317 : memref<10240x128xf32, #tpu.memory_space<hbm>>) dst(%arg6 : memref<128x128xf32, #tpu.memory_space<vmem>>)
      %run_scoped3A_318 = arith.constant 0 : i32
      %run_scoped3A_319 = arith.constant 1 : i32
      "tpu.region"() ({
        %run_scoped3A_562 = tpu.sem_alloc : memref<!tpu.dma_semaphore, #tpu.memory_space<semaphore_mem>>
        %dma_start3A_563 = arith.constant 0 : i32
        %dma_start3A_564 = tpu.memref_slice %arg5[%run_scoped3A_318, %run_scoped3A_319, %dma_start3A_563] : memref<4x2x128xi32, #tpu.memory_space<vmem>> -> memref<1x1x128xi32, #tpu.memory_space<vmem>>
        %dma_start3A_565 = tpu.memref_squeeze %dma_start3A_564 : memref<1x1x128xi32, #tpu.memory_space<vmem>> -> memref<128xi32, #tpu.memory_space<vmem>>
        %dma_start3A_566 = arith.constant 0 : i32
        %dma_start3A_567 = arith.constant 0 : i32
        %dma_start3A_568 = tpu.memref_slice %arg14[%dma_start3A_566, %dma_start3A_567] : memref<10240x128xf32, #tpu.memory_space<vmem_shared>> -> memref<10240x128xf32, #tpu.memory_space<vmem_shared>>
        tpu.enqueue_indirect_dma source(%arg6 : memref<128x128xf32, #tpu.memory_space<vmem>>) target(%dma_start3A_568 : memref<10240x128xf32, #tpu.memory_space<vmem_shared>>) offsets(%dma_start3A_565 : memref<128xi32, #tpu.memory_space<vmem>>) semaphore(%run_scoped3A_562 : memref<!tpu.dma_semaphore, #tpu.memory_space<semaphore_mem>>) {add = true}
        %dma_wait3A_569 = arith.constant 0 : i32
        %dma_wait3A_570 = tpu.memref_slice %arg5[%run_scoped3A_318, %run_scoped3A_319, %dma_wait3A_569] : memref<4x2x128xi32, #tpu.memory_space<vmem>> -> memref<1x1x128xi32, #tpu.memory_space<vmem>>
        %dma_wait3A_571 = tpu.memref_squeeze %dma_wait3A_570 : memref<1x1x128xi32, #tpu.memory_space<vmem>> -> memref<128xi32, #tpu.memory_space<vmem>>
        %dma_wait3A_572 = arith.constant 0 : i32
        %dma_wait3A_573 = arith.constant 0 : i32
        %dma_wait3A_574 = tpu.memref_slice %arg14[%dma_wait3A_572, %dma_wait3A_573] : memref<10240x128xf32, #tpu.memory_space<vmem_shared>> -> memref<10240x128xf32, #tpu.memory_space<vmem_shared>>
        tpu.wait_indirect_dma semaphore(%run_scoped3A_562 : memref<!tpu.dma_semaphore, #tpu.memory_space<semaphore_mem>>) src(%arg6 : memref<128x128xf32, #tpu.memory_space<vmem>>) dst(%dma_wait3A_574 : memref<10240x128xf32, #tpu.memory_space<vmem_shared>>)
        tpu.yield
      }) : () -> ()
      %add3A_320 = arith.constant 4 : i32
      %add3A_321 = arith.addi %add3A_309, %add3A_320 : i32
      %add3A_322 = arith.addi %add3A, %add3A_321 : i32
      %dma_start3A_323 = arith.constant 0 : i32
      %dma_start3A_324 = arith.constant 0 : i32
      %dma_start3A_325 = arith.constant 0 : i32
      %dma_start3A_326 = tpu.memref_slice %arg5[%dma_start3A_323, %dma_start3A_324, %dma_start3A_325] : memref<4x2x128xi32, #tpu.memory_space<vmem>> -> memref<1x2x128xi32, #tpu.memory_space<vmem>>
      %dma_start3A_327 = tpu.memref_squeeze %dma_start3A_326 : memref<1x2x128xi32, #tpu.memory_space<vmem>> -> memref<2x128xi32, #tpu.memory_space<vmem>>
      %dma_start3A_328 = arith.constant 0 : i32
      %dma_start3A_329 = arith.constant 0 : i32
      %dma_start3A_330 = tpu.memref_slice %arg3[%add3A_322, %dma_start3A_328, %dma_start3A_329] : memref<2560x2x128xi32, #tpu.memory_space<hbm>> -> memref<1x2x128xi32, #tpu.memory_space<hbm>>
      %dma_start3A_331 = tpu.memref_squeeze %dma_start3A_330 : memref<1x2x128xi32, #tpu.memory_space<hbm>> -> memref<2x128xi32, #tpu.memory_space<hbm>>
      %dma_start3A_332 = arith.constant 0 : i32
      %dma_start3A_333 = arith.constant 0 : i32
      %dma_start3A_334 = tpu.memref_slice %arg5[%dma_start3A_323, %dma_start3A_332, %dma_start3A_333] : memref<4x2x128xi32, #tpu.memory_space<vmem>> -> memref<1x2x128xi32, #tpu.memory_space<vmem>>
      %dma_start3A_335 = tpu.memref_squeeze %dma_start3A_334 : memref<1x2x128xi32, #tpu.memory_space<vmem>> -> memref<2x128xi32, #tpu.memory_space<vmem>>
      %dma_start3A_336 = arith.constant 0 : i32
      %dma_start3A_337 = arith.constant 0 : i32
      %dma_start3A_338 = tpu.memref_slice %arg3[%add3A_322, %dma_start3A_336, %dma_start3A_337] : memref<2560x2x128xi32, #tpu.memory_space<hbm>> -> memref<1x2x128xi32, #tpu.memory_space<hbm>>
      %dma_start3A_339 = tpu.memref_squeeze %dma_start3A_338 : memref<1x2x128xi32, #tpu.memory_space<hbm>> -> memref<2x128xi32, #tpu.memory_space<hbm>>
      tpu.enqueue_dma source(%dma_start3A_339 : memref<2x128xi32, #tpu.memory_space<hbm>>) target(%dma_start3A_335 : memref<2x128xi32, #tpu.memory_space<vmem>>) target_semaphore(%arg10 : memref<!tpu.dma_semaphore, #tpu.memory_space<semaphore_mem>>)
      %add3A_340 = arith.constant 2 : i32
      %add3A_341 = arith.addi %add3A_309, %add3A_340 : i32
      %add3A_342 = arith.addi %add3A, %add3A_341 : i32
      %dma_wait3A_343 = arith.constant 2 : i32
      %dma_wait3A_344 = arith.constant 0 : i32
      %dma_wait3A_345 = arith.constant 0 : i32
      %dma_wait3A_346 = tpu.memref_slice %arg5[%dma_wait3A_343, %dma_wait3A_344, %dma_wait3A_345] : memref<4x2x128xi32, #tpu.memory_space<vmem>> -> memref<1x2x128xi32, #tpu.memory_space<vmem>>
      %dma_wait3A_347 = tpu.memref_squeeze %dma_wait3A_346 : memref<1x2x128xi32, #tpu.memory_space<vmem>> -> memref<2x128xi32, #tpu.memory_space<vmem>>
      %dma_wait3A_348 = arith.constant 0 : i32
      %dma_wait3A_349 = arith.constant 0 : i32
      %dma_wait3A_350 = tpu.memref_slice %arg3[%add3A_342, %dma_wait3A_348, %dma_wait3A_349] : memref<2560x2x128xi32, #tpu.memory_space<hbm>> -> memref<1x2x128xi32, #tpu.memory_space<hbm>>
      %dma_wait3A_351 = tpu.memref_squeeze %dma_wait3A_350 : memref<1x2x128xi32, #tpu.memory_space<hbm>> -> memref<2x128xi32, #tpu.memory_space<hbm>>
      %dma_wait3A_352 = arith.constant 0 : i32
      %dma_wait3A_353 = arith.constant 0 : i32
      %dma_wait3A_354 = tpu.memref_slice %arg5[%dma_wait3A_343, %dma_wait3A_352, %dma_wait3A_353] : memref<4x2x128xi32, #tpu.memory_space<vmem>> -> memref<1x2x128xi32, #tpu.memory_space<vmem>>
      %dma_wait3A_355 = tpu.memref_squeeze %dma_wait3A_354 : memref<1x2x128xi32, #tpu.memory_space<vmem>> -> memref<2x128xi32, #tpu.memory_space<vmem>>
      %dma_wait3A_356 = arith.constant 0 : i32
      %dma_wait3A_357 = arith.constant 0 : i32
      %dma_wait3A_358 = tpu.memref_slice %arg3[%add3A_342, %dma_wait3A_356, %dma_wait3A_357] : memref<2560x2x128xi32, #tpu.memory_space<hbm>> -> memref<1x2x128xi32, #tpu.memory_space<hbm>>
      %dma_wait3A_359 = tpu.memref_squeeze %dma_wait3A_358 : memref<1x2x128xi32, #tpu.memory_space<hbm>> -> memref<2x128xi32, #tpu.memory_space<hbm>>
      tpu.wait_dma2 semaphore(%arg12 : memref<!tpu.dma_semaphore, #tpu.memory_space<semaphore_mem>>) src(%dma_wait3A_359 : memref<2x128xi32, #tpu.memory_space<hbm>>) dst(%dma_wait3A_355 : memref<2x128xi32, #tpu.memory_space<vmem>>)
      %add3A_360 = arith.constant 2 : i32
      %add3A_361 = arith.addi %add3A_309, %add3A_360 : i32
      %dma_start3A_362 = arith.constant 2 : i32
      %dma_start3A_363 = arith.constant 0 : i32
      %dma_start3A_364 = arith.constant 0 : i32
      %dma_start3A_365 = tpu.memref_slice %arg5[%dma_start3A_362, %dma_start3A_363, %dma_start3A_364] : memref<4x2x128xi32, #tpu.memory_space<vmem>> -> memref<1x1x128xi32, #tpu.memory_space<vmem>>
      %dma_start3A_366 = tpu.memref_squeeze %dma_start3A_365 : memref<1x1x128xi32, #tpu.memory_space<vmem>> -> memref<128xi32, #tpu.memory_space<vmem>>
      %dma_start3A_367 = arith.constant 0 : i32
      %dma_start3A_368 = arith.constant 0 : i32
      %dma_start3A_369 = tpu.memref_slice %arg2[%dma_start3A_367, %dma_start3A_368] : memref<10240x128xf32, #tpu.memory_space<hbm>> -> memref<10240x128xf32, #tpu.memory_space<hbm>>
      tpu.enqueue_indirect_dma source(%dma_start3A_369 : memref<10240x128xf32, #tpu.memory_space<hbm>>) target(%arg6 : memref<128x128xf32, #tpu.memory_space<vmem>>) offsets(%dma_start3A_366 : memref<128xi32, #tpu.memory_space<vmem>>) semaphore(%arg8 : memref<!tpu.dma_semaphore, #tpu.memory_space<semaphore_mem>>)
      %mul3A_370 = arith.constant 4 : i32
      %mul3A_371 = arith.muli %while3A_305, %mul3A_370 : i32
      %add3A_372 = arith.constant 1 : i32
      %add3A_373 = arith.addi %mul3A_371, %add3A_372 : i32
      %dma_wait3A_374 = arith.constant 1 : i32
      %dma_wait3A_375 = arith.constant 0 : i32
      %dma_wait3A_376 = arith.constant 0 : i32
      %dma_wait3A_377 = tpu.memref_slice %arg5[%dma_wait3A_374, %dma_wait3A_375, %dma_wait3A_376] : memref<4x2x128xi32, #tpu.memory_space<vmem>> -> memref<1x1x128xi32, #tpu.memory_space<vmem>>
      %dma_wait3A_378 = tpu.memref_squeeze %dma_wait3A_377 : memref<1x1x128xi32, #tpu.memory_space<vmem>> -> memref<128xi32, #tpu.memory_space<vmem>>
      %dma_wait3A_379 = arith.constant 0 : i32
      %dma_wait3A_380 = arith.constant 0 : i32
      %dma_wait3A_381 = tpu.memref_slice %arg2[%dma_wait3A_379, %dma_wait3A_380] : memref<10240x128xf32, #tpu.memory_space<hbm>> -> memref<10240x128xf32, #tpu.memory_space<hbm>>
      tpu.wait_indirect_dma semaphore(%arg9 : memref<!tpu.dma_semaphore, #tpu.memory_space<semaphore_mem>>) src(%dma_wait3A_381 : memref<10240x128xf32, #tpu.memory_space<hbm>>) dst(%arg7 : memref<128x128xf32, #tpu.memory_space<vmem>>)
      %run_scoped3A_382 = arith.constant 1 : i32
      %run_scoped3A_383 = arith.constant 1 : i32
      "tpu.region"() ({
        %run_scoped3A_562 = tpu.sem_alloc : memref<!tpu.dma_semaphore, #tpu.memory_space<semaphore_mem>>
        %dma_start3A_563 = arith.constant 0 : i32
        %dma_start3A_564 = tpu.memref_slice %arg5[%run_scoped3A_382, %run_scoped3A_383, %dma_start3A_563] : memref<4x2x128xi32, #tpu.memory_space<vmem>> -> memref<1x1x128xi32, #tpu.memory_space<vmem>>
        %dma_start3A_565 = tpu.memref_squeeze %dma_start3A_564 : memref<1x1x128xi32, #tpu.memory_space<vmem>> -> memref<128xi32, #tpu.memory_space<vmem>>
        %dma_start3A_566 = arith.constant 0 : i32
        %dma_start3A_567 = arith.constant 0 : i32
        %dma_start3A_568 = tpu.memref_slice %arg14[%dma_start3A_566, %dma_start3A_567] : memref<10240x128xf32, #tpu.memory_space<vmem_shared>> -> memref<10240x128xf32, #tpu.memory_space<vmem_shared>>
        tpu.enqueue_indirect_dma source(%arg7 : memref<128x128xf32, #tpu.memory_space<vmem>>) target(%dma_start3A_568 : memref<10240x128xf32, #tpu.memory_space<vmem_shared>>) offsets(%dma_start3A_565 : memref<128xi32, #tpu.memory_space<vmem>>) semaphore(%run_scoped3A_562 : memref<!tpu.dma_semaphore, #tpu.memory_space<semaphore_mem>>) {add = true}
        %dma_wait3A_569 = arith.constant 0 : i32
        %dma_wait3A_570 = tpu.memref_slice %arg5[%run_scoped3A_382, %run_scoped3A_383, %dma_wait3A_569] : memref<4x2x128xi32, #tpu.memory_space<vmem>> -> memref<1x1x128xi32, #tpu.memory_space<vmem>>
        %dma_wait3A_571 = tpu.memref_squeeze %dma_wait3A_570 : memref<1x1x128xi32, #tpu.memory_space<vmem>> -> memref<128xi32, #tpu.memory_space<vmem>>
        %dma_wait3A_572 = arith.constant 0 : i32
        %dma_wait3A_573 = arith.constant 0 : i32
        %dma_wait3A_574 = tpu.memref_slice %arg14[%dma_wait3A_572, %dma_wait3A_573] : memref<10240x128xf32, #tpu.memory_space<vmem_shared>> -> memref<10240x128xf32, #tpu.memory_space<vmem_shared>>
        tpu.wait_indirect_dma semaphore(%run_scoped3A_562 : memref<!tpu.dma_semaphore, #tpu.memory_space<semaphore_mem>>) src(%arg7 : memref<128x128xf32, #tpu.memory_space<vmem>>) dst(%dma_wait3A_574 : memref<10240x128xf32, #tpu.memory_space<vmem_shared>>)
        tpu.yield
      }) : () -> ()
      %add3A_384 = arith.constant 4 : i32
      %add3A_385 = arith.addi %add3A_373, %add3A_384 : i32
      %add3A_386 = arith.addi %add3A, %add3A_385 : i32
      %dma_start3A_387 = arith.constant 1 : i32
      %dma_start3A_388 = arith.constant 0 : i32
      %dma_start3A_389 = arith.constant 0 : i32
      %dma_start3A_390 = tpu.memref_slice %arg5[%dma_start3A_387, %dma_start3A_388, %dma_start3A_389] : memref<4x2x128xi32, #tpu.memory_space<vmem>> -> memref<1x2x128xi32, #tpu.memory_space<vmem>>
      %dma_start3A_391 = tpu.memref_squeeze %dma_start3A_390 : memref<1x2x128xi32, #tpu.memory_space<vmem>> -> memref<2x128xi32, #tpu.memory_space<vmem>>
      %dma_start3A_392 = arith.constant 0 : i32
      %dma_start3A_393 = arith.constant 0 : i32
      %dma_start3A_394 = tpu.memref_slice %arg3[%add3A_386, %dma_start3A_392, %dma_start3A_393] : memref<2560x2x128xi32, #tpu.memory_space<hbm>> -> memref<1x2x128xi32, #tpu.memory_space<hbm>>
      %dma_start3A_395 = tpu.memref_squeeze %dma_start3A_394 : memref<1x2x128xi32, #tpu.memory_space<hbm>> -> memref<2x128xi32, #tpu.memory_space<hbm>>
      %dma_start3A_396 = arith.constant 0 : i32
      %dma_start3A_397 = arith.constant 0 : i32
      %dma_start3A_398 = tpu.memref_slice %arg5[%dma_start3A_387, %dma_start3A_396, %dma_start3A_397] : memref<4x2x128xi32, #tpu.memory_space<vmem>> -> memref<1x2x128xi32, #tpu.memory_space<vmem>>
      %dma_start3A_399 = tpu.memref_squeeze %dma_start3A_398 : memref<1x2x128xi32, #tpu.memory_space<vmem>> -> memref<2x128xi32, #tpu.memory_space<vmem>>
      %dma_start3A_400 = arith.constant 0 : i32
      %dma_start3A_401 = arith.constant 0 : i32
      %dma_start3A_402 = tpu.memref_slice %arg3[%add3A_386, %dma_start3A_400, %dma_start3A_401] : memref<2560x2x128xi32, #tpu.memory_space<hbm>> -> memref<1x2x128xi32, #tpu.memory_space<hbm>>
      %dma_start3A_403 = tpu.memref_squeeze %dma_start3A_402 : memref<1x2x128xi32, #tpu.memory_space<hbm>> -> memref<2x128xi32, #tpu.memory_space<hbm>>
      tpu.enqueue_dma source(%dma_start3A_403 : memref<2x128xi32, #tpu.memory_space<hbm>>) target(%dma_start3A_399 : memref<2x128xi32, #tpu.memory_space<vmem>>) target_semaphore(%arg11 : memref<!tpu.dma_semaphore, #tpu.memory_space<semaphore_mem>>)
      %add3A_404 = arith.constant 2 : i32
      %add3A_405 = arith.addi %add3A_373, %add3A_404 : i32
      %add3A_406 = arith.addi %add3A, %add3A_405 : i32
      %dma_wait3A_407 = arith.constant 3 : i32
      %dma_wait3A_408 = arith.constant 0 : i32
      %dma_wait3A_409 = arith.constant 0 : i32
      %dma_wait3A_410 = tpu.memref_slice %arg5[%dma_wait3A_407, %dma_wait3A_408, %dma_wait3A_409] : memref<4x2x128xi32, #tpu.memory_space<vmem>> -> memref<1x2x128xi32, #tpu.memory_space<vmem>>
      %dma_wait3A_411 = tpu.memref_squeeze %dma_wait3A_410 : memref<1x2x128xi32, #tpu.memory_space<vmem>> -> memref<2x128xi32, #tpu.memory_space<vmem>>
      %dma_wait3A_412 = arith.constant 0 : i32
      %dma_wait3A_413 = arith.constant 0 : i32
      %dma_wait3A_414 = tpu.memref_slice %arg3[%add3A_406, %dma_wait3A_412, %dma_wait3A_413] : memref<2560x2x128xi32, #tpu.memory_space<hbm>> -> memref<1x2x128xi32, #tpu.memory_space<hbm>>
      %dma_wait3A_415 = tpu.memref_squeeze %dma_wait3A_414 : memref<1x2x128xi32, #tpu.memory_space<hbm>> -> memref<2x128xi32, #tpu.memory_space<hbm>>
      %dma_wait3A_416 = arith.constant 0 : i32
      %dma_wait3A_417 = arith.constant 0 : i32
      %dma_wait3A_418 = tpu.memref_slice %arg5[%dma_wait3A_407, %dma_wait3A_416, %dma_wait3A_417] : memref<4x2x128xi32, #tpu.memory_space<vmem>> -> memref<1x2x128xi32, #tpu.memory_space<vmem>>
      %dma_wait3A_419 = tpu.memref_squeeze %dma_wait3A_418 : memref<1x2x128xi32, #tpu.memory_space<vmem>> -> memref<2x128xi32, #tpu.memory_space<vmem>>
      %dma_wait3A_420 = arith.constant 0 : i32
      %dma_wait3A_421 = arith.constant 0 : i32
      %dma_wait3A_422 = tpu.memref_slice %arg3[%add3A_406, %dma_wait3A_420, %dma_wait3A_421] : memref<2560x2x128xi32, #tpu.memory_space<hbm>> -> memref<1x2x128xi32, #tpu.memory_space<hbm>>
      %dma_wait3A_423 = tpu.memref_squeeze %dma_wait3A_422 : memref<1x2x128xi32, #tpu.memory_space<hbm>> -> memref<2x128xi32, #tpu.memory_space<hbm>>
      tpu.wait_dma2 semaphore(%arg13 : memref<!tpu.dma_semaphore, #tpu.memory_space<semaphore_mem>>) src(%dma_wait3A_423 : memref<2x128xi32, #tpu.memory_space<hbm>>) dst(%dma_wait3A_419 : memref<2x128xi32, #tpu.memory_space<vmem>>)
      %add3A_424 = arith.constant 2 : i32
      %add3A_425 = arith.addi %add3A_373, %add3A_424 : i32
      %dma_start3A_426 = arith.constant 3 : i32
      %dma_start3A_427 = arith.constant 0 : i32
      %dma_start3A_428 = arith.constant 0 : i32
      %dma_start3A_429 = tpu.memref_slice %arg5[%dma_start3A_426, %dma_start3A_427, %dma_start3A_428] : memref<4x2x128xi32, #tpu.memory_space<vmem>> -> memref<1x1x128xi32, #tpu.memory_space<vmem>>
      %dma_start3A_430 = tpu.memref_squeeze %dma_start3A_429 : memref<1x1x128xi32, #tpu.memory_space<vmem>> -> memref<128xi32, #tpu.memory_space<vmem>>
      %dma_start3A_431 = arith.constant 0 : i32
      %dma_start3A_432 = arith.constant 0 : i32
      %dma_start3A_433 = tpu.memref_slice %arg2[%dma_start3A_431, %dma_start3A_432] : memref<10240x128xf32, #tpu.memory_space<hbm>> -> memref<10240x128xf32, #tpu.memory_space<hbm>>
      tpu.enqueue_indirect_dma source(%dma_start3A_433 : memref<10240x128xf32, #tpu.memory_space<hbm>>) target(%arg7 : memref<128x128xf32, #tpu.memory_space<vmem>>) offsets(%dma_start3A_430 : memref<128xi32, #tpu.memory_space<vmem>>) semaphore(%arg9 : memref<!tpu.dma_semaphore, #tpu.memory_space<semaphore_mem>>)
      %mul3A_434 = arith.constant 4 : i32
      %mul3A_435 = arith.muli %while3A_305, %mul3A_434 : i32
      %add3A_436 = arith.constant 2 : i32
      %add3A_437 = arith.addi %mul3A_435, %add3A_436 : i32
      %dma_wait3A_438 = arith.constant 2 : i32
      %dma_wait3A_439 = arith.constant 0 : i32
      %dma_wait3A_440 = arith.constant 0 : i32
      %dma_wait3A_441 = tpu.memref_slice %arg5[%dma_wait3A_438, %dma_wait3A_439, %dma_wait3A_440] : memref<4x2x128xi32, #tpu.memory_space<vmem>> -> memref<1x1x128xi32, #tpu.memory_space<vmem>>
      %dma_wait3A_442 = tpu.memref_squeeze %dma_wait3A_441 : memref<1x1x128xi32, #tpu.memory_space<vmem>> -> memref<128xi32, #tpu.memory_space<vmem>>
      %dma_wait3A_443 = arith.constant 0 : i32
      %dma_wait3A_444 = arith.constant 0 : i32
      %dma_wait3A_445 = tpu.memref_slice %arg2[%dma_wait3A_443, %dma_wait3A_444] : memref<10240x128xf32, #tpu.memory_space<hbm>> -> memref<10240x128xf32, #tpu.memory_space<hbm>>
      tpu.wait_indirect_dma semaphore(%arg8 : memref<!tpu.dma_semaphore, #tpu.memory_space<semaphore_mem>>) src(%dma_wait3A_445 : memref<10240x128xf32, #tpu.memory_space<hbm>>) dst(%arg6 : memref<128x128xf32, #tpu.memory_space<vmem>>)
      %run_scoped3A_446 = arith.constant 2 : i32
      %run_scoped3A_447 = arith.constant 1 : i32
      "tpu.region"() ({
        %run_scoped3A_562 = tpu.sem_alloc : memref<!tpu.dma_semaphore, #tpu.memory_space<semaphore_mem>>
        %dma_start3A_563 = arith.constant 0 : i32
        %dma_start3A_564 = tpu.memref_slice %arg5[%run_scoped3A_446, %run_scoped3A_447, %dma_start3A_563] : memref<4x2x128xi32, #tpu.memory_space<vmem>> -> memref<1x1x128xi32, #tpu.memory_space<vmem>>
        %dma_start3A_565 = tpu.memref_squeeze %dma_start3A_564 : memref<1x1x128xi32, #tpu.memory_space<vmem>> -> memref<128xi32, #tpu.memory_space<vmem>>
        %dma_start3A_566 = arith.constant 0 : i32
        %dma_start3A_567 = arith.constant 0 : i32
        %dma_start3A_568 = tpu.memref_slice %arg14[%dma_start3A_566, %dma_start3A_567] : memref<10240x128xf32, #tpu.memory_space<vmem_shared>> -> memref<10240x128xf32, #tpu.memory_space<vmem_shared>>
        tpu.enqueue_indirect_dma source(%arg6 : memref<128x128xf32, #tpu.memory_space<vmem>>) target(%dma_start3A_568 : memref<10240x128xf32, #tpu.memory_space<vmem_shared>>) offsets(%dma_start3A_565 : memref<128xi32, #tpu.memory_space<vmem>>) semaphore(%run_scoped3A_562 : memref<!tpu.dma_semaphore, #tpu.memory_space<semaphore_mem>>) {add = true}
        %dma_wait3A_569 = arith.constant 0 : i32
        %dma_wait3A_570 = tpu.memref_slice %arg5[%run_scoped3A_446, %run_scoped3A_447, %dma_wait3A_569] : memref<4x2x128xi32, #tpu.memory_space<vmem>> -> memref<1x1x128xi32, #tpu.memory_space<vmem>>
        %dma_wait3A_571 = tpu.memref_squeeze %dma_wait3A_570 : memref<1x1x128xi32, #tpu.memory_space<vmem>> -> memref<128xi32, #tpu.memory_space<vmem>>
        %dma_wait3A_572 = arith.constant 0 : i32
        %dma_wait3A_573 = arith.constant 0 : i32
        %dma_wait3A_574 = tpu.memref_slice %arg14[%dma_wait3A_572, %dma_wait3A_573] : memref<10240x128xf32, #tpu.memory_space<vmem_shared>> -> memref<10240x128xf32, #tpu.memory_space<vmem_shared>>
        tpu.wait_indirect_dma semaphore(%run_scoped3A_562 : memref<!tpu.dma_semaphore, #tpu.memory_space<semaphore_mem>>) src(%arg6 : memref<128x128xf32, #tpu.memory_space<vmem>>) dst(%dma_wait3A_574 : memref<10240x128xf32, #tpu.memory_space<vmem_shared>>)
        tpu.yield
      }) : () -> ()
      %add3A_448 = arith.constant 4 : i32
      %add3A_449 = arith.addi %add3A_437, %add3A_448 : i32
      %add3A_450 = arith.addi %add3A, %add3A_449 : i32
      %dma_start3A_451 = arith.constant 2 : i32
      %dma_start3A_452 = arith.constant 0 : i32
      %dma_start3A_453 = arith.constant 0 : i32
      %dma_start3A_454 = tpu.memref_slice %arg5[%dma_start3A_451, %dma_start3A_452, %dma_start3A_453] : memref<4x2x128xi32, #tpu.memory_space<vmem>> -> memref<1x2x128xi32, #tpu.memory_space<vmem>>
      %dma_start3A_455 = tpu.memref_squeeze %dma_start3A_454 : memref<1x2x128xi32, #tpu.memory_space<vmem>> -> memref<2x128xi32, #tpu.memory_space<vmem>>
      %dma_start3A_456 = arith.constant 0 : i32
      %dma_start3A_457 = arith.constant 0 : i32
      %dma_start3A_458 = tpu.memref_slice %arg3[%add3A_450, %dma_start3A_456, %dma_start3A_457] : memref<2560x2x128xi32, #tpu.memory_space<hbm>> -> memref<1x2x128xi32, #tpu.memory_space<hbm>>
      %dma_start3A_459 = tpu.memref_squeeze %dma_start3A_458 : memref<1x2x128xi32, #tpu.memory_space<hbm>> -> memref<2x128xi32, #tpu.memory_space<hbm>>
      %dma_start3A_460 = arith.constant 0 : i32
      %dma_start3A_461 = arith.constant 0 : i32
      %dma_start3A_462 = tpu.memref_slice %arg5[%dma_start3A_451, %dma_start3A_460, %dma_start3A_461] : memref<4x2x128xi32, #tpu.memory_space<vmem>> -> memref<1x2x128xi32, #tpu.memory_space<vmem>>
      %dma_start3A_463 = tpu.memref_squeeze %dma_start3A_462 : memref<1x2x128xi32, #tpu.memory_space<vmem>> -> memref<2x128xi32, #tpu.memory_space<vmem>>
      %dma_start3A_464 = arith.constant 0 : i32
      %dma_start3A_465 = arith.constant 0 : i32
      %dma_start3A_466 = tpu.memref_slice %arg3[%add3A_450, %dma_start3A_464, %dma_start3A_465] : memref<2560x2x128xi32, #tpu.memory_space<hbm>> -> memref<1x2x128xi32, #tpu.memory_space<hbm>>
      %dma_start3A_467 = tpu.memref_squeeze %dma_start3A_466 : memref<1x2x128xi32, #tpu.memory_space<hbm>> -> memref<2x128xi32, #tpu.memory_space<hbm>>
      tpu.enqueue_dma source(%dma_start3A_467 : memref<2x128xi32, #tpu.memory_space<hbm>>) target(%dma_start3A_463 : memref<2x128xi32, #tpu.memory_space<vmem>>) target_semaphore(%arg12 : memref<!tpu.dma_semaphore, #tpu.memory_space<semaphore_mem>>)
      %add3A_468 = arith.constant 2 : i32
      %add3A_469 = arith.addi %add3A_437, %add3A_468 : i32
      %add3A_470 = arith.addi %add3A, %add3A_469 : i32
      %dma_wait3A_471 = arith.constant 0 : i32
      %dma_wait3A_472 = arith.constant 0 : i32
      %dma_wait3A_473 = arith.constant 0 : i32
      %dma_wait3A_474 = tpu.memref_slice %arg5[%dma_wait3A_471, %dma_wait3A_472, %dma_wait3A_473] : memref<4x2x128xi32, #tpu.memory_space<vmem>> -> memref<1x2x128xi32, #tpu.memory_space<vmem>>
      %dma_wait3A_475 = tpu.memref_squeeze %dma_wait3A_474 : memref<1x2x128xi32, #tpu.memory_space<vmem>> -> memref<2x128xi32, #tpu.memory_space<vmem>>
      %dma_wait3A_476 = arith.constant 0 : i32
      %dma_wait3A_477 = arith.constant 0 : i32
      %dma_wait3A_478 = tpu.memref_slice %arg3[%add3A_470, %dma_wait3A_476, %dma_wait3A_477] : memref<2560x2x128xi32, #tpu.memory_space<hbm>> -> memref<1x2x128xi32, #tpu.memory_space<hbm>>
      %dma_wait3A_479 = tpu.memref_squeeze %dma_wait3A_478 : memref<1x2x128xi32, #tpu.memory_space<hbm>> -> memref<2x128xi32, #tpu.memory_space<hbm>>
      %dma_wait3A_480 = arith.constant 0 : i32
      %dma_wait3A_481 = arith.constant 0 : i32
      %dma_wait3A_482 = tpu.memref_slice %arg5[%dma_wait3A_471, %dma_wait3A_480, %dma_wait3A_481] : memref<4x2x128xi32, #tpu.memory_space<vmem>> -> memref<1x2x128xi32, #tpu.memory_space<vmem>>
      %dma_wait3A_483 = tpu.memref_squeeze %dma_wait3A_482 : memref<1x2x128xi32, #tpu.memory_space<vmem>> -> memref<2x128xi32, #tpu.memory_space<vmem>>
      %dma_wait3A_484 = arith.constant 0 : i32
      %dma_wait3A_485 = arith.constant 0 : i32
      %dma_wait3A_486 = tpu.memref_slice %arg3[%add3A_470, %dma_wait3A_484, %dma_wait3A_485] : memref<2560x2x128xi32, #tpu.memory_space<hbm>> -> memref<1x2x128xi32, #tpu.memory_space<hbm>>
      %dma_wait3A_487 = tpu.memref_squeeze %dma_wait3A_486 : memref<1x2x128xi32, #tpu.memory_space<hbm>> -> memref<2x128xi32, #tpu.memory_space<hbm>>
      tpu.wait_dma2 semaphore(%arg10 : memref<!tpu.dma_semaphore, #tpu.memory_space<semaphore_mem>>) src(%dma_wait3A_487 : memref<2x128xi32, #tpu.memory_space<hbm>>) dst(%dma_wait3A_483 : memref<2x128xi32, #tpu.memory_space<vmem>>)
      %add3A_488 = arith.constant 2 : i32
      %add3A_489 = arith.addi %add3A_437, %add3A_488 : i32
      %dma_start3A_490 = arith.constant 0 : i32
      %dma_start3A_491 = arith.constant 0 : i32
      %dma_start3A_492 = arith.constant 0 : i32
      %dma_start3A_493 = tpu.memref_slice %arg5[%dma_start3A_490, %dma_start3A_491, %dma_start3A_492] : memref<4x2x128xi32, #tpu.memory_space<vmem>> -> memref<1x1x128xi32, #tpu.memory_space<vmem>>
      %dma_start3A_494 = tpu.memref_squeeze %dma_start3A_493 : memref<1x1x128xi32, #tpu.memory_space<vmem>> -> memref<128xi32, #tpu.memory_space<vmem>>
      %dma_start3A_495 = arith.constant 0 : i32
      %dma_start3A_496 = arith.constant 0 : i32
      %dma_start3A_497 = tpu.memref_slice %arg2[%dma_start3A_495, %dma_start3A_496] : memref<10240x128xf32, #tpu.memory_space<hbm>> -> memref<10240x128xf32, #tpu.memory_space<hbm>>
      tpu.enqueue_indirect_dma source(%dma_start3A_497 : memref<10240x128xf32, #tpu.memory_space<hbm>>) target(%arg6 : memref<128x128xf32, #tpu.memory_space<vmem>>) offsets(%dma_start3A_494 : memref<128xi32, #tpu.memory_space<vmem>>) semaphore(%arg8 : memref<!tpu.dma_semaphore, #tpu.memory_space<semaphore_mem>>)
      %mul3A_498 = arith.constant 4 : i32
      %mul3A_499 = arith.muli %while3A_305, %mul3A_498 : i32
      %add3A_500 = arith.constant 3 : i32
      %add3A_501 = arith.addi %mul3A_499, %add3A_500 : i32
      %dma_wait3A_502 = arith.constant 3 : i32
      %dma_wait3A_503 = arith.constant 0 : i32
      %dma_wait3A_504 = arith.constant 0 : i32
      %dma_wait3A_505 = tpu.memref_slice %arg5[%dma_wait3A_502, %dma_wait3A_503, %dma_wait3A_504] : memref<4x2x128xi32, #tpu.memory_space<vmem>> -> memref<1x1x128xi32, #tpu.memory_space<vmem>>
      %dma_wait3A_506 = tpu.memref_squeeze %dma_wait3A_505 : memref<1x1x128xi32, #tpu.memory_space<vmem>> -> memref<128xi32, #tpu.memory_space<vmem>>
      %dma_wait3A_507 = arith.constant 0 : i32
      %dma_wait3A_508 = arith.constant 0 : i32
      %dma_wait3A_509 = tpu.memref_slice %arg2[%dma_wait3A_507, %dma_wait3A_508] : memref<10240x128xf32, #tpu.memory_space<hbm>> -> memref<10240x128xf32, #tpu.memory_space<hbm>>
      tpu.wait_indirect_dma semaphore(%arg9 : memref<!tpu.dma_semaphore, #tpu.memory_space<semaphore_mem>>) src(%dma_wait3A_509 : memref<10240x128xf32, #tpu.memory_space<hbm>>) dst(%arg7 : memref<128x128xf32, #tpu.memory_space<vmem>>)
      %run_scoped3A_510 = arith.constant 3 : i32
      %run_scoped3A_511 = arith.constant 1 : i32
      "tpu.region"() ({
        %run_scoped3A_562 = tpu.sem_alloc : memref<!tpu.dma_semaphore, #tpu.memory_space<semaphore_mem>>
        %dma_start3A_563 = arith.constant 0 : i32
        %dma_start3A_564 = tpu.memref_slice %arg5[%run_scoped3A_510, %run_scoped3A_511, %dma_start3A_563] : memref<4x2x128xi32, #tpu.memory_space<vmem>> -> memref<1x1x128xi32, #tpu.memory_space<vmem>>
        %dma_start3A_565 = tpu.memref_squeeze %dma_start3A_564 : memref<1x1x128xi32, #tpu.memory_space<vmem>> -> memref<128xi32, #tpu.memory_space<vmem>>
        %dma_start3A_566 = arith.constant 0 : i32
        %dma_start3A_567 = arith.constant 0 : i32
        %dma_start3A_568 = tpu.memref_slice %arg14[%dma_start3A_566, %dma_start3A_567] : memref<10240x128xf32, #tpu.memory_space<vmem_shared>> -> memref<10240x128xf32, #tpu.memory_space<vmem_shared>>
        tpu.enqueue_indirect_dma source(%arg7 : memref<128x128xf32, #tpu.memory_space<vmem>>) target(%dma_start3A_568 : memref<10240x128xf32, #tpu.memory_space<vmem_shared>>) offsets(%dma_start3A_565 : memref<128xi32, #tpu.memory_space<vmem>>) semaphore(%run_scoped3A_562 : memref<!tpu.dma_semaphore, #tpu.memory_space<semaphore_mem>>) {add = true}
        %dma_wait3A_569 = arith.constant 0 : i32
        %dma_wait3A_570 = tpu.memref_slice %arg5[%run_scoped3A_510, %run_scoped3A_511, %dma_wait3A_569] : memref<4x2x128xi32, #tpu.memory_space<vmem>> -> memref<1x1x128xi32, #tpu.memory_space<vmem>>
        %dma_wait3A_571 = tpu.memref_squeeze %dma_wait3A_570 : memref<1x1x128xi32, #tpu.memory_space<vmem>> -> memref<128xi32, #tpu.memory_space<vmem>>
        %dma_wait3A_572 = arith.constant 0 : i32
        %dma_wait3A_573 = arith.constant 0 : i32
        %dma_wait3A_574 = tpu.memref_slice %arg14[%dma_wait3A_572, %dma_wait3A_573] : memref<10240x128xf32, #tpu.memory_space<vmem_shared>> -> memref<10240x128xf32, #tpu.memory_space<vmem_shared>>
        tpu.wait_indirect_dma semaphore(%run_scoped3A_562 : memref<!tpu.dma_semaphore, #tpu.memory_space<semaphore_mem>>) src(%arg7 : memref<128x128xf32, #tpu.memory_space<vmem>>) dst(%dma_wait3A_574 : memref<10240x128xf32, #tpu.memory_space<vmem_shared>>)
        tpu.yield
      }) : () -> ()
      %add3A_512 = arith.constant 4 : i32
      %add3A_513 = arith.addi %add3A_501, %add3A_512 : i32
      %add3A_514 = arith.addi %add3A, %add3A_513 : i32
      %dma_start3A_515 = arith.constant 3 : i32
      %dma_start3A_516 = arith.constant 0 : i32
      %dma_start3A_517 = arith.constant 0 : i32
      %dma_start3A_518 = tpu.memref_slice %arg5[%dma_start3A_515, %dma_start3A_516, %dma_start3A_517] : memref<4x2x128xi32, #tpu.memory_space<vmem>> -> memref<1x2x128xi32, #tpu.memory_space<vmem>>
      %dma_start3A_519 = tpu.memref_squeeze %dma_start3A_518 : memref<1x2x128xi32, #tpu.memory_space<vmem>> -> memref<2x128xi32, #tpu.memory_space<vmem>>
      %dma_start3A_520 = arith.constant 0 : i32
      %dma_start3A_521 = arith.constant 0 : i32
      %dma_start3A_522 = tpu.memref_slice %arg3[%add3A_514, %dma_start3A_520, %dma_start3A_521] : memref<2560x2x128xi32, #tpu.memory_space<hbm>> -> memref<1x2x128xi32, #tpu.memory_space<hbm>>
      %dma_start3A_523 = tpu.memref_squeeze %dma_start3A_522 : memref<1x2x128xi32, #tpu.memory_space<hbm>> -> memref<2x128xi32, #tpu.memory_space<hbm>>
      %dma_start3A_524 = arith.constant 0 : i32
      %dma_start3A_525 = arith.constant 0 : i32
      %dma_start3A_526 = tpu.memref_slice %arg5[%dma_start3A_515, %dma_start3A_524, %dma_start3A_525] : memref<4x2x128xi32, #tpu.memory_space<vmem>> -> memref<1x2x128xi32, #tpu.memory_space<vmem>>
      %dma_start3A_527 = tpu.memref_squeeze %dma_start3A_526 : memref<1x2x128xi32, #tpu.memory_space<vmem>> -> memref<2x128xi32, #tpu.memory_space<vmem>>
      %dma_start3A_528 = arith.constant 0 : i32
      %dma_start3A_529 = arith.constant 0 : i32
      %dma_start3A_530 = tpu.memref_slice %arg3[%add3A_514, %dma_start3A_528, %dma_start3A_529] : memref<2560x2x128xi32, #tpu.memory_space<hbm>> -> memref<1x2x128xi32, #tpu.memory_space<hbm>>
      %dma_start3A_531 = tpu.memref_squeeze %dma_start3A_530 : memref<1x2x128xi32, #tpu.memory_space<hbm>> -> memref<2x128xi32, #tpu.memory_space<hbm>>
      tpu.enqueue_dma source(%dma_start3A_531 : memref<2x128xi32, #tpu.memory_space<hbm>>) target(%dma_start3A_527 : memref<2x128xi32, #tpu.memory_space<vmem>>) target_semaphore(%arg13 : memref<!tpu.dma_semaphore, #tpu.memory_space<semaphore_mem>>)
      %add3A_532 = arith.constant 2 : i32
      %add3A_533 = arith.addi %add3A_501, %add3A_532 : i32
      %add3A_534 = arith.addi %add3A, %add3A_533 : i32
      %dma_wait3A_535 = arith.constant 1 : i32
      %dma_wait3A_536 = arith.constant 0 : i32
      %dma_wait3A_537 = arith.constant 0 : i32
      %dma_wait3A_538 = tpu.memref_slice %arg5[%dma_wait3A_535, %dma_wait3A_536, %dma_wait3A_537] : memref<4x2x128xi32, #tpu.memory_space<vmem>> -> memref<1x2x128xi32, #tpu.memory_space<vmem>>
      %dma_wait3A_539 = tpu.memref_squeeze %dma_wait3A_538 : memref<1x2x128xi32, #tpu.memory_space<vmem>> -> memref<2x128xi32, #tpu.memory_space<vmem>>
      %dma_wait3A_540 = arith.constant 0 : i32
      %dma_wait3A_541 = arith.constant 0 : i32
      %dma_wait3A_542 = tpu.memref_slice %arg3[%add3A_534, %dma_wait3A_540, %dma_wait3A_541] : memref<2560x2x128xi32, #tpu.memory_space<hbm>> -> memref<1x2x128xi32, #tpu.memory_space<hbm>>
      %dma_wait3A_543 = tpu.memref_squeeze %dma_wait3A_542 : memref<1x2x128xi32, #tpu.memory_space<hbm>> -> memref<2x128xi32, #tpu.memory_space<hbm>>
      %dma_wait3A_544 = arith.constant 0 : i32
      %dma_wait3A_545 = arith.constant 0 : i32
      %dma_wait3A_546 = tpu.memref_slice %arg5[%dma_wait3A_535, %dma_wait3A_544, %dma_wait3A_545] : memref<4x2x128xi32, #tpu.memory_space<vmem>> -> memref<1x2x128xi32, #tpu.memory_space<vmem>>
      %dma_wait3A_547 = tpu.memref_squeeze %dma_wait3A_546 : memref<1x2x128xi32, #tpu.memory_space<vmem>> -> memref<2x128xi32, #tpu.memory_space<vmem>>
      %dma_wait3A_548 = arith.constant 0 : i32
      %dma_wait3A_549 = arith.constant 0 : i32
      %dma_wait3A_550 = tpu.memref_slice %arg3[%add3A_534, %dma_wait3A_548, %dma_wait3A_549] : memref<2560x2x128xi32, #tpu.memory_space<hbm>> -> memref<1x2x128xi32, #tpu.memory_space<hbm>>
      %dma_wait3A_551 = tpu.memref_squeeze %dma_wait3A_550 : memref<1x2x128xi32, #tpu.memory_space<hbm>> -> memref<2x128xi32, #tpu.memory_space<hbm>>
      tpu.wait_dma2 semaphore(%arg11 : memref<!tpu.dma_semaphore, #tpu.memory_space<semaphore_mem>>) src(%dma_wait3A_551 : memref<2x128xi32, #tpu.memory_space<hbm>>) dst(%dma_wait3A_547 : memref<2x128xi32, #tpu.memory_space<vmem>>)
      %add3A_552 = arith.constant 2 : i32
      %add3A_553 = arith.addi %add3A_501, %add3A_552 : i32
      %dma_start3A_554 = arith.constant 1 : i32
      %dma_start3A_555 = arith.constant 0 : i32
      %dma_start3A_556 = arith.constant 0 : i32
      %dma_start3A_557 = tpu.memref_slice %arg5[%dma_start3A_554, %dma_start3A_555, %dma_start3A_556] : memref<4x2x128xi32, #tpu.memory_space<vmem>> -> memref<1x1x128xi32, #tpu.memory_space<vmem>>
      %dma_start3A_558 = tpu.memref_squeeze %dma_start3A_557 : memref<1x1x128xi32, #tpu.memory_space<vmem>> -> memref<128xi32, #tpu.memory_space<vmem>>
      %dma_start3A_559 = arith.constant 0 : i32
      %dma_start3A_560 = arith.constant 0 : i32
      %dma_start3A_561 = tpu.memref_slice %arg2[%dma_start3A_559, %dma_start3A_560] : memref<10240x128xf32, #tpu.memory_space<hbm>> -> memref<10240x128xf32, #tpu.memory_space<hbm>>
      tpu.enqueue_indirect_dma source(%dma_start3A_561 : memref<10240x128xf32, #tpu.memory_space<hbm>>) target(%arg7 : memref<128x128xf32, #tpu.memory_space<vmem>>) offsets(%dma_start3A_558 : memref<128xi32, #tpu.memory_space<vmem>>) semaphore(%arg9 : memref<!tpu.dma_semaphore, #tpu.memory_space<semaphore_mem>>)
    }
    %sub3A_185 = arith.constant 4 : i32
    %sub3A_186 = arith.subi %select_n3A, %sub3A_185 : i32
    %add3A_187 = arith.constant 0 : i32
    %add3A_188 = arith.addi %sub3A_186, %add3A_187 : i32
    %dma_wait3A_189 = arith.constant 0 : i32
    %dma_wait3A_190 = arith.constant 0 : i32
    %dma_wait3A_191 = arith.constant 0 : i32
    %dma_wait3A_192 = tpu.memref_slice %arg5[%dma_wait3A_189, %dma_wait3A_190, %dma_wait3A_191] : memref<4x2x128xi32, #tpu.memory_space<vmem>> -> memref<1x1x128xi32, #tpu.memory_space<vmem>>
    %dma_wait3A_193 = tpu.memref_squeeze %dma_wait3A_192 : memref<1x1x128xi32, #tpu.memory_space<vmem>> -> memref<128xi32, #tpu.memory_space<vmem>>
    %dma_wait3A_194 = arith.constant 0 : i32
    %dma_wait3A_195 = arith.constant 0 : i32
    %dma_wait3A_196 = tpu.memref_slice %arg2[%dma_wait3A_194, %dma_wait3A_195] : memref<10240x128xf32, #tpu.memory_space<hbm>> -> memref<10240x128xf32, #tpu.memory_space<hbm>>
    tpu.wait_indirect_dma semaphore(%arg8 : memref<!tpu.dma_semaphore, #tpu.memory_space<semaphore_mem>>) src(%dma_wait3A_196 : memref<10240x128xf32, #tpu.memory_space<hbm>>) dst(%arg6 : memref<128x128xf32, #tpu.memory_space<vmem>>)
    %run_scoped3A = arith.constant 0 : i32
    %run_scoped3A_197 = arith.constant 1 : i32
    "tpu.region"() ({
      %run_scoped3A_305 = tpu.sem_alloc : memref<!tpu.dma_semaphore, #tpu.memory_space<semaphore_mem>>
      %dma_start3A_306 = arith.constant 0 : i32
      %dma_start3A_307 = tpu.memref_slice %arg5[%run_scoped3A, %run_scoped3A_197, %dma_start3A_306] : memref<4x2x128xi32, #tpu.memory_space<vmem>> -> memref<1x1x128xi32, #tpu.memory_space<vmem>>
      %dma_start3A_308 = tpu.memref_squeeze %dma_start3A_307 : memref<1x1x128xi32, #tpu.memory_space<vmem>> -> memref<128xi32, #tpu.memory_space<vmem>>
      %dma_start3A_309 = arith.constant 0 : i32
      %dma_start3A_310 = arith.constant 0 : i32
      %dma_start3A_311 = tpu.memref_slice %arg14[%dma_start3A_309, %dma_start3A_310] : memref<10240x128xf32, #tpu.memory_space<vmem_shared>> -> memref<10240x128xf32, #tpu.memory_space<vmem_shared>>
      tpu.enqueue_indirect_dma source(%arg6 : memref<128x128xf32, #tpu.memory_space<vmem>>) target(%dma_start3A_311 : memref<10240x128xf32, #tpu.memory_space<vmem_shared>>) offsets(%dma_start3A_308 : memref<128xi32, #tpu.memory_space<vmem>>) semaphore(%run_scoped3A_305 : memref<!tpu.dma_semaphore, #tpu.memory_space<semaphore_mem>>) {add = true}
      %dma_wait3A_312 = arith.constant 0 : i32
      %dma_wait3A_313 = tpu.memref_slice %arg5[%run_scoped3A, %run_scoped3A_197, %dma_wait3A_312] : memref<4x2x128xi32, #tpu.memory_space<vmem>> -> memref<1x1x128xi32, #tpu.memory_space<vmem>>
      %dma_wait3A_314 = tpu.memref_squeeze %dma_wait3A_313 : memref<1x1x128xi32, #tpu.memory_space<vmem>> -> memref<128xi32, #tpu.memory_space<vmem>>
      %dma_wait3A_315 = arith.constant 0 : i32
      %dma_wait3A_316 = arith.constant 0 : i32
      %dma_wait3A_317 = tpu.memref_slice %arg14[%dma_wait3A_315, %dma_wait3A_316] : memref<10240x128xf32, #tpu.memory_space<vmem_shared>> -> memref<10240x128xf32, #tpu.memory_space<vmem_shared>>
      tpu.wait_indirect_dma semaphore(%run_scoped3A_305 : memref<!tpu.dma_semaphore, #tpu.memory_space<semaphore_mem>>) src(%arg6 : memref<128x128xf32, #tpu.memory_space<vmem>>) dst(%dma_wait3A_317 : memref<10240x128xf32, #tpu.memory_space<vmem_shared>>)
      tpu.yield
    }) : () -> ()
    %add3A_198 = arith.constant 2 : i32
    %add3A_199 = arith.addi %add3A_188, %add3A_198 : i32
    %add3A_200 = arith.addi %add3A, %add3A_199 : i32
    %dma_wait3A_201 = arith.constant 2 : i32
    %dma_wait3A_202 = arith.constant 0 : i32
    %dma_wait3A_203 = arith.constant 0 : i32
    %dma_wait3A_204 = tpu.memref_slice %arg5[%dma_wait3A_201, %dma_wait3A_202, %dma_wait3A_203] : memref<4x2x128xi32, #tpu.memory_space<vmem>> -> memref<1x2x128xi32, #tpu.memory_space<vmem>>
    %dma_wait3A_205 = tpu.memref_squeeze %dma_wait3A_204 : memref<1x2x128xi32, #tpu.memory_space<vmem>> -> memref<2x128xi32, #tpu.memory_space<vmem>>
    %dma_wait3A_206 = arith.constant 0 : i32
    %dma_wait3A_207 = arith.constant 0 : i32
    %dma_wait3A_208 = tpu.memref_slice %arg3[%add3A_200, %dma_wait3A_206, %dma_wait3A_207] : memref<2560x2x128xi32, #tpu.memory_space<hbm>> -> memref<1x2x128xi32, #tpu.memory_space<hbm>>
    %dma_wait3A_209 = tpu.memref_squeeze %dma_wait3A_208 : memref<1x2x128xi32, #tpu.memory_space<hbm>> -> memref<2x128xi32, #tpu.memory_space<hbm>>
    %dma_wait3A_210 = arith.constant 0 : i32
    %dma_wait3A_211 = arith.constant 0 : i32
    %dma_wait3A_212 = tpu.memref_slice %arg5[%dma_wait3A_201, %dma_wait3A_210, %dma_wait3A_211] : memref<4x2x128xi32, #tpu.memory_space<vmem>> -> memref<1x2x128xi32, #tpu.memory_space<vmem>>
    %dma_wait3A_213 = tpu.memref_squeeze %dma_wait3A_212 : memref<1x2x128xi32, #tpu.memory_space<vmem>> -> memref<2x128xi32, #tpu.memory_space<vmem>>
    %dma_wait3A_214 = arith.constant 0 : i32
    %dma_wait3A_215 = arith.constant 0 : i32
    %dma_wait3A_216 = tpu.memref_slice %arg3[%add3A_200, %dma_wait3A_214, %dma_wait3A_215] : memref<2560x2x128xi32, #tpu.memory_space<hbm>> -> memref<1x2x128xi32, #tpu.memory_space<hbm>>
    %dma_wait3A_217 = tpu.memref_squeeze %dma_wait3A_216 : memref<1x2x128xi32, #tpu.memory_space<hbm>> -> memref<2x128xi32, #tpu.memory_space<hbm>>
    tpu.wait_dma2 semaphore(%arg12 : memref<!tpu.dma_semaphore, #tpu.memory_space<semaphore_mem>>) src(%dma_wait3A_217 : memref<2x128xi32, #tpu.memory_space<hbm>>) dst(%dma_wait3A_213 : memref<2x128xi32, #tpu.memory_space<vmem>>)
    %add3A_218 = arith.constant 2 : i32
    %add3A_219 = arith.addi %add3A_188, %add3A_218 : i32
    %dma_start3A_220 = arith.constant 2 : i32
    %dma_start3A_221 = arith.constant 0 : i32
    %dma_start3A_222 = arith.constant 0 : i32
    %dma_start3A_223 = tpu.memref_slice %arg5[%dma_start3A_220, %dma_start3A_221, %dma_start3A_222] : memref<4x2x128xi32, #tpu.memory_space<vmem>> -> memref<1x1x128xi32, #tpu.memory_space<vmem>>
    %dma_start3A_224 = tpu.memref_squeeze %dma_start3A_223 : memref<1x1x128xi32, #tpu.memory_space<vmem>> -> memref<128xi32, #tpu.memory_space<vmem>>
    %dma_start3A_225 = arith.constant 0 : i32
    %dma_start3A_226 = arith.constant 0 : i32
    %dma_start3A_227 = tpu.memref_slice %arg2[%dma_start3A_225, %dma_start3A_226] : memref<10240x128xf32, #tpu.memory_space<hbm>> -> memref<10240x128xf32, #tpu.memory_space<hbm>>
    tpu.enqueue_indirect_dma source(%dma_start3A_227 : memref<10240x128xf32, #tpu.memory_space<hbm>>) target(%arg6 : memref<128x128xf32, #tpu.memory_space<vmem>>) offsets(%dma_start3A_224 : memref<128xi32, #tpu.memory_space<vmem>>) semaphore(%arg8 : memref<!tpu.dma_semaphore, #tpu.memory_space<semaphore_mem>>)
    %sub3A_228 = arith.constant 4 : i32
    %sub3A_229 = arith.subi %select_n3A, %sub3A_228 : i32
    %add3A_230 = arith.constant 1 : i32
    %add3A_231 = arith.addi %sub3A_229, %add3A_230 : i32
    %dma_wait3A_232 = arith.constant 1 : i32
    %dma_wait3A_233 = arith.constant 0 : i32
    %dma_wait3A_234 = arith.constant 0 : i32
    %dma_wait3A_235 = tpu.memref_slice %arg5[%dma_wait3A_232, %dma_wait3A_233, %dma_wait3A_234] : memref<4x2x128xi32, #tpu.memory_space<vmem>> -> memref<1x1x128xi32, #tpu.memory_space<vmem>>
    %dma_wait3A_236 = tpu.memref_squeeze %dma_wait3A_235 : memref<1x1x128xi32, #tpu.memory_space<vmem>> -> memref<128xi32, #tpu.memory_space<vmem>>
    %dma_wait3A_237 = arith.constant 0 : i32
    %dma_wait3A_238 = arith.constant 0 : i32
    %dma_wait3A_239 = tpu.memref_slice %arg2[%dma_wait3A_237, %dma_wait3A_238] : memref<10240x128xf32, #tpu.memory_space<hbm>> -> memref<10240x128xf32, #tpu.memory_space<hbm>>
    tpu.wait_indirect_dma semaphore(%arg9 : memref<!tpu.dma_semaphore, #tpu.memory_space<semaphore_mem>>) src(%dma_wait3A_239 : memref<10240x128xf32, #tpu.memory_space<hbm>>) dst(%arg7 : memref<128x128xf32, #tpu.memory_space<vmem>>)
    %run_scoped3A_240 = arith.constant 1 : i32
    %run_scoped3A_241 = arith.constant 1 : i32
    "tpu.region"() ({
      %run_scoped3A_305 = tpu.sem_alloc : memref<!tpu.dma_semaphore, #tpu.memory_space<semaphore_mem>>
      %dma_start3A_306 = arith.constant 0 : i32
      %dma_start3A_307 = tpu.memref_slice %arg5[%run_scoped3A_240, %run_scoped3A_241, %dma_start3A_306] : memref<4x2x128xi32, #tpu.memory_space<vmem>> -> memref<1x1x128xi32, #tpu.memory_space<vmem>>
      %dma_start3A_308 = tpu.memref_squeeze %dma_start3A_307 : memref<1x1x128xi32, #tpu.memory_space<vmem>> -> memref<128xi32, #tpu.memory_space<vmem>>
      %dma_start3A_309 = arith.constant 0 : i32
      %dma_start3A_310 = arith.constant 0 : i32
      %dma_start3A_311 = tpu.memref_slice %arg14[%dma_start3A_309, %dma_start3A_310] : memref<10240x128xf32, #tpu.memory_space<vmem_shared>> -> memref<10240x128xf32, #tpu.memory_space<vmem_shared>>
      tpu.enqueue_indirect_dma source(%arg7 : memref<128x128xf32, #tpu.memory_space<vmem>>) target(%dma_start3A_311 : memref<10240x128xf32, #tpu.memory_space<vmem_shared>>) offsets(%dma_start3A_308 : memref<128xi32, #tpu.memory_space<vmem>>) semaphore(%run_scoped3A_305 : memref<!tpu.dma_semaphore, #tpu.memory_space<semaphore_mem>>) {add = true}
      %dma_wait3A_312 = arith.constant 0 : i32
      %dma_wait3A_313 = tpu.memref_slice %arg5[%run_scoped3A_240, %run_scoped3A_241, %dma_wait3A_312] : memref<4x2x128xi32, #tpu.memory_space<vmem>> -> memref<1x1x128xi32, #tpu.memory_space<vmem>>
      %dma_wait3A_314 = tpu.memref_squeeze %dma_wait3A_313 : memref<1x1x128xi32, #tpu.memory_space<vmem>> -> memref<128xi32, #tpu.memory_space<vmem>>
      %dma_wait3A_315 = arith.constant 0 : i32
      %dma_wait3A_316 = arith.constant 0 : i32
      %dma_wait3A_317 = tpu.memref_slice %arg14[%dma_wait3A_315, %dma_wait3A_316] : memref<10240x128xf32, #tpu.memory_space<vmem_shared>> -> memref<10240x128xf32, #tpu.memory_space<vmem_shared>>
      tpu.wait_indirect_dma semaphore(%run_scoped3A_305 : memref<!tpu.dma_semaphore, #tpu.memory_space<semaphore_mem>>) src(%arg7 : memref<128x128xf32, #tpu.memory_space<vmem>>) dst(%dma_wait3A_317 : memref<10240x128xf32, #tpu.memory_space<vmem_shared>>)
      tpu.yield
    }) : () -> ()
    %add3A_242 = arith.constant 2 : i32
    %add3A_243 = arith.addi %add3A_231, %add3A_242 : i32
    %add3A_244 = arith.addi %add3A, %add3A_243 : i32
    %dma_wait3A_245 = arith.constant 3 : i32
    %dma_wait3A_246 = arith.constant 0 : i32
    %dma_wait3A_247 = arith.constant 0 : i32
    %dma_wait3A_248 = tpu.memref_slice %arg5[%dma_wait3A_245, %dma_wait3A_246, %dma_wait3A_247] : memref<4x2x128xi32, #tpu.memory_space<vmem>> -> memref<1x2x128xi32, #tpu.memory_space<vmem>>
    %dma_wait3A_249 = tpu.memref_squeeze %dma_wait3A_248 : memref<1x2x128xi32, #tpu.memory_space<vmem>> -> memref<2x128xi32, #tpu.memory_space<vmem>>
    %dma_wait3A_250 = arith.constant 0 : i32
    %dma_wait3A_251 = arith.constant 0 : i32
    %dma_wait3A_252 = tpu.memref_slice %arg3[%add3A_244, %dma_wait3A_250, %dma_wait3A_251] : memref<2560x2x128xi32, #tpu.memory_space<hbm>> -> memref<1x2x128xi32, #tpu.memory_space<hbm>>
    %dma_wait3A_253 = tpu.memref_squeeze %dma_wait3A_252 : memref<1x2x128xi32, #tpu.memory_space<hbm>> -> memref<2x128xi32, #tpu.memory_space<hbm>>
    %dma_wait3A_254 = arith.constant 0 : i32
    %dma_wait3A_255 = arith.constant 0 : i32
    %dma_wait3A_256 = tpu.memref_slice %arg5[%dma_wait3A_245, %dma_wait3A_254, %dma_wait3A_255] : memref<4x2x128xi32, #tpu.memory_space<vmem>> -> memref<1x2x128xi32, #tpu.memory_space<vmem>>
    %dma_wait3A_257 = tpu.memref_squeeze %dma_wait3A_256 : memref<1x2x128xi32, #tpu.memory_space<vmem>> -> memref<2x128xi32, #tpu.memory_space<vmem>>
    %dma_wait3A_258 = arith.constant 0 : i32
    %dma_wait3A_259 = arith.constant 0 : i32
    %dma_wait3A_260 = tpu.memref_slice %arg3[%add3A_244, %dma_wait3A_258, %dma_wait3A_259] : memref<2560x2x128xi32, #tpu.memory_space<hbm>> -> memref<1x2x128xi32, #tpu.memory_space<hbm>>
    %dma_wait3A_261 = tpu.memref_squeeze %dma_wait3A_260 : memref<1x2x128xi32, #tpu.memory_space<hbm>> -> memref<2x128xi32, #tpu.memory_space<hbm>>
    tpu.wait_dma2 semaphore(%arg13 : memref<!tpu.dma_semaphore, #tpu.memory_space<semaphore_mem>>) src(%dma_wait3A_261 : memref<2x128xi32, #tpu.memory_space<hbm>>) dst(%dma_wait3A_257 : memref<2x128xi32, #tpu.memory_space<vmem>>)
    %add3A_262 = arith.constant 2 : i32
    %add3A_263 = arith.addi %add3A_231, %add3A_262 : i32
    %dma_start3A_264 = arith.constant 3 : i32
    %dma_start3A_265 = arith.constant 0 : i32
    %dma_start3A_266 = arith.constant 0 : i32
    %dma_start3A_267 = tpu.memref_slice %arg5[%dma_start3A_264, %dma_start3A_265, %dma_start3A_266] : memref<4x2x128xi32, #tpu.memory_space<vmem>> -> memref<1x1x128xi32, #tpu.memory_space<vmem>>
    %dma_start3A_268 = tpu.memref_squeeze %dma_start3A_267 : memref<1x1x128xi32, #tpu.memory_space<vmem>> -> memref<128xi32, #tpu.memory_space<vmem>>
    %dma_start3A_269 = arith.constant 0 : i32
    %dma_start3A_270 = arith.constant 0 : i32
    %dma_start3A_271 = tpu.memref_slice %arg2[%dma_start3A_269, %dma_start3A_270] : memref<10240x128xf32, #tpu.memory_space<hbm>> -> memref<10240x128xf32, #tpu.memory_space<hbm>>
    tpu.enqueue_indirect_dma source(%dma_start3A_271 : memref<10240x128xf32, #tpu.memory_space<hbm>>) target(%arg7 : memref<128x128xf32, #tpu.memory_space<vmem>>) offsets(%dma_start3A_268 : memref<128xi32, #tpu.memory_space<vmem>>) semaphore(%arg9 : memref<!tpu.dma_semaphore, #tpu.memory_space<semaphore_mem>>)
    %sub3A_272 = arith.constant 4 : i32
    %sub3A_273 = arith.subi %select_n3A, %sub3A_272 : i32
    %add3A_274 = arith.constant 2 : i32
    %add3A_275 = arith.addi %sub3A_273, %add3A_274 : i32
    %dma_wait3A_276 = arith.constant 2 : i32
    %dma_wait3A_277 = arith.constant 0 : i32
    %dma_wait3A_278 = arith.constant 0 : i32
    %dma_wait3A_279 = tpu.memref_slice %arg5[%dma_wait3A_276, %dma_wait3A_277, %dma_wait3A_278] : memref<4x2x128xi32, #tpu.memory_space<vmem>> -> memref<1x1x128xi32, #tpu.memory_space<vmem>>
    %dma_wait3A_280 = tpu.memref_squeeze %dma_wait3A_279 : memref<1x1x128xi32, #tpu.memory_space<vmem>> -> memref<128xi32, #tpu.memory_space<vmem>>
    %dma_wait3A_281 = arith.constant 0 : i32
    %dma_wait3A_282 = arith.constant 0 : i32
    %dma_wait3A_283 = tpu.memref_slice %arg2[%dma_wait3A_281, %dma_wait3A_282] : memref<10240x128xf32, #tpu.memory_space<hbm>> -> memref<10240x128xf32, #tpu.memory_space<hbm>>
    tpu.wait_indirect_dma semaphore(%arg8 : memref<!tpu.dma_semaphore, #tpu.memory_space<semaphore_mem>>) src(%dma_wait3A_283 : memref<10240x128xf32, #tpu.memory_space<hbm>>) dst(%arg6 : memref<128x128xf32, #tpu.memory_space<vmem>>)
    %run_scoped3A_284 = arith.constant 2 : i32
    %run_scoped3A_285 = arith.constant 1 : i32
    "tpu.region"() ({
      %run_scoped3A_305 = tpu.sem_alloc : memref<!tpu.dma_semaphore, #tpu.memory_space<semaphore_mem>>
      %dma_start3A_306 = arith.constant 0 : i32
      %dma_start3A_307 = tpu.memref_slice %arg5[%run_scoped3A_284, %run_scoped3A_285, %dma_start3A_306] : memref<4x2x128xi32, #tpu.memory_space<vmem>> -> memref<1x1x128xi32, #tpu.memory_space<vmem>>
      %dma_start3A_308 = tpu.memref_squeeze %dma_start3A_307 : memref<1x1x128xi32, #tpu.memory_space<vmem>> -> memref<128xi32, #tpu.memory_space<vmem>>
      %dma_start3A_309 = arith.constant 0 : i32
      %dma_start3A_310 = arith.constant 0 : i32
      %dma_start3A_311 = tpu.memref_slice %arg14[%dma_start3A_309, %dma_start3A_310] : memref<10240x128xf32, #tpu.memory_space<vmem_shared>> -> memref<10240x128xf32, #tpu.memory_space<vmem_shared>>
      tpu.enqueue_indirect_dma source(%arg6 : memref<128x128xf32, #tpu.memory_space<vmem>>) target(%dma_start3A_311 : memref<10240x128xf32, #tpu.memory_space<vmem_shared>>) offsets(%dma_start3A_308 : memref<128xi32, #tpu.memory_space<vmem>>) semaphore(%run_scoped3A_305 : memref<!tpu.dma_semaphore, #tpu.memory_space<semaphore_mem>>) {add = true}
      %dma_wait3A_312 = arith.constant 0 : i32
      %dma_wait3A_313 = tpu.memref_slice %arg5[%run_scoped3A_284, %run_scoped3A_285, %dma_wait3A_312] : memref<4x2x128xi32, #tpu.memory_space<vmem>> -> memref<1x1x128xi32, #tpu.memory_space<vmem>>
      %dma_wait3A_314 = tpu.memref_squeeze %dma_wait3A_313 : memref<1x1x128xi32, #tpu.memory_space<vmem>> -> memref<128xi32, #tpu.memory_space<vmem>>
      %dma_wait3A_315 = arith.constant 0 : i32
      %dma_wait3A_316 = arith.constant 0 : i32
      %dma_wait3A_317 = tpu.memref_slice %arg14[%dma_wait3A_315, %dma_wait3A_316] : memref<10240x128xf32, #tpu.memory_space<vmem_shared>> -> memref<10240x128xf32, #tpu.memory_space<vmem_shared>>
      tpu.wait_indirect_dma semaphore(%run_scoped3A_305 : memref<!tpu.dma_semaphore, #tpu.memory_space<semaphore_mem>>) src(%arg6 : memref<128x128xf32, #tpu.memory_space<vmem>>) dst(%dma_wait3A_317 : memref<10240x128xf32, #tpu.memory_space<vmem_shared>>)
      tpu.yield
    }) : () -> ()
    %sub3A_286 = arith.constant 4 : i32
    %sub3A_287 = arith.subi %select_n3A, %sub3A_286 : i32
    %add3A_288 = arith.constant 3 : i32
    %add3A_289 = arith.addi %sub3A_287, %add3A_288 : i32
    %dma_wait3A_290 = arith.constant 3 : i32
    %dma_wait3A_291 = arith.constant 0 : i32
    %dma_wait3A_292 = arith.constant 0 : i32
    %dma_wait3A_293 = tpu.memref_slice %arg5[%dma_wait3A_290, %dma_wait3A_291, %dma_wait3A_292] : memref<4x2x128xi32, #tpu.memory_space<vmem>> -> memref<1x1x128xi32, #tpu.memory_space<vmem>>
    %dma_wait3A_294 = tpu.memref_squeeze %dma_wait3A_293 : memref<1x1x128xi32, #tpu.memory_space<vmem>> -> memref<128xi32, #tpu.memory_space<vmem>>
    %dma_wait3A_295 = arith.constant 0 : i32
    %dma_wait3A_296 = arith.constant 0 : i32
    %dma_wait3A_297 = tpu.memref_slice %arg2[%dma_wait3A_295, %dma_wait3A_296] : memref<10240x128xf32, #tpu.memory_space<hbm>> -> memref<10240x128xf32, #tpu.memory_space<hbm>>
    tpu.wait_indirect_dma semaphore(%arg9 : memref<!tpu.dma_semaphore, #tpu.memory_space<semaphore_mem>>) src(%dma_wait3A_297 : memref<10240x128xf32, #tpu.memory_space<hbm>>) dst(%arg7 : memref<128x128xf32, #tpu.memory_space<vmem>>)
    %run_scoped3A_298 = arith.constant 3 : i32
    %run_scoped3A_299 = arith.constant 1 : i32
    "tpu.region"() ({
      %run_scoped3A_305 = tpu.sem_alloc : memref<!tpu.dma_semaphore, #tpu.memory_space<semaphore_mem>>
      %dma_start3A_306 = arith.constant 0 : i32
      %dma_start3A_307 = tpu.memref_slice %arg5[%run_scoped3A_298, %run_scoped3A_299, %dma_start3A_306] : memref<4x2x128xi32, #tpu.memory_space<vmem>> -> memref<1x1x128xi32, #tpu.memory_space<vmem>>
      %dma_start3A_308 = tpu.memref_squeeze %dma_start3A_307 : memref<1x1x128xi32, #tpu.memory_space<vmem>> -> memref<128xi32, #tpu.memory_space<vmem>>
      %dma_start3A_309 = arith.constant 0 : i32
      %dma_start3A_310 = arith.constant 0 : i32
      %dma_start3A_311 = tpu.memref_slice %arg14[%dma_start3A_309, %dma_start3A_310] : memref<10240x128xf32, #tpu.memory_space<vmem_shared>> -> memref<10240x128xf32, #tpu.memory_space<vmem_shared>>
      tpu.enqueue_indirect_dma source(%arg7 : memref<128x128xf32, #tpu.memory_space<vmem>>) target(%dma_start3A_311 : memref<10240x128xf32, #tpu.memory_space<vmem_shared>>) offsets(%dma_start3A_308 : memref<128xi32, #tpu.memory_space<vmem>>) semaphore(%run_scoped3A_305 : memref<!tpu.dma_semaphore, #tpu.memory_space<semaphore_mem>>) {add = true}
      %dma_wait3A_312 = arith.constant 0 : i32
      %dma_wait3A_313 = tpu.memref_slice %arg5[%run_scoped3A_298, %run_scoped3A_299, %dma_wait3A_312] : memref<4x2x128xi32, #tpu.memory_space<vmem>> -> memref<1x1x128xi32, #tpu.memory_space<vmem>>
      %dma_wait3A_314 = tpu.memref_squeeze %dma_wait3A_313 : memref<1x1x128xi32, #tpu.memory_space<vmem>> -> memref<128xi32, #tpu.memory_space<vmem>>
      %dma_wait3A_315 = arith.constant 0 : i32
      %dma_wait3A_316 = arith.constant 0 : i32
      %dma_wait3A_317 = tpu.memref_slice %arg14[%dma_wait3A_315, %dma_wait3A_316] : memref<10240x128xf32, #tpu.memory_space<vmem_shared>> -> memref<10240x128xf32, #tpu.memory_space<vmem_shared>>
      tpu.wait_indirect_dma semaphore(%run_scoped3A_305 : memref<!tpu.dma_semaphore, #tpu.memory_space<semaphore_mem>>) src(%arg7 : memref<128x128xf32, #tpu.memory_space<vmem>>) dst(%dma_wait3A_317 : memref<10240x128xf32, #tpu.memory_space<vmem_shared>>)
      tpu.yield
    }) : () -> ()
    %barrier3A_300 = arith.constant 0 : index
    tpu.barrier barrier_id(%barrier3A_300)
    %mul3A_301 = arith.constant 640 : i32
    %mul3A_302 = arith.muli %arg1, %mul3A_301 : i32
    %mul3A_303 = arith.constant 640 : i32
    %mul3A_304 = arith.muli %arg1, %mul3A_303 : i32
    "tpu.region"() ({
      %run_scoped3A_305 = tpu.sem_alloc : memref<!tpu.dma_semaphore, #tpu.memory_space<semaphore_mem>>
      %dma_start3A_306 = arith.constant 0 : i32
      %dma_start3A_307 = tpu.memref_slice %arg4[%arg0, %mul3A_304, %dma_start3A_306] : memref<2x10240x128xf32, #tpu.memory_space<hbm>> -> memref<1x640x128xf32, #tpu.memory_space<hbm>>
      %dma_start3A_308 = tpu.memref_squeeze %dma_start3A_307 : memref<1x640x128xf32, #tpu.memory_space<hbm>> -> memref<640x128xf32, #tpu.memory_space<hbm>>
      %dma_start3A_309 = arith.constant 0 : i32
      %dma_start3A_310 = tpu.memref_slice %arg14[%mul3A_302, %dma_start3A_309] : memref<10240x128xf32, #tpu.memory_space<vmem_shared>> -> memref<640x128xf32, #tpu.memory_space<vmem_shared>>
      tpu.enqueue_dma source(%dma_start3A_310 : memref<640x128xf32, #tpu.memory_space<vmem_shared>>) target(%dma_start3A_308 : memref<640x128xf32, #tpu.memory_space<hbm>>) target_semaphore(%run_scoped3A_305 : memref<!tpu.dma_semaphore, #tpu.memory_space<semaphore_mem>>)
      %dma_wait3A_311 = arith.constant 0 : i32
      %dma_wait3A_312 = tpu.memref_slice %arg4[%arg0, %mul3A_304, %dma_wait3A_311] : memref<2x10240x128xf32, #tpu.memory_space<hbm>> -> memref<1x640x128xf32, #tpu.memory_space<hbm>>
      %dma_wait3A_313 = tpu.memref_squeeze %dma_wait3A_312 : memref<1x640x128xf32, #tpu.memory_space<hbm>> -> memref<640x128xf32, #tpu.memory_space<hbm>>
      %dma_wait3A_314 = arith.constant 0 : i32
      %dma_wait3A_315 = tpu.memref_slice %arg14[%mul3A_302, %dma_wait3A_314] : memref<10240x128xf32, #tpu.memory_space<vmem_shared>> -> memref<640x128xf32, #tpu.memory_space<vmem_shared>>
      tpu.wait_dma2 semaphore(%run_scoped3A_305 : memref<!tpu.dma_semaphore, #tpu.memory_space<semaphore_mem>>) src(%dma_wait3A_315 : memref<640x128xf32, #tpu.memory_space<vmem_shared>>) dst(%dma_wait3A_313 : memref<640x128xf32, #tpu.memory_space<hbm>>)
      tpu.yield
    }) : () -> ()
    return
  }
}

module attributes {stable_mosaic.version = 14 : i64} {
  func.func @_mm_body(%arg0: i32, %arg1: memref<2x1024x128xf32, #tpu.memory_space<vmem>>, %arg2: memref<128x128xf32, #tpu.memory_space<vmem>>, %arg3: memref<1x128xf32, #tpu.memory_space<vmem>>, %arg4: memref<1024x128xf32, #tpu.memory_space<vmem>>) attributes {dimension_semantics = [#tpu.dimension_semantics<arbitrary>], iteration_bounds = array<i64: 10>, scalar_prefetch = 0 : i64, scratch_operands = 0 : i64, tpu.core_type = #tpu.core_type<tc>, window_params = [{transform_indices = @transform_0, window_bounds = array<i64: 2, 1024, 128>}, {pipeline_mode = #tpu.pipeline_mode<synchronous>, transform_indices = @transform_1, window_bounds = array<i64: 128, 128>}, {pipeline_mode = #tpu.pipeline_mode<synchronous>, transform_indices = @transform_2, window_bounds = array<i64: 1, 128>}, {transform_indices = @transform_3, window_bounds = array<i64: 1024, 128>}]} {
    %get3A = arith.constant 0 : index
    %get3A_0 = arith.constant 0 : index
    %get3A_1 = arith.constant 0 : index
    %get3A_2 = vector.load %arg1[%get3A, %get3A_0, %get3A_1] : memref<2x1024x128xf32, #tpu.memory_space<vmem>>, vector<1x1024x128xf32>
    %get3A_3 = vector.shape_cast %get3A_2 : vector<1x1024x128xf32> to vector<1024x128xf32>
    %get3A_4 = arith.constant 1 : index
    %get3A_5 = arith.constant 0 : index
    %get3A_6 = arith.constant 0 : index
    %get3A_7 = vector.load %arg1[%get3A_4, %get3A_5, %get3A_6] : memref<2x1024x128xf32, #tpu.memory_space<vmem>>, vector<1x1024x128xf32>
    %get3A_8 = vector.shape_cast %get3A_7 : vector<1x1024x128xf32> to vector<1024x128xf32>
    %add3A = arith.addf %get3A_3, %get3A_8 : vector<1024x128xf32>
    %get3A_9 = arith.constant 0 : index
    %get3A_10 = arith.constant 0 : index
    %get3A_11 = vector.load %arg2[%get3A_9, %get3A_10] : memref<128x128xf32, #tpu.memory_space<vmem>>, vector<128x128xf32>
    %dot_general3A = arith.constant dense<0.000000e+00> : vector<1024x128xf32>
    %dot_general3A_12 = tpu.matmul %add3A, %get3A_11, %dot_general3A {dimension_numbers = #tpu.dot_dimension_numbers<[1], [0], [0], [1], [0, 0, 1, 1], [], []>, transpose_lhs_hint = false} : vector<1024x128xf32>, vector<128x128xf32>, vector<1024x128xf32> -> vector<1024x128xf32>
    %get3A_13 = arith.constant 0 : index
    %get3A_14 = arith.constant 0 : index
    %get3A_15 = vector.load %arg3[%get3A_13, %get3A_14] : memref<1x128xf32, #tpu.memory_space<vmem>>, vector<1x128xf32>
    %add3A_16 = vector.broadcast %get3A_15 : vector<1x128xf32> to vector<1024x128xf32>
    %add3A_17 = arith.addf %dot_general3A_12, %add3A_16 : vector<1024x128xf32>
    %max3A = arith.constant 0.000000e+00 : f32
    %max3A_18 = vector.broadcast %max3A : f32 to vector<1024x128xf32>
    %max3A_19 = arith.maximumf %add3A_17, %max3A_18 : vector<1024x128xf32>
    %swap3A = arith.constant 0 : index
    %swap3A_20 = arith.constant 0 : index
    %swap3A_21 = vector.load %arg4[%swap3A, %swap3A_20] : memref<1024x128xf32, #tpu.memory_space<vmem>>, vector<1024x128xf32>
    tpu.vector_store %arg4[%swap3A, %swap3A_20], %max3A_19 {strides = array<i32>} : memref<1024x128xf32, #tpu.memory_space<vmem>>, vector<1024x128xf32>,
    return
  }
  func.func @transform_0(%arg0: i32) -> (i32, i32, i32) {
    %c0_i32 = arith.constant 0 : i32
    %c0_i32_0 = arith.constant 0 : i32
    %c0_i32_1 = arith.constant 0 : i32
    return %c0_i32, %arg0, %c0_i32_0 : i32, i32, i32
  }
  func.func @transform_1(%arg0: i32) -> (i32, i32) {
    %c0_i32 = arith.constant 0 : i32
    %c0_i32_0 = arith.constant 0 : i32
    %c0_i32_1 = arith.constant 0 : i32
    return %c0_i32, %c0_i32_0 : i32, i32
  }
  func.func @transform_2(%arg0: i32) -> (i32, i32) {
    %c0_i32 = arith.constant 0 : i32
    %c0_i32_0 = arith.constant 0 : i32
    %c0_i32_1 = arith.constant 0 : i32
    return %c0_i32, %c0_i32_0 : i32, i32
  }
  func.func @transform_3(%arg0: i32) -> (i32, i32) {
    %c0_i32 = arith.constant 0 : i32
    %c0_i32_0 = arith.constant 0 : i32
    return %arg0, %c0_i32 : i32, i32
  }
}

</mosaic_0001>

<sc_bundles>
// kernel: kernel.10.cloned.1.call-start
scs
__scs_entry_jumppad:
0x0: {  	(pc) =	sbr.rel $0x88, $3  }
0x1: {  	(tag) =	ssettag $0x0;
	lr =	simm.s32 $0x1  }
0x2: {  	[smem:$0x3F9A] =	sst lr;
	_ =	strace $0xD0000000  }
0x3: {  	_ = 	snop  }
0x4: {  	_ = 	snop  }
0x5: {  	_ = 	snop  }
0x6: {  	_ = 	snop  }
0x7: {  	_ = 	snop  }
__scs_overlays_trampoline_lowered:
0x8: {  	[smem:$0x3FA9] =	sst s0  }
0x9: {  	[smem:$0x3FAA] =	sst s1  }
0xa: {  	[smem:$0x3FAB] =	sst s2  }
0xb: {  	[smem:$0x3FAC] =	sst s3  }
0xc: {  	[smem:$0x3FAD] =	sst s4  }
0xd: {  	[smem:$0x3FAE] =	sst s5  }
0xe: {  	[smem:$0x3FAF] =	sst s6  }
0xf: {  	[smem:$0x3FB0] =	sst s7  }
0x10: {  	[smem:$0x3FB1] =	sst s8  }
0x11: {  	[smem:$0x3FB2] =	sst s9;
	s0 =	simm.s32 @!p0 $0x0  }
0x12: {  	s1 =	sld [smem:$0x3F98];
	s0 =	simm.s32 @p0 $0x1  }
0x13: {  	[smem:$0x3FB3] =	sst s0;
	s0 =	simm.s32 @!p1 $0x0  }
0x14: {  	s2 =	sld [smem:$0x3F97];
	s0 =	simm.s32 @p1 $0x1  }
0x15: {  	[smem:$0x3FB4] =	sst s0;
	s0 =	simm.s32 @!p2 $0x0  }
0x16: {  	s3 =	sld [smem:$0x3FDB];
	s0 =	simm.s32 @p2 $0x1  }
0x17: {  	s4 =	simm.s32 $0x1BF5;
	[smem:$0x3FB6] =	sst s0  }
0x18: {  	s0 =	sld [smem:$0x3F99];
	_ =	swait.ge [sflag:s4], $0x0  }
0x19: {  	s7 =	sld [smem:$0x3F9A]  }
0x1a: {  	s8 =	sadd.s32 $0xFFFFE003, lr  }
0x1b: {  	s9 =	sadd.s32 $0xFFFFFEF7, lr;
	s5 =	simm.s32 $0xFFFFFFFF;
	p2 =	slt.u32 s8, $0xFFFFF086  }
0x1c: {  	p1 =	slt.u32 s9, $0xF7A;
	s5 =	simm.s32 @!p2 $0x0  }
0x1d: {  	s5 =	simm.s32 @p1 $0x1;
	p0 =	seq.s32 s7, s2  }
0x1e: {  	s7 =	smul.u32 @!p0 $0xF7A, s2;
	p2 =	seq.s32 @!p0 s5, $0x0  }
0x1f: {  	s9 =	smul.u32 $0xF7A, s1;
	s8 =	simm.s32 @!p0 $0x1BF5;
	p2 =	por !p2, p0  }
0x20: {  	[sflag:s8] =	ssyncset.s32 @!p0 $0xFFFFF086;
	s6 =	sadd.s32 @!p0 s3, s7;
	s7 =	simm.s32 @!p0 $0x108  }
0x21: {  	s3 =	sadd.s32 s3, s9;
	s6 =	sadd.s32 @!p0 $0x88, s6;
	s7 =	simm.s32 @p2 $0x1082  }
0x22: {  	[simem:s7], [sflag:s8] =	dma.local @!p0 [hbm:s6], $0xF7A  }
0x23: {  	s9 =	sor.u32 $0xD0000000, s2;
	s6 =	simm.s32 $0x108;
	_ =	swait.ge @!p0 [sflag:s8], $0x0  }
0x24: {  	s3 =	sadd.s32 $0x88, s3;
	s6 =	simm.s32 @!p1 $0x1082;
	[sflag:s4] =	ssyncset.s32 $0xFFFFF086  }
0x25: {  	[simem:s6], [sflag:s4] =	dma.local [hbm:s3], $0xF7A  }
0x26: {  	[smem:$0x3F9A] =	sst s1;
	(tag) =	ssettag s2;
	_ =	strace s9  }
0x27: {  	s1 =	sld [smem:$0x3FAA]  }
0x28: {  	s2 =	sld [smem:$0x3FAB]  }
0x29: {  	s4 =	sld [smem:$0x3FAD]  }
0x2a: {  	p0 =	seq.s32 s5, $0x0;
	s5 =	sld [smem:$0x3FAE]  }
0x2b: {  	s6 =	sld [smem:$0x3FAF]  }
0x2c: {  	s7 =	sld [smem:$0x3FB0]  }
0x2d: {  	s3 =	simm.s32 $0x108;
	s8 =	sld [smem:$0x3FB1]  }
0x2e: {  	s3 =	simm.s32 @!p0 $0x1082;
	s9 =	sld [smem:$0x3FB2]  }
0x2f: {  	lr =	sadd.s32 s0, s3;
	s0 =	sld [smem:$0x3FA9]  }
0x30: {  	s3 =	sld [smem:$0x3FAC]  }
0x31: {  	[smem:$0x3FB5] =	sst s10  }
0x32: {  	s10 =	sld [smem:$0x3FB3];
	_ =	sdelay $0x3  }
0x33: {  	p0 =	seq.s32 s10, $0x1;
	s10 =	sld [smem:$0x3FB5];
	_ =	sdelay $0x3  }
0x34: {  	[smem:$0x3FB5] =	sst s10  }
0x35: {  	s10 =	sld [smem:$0x3FB4];
	_ =	sdelay $0x3  }
0x36: {  	p1 =	seq.s32 s10, $0x1;
	s10 =	sld [smem:$0x3FB5];
	_ =	sdelay $0x3  }
0x37: {  	[smem:$0x3FB5] =	sst s10  }
0x38: {  	s10 =	sld [smem:$0x3FB6]  }
0x39: {  	_ = 	snop;
	(pc) =	sbr.ind lr, $3  }
0x3a: {  	_ = 	snop  }
0x3b: {  	_ = 	snop  }
0x3c: {  	p2 =	seq.s32 s10, $0x1;
	s10 =	sld [smem:$0x3FB5]  }
0x3d: {  	_ =	shalt  }
0x3e: {  	_ =	shalt  }
0x3f: {  	_ =	shalt  }
0x40: {  	_ =	shalt  }
0x41: {  	_ =	shalt  }
0x42: {  	_ =	shalt  }
0x43: {  	_ =	shalt  }
0x44: {  	_ =	shalt  }
0x45: {  	_ =	shalt  }
0x46: {  	_ =	shalt  }
0x47: {  	_ =	shalt  }
0x48: {  	_ =	shalt  }
0x49: {  	_ =	shalt  }
0x4a: {  	_ =	shalt  }
0x4b: {  	_ =	shalt  }
0x4c: {  	_ =	shalt  }
0x4d: {  	_ =	shalt  }
0x4e: {  	_ =	shalt  }
0x4f: {  	_ =	shalt  }
0x50: {  	_ =	shalt  }
0x51: {  	_ =	shalt  }
0x52: {  	_ =	shalt  }
0x53: {  	_ =	shalt  }
0x54: {  	_ =	shalt  }
0x55: {  	_ =	shalt  }
0x56: {  	_ =	shalt  }
0x57: {  	_ =	shalt  }
0x58: {  	_ =	shalt  }
0x59: {  	_ =	shalt  }
0x5a: {  	_ =	shalt  }
0x5b: {  	_ =	shalt  }
0x5c: {  	_ =	shalt  }
0x5d: {  	_ =	shalt  }
0x5e: {  	_ =	shalt  }
0x5f: {  	_ =	shalt  }
0x60: {  	_ =	shalt  }
0x61: {  	_ =	shalt  }
0x62: {  	_ =	shalt  }
0x63: {  	_ =	shalt  }
0x64: {  	_ =	shalt  }
0x65: {  	_ =	shalt  }
0x66: {  	_ =	shalt  }
0x67: {  	_ =	shalt  }
0x68: {  	_ =	shalt  }
0x69: {  	_ =	shalt  }
0x6a: {  	_ =	shalt  }
0x6b: {  	_ =	shalt  }
0x6c: {  	_ =	shalt  }
0x6d: {  	_ =	shalt  }
0x6e: {  	_ =	shalt  }
0x6f: {  	_ =	shalt  }
0x70: {  	_ =	shalt  }
0x71: {  	_ =	shalt  }
0x72: {  	_ =	shalt  }
0x73: {  	_ =	shalt  }
0x74: {  	_ =	shalt  }
0x75: {  	_ =	shalt  }
0x76: {  	_ =	shalt  }
0x77: {  	_ =	shalt  }
0x78: {  	_ =	shalt  }
0x79: {  	_ =	shalt  }
0x7a: {  	_ =	shalt  }
0x7b: {  	_ =	shalt  }
0x7c: {  	_ =	shalt  }
0x7d: {  	_ =	shalt  }
0x7e: {  	_ =	shalt  }
0x7f: {  	_ =	shalt  }
0x80: {  	_ =	shalt  }
0x81: {  	_ =	shalt  }
0x82: {  	_ =	shalt  }
0x83: {  	_ =	shalt  }
0x84: {  	_ =	shalt  }
0x85: {  	_ =	shalt  }
0x86: {  	_ =	shalt  }
0x87: {  	_ =	shalt  }
.Lfunc_end0:
.L_simem_size_0:
called_computation.1_lowered:
.L_overlay_start_0:
0x88: {  	s2 =	sld [smem:$0x3FD9]  }
0x89: {  	s3 =	sld [smem:$0x3FFE];
	_ =	sdelay $0x1  }
0x8a: {  	s1 =	srdreg.scid  }
0x8b: {  	s0 =	sand.u32 $0x1, s1  }
0x8c: {  	s17 =	sshll.u32 s0, $0xA;
	s2 =	sadd.s32 s3, s2  }
0x8d: {  	s2 =	sadd.s32 s2, s17  }
0x8e: {  	[smem:$0x3FC1] =	sst s2  }
0x8f: {  	_ = 	snop  }
0x90: {  	s2 =	sld [smem:$0x3FD0];
	(tm) =	ssettm $0x1  }
0x91: {  	s18 =	sld [smem:$0x3FFB];
	_ =	sdelay $0x3  }
0x92: {  	_ =	strace s18  }
0x93: {  	s3 =	sld [smem:$0x3FFC];
	_ =	sdelay $0x3  }
0x94: {  	_ =	strace s3  }
0x95: {  	s3 =	sld [smem:$0x3FFD];
	_ =	sdelay $0x3  }
0x96: {  	_ =	strace s3  }
0x97: {  	_ =	strace $0x8FFFFFFF  }
0x98: {  	s19 =	sld [smem:$0x3FDB];
	_ =	sdelay $0x1  }
0x99: {  	s4 =	simm.s32 $_scs_section_size  }
0x9a: {  	s5 =	simm.s32 $_size__tile_overlayer_lowered;
	s6 =	simm.s32 $_tile_overlayer_lowered  }
0x9b: {  	s22 =	simm.s32 $0x1BFF;
	s21 =	sshll.u32 s6, $0x1;
	s3 =	sadd.s32 s4, s19  }
0x9c: {  	s7 =	simm.s32 $0x0;
	s20 =	sshll.u32 s5, $0x1;
	s5 =	sadd.s32 s21, s3  }
0x9d: {  	[timem:s7], [sflag:s22] =	dma.local [hbm:s5], s20  }
0x9e: {  	_ =	swait.ge [sflag:s22], s20  }
0x9f: {  	s4 =	ssub.s32 $0x0, s20;
	[sflag:s22] =	ssyncset.done $0x0  }
0xa0: {  	[sflag:s22] =	ssyncadd.s32 s4;
	_ =	sdelay $0x1  }
0xa1: {  	s23 =	simm.s32 $0x1B8B  }
0xa2: {  	_ =	swait.ge [sflag:s23], $0x1  }
0xa3: {  	[sflag:s23] =	ssyncset.done $0x0  }
0xa4: {  	s25 =	simm.s32 $0x1B8E;
	s24 =	sld [smem:$0x3FFE];
	[sflag:s23] =	ssyncadd.s32 $0xFFFFFFFF  }
0xa5: {  	s26 =	simm.s32 $execute0_lowered;
	[smem:$0x3FD2] =	sst s25  }
0xa6: {  	s5 =	sshll.u32 s26, $0x1;
	_ =	strace $0x80000049;
	[dreg:$0x1] =	wrdreg $0xFFFFFFFF  }
0xa7: {  	s28 =	simm.s32 $_size_execute0_lowered;
	s3 =	sadd.s32 s3, s5;
	[dreg:$0x0] =	wrdreg $0x0  }
0xa8: {  	s5 =	sshll.u32 s28, $0x1;
	[dreg:$0x2] =	wrdreg s3  }
0xa9: {  	[dreg:$0x3] =	wrdreg s5  }
0xaa: {  	[dreg:$0x4] =	wrdreg $0xC0  }
0xab: {  	_ =	task [dreg:s7], $0x5FFFF  }
0xac: {  	[dreg:$0x1] =	wrdreg $0xFFFFFFFF  }
0xad: {  	[dreg:$0x0] =	wrdreg $0x60  }
0xae: {  	[dreg:$0x2] =	wrdreg s24  }
0xaf: {  	[dreg:$0x3] =	wrdreg s2  }
0xb0: {  	[dreg:$0x4] =	wrdreg $0x84000  }
0xb1: {  	[dreg:$0x5] =	wrdreg $0x9  }
0xb2: {  	_ =	task.clear_ibuf [dreg:s7], $0x6FFFF;
	_ =	strace $0x90000049  }
0xb3: {  	s29 =	simm.s32 $0x9;
	_ =	strace $0x8000004B  }
0xb4: {  	_ =	swait.ge [sflag:s29], $0x1  }
0xb5: {  	[sflag:s29] =	ssyncadd.s32 $0xFFFFFFFF  }
0xb6: {  	_ =	strace $0x9000004B  }
0xb7: {  	_ =	sfence  }
0xb8: {  	s30 =	sld [smem:$0x0];
	_ =	sdelay $0x2  }
0xb9: {  	s31 =	sshll.u32 s1, $0xD;
	s1 =	sshrl.u32 s1, $0x2  }
0xba: {  	s3 =	sand.u32 $0x4000, s31;
	s1 =	sadd.s32 s1, s30  }
0xbb: {  	s0 =	sor.u32 s3, s0;
	s1 =	sshll.u32 s1, $0x11  }
0xbc: {  	s0 =	sor.u32 s1, s0  }
0xbd: {  	s0 =	sadd.s32 $0x8F2B, s0  }
0xbe: {  	[sflag:s0] =	ssyncadd.remote.s32 $0x1  }
0xbf: {  	_ =	sfence.sel $0xFFFF  }
0xc0: {  	[dreg:$0x0] =	wrdreg $0xFFFFFFFF;
	(pc) =	sbr.abs _section_cstart, $3  }
0xc1: {  	[dreg:$0x1] =	wrdreg $0xFFFFFFFF  }
0xc2: {  	_ =	task.clear_ibuf [dreg:s7], $0x2FFFF;
	_ =	strace $0x9FFFFFFF  }
0xc3: {  	(tm) =	ssettm $0x7FFFFFFF  }
tec
execute0_lowered:
.L_overlay_start_1:
0x0: {  	(tag) =	ssettag $0x1  }
0x1: {  	s0 =	rddreg [dreg:$0x0];
	s1 =	srdreg.scid  }
0x2: {  	s5 =	rddreg [dreg:$0x1];
	s10 =	stileid.u32  }
0x3: {  	s2 =	rddreg [dreg:$0x2];
	s3 =	simm.s32 $0x0;
	s6 =	smul.u32 $0x14000, s10  }
0x4: {  	s13 =	simm.s32 $0x1D;
	s28 =	simm.s32 $0x4;
	s7 =	smul.u32 $0xA0, s10  }
0x5: {  	s29 =	simm.s32 $0x4400;
	s1 =	sand.u32 $0x1, s1;
	s16 =	smul.u32 $0x50000, s10  }
0x6: {  	s30 =	simm.s32 $0x1;
	s31 =	simm.s32 $0x5;
	s8 =	smul.u32 $0x78, s1  }
0x7: {  	[smem:$0x7FF] =	sst s3;
	s10 =	simm.s32 $0x0;
	s4 =	smul.u32 $0x140000, s1  }
0x8: {  	_ =	strace $0x8000004A;
	s9 =	ssub.s32 $0x2, s1;
	s7 =	sadd.s32 s8, s7  }
0x9: {  	p0 =	seq.s32 s1, $0x0;
	s1 =	simm.s32 $0x2;
	s7 =	sshll.u32 s7, $0x5  }
0xa: {  	s17 =	sshrl.u32 s9, $0x1;
	s18 =	sshrl.u32 s16, $0x2;
	s5 =	sadd.s32 s5, s7  }
0xb: {  	s13 =	simm.s32 @!p0 $0x9;
	s6 =	sadd.s32 s6, s4;
	s19 =	sadd.s32 $0x20, s5  }
0xc: {  	s4 =	sadd.s32 $0x1A00, s0;
	s20 =	sadd.s32 $0x40, s5;
	[dreg:$0x4] =	wrdreg s19  }
0xd: {  	s7 =	sadd.s32 s18, s2;
	s21 =	sadd.s32 $0x60, s5;
	[dreg:$0x5] =	wrdreg s20  }
0xe: {  	s8 =	simm.s32 $0x280;
	s22 =	sadd.s32 $0x4000, s7;
	[dreg:$0x6] =	wrdreg s21  }
0xf: {  	s6 =	sshrl.u32 s6, $0x3;
	s23 =	sadd.s32 $0x8000, s7;
	[dreg:$0x7] =	wrdreg s22  }
0x10: {  	s0 =	sadd.s32 s6, s0;
	s24 =	sadd.s32 $0xC000, s7;
	[dreg:$0x8] =	wrdreg s23  }
0x11: {  	s6 =	ssub.s32 s9, s17;
	s25 =	sadd.s32 $0x10000, s7;
	[dreg:$0x9] =	wrdreg s24  }
0x12: {  	s9 =	simm.s32 $0x380;
	s0 =	sadd.s32 $0x29A00, s0;
	[dreg:$0xa] =	wrdreg s25  }
0x13: {  	s26 =	smax.u32 s6, $0x1;
	s17 =	sadd.s32 $0xE0, s5;
	[dreg:$0xb] =	wrdreg s0  }
0x14: {  	s18 =	sadd.s32 $0xC0, s5;
	s6 =	simm.s32 $0x6;
	[dreg:$0xc] =	wrdreg s26  }
0x15: {  	s19 =	sadd.s32 $0x80, s5;
	s20 =	simm.s32 $0x100;
	s21 =	simm.s32 $0x200  }
0x16: {  	s22 =	simm.s32 $0x300;
	s23 =	simm.s32 $0x400;
	s24 =	simm.s32 $0x7  }
0x17: {  	v0 =	vimm.f32 $0.0e+00;
	s25 =	simm.s32 $0x3;
	s26 =	simm.s32 $0x80;
	s0 =	simm.s32 $0x180  }
.LBB2_1:
0x18: {  	[tilespmem:s3], [sflag:$0x3] =	stream.linear.gather [hbm4b:s5+s3], $0x100, $0x38;
	[tilespmem:$0x1C400] =	vst v63  }
0x19: {  	s11 =	rddreg [dreg:$0x4]  }
0x1a: {  	[tilespmem:s20], [sflag:$0x4] =	stream.linear.gather [hbm4b:s11+s3], $0x100, $0x38;
	[tilespmem:$0x1C400] =	vst v63  }
0x1b: {  	s15 =	rddreg [dreg:$0x5]  }
0x1c: {  	[tilespmem:s21], [sflag:$0x5] =	stream.linear.gather [hbm4b:s15+s3], $0x100, $0x38;
	[tilespmem:$0x1C400] =	vst v63  }
0x1d: {  	s16 =	rddreg [dreg:$0x6];
	s12 =	simm.s32 $0x200;
	s11 =	simm.s32 $0x0  }
0x1e: {  	[tilespmem:s22], [sflag:$0x6] =	stream.linear.gather [hbm4b:s16+s3], $0x100, $0x38;
	[tilespmem:$0x1C400] =	vst v63  }
.LBB2_2:
0x1f: {  	p0 =	sne.s32 s12, $0xFE00;
	[tilespmem:s11+$0x470] =	vst v0  }
0x20: {  	[tilespmem:s11+$0x400] =	vst v0  }
0x21: {  	[tilespmem:s11+$0x410] =	vst v0  }
.Ltmp0:
0x22: {  	[tilespmem:s11+$0x420] =	vst v0;
	(pc) =	sbr.rel @p0 .LBB2_2-.Ltmp0, $4  }
0x23: {  	[tilespmem:s11+$0x430] =	vst v0  }
0x24: {  	[tilespmem:s11+$0x440] =	vst v0  }
0x25: {  	[tilespmem:s11+$0x450] =	vst v0  }
0x26: {  	[tilespmem:s11+$0x460] =	vst v0;
	s11 =	sshra.s32 s12, $0x2;
	s12 =	sadd.s32 $0x200, s12  }
0x27: {  	[tilespmem:s11+$0x470] =	vst v0  }
0x28: {  	[tilespmem:s11+$0x400] =	vst v0  }
0x29: {  	[tilespmem:s11+$0x410] =	vst v0  }
0x2a: {  	[tilespmem:s11+$0x420] =	vst v0  }
0x2b: {  	[tilespmem:s11+$0x430] =	vst v0  }
0x2c: {  	[tilespmem:s11+$0x440] =	vst v0  }
0x2d: {  	[tilespmem:s11+$0x450] =	vst v0  }
0x2e: {  	[tilespmem:s11+$0x460] =	vst v0  }
0x2f: {  	[spmem:s7] =	stream.linear.scatter [tilespmem:s23], [sflag:$0x7], $0x4000, $0x38;
	[tilespmem:$0x1C400] =	vst v63  }
0x30: {  	_ =	swait.ge [sflag:s24], $0x4000  }
0x31: {  	[sflag:s24] =	ssyncset.done $0x0  }
0x32: {  	s16 =	rddreg [dreg:$0x7];
	[sflag:s24] =	ssyncadd.s32 $0xFFFFC000  }
0x33: {  	[spmem:s16] =	stream.linear.scatter [tilespmem:s23], [sflag:$0x7], $0x4000, $0x38;
	[tilespmem:$0x1C400] =	vst v63  }
0x34: {  	_ =	swait.ge [sflag:s24], $0x4000  }
0x35: {  	[sflag:s24] =	ssyncset.done $0x0  }
0x36: {  	s12 =	rddreg [dreg:$0x8];
	[sflag:s24] =	ssyncadd.s32 $0xFFFFC000  }
0x37: {  	[spmem:s12] =	stream.linear.scatter [tilespmem:s23], [sflag:$0x7], $0x4000, $0x38;
	[tilespmem:$0x1C400] =	vst v63  }
0x38: {  	_ =	swait.ge [sflag:s24], $0x4000  }
0x39: {  	[sflag:s24] =	ssyncset.done $0x0  }
0x3a: {  	s14 =	rddreg [dreg:$0x9];
	[sflag:s24] =	ssyncadd.s32 $0xFFFFC000  }
0x3b: {  	[spmem:s14] =	stream.linear.scatter [tilespmem:s23], [sflag:$0x7], $0x4000, $0x38;
	[tilespmem:$0x1C400] =	vst v63  }
0x3c: {  	_ =	swait.ge [sflag:s24], $0x4000  }
0x3d: {  	[sflag:s24] =	ssyncset.done $0x0  }
0x3e: {  	s15 =	rddreg [dreg:$0xa];
	[sflag:s24] =	ssyncadd.s32 $0xFFFFC000  }
0x3f: {  	[spmem:s15] =	stream.linear.scatter [tilespmem:s23], [sflag:$0x7], $0x4000, $0x38;
	[tilespmem:$0x1C400] =	vst v63  }
0x40: {  	_ =	swait.ge [sflag:s24], $0x4000  }
0x41: {  	[sflag:s24] =	ssyncset.done $0x0  }
0x42: {  	[sflag:s24] =	ssyncadd.s32 $0xFFFFC000  }
0x43: {  	[bflag:$0x0] =	sbarrier.arrive $0xFFFF  }
0x44: {  	_ =	swait.ge [sflag:s25], $0x100  }
0x45: {  	[sflag:s25] =	ssyncset.done $0x0  }
0x46: {  	[sflag:s25] =	ssyncadd.s32 $0xFFFFFF00  }
0x47: {  	[tilespmem:s23], [sflag:$0x1] =	stream.indirect.gather [hbm4b:s4+s26], $0x80, s3, s26, $0xb8;
	[tilespmem:$0x1C400] =	vst v63  }
0x48: {  	_ =	swait.ge [sflag:s28], $0x100  }
0x49: {  	[sflag:s28] =	ssyncset.done $0x0  }
0x4a: {  	[sflag:s28] =	ssyncadd.s32 $0xFFFFFF00  }
0x4b: {  	[tilespmem:s29], [sflag:$0x2] =	stream.indirect.gather [hbm4b:s4+s26], $0x80, s20, s26, $0xb8;
	[tilespmem:$0x1C400] =	vst v63  }
0x4c: {  	_ =	swait.ge [sflag:s30], $0x4000  }
0x4d: {  	[sflag:s30] =	ssyncset.done $0x0  }
0x4e: {  	[sflag:s30] =	ssyncadd.s32 $0xFFFFC000  }
0x4f: {  	[spmem:s2] =	stream.indirect.scatter.add.f32 [tilespmem:s23], [sflag:$0x7], $0x80, s26, s26, $0xb8;
	[tilespmem:$0x1C400] =	vst v63  }
0x50: {  	_ =	swait.ge [sflag:s24], $0x4000  }
0x51: {  	[sflag:s24] =	ssyncset.done $0x0  }
0x52: {  	[sflag:s24] =	ssyncadd.s32 $0xFFFFC000  }
0x53: {  	[tilespmem:s3], [sflag:$0x3] =	stream.linear.gather [hbm4b:s19+s3], $0x100, $0x38;
	[tilespmem:$0x1C400] =	vst v63  }
0x54: {  	_ =	swait.ge [sflag:s31], $0x100  }
0x55: {  	[sflag:s31] =	ssyncset.done $0x0  }
0x56: {  	[sflag:s31] =	ssyncadd.s32 $0xFFFFFF00  }
0x57: {  	[tilespmem:s23], [sflag:$0x1] =	stream.indirect.gather [hbm4b:s4+s26], $0x80, s21, s26, $0xb8;
	[tilespmem:$0x1C400] =	vst v63  }
0x58: {  	_ =	swait.ge [sflag:s1], $0x4000  }
0x59: {  	[sflag:s1] =	ssyncset.done $0x0  }
0x5a: {  	[sflag:s1] =	ssyncadd.s32 $0xFFFFC000  }
0x5b: {  	[spmem:s2] =	stream.indirect.scatter.add.f32 [tilespmem:s29], [sflag:$0x7], $0x80, s0, s26, $0xb8;
	[tilespmem:$0x1C400] =	vst v63  }
0x5c: {  	_ =	swait.ge [sflag:s24], $0x4000  }
0x5d: {  	[sflag:s24] =	ssyncset.done $0x0  }
0x5e: {  	s16 =	sadd.s32 $0xFFFFFFC0, s17;
	[sflag:s24] =	ssyncadd.s32 $0xFFFFC000  }
0x5f: {  	[tilespmem:s20], [sflag:$0x4] =	stream.linear.gather [hbm4b:s16+s3], $0x100, $0x38;
	[tilespmem:$0x1C400] =	vst v63  }
0x60: {  	_ =	swait.ge [sflag:s6], $0x100  }
0x61: {  	[sflag:s6] =	ssyncset.done $0x0  }
0x62: {  	[sflag:s6] =	ssyncadd.s32 $0xFFFFFF00  }
0x63: {  	[tilespmem:s29], [sflag:$0x2] =	stream.indirect.gather [hbm4b:s4+s26], $0x80, s22, s26, $0xb8;
	[tilespmem:$0x1C400] =	vst v63  }
0x64: {  	_ =	swait.ge [sflag:s30], $0x4000  }
0x65: {  	[sflag:s30] =	ssyncset.done $0x0  }
0x66: {  	[sflag:s30] =	ssyncadd.s32 $0xFFFFC000  }
0x67: {  	[spmem:s2] =	stream.indirect.scatter.add.f32 [tilespmem:s23], [sflag:$0x7], $0x80, s8, s26, $0xb8;
	[tilespmem:$0x1C400] =	vst v63  }
0x68: {  	_ =	swait.ge [sflag:s24], $0x4000  }
0x69: {  	[sflag:s24] =	ssyncset.done $0x0  }
0x6a: {  	[sflag:s24] =	ssyncadd.s32 $0xFFFFC000  }
0x6b: {  	[tilespmem:s21], [sflag:$0x5] =	stream.linear.gather [hbm4b:s18+s3], $0x100, $0x38;
	[tilespmem:$0x1C400] =	vst v63  }
0x6c: {  	_ =	swait.ge [sflag:s25], $0x100  }
0x6d: {  	[sflag:s25] =	ssyncset.done $0x0  }
0x6e: {  	[sflag:s25] =	ssyncadd.s32 $0xFFFFFF00  }
0x6f: {  	[tilespmem:s23], [sflag:$0x1] =	stream.indirect.gather [hbm4b:s4+s26], $0x80, s3, s26, $0xb8;
	[tilespmem:$0x1C400] =	vst v63  }
0x70: {  	_ =	swait.ge [sflag:s1], $0x4000  }
0x71: {  	[sflag:s1] =	ssyncset.done $0x0  }
0x72: {  	[sflag:s1] =	ssyncadd.s32 $0xFFFFC000  }
0x73: {  	[spmem:s2] =	stream.indirect.scatter.add.f32 [tilespmem:s29], [sflag:$0x7], $0x80, s9, s26, $0xb8;
	[tilespmem:$0x1C400] =	vst v63  }
0x74: {  	_ =	swait.ge [sflag:s24], $0x4000  }
0x75: {  	p0 =	sne.s32 s13, $0x1;
	[sflag:s24] =	ssyncset.done $0x0  }
.Ltmp1:
0x76: {  	[sflag:s24] =	ssyncadd.s32 $0xFFFFC000;
	(pc) =	sbr.rel @!p0 .LBB2_5-.Ltmp1, $4  }
0x77: {  	[tilespmem:s22], [sflag:$0x6] =	stream.linear.gather [hbm4b:s17+s3], $0x100, $0x38;
	[tilespmem:$0x1C400] =	vst v63  }
0x78: {  	_ =	swait.ge [sflag:s28], $0x100  }
0x79: {  	s11 =	sadd.s32 $0xFFFFFFFF, s13;
	s12 =	sadd.s32 $0x80, s19;
	[sflag:s28] =	ssyncset.done $0x0  }
0x7a: {  	s14 =	sadd.s32 $0x80, s17;
	s15 =	sadd.s32 $0x80, s18;
	[sflag:s28] =	ssyncadd.s32 $0xFFFFFF00  }
.LBB2_4:
0x7b: {  	[tilespmem:s29], [sflag:$0x2] =	stream.indirect.gather [hbm4b:s4+s26], $0x80, s20, s26, $0xb8;
	[tilespmem:$0x1C400] =	vst v63  }
0x7c: {  	p0 =	sne.s32 s11, $0x1;
	s11 =	sadd.s32 $0xFFFFFFFF, s11;
	_ =	swait.ge [sflag:s30], $0x4000  }
0x7d: {  	[sflag:s30] =	ssyncset.done $0x0  }
0x7e: {  	[sflag:s30] =	ssyncadd.s32 $0xFFFFC000  }
0x7f: {  	[spmem:s2] =	stream.indirect.scatter.add.f32 [tilespmem:s23], [sflag:$0x7], $0x80, s26, s26, $0xb8;
	[tilespmem:$0x1C400] =	vst v63  }
0x80: {  	_ =	swait.ge [sflag:s24], $0x4000  }
0x81: {  	[sflag:s24] =	ssyncset.done $0x0  }
0x82: {  	[sflag:s24] =	ssyncadd.s32 $0xFFFFC000  }
0x83: {  	[tilespmem:s3], [sflag:$0x3] =	stream.linear.gather [hbm4b:s12+s3], $0x100, $0x38;
	[tilespmem:$0x1C400] =	vst v63  }
0x84: {  	_ =	swait.ge [sflag:s31], $0x100  }
0x85: {  	[sflag:s31] =	ssyncset.done $0x0  }
0x86: {  	[sflag:s31] =	ssyncadd.s32 $0xFFFFFF00  }
0x87: {  	[tilespmem:s23], [sflag:$0x1] =	stream.indirect.gather [hbm4b:s4+s26], $0x80, s21, s26, $0xb8;
	[tilespmem:$0x1C400] =	vst v63  }
0x88: {  	_ =	swait.ge [sflag:s1], $0x4000  }
0x89: {  	[sflag:s1] =	ssyncset.done $0x0  }
0x8a: {  	[sflag:s1] =	ssyncadd.s32 $0xFFFFC000  }
0x8b: {  	[spmem:s2] =	stream.indirect.scatter.add.f32 [tilespmem:s29], [sflag:$0x7], $0x80, s0, s26, $0xb8;
	[tilespmem:$0x1C400] =	vst v63  }
0x8c: {  	_ =	swait.ge [sflag:s24], $0x4000  }
0x8d: {  	[sflag:s24] =	ssyncset.done $0x0  }
0x8e: {  	s16 =	sadd.s32 $0xFFFFFFC0, s14;
	[sflag:s24] =	ssyncadd.s32 $0xFFFFC000  }
0x8f: {  	[tilespmem:s20], [sflag:$0x4] =	stream.linear.gather [hbm4b:s16+s3], $0x100, $0x38;
	[tilespmem:$0x1C400] =	vst v63  }
0x90: {  	_ =	swait.ge [sflag:s6], $0x100  }
0x91: {  	[sflag:s6] =	ssyncset.done $0x0  }
0x92: {  	[sflag:s6] =	ssyncadd.s32 $0xFFFFFF00  }
0x93: {  	[tilespmem:s29], [sflag:$0x2] =	stream.indirect.gather [hbm4b:s4+s26], $0x80, s22, s26, $0xb8;
	[tilespmem:$0x1C400] =	vst v63  }
0x94: {  	_ =	swait.ge [sflag:s30], $0x4000  }
0x95: {  	[sflag:s30] =	ssyncset.done $0x0  }
0x96: {  	[sflag:s30] =	ssyncadd.s32 $0xFFFFC000  }
0x97: {  	[spmem:s2] =	stream.indirect.scatter.add.f32 [tilespmem:s23], [sflag:$0x7], $0x80, s8, s26, $0xb8;
	[tilespmem:$0x1C400] =	vst v63  }
0x98: {  	_ =	swait.ge [sflag:s24], $0x4000  }
0x99: {  	[sflag:s24] =	ssyncset.done $0x0  }
0x9a: {  	[sflag:s24] =	ssyncadd.s32 $0xFFFFC000  }
0x9b: {  	[tilespmem:s21], [sflag:$0x5] =	stream.linear.gather [hbm4b:s15+s3], $0x100, $0x38;
	[tilespmem:$0x1C400] =	vst v63  }
0x9c: {  	_ =	swait.ge [sflag:s25], $0x100  }
0x9d: {  	[sflag:s25] =	ssyncset.done $0x0  }
0x9e: {  	[sflag:s25] =	ssyncadd.s32 $0xFFFFFF00  }
0x9f: {  	[tilespmem:s23], [sflag:$0x1] =	stream.indirect.gather [hbm4b:s4+s26], $0x80, s3, s26, $0xb8;
	[tilespmem:$0x1C400] =	vst v63  }
0xa0: {  	_ =	swait.ge [sflag:s1], $0x4000  }
0xa1: {  	[sflag:s1] =	ssyncset.done $0x0  }
0xa2: {  	[sflag:s1] =	ssyncadd.s32 $0xFFFFC000  }
0xa3: {  	[spmem:s2] =	stream.indirect.scatter.add.f32 [tilespmem:s29], [sflag:$0x7], $0x80, s9, s26, $0xb8;
	[tilespmem:$0x1C400] =	vst v63  }
0xa4: {  	_ =	swait.ge [sflag:s24], $0x4000  }
0xa5: {  	[sflag:s24] =	ssyncset.done $0x0  }
.Ltmp2:
0xa6: {  	[sflag:s24] =	ssyncadd.s32 $0xFFFFC000;
	(pc) =	sbr.rel @p0 .LBB2_4-.Ltmp2, $4  }
0xa7: {  	[tilespmem:s22], [sflag:$0x6] =	stream.linear.gather [hbm4b:s14+s3], $0x100, $0x38;
	[tilespmem:$0x1C400] =	vst v63  }
0xa8: {  	_ =	swait.ge [sflag:s28], $0x100  }
0xa9: {  	s12 =	sadd.s32 $0x80, s12;
	[sflag:s28] =	ssyncset.done $0x0  }
0xaa: {  	s15 =	sadd.s32 $0x80, s15;
	s14 =	sadd.s32 $0x80, s14;
	[sflag:s28] =	ssyncadd.s32 $0xFFFFFF00  }
.LBB2_5:
0xab: {  	[tilespmem:s29], [sflag:$0x2] =	stream.indirect.gather [hbm4b:s4+s26], $0x80, s20, s26, $0xb8;
	[tilespmem:$0x1C400] =	vst v63  }
0xac: {  	_ =	swait.ge [sflag:s30], $0x4000  }
0xad: {  	[sflag:s30] =	ssyncset.done $0x0  }
0xae: {  	[sflag:s30] =	ssyncadd.s32 $0xFFFFC000  }
0xaf: {  	[spmem:s2] =	stream.indirect.scatter.add.f32 [tilespmem:s23], [sflag:$0x7], $0x80, s26, s26, $0xb8;
	[tilespmem:$0x1C400] =	vst v63  }
0xb0: {  	_ =	swait.ge [sflag:s24], $0x4000  }
0xb1: {  	[sflag:s24] =	ssyncset.done $0x0  }
0xb2: {  	[sflag:s24] =	ssyncadd.s32 $0xFFFFC000  }
0xb3: {  	_ =	swait.ge [sflag:s31], $0x100  }
0xb4: {  	[sflag:s31] =	ssyncset.done $0x0  }
0xb5: {  	[sflag:s31] =	ssyncadd.s32 $0xFFFFFF00  }
0xb6: {  	[tilespmem:s23], [sflag:$0x1] =	stream.indirect.gather [hbm4b:s4+s26], $0x80, s21, s26, $0xb8;
	[tilespmem:$0x1C400] =	vst v63  }
0xb7: {  	_ =	swait.ge [sflag:s1], $0x4000  }
0xb8: {  	[sflag:s1] =	ssyncset.done $0x0  }
0xb9: {  	[sflag:s1] =	ssyncadd.s32 $0xFFFFC000  }
0xba: {  	[spmem:s2] =	stream.indirect.scatter.add.f32 [tilespmem:s29], [sflag:$0x7], $0x80, s0, s26, $0xb8;
	[tilespmem:$0x1C400] =	vst v63  }
0xbb: {  	_ =	swait.ge [sflag:s24], $0x4000  }
0xbc: {  	[sflag:s24] =	ssyncset.done $0x0  }
0xbd: {  	[sflag:s24] =	ssyncadd.s32 $0xFFFFC000  }
0xbe: {  	_ =	swait.ge [sflag:s6], $0x100  }
0xbf: {  	[sflag:s6] =	ssyncset.done $0x0  }
0xc0: {  	[sflag:s6] =	ssyncadd.s32 $0xFFFFFF00  }
0xc1: {  	[tilespmem:s29], [sflag:$0x2] =	stream.indirect.gather [hbm4b:s4+s26], $0x80, s22, s26, $0xb8;
	[tilespmem:$0x1C400] =	vst v63  }
0xc2: {  	_ =	swait.ge [sflag:s30], $0x4000  }
0xc3: {  	[sflag:s30] =	ssyncset.done $0x0  }
0xc4: {  	[sflag:s30] =	ssyncadd.s32 $0xFFFFC000  }
0xc5: {  	[spmem:s2] =	stream.indirect.scatter.add.f32 [tilespmem:s23], [sflag:$0x7], $0x80, s8, s26, $0xb8;
	[tilespmem:$0x1C400] =	vst v63  }
0xc6: {  	_ =	swait.ge [sflag:s24], $0x4000  }
0xc7: {  	[sflag:s24] =	ssyncset.done $0x0  }
0xc8: {  	[sflag:s24] =	ssyncadd.s32 $0xFFFFC000  }
0xc9: {  	_ =	swait.ge [sflag:s1], $0x4000  }
0xca: {  	[sflag:s1] =	ssyncset.done $0x0  }
0xcb: {  	[sflag:s1] =	ssyncadd.s32 $0xFFFFC000  }
0xcc: {  	[spmem:s2] =	stream.indirect.scatter.add.f32 [tilespmem:s29], [sflag:$0x7], $0x80, s9, s26, $0xb8;
	[tilespmem:$0x1C400] =	vst v63  }
0xcd: {  	_ =	swait.ge [sflag:s24], $0x4000  }
0xce: {  	[sflag:s24] =	ssyncset.done $0x0  }
0xcf: {  	s11 =	stileid.u32;
	[sflag:s24] =	ssyncadd.s32 $0xFFFFC000  }
0xd0: {  	s11 =	sshll.u32 s11, $0x6;
	[bflag:$0x0] =	sbarrier.arrive $0xFFFF  }
0xd1: {  	s12 =	sshrl.u32 s7, $0x3;
	s11 =	sor.u32 $0x1C07, s11;
	s14 =	rddreg [dreg:$0xb]  }
0xd2: {  	[hbm:s14], [sflag:s11] =	dma.local [spmem:s12], $0x2800  }
0xd3: {  	_ =	swait.ge [sflag:s24], $0x2800  }
0xd4: {  	s10 =	sadd.s32 $0x1, s10;
	s16 =	rddreg [dreg:$0xc]  }
0xd5: {  	p0 =	sne.s32 s10, s16  }
.Ltmp3:
0xd6: {  	_ = 	snop;
	(pc) =	sbr.rel @p0 .LBB2_1-.Ltmp3, $3  }
0xd7: {  	_ =	sdelay $0x1  }
0xd8: {  	[sflag:s24] =	ssyncset.done $0x0  }
0xd9: {  	[sflag:s24] =	ssyncadd.s32 $0xFFFFD800  }
0xda: {  	_ =	sfence.sel $0x180000  }
0xdb: {  	[bflag:$0x0] =	sbarrier.arrive $0xFFFF  }
0xdc: {  	_ =	strace $0x9000004A  }
0xdd: {  	s0 =	stileid.u32;
	[bflag:$0x2] =	sbarrier.arrive $0xFFFF  }
0xde: {  	p0 =	sne.s32 s0, $0x0;
	s0 =	rddreg [dreg:$0x3]  }
0xdf: {  	s0 =	sadd.s32 @!p0 $0x100000, s0  }
0xe0: {  	[sflag:s0] =	ssyncadd.tile.s32 @!p0 $0x1;
	_ =	shalt  }
.Lfunc_end2:
_tile_overlayer_lowered:
.L_overlay_start_2:
0xe1: {  	(tag) =	ssettag $0x2  }
0xe2: {  	s0 =	rddreg [dreg:$0x0];
	s2 =	stileid.u32  }
0xe3: {  	s1 =	rddreg [dreg:$0x1];
	p0 =	sne.s32 s2, $0x0  }
0xe4: {  	s3 =	rddreg [dreg:$0x2];
	[bflag:$0x3] =	sbarrier.arrive $0xFFFF;
	s2 =	simm.s32 @!p0 $0x1C07  }
0xe5: {  	[timem:s3], [sflag:s2] =	dma.local @!p0 [hbm:s0], s1  }
0xe6: {  	s0 =	simm.s32 @!p0 $0x7  }
0xe7: {  	_ =	swait.ge @!p0 [sflag:s0], s1  }
0xe8: {  	s1 =	ssub.s32 @!p0 $0x0, s1;
	[sflag:s0] =	ssyncset.done @!p0 $0x0  }
0xe9: {  	[sflag:s0] =	ssyncadd.s32 @!p0 s1  }
0xea: {  	[bflag:$0x3] =	sbarrier.arrive $0xFFFF  }
0xeb: {  	_ =	shalt  }

// kernel: kernel.13.cloned.1.call-start
scs
__scs_entry_jumppad:
0x0: {  	(pc) =	sbr.rel $0x88, $3  }
0x1: {  	(tag) =	ssettag $0x0;
	lr =	simm.s32 $0x1  }
0x2: {  	[smem:$0x3F9A] =	sst lr;
	_ =	strace $0xD0000000  }
0x3: {  	_ = 	snop  }
0x4: {  	_ = 	snop  }
0x5: {  	_ = 	snop  }
0x6: {  	_ = 	snop  }
0x7: {  	_ = 	snop  }
__scs_overlays_trampoline_lowered:
0x8: {  	[smem:$0x3FA9] =	sst s0  }
0x9: {  	[smem:$0x3FAA] =	sst s1  }
0xa: {  	[smem:$0x3FAB] =	sst s2  }
0xb: {  	[smem:$0x3FAC] =	sst s3  }
0xc: {  	[smem:$0x3FAD] =	sst s4  }
0xd: {  	[smem:$0x3FAE] =	sst s5  }
0xe: {  	[smem:$0x3FAF] =	sst s6  }
0xf: {  	[smem:$0x3FB0] =	sst s7  }
0x10: {  	[smem:$0x3FB1] =	sst s8  }
0x11: {  	[smem:$0x3FB2] =	sst s9;
	s0 =	simm.s32 @!p0 $0x0  }
0x12: {  	s1 =	sld [smem:$0x3F98];
	s0 =	simm.s32 @p0 $0x1  }
0x13: {  	[smem:$0x3FB3] =	sst s0;
	s0 =	simm.s32 @!p1 $0x0  }
0x14: {  	s2 =	sld [smem:$0x3F97];
	s0 =	simm.s32 @p1 $0x1  }
0x15: {  	[smem:$0x3FB4] =	sst s0;
	s0 =	simm.s32 @!p2 $0x0  }
0x16: {  	s3 =	sld [smem:$0x3FDB];
	s0 =	simm.s32 @p2 $0x1  }
0x17: {  	s4 =	simm.s32 $0x1BF5;
	[smem:$0x3FB6] =	sst s0  }
0x18: {  	s0 =	sld [smem:$0x3F99];
	_ =	swait.ge [sflag:s4], $0x0  }
0x19: {  	s7 =	sld [smem:$0x3F9A]  }
0x1a: {  	s8 =	sadd.s32 $0xFFFFE003, lr  }
0x1b: {  	s9 =	sadd.s32 $0xFFFFFEF7, lr;
	s5 =	simm.s32 $0xFFFFFFFF;
	p2 =	slt.u32 s8, $0xFFFFF086  }
0x1c: {  	p1 =	slt.u32 s9, $0xF7A;
	s5 =	simm.s32 @!p2 $0x0  }
0x1d: {  	s5 =	simm.s32 @p1 $0x1;
	p0 =	seq.s32 s7, s2  }
0x1e: {  	s7 =	smul.u32 @!p0 $0xF7A, s2;
	p2 =	seq.s32 @!p0 s5, $0x0  }
0x1f: {  	s9 =	smul.u32 $0xF7A, s1;
	s8 =	simm.s32 @!p0 $0x1BF5;
	p2 =	por !p2, p0  }
0x20: {  	[sflag:s8] =	ssyncset.s32 @!p0 $0xFFFFF086;
	s6 =	sadd.s32 @!p0 s3, s7;
	s7 =	simm.s32 @!p0 $0x108  }
0x21: {  	s3 =	sadd.s32 s3, s9;
	s6 =	sadd.s32 @!p0 $0x88, s6;
	s7 =	simm.s32 @p2 $0x1082  }
0x22: {  	[simem:s7], [sflag:s8] =	dma.local @!p0 [hbm:s6], $0xF7A  }
0x23: {  	s9 =	sor.u32 $0xD0000000, s2;
	s6 =	simm.s32 $0x108;
	_ =	swait.ge @!p0 [sflag:s8], $0x0  }
0x24: {  	s3 =	sadd.s32 $0x88, s3;
	s6 =	simm.s32 @!p1 $0x1082;
	[sflag:s4] =	ssyncset.s32 $0xFFFFF086  }
0x25: {  	[simem:s6], [sflag:s4] =	dma.local [hbm:s3], $0xF7A  }
0x26: {  	[smem:$0x3F9A] =	sst s1;
	(tag) =	ssettag s2;
	_ =	strace s9  }
0x27: {  	s1 =	sld [smem:$0x3FAA]  }
0x28: {  	s2 =	sld [smem:$0x3FAB]  }
0x29: {  	s4 =	sld [smem:$0x3FAD]  }
0x2a: {  	p0 =	seq.s32 s5, $0x0;
	s5 =	sld [smem:$0x3FAE]  }
0x2b: {  	s6 =	sld [smem:$0x3FAF]  }
0x2c: {  	s7 =	sld [smem:$0x3FB0]  }
0x2d: {  	s3 =	simm.s32 $0x108;
	s8 =	sld [smem:$0x3FB1]  }
0x2e: {  	s3 =	simm.s32 @!p0 $0x1082;
	s9 =	sld [smem:$0x3FB2]  }
0x2f: {  	lr =	sadd.s32 s0, s3;
	s0 =	sld [smem:$0x3FA9]  }
0x30: {  	s3 =	sld [smem:$0x3FAC]  }
0x31: {  	[smem:$0x3FB5] =	sst s10  }
0x32: {  	s10 =	sld [smem:$0x3FB3];
	_ =	sdelay $0x3  }
0x33: {  	p0 =	seq.s32 s10, $0x1;
	s10 =	sld [smem:$0x3FB5];
	_ =	sdelay $0x3  }
0x34: {  	[smem:$0x3FB5] =	sst s10  }
0x35: {  	s10 =	sld [smem:$0x3FB4];
	_ =	sdelay $0x3  }
0x36: {  	p1 =	seq.s32 s10, $0x1;
	s10 =	sld [smem:$0x3FB5];
	_ =	sdelay $0x3  }
0x37: {  	[smem:$0x3FB5] =	sst s10  }
0x38: {  	s10 =	sld [smem:$0x3FB6]  }
0x39: {  	_ = 	snop;
	(pc) =	sbr.ind lr, $3  }
0x3a: {  	_ = 	snop  }
0x3b: {  	_ = 	snop  }
0x3c: {  	p2 =	seq.s32 s10, $0x1;
	s10 =	sld [smem:$0x3FB5]  }
0x3d: {  	_ =	shalt  }
0x3e: {  	_ =	shalt  }
0x3f: {  	_ =	shalt  }
0x40: {  	_ =	shalt  }
0x41: {  	_ =	shalt  }
0x42: {  	_ =	shalt  }
0x43: {  	_ =	shalt  }
0x44: {  	_ =	shalt  }
0x45: {  	_ =	shalt  }
0x46: {  	_ =	shalt  }
0x47: {  	_ =	shalt  }
0x48: {  	_ =	shalt  }
0x49: {  	_ =	shalt  }
0x4a: {  	_ =	shalt  }
0x4b: {  	_ =	shalt  }
0x4c: {  	_ =	shalt  }
0x4d: {  	_ =	shalt  }
0x4e: {  	_ =	shalt  }
0x4f: {  	_ =	shalt  }
0x50: {  	_ =	shalt  }
0x51: {  	_ =	shalt  }
0x52: {  	_ =	shalt  }
0x53: {  	_ =	shalt  }
0x54: {  	_ =	shalt  }
0x55: {  	_ =	shalt  }
0x56: {  	_ =	shalt  }
0x57: {  	_ =	shalt  }
0x58: {  	_ =	shalt  }
0x59: {  	_ =	shalt  }
0x5a: {  	_ =	shalt  }
0x5b: {  	_ =	shalt  }
0x5c: {  	_ =	shalt  }
0x5d: {  	_ =	shalt  }
0x5e: {  	_ =	shalt  }
0x5f: {  	_ =	shalt  }
0x60: {  	_ =	shalt  }
0x61: {  	_ =	shalt  }
0x62: {  	_ =	shalt  }
0x63: {  	_ =	shalt  }
0x64: {  	_ =	shalt  }
0x65: {  	_ =	shalt  }
0x66: {  	_ =	shalt  }
0x67: {  	_ =	shalt  }
0x68: {  	_ =	shalt  }
0x69: {  	_ =	shalt  }
0x6a: {  	_ =	shalt  }
0x6b: {  	_ =	shalt  }
0x6c: {  	_ =	shalt  }
0x6d: {  	_ =	shalt  }
0x6e: {  	_ =	shalt  }
0x6f: {  	_ =	shalt  }
0x70: {  	_ =	shalt  }
0x71: {  	_ =	shalt  }
0x72: {  	_ =	shalt  }
0x73: {  	_ =	shalt  }
0x74: {  	_ =	shalt  }
0x75: {  	_ =	shalt  }
0x76: {  	_ =	shalt  }
0x77: {  	_ =	shalt  }
0x78: {  	_ =	shalt  }
0x79: {  	_ =	shalt  }
0x7a: {  	_ =	shalt  }
0x7b: {  	_ =	shalt  }
0x7c: {  	_ =	shalt  }
0x7d: {  	_ =	shalt  }
0x7e: {  	_ =	shalt  }
0x7f: {  	_ =	shalt  }
0x80: {  	_ =	shalt  }
0x81: {  	_ =	shalt  }
0x82: {  	_ =	shalt  }
0x83: {  	_ =	shalt  }
0x84: {  	_ =	shalt  }
0x85: {  	_ =	shalt  }
0x86: {  	_ =	shalt  }
0x87: {  	_ =	shalt  }
.Lfunc_end0:
.L_simem_size_0:
called_computation.2_lowered:
.L_overlay_start_0:
0x88: {  	s2 =	sld [smem:$0x3FD9]  }
0x89: {  	s3 =	sld [smem:$0x3FFE];
	_ =	sdelay $0x1  }
0x8a: {  	s1 =	srdreg.scid  }
0x8b: {  	s0 =	sand.u32 $0x1, s1  }
0x8c: {  	s17 =	sshll.u32 s0, $0xA;
	s2 =	sadd.s32 s3, s2  }
0x8d: {  	s2 =	sadd.s32 s2, s17  }
0x8e: {  	[smem:$0x3FC1] =	sst s2  }
0x8f: {  	_ = 	snop  }
0x90: {  	s2 =	sld [smem:$0x3FD0];
	(tm) =	ssettm $0x1  }
0x91: {  	s18 =	sld [smem:$0x3FFB];
	_ =	sdelay $0x3  }
0x92: {  	_ =	strace s18  }
0x93: {  	s3 =	sld [smem:$0x3FFC];
	_ =	sdelay $0x3  }
0x94: {  	_ =	strace s3  }
0x95: {  	s3 =	sld [smem:$0x3FFD];
	_ =	sdelay $0x3  }
0x96: {  	_ =	strace s3  }
0x97: {  	_ =	strace $0x8FFFFFFF  }
0x98: {  	s19 =	sld [smem:$0x3FDB];
	_ =	sdelay $0x1  }
0x99: {  	s4 =	simm.s32 $_scs_section_size  }
0x9a: {  	s5 =	simm.s32 $_size__tile_overlayer_lowered;
	s6 =	simm.s32 $_tile_overlayer_lowered  }
0x9b: {  	s22 =	simm.s32 $0x1BFF;
	s21 =	sshll.u32 s6, $0x1;
	s3 =	sadd.s32 s4, s19  }
0x9c: {  	s7 =	simm.s32 $0x0;
	s20 =	sshll.u32 s5, $0x1;
	s5 =	sadd.s32 s21, s3  }
0x9d: {  	[timem:s7], [sflag:s22] =	dma.local [hbm:s5], s20  }
0x9e: {  	_ =	swait.ge [sflag:s22], s20  }
0x9f: {  	s4 =	ssub.s32 $0x0, s20;
	[sflag:s22] =	ssyncset.done $0x0  }
0xa0: {  	[sflag:s22] =	ssyncadd.s32 s4;
	_ =	sdelay $0x1  }
0xa1: {  	s23 =	simm.s32 $0x1B8B  }
0xa2: {  	_ =	swait.ge [sflag:s23], $0x1  }
0xa3: {  	[sflag:s23] =	ssyncset.done $0x0  }
0xa4: {  	s25 =	simm.s32 $0x1B8E;
	s24 =	sld [smem:$0x3FFE];
	[sflag:s23] =	ssyncadd.s32 $0xFFFFFFFF  }
0xa5: {  	s26 =	simm.s32 $execute0_lowered;
	[smem:$0x3FD2] =	sst s25  }
0xa6: {  	s5 =	sshll.u32 s26, $0x1;
	_ =	strace $0x8000004C;
	[dreg:$0x1] =	wrdreg $0xFFFFFFFF  }
0xa7: {  	s28 =	simm.s32 $_size_execute0_lowered;
	s3 =	sadd.s32 s3, s5;
	[dreg:$0x0] =	wrdreg $0x0  }
0xa8: {  	s5 =	sshll.u32 s28, $0x1;
	[dreg:$0x2] =	wrdreg s3  }
0xa9: {  	[dreg:$0x3] =	wrdreg s5  }
0xaa: {  	[dreg:$0x4] =	wrdreg $0xC0  }
0xab: {  	_ =	task [dreg:s7], $0x5FFFF  }
0xac: {  	[dreg:$0x1] =	wrdreg $0xFFFFFFFF  }
0xad: {  	[dreg:$0x0] =	wrdreg $0x60  }
0xae: {  	[dreg:$0x2] =	wrdreg s24  }
0xaf: {  	[dreg:$0x3] =	wrdreg s2  }
0xb0: {  	[dreg:$0x4] =	wrdreg $0x84000  }
0xb1: {  	[dreg:$0x5] =	wrdreg $0x9  }
0xb2: {  	_ =	task.clear_ibuf [dreg:s7], $0x6FFFF;
	_ =	strace $0x9000004C  }
0xb3: {  	s29 =	simm.s32 $0x9;
	_ =	strace $0x8000004E  }
0xb4: {  	_ =	swait.ge [sflag:s29], $0x1  }
0xb5: {  	[sflag:s29] =	ssyncadd.s32 $0xFFFFFFFF  }
0xb6: {  	_ =	strace $0x9000004E  }
0xb7: {  	_ =	sfence  }
0xb8: {  	s30 =	sld [smem:$0x0];
	_ =	sdelay $0x2  }
0xb9: {  	s31 =	sshll.u32 s1, $0xD;
	s1 =	sshrl.u32 s1, $0x2  }
0xba: {  	s3 =	sand.u32 $0x4000, s31;
	s1 =	sadd.s32 s1, s30  }
0xbb: {  	s0 =	sor.u32 s3, s0;
	s1 =	sshll.u32 s1, $0x11  }
0xbc: {  	s0 =	sor.u32 s1, s0  }
0xbd: {  	s0 =	sadd.s32 $0x8F2B, s0  }
0xbe: {  	[sflag:s0] =	ssyncadd.remote.s32 $0x1  }
0xbf: {  	_ =	sfence.sel $0xFFFF  }
0xc0: {  	[dreg:$0x0] =	wrdreg $0xFFFFFFFF;
	(pc) =	sbr.abs _section_cstart, $3  }
0xc1: {  	[dreg:$0x1] =	wrdreg $0xFFFFFFFF  }
0xc2: {  	_ =	task.clear_ibuf [dreg:s7], $0x2FFFF;
	_ =	strace $0x9FFFFFFF  }
0xc3: {  	(tm) =	ssettm $0x7FFFFFFF  }
tec
execute0_lowered:
.L_overlay_start_1:
0x0: {  	(tag) =	ssettag $0x1  }
0x1: {  	s0 =	rddreg [dreg:$0x0];
	s1 =	srdreg.scid  }
0x2: {  	s5 =	rddreg [dreg:$0x1];
	s10 =	stileid.u32  }
0x3: {  	s2 =	rddreg [dreg:$0x2];
	s3 =	simm.s32 $0x0;
	s6 =	smul.u32 $0x14000, s10  }
0x4: {  	s13 =	simm.s32 $0x1D;
	s28 =	simm.s32 $0x4;
	s7 =	smul.u32 $0xA0, s10  }
0x5: {  	s29 =	simm.s32 $0x4400;
	s1 =	sand.u32 $0x1, s1;
	s16 =	smul.u32 $0x50000, s10  }
0x6: {  	s30 =	simm.s32 $0x1;
	s31 =	simm.s32 $0x5;
	s8 =	smul.u32 $0x78, s1  }
0x7: {  	[smem:$0x7FF] =	sst s3;
	s10 =	simm.s32 $0x0;
	s4 =	smul.u32 $0x140000, s1  }
0x8: {  	_ =	strace $0x8000004D;
	s9 =	ssub.s32 $0x2, s1;
	s7 =	sadd.s32 s8, s7  }
0x9: {  	p0 =	seq.s32 s1, $0x0;
	s1 =	simm.s32 $0x2;
	s7 =	sshll.u32 s7, $0x5  }
0xa: {  	s17 =	sshrl.u32 s9, $0x1;
	s18 =	sshrl.u32 s16, $0x2;
	s5 =	sadd.s32 s5, s7  }
0xb: {  	s13 =	simm.s32 @!p0 $0x9;
	s6 =	sadd.s32 s6, s4;
	s19 =	sadd.s32 $0x20, s5  }
0xc: {  	s4 =	sadd.s32 $0x1400, s0;
	s20 =	sadd.s32 $0x40, s5;
	[dreg:$0x4] =	wrdreg s19  }
0xd: {  	s7 =	sadd.s32 s18, s2;
	s21 =	sadd.s32 $0x60, s5;
	[dreg:$0x5] =	wrdreg s20  }
0xe: {  	s8 =	simm.s32 $0x280;
	s22 =	sadd.s32 $0x4000, s7;
	[dreg:$0x6] =	wrdreg s21  }
0xf: {  	s6 =	sshrl.u32 s6, $0x3;
	s23 =	sadd.s32 $0x8000, s7;
	[dreg:$0x7] =	wrdreg s22  }
0x10: {  	s0 =	sadd.s32 s6, s0;
	s24 =	sadd.s32 $0xC000, s7;
	[dreg:$0x8] =	wrdreg s23  }
0x11: {  	s6 =	ssub.s32 s9, s17;
	s25 =	sadd.s32 $0x10000, s7;
	[dreg:$0x9] =	wrdreg s24  }
0x12: {  	s9 =	simm.s32 $0x380;
	s0 =	sadd.s32 $0x29400, s0;
	[dreg:$0xa] =	wrdreg s25  }
0x13: {  	s26 =	smax.u32 s6, $0x1;
	s17 =	sadd.s32 $0xE0, s5;
	[dreg:$0xb] =	wrdreg s0  }
0x14: {  	s18 =	sadd.s32 $0xC0, s5;
	s6 =	simm.s32 $0x6;
	[dreg:$0xc] =	wrdreg s26  }
0x15: {  	s19 =	sadd.s32 $0x80, s5;
	s20 =	simm.s32 $0x100;
	s21 =	simm.s32 $0x200  }
0x16: {  	s22 =	simm.s32 $0x300;
	s23 =	simm.s32 $0x400;
	s24 =	simm.s32 $0x7  }
0x17: {  	v0 =	vimm.f32 $0.0e+00;
	s25 =	simm.s32 $0x3;
	s26 =	simm.s32 $0x80;
	s0 =	simm.s32 $0x180  }
.LBB2_1:
0x18: {  	[tilespmem:s3], [sflag:$0x3] =	stream.linear.gather [hbm4b:s5+s3], $0x100, $0x38;
	[tilespmem:$0x1C400] =	vst v63  }
0x19: {  	s11 =	rddreg [dreg:$0x4]  }
0x1a: {  	[tilespmem:s20], [sflag:$0x4] =	stream.linear.gather [hbm4b:s11+s3], $0x100, $0x38;
	[tilespmem:$0x1C400] =	vst v63  }
0x1b: {  	s15 =	rddreg [dreg:$0x5]  }
0x1c: {  	[tilespmem:s21], [sflag:$0x5] =	stream.linear.gather [hbm4b:s15+s3], $0x100, $0x38;
	[tilespmem:$0x1C400] =	vst v63  }
0x1d: {  	s16 =	rddreg [dreg:$0x6];
	s12 =	simm.s32 $0x200;
	s11 =	simm.s32 $0x0  }
0x1e: {  	[tilespmem:s22], [sflag:$0x6] =	stream.linear.gather [hbm4b:s16+s3], $0x100, $0x38;
	[tilespmem:$0x1C400] =	vst v63  }
.LBB2_2:
0x1f: {  	p0 =	sne.s32 s12, $0xFE00;
	[tilespmem:s11+$0x470] =	vst v0  }
0x20: {  	[tilespmem:s11+$0x400] =	vst v0  }
0x21: {  	[tilespmem:s11+$0x410] =	vst v0  }
.Ltmp0:
0x22: {  	[tilespmem:s11+$0x420] =	vst v0;
	(pc) =	sbr.rel @p0 .LBB2_2-.Ltmp0, $4  }
0x23: {  	[tilespmem:s11+$0x430] =	vst v0  }
0x24: {  	[tilespmem:s11+$0x440] =	vst v0  }
0x25: {  	[tilespmem:s11+$0x450] =	vst v0  }
0x26: {  	[tilespmem:s11+$0x460] =	vst v0;
	s11 =	sshra.s32 s12, $0x2;
	s12 =	sadd.s32 $0x200, s12  }
0x27: {  	[tilespmem:s11+$0x470] =	vst v0  }
0x28: {  	[tilespmem:s11+$0x400] =	vst v0  }
0x29: {  	[tilespmem:s11+$0x410] =	vst v0  }
0x2a: {  	[tilespmem:s11+$0x420] =	vst v0  }
0x2b: {  	[tilespmem:s11+$0x430] =	vst v0  }
0x2c: {  	[tilespmem:s11+$0x440] =	vst v0  }
0x2d: {  	[tilespmem:s11+$0x450] =	vst v0  }
0x2e: {  	[tilespmem:s11+$0x460] =	vst v0  }
0x2f: {  	[spmem:s7] =	stream.linear.scatter [tilespmem:s23], [sflag:$0x7], $0x4000, $0x38;
	[tilespmem:$0x1C400] =	vst v63  }
0x30: {  	_ =	swait.ge [sflag:s24], $0x4000  }
0x31: {  	[sflag:s24] =	ssyncset.done $0x0  }
0x32: {  	s16 =	rddreg [dreg:$0x7];
	[sflag:s24] =	ssyncadd.s32 $0xFFFFC000  }
0x33: {  	[spmem:s16] =	stream.linear.scatter [tilespmem:s23], [sflag:$0x7], $0x4000, $0x38;
	[tilespmem:$0x1C400] =	vst v63  }
0x34: {  	_ =	swait.ge [sflag:s24], $0x4000  }
0x35: {  	[sflag:s24] =	ssyncset.done $0x0  }
0x36: {  	s12 =	rddreg [dreg:$0x8];
	[sflag:s24] =	ssyncadd.s32 $0xFFFFC000  }
0x37: {  	[spmem:s12] =	stream.linear.scatter [tilespmem:s23], [sflag:$0x7], $0x4000, $0x38;
	[tilespmem:$0x1C400] =	vst v63  }
0x38: {  	_ =	swait.ge [sflag:s24], $0x4000  }
0x39: {  	[sflag:s24] =	ssyncset.done $0x0  }
0x3a: {  	s14 =	rddreg [dreg:$0x9];
	[sflag:s24] =	ssyncadd.s32 $0xFFFFC000  }
0x3b: {  	[spmem:s14] =	stream.linear.scatter [tilespmem:s23], [sflag:$0x7], $0x4000, $0x38;
	[tilespmem:$0x1C400] =	vst v63  }
0x3c: {  	_ =	swait.ge [sflag:s24], $0x4000  }
0x3d: {  	[sflag:s24] =	ssyncset.done $0x0  }
0x3e: {  	s15 =	rddreg [dreg:$0xa];
	[sflag:s24] =	ssyncadd.s32 $0xFFFFC000  }
0x3f: {  	[spmem:s15] =	stream.linear.scatter [tilespmem:s23], [sflag:$0x7], $0x4000, $0x38;
	[tilespmem:$0x1C400] =	vst v63  }
0x40: {  	_ =	swait.ge [sflag:s24], $0x4000  }
0x41: {  	[sflag:s24] =	ssyncset.done $0x0  }
0x42: {  	[sflag:s24] =	ssyncadd.s32 $0xFFFFC000  }
0x43: {  	[bflag:$0x0] =	sbarrier.arrive $0xFFFF  }
0x44: {  	_ =	swait.ge [sflag:s25], $0x100  }
0x45: {  	[sflag:s25] =	ssyncset.done $0x0  }
0x46: {  	[sflag:s25] =	ssyncadd.s32 $0xFFFFFF00  }
0x47: {  	[tilespmem:s23], [sflag:$0x1] =	stream.indirect.gather [hbm4b:s4+s26], $0x80, s3, s26, $0xb8;
	[tilespmem:$0x1C400] =	vst v63  }
0x48: {  	_ =	swait.ge [sflag:s28], $0x100  }
0x49: {  	[sflag:s28] =	ssyncset.done $0x0  }
0x4a: {  	[sflag:s28] =	ssyncadd.s32 $0xFFFFFF00  }
0x4b: {  	[tilespmem:s29], [sflag:$0x2] =	stream.indirect.gather [hbm4b:s4+s26], $0x80, s20, s26, $0xb8;
	[tilespmem:$0x1C400] =	vst v63  }
0x4c: {  	_ =	swait.ge [sflag:s30], $0x4000  }
0x4d: {  	[sflag:s30] =	ssyncset.done $0x0  }
0x4e: {  	[sflag:s30] =	ssyncadd.s32 $0xFFFFC000  }
0x4f: {  	[spmem:s2] =	stream.indirect.scatter.add.f32 [tilespmem:s23], [sflag:$0x7], $0x80, s26, s26, $0xb8;
	[tilespmem:$0x1C400] =	vst v63  }
0x50: {  	_ =	swait.ge [sflag:s24], $0x4000  }
0x51: {  	[sflag:s24] =	ssyncset.done $0x0  }
0x52: {  	[sflag:s24] =	ssyncadd.s32 $0xFFFFC000  }
0x53: {  	[tilespmem:s3], [sflag:$0x3] =	stream.linear.gather [hbm4b:s19+s3], $0x100, $0x38;
	[tilespmem:$0x1C400] =	vst v63  }
0x54: {  	_ =	swait.ge [sflag:s31], $0x100  }
0x55: {  	[sflag:s31] =	ssyncset.done $0x0  }
0x56: {  	[sflag:s31] =	ssyncadd.s32 $0xFFFFFF00  }
0x57: {  	[tilespmem:s23], [sflag:$0x1] =	stream.indirect.gather [hbm4b:s4+s26], $0x80, s21, s26, $0xb8;
	[tilespmem:$0x1C400] =	vst v63  }
0x58: {  	_ =	swait.ge [sflag:s1], $0x4000  }
0x59: {  	[sflag:s1] =	ssyncset.done $0x0  }
0x5a: {  	[sflag:s1] =	ssyncadd.s32 $0xFFFFC000  }
0x5b: {  	[spmem:s2] =	stream.indirect.scatter.add.f32 [tilespmem:s29], [sflag:$0x7], $0x80, s0, s26, $0xb8;
	[tilespmem:$0x1C400] =	vst v63  }
0x5c: {  	_ =	swait.ge [sflag:s24], $0x4000  }
0x5d: {  	[sflag:s24] =	ssyncset.done $0x0  }
0x5e: {  	s16 =	sadd.s32 $0xFFFFFFC0, s17;
	[sflag:s24] =	ssyncadd.s32 $0xFFFFC000  }
0x5f: {  	[tilespmem:s20], [sflag:$0x4] =	stream.linear.gather [hbm4b:s16+s3], $0x100, $0x38;
	[tilespmem:$0x1C400] =	vst v63  }
0x60: {  	_ =	swait.ge [sflag:s6], $0x100  }
0x61: {  	[sflag:s6] =	ssyncset.done $0x0  }
0x62: {  	[sflag:s6] =	ssyncadd.s32 $0xFFFFFF00  }
0x63: {  	[tilespmem:s29], [sflag:$0x2] =	stream.indirect.gather [hbm4b:s4+s26], $0x80, s22, s26, $0xb8;
	[tilespmem:$0x1C400] =	vst v63  }
0x64: {  	_ =	swait.ge [sflag:s30], $0x4000  }
0x65: {  	[sflag:s30] =	ssyncset.done $0x0  }
0x66: {  	[sflag:s30] =	ssyncadd.s32 $0xFFFFC000  }
0x67: {  	[spmem:s2] =	stream.indirect.scatter.add.f32 [tilespmem:s23], [sflag:$0x7], $0x80, s8, s26, $0xb8;
	[tilespmem:$0x1C400] =	vst v63  }
0x68: {  	_ =	swait.ge [sflag:s24], $0x4000  }
0x69: {  	[sflag:s24] =	ssyncset.done $0x0  }
0x6a: {  	[sflag:s24] =	ssyncadd.s32 $0xFFFFC000  }
0x6b: {  	[tilespmem:s21], [sflag:$0x5] =	stream.linear.gather [hbm4b:s18+s3], $0x100, $0x38;
	[tilespmem:$0x1C400] =	vst v63  }
0x6c: {  	_ =	swait.ge [sflag:s25], $0x100  }
0x6d: {  	[sflag:s25] =	ssyncset.done $0x0  }
0x6e: {  	[sflag:s25] =	ssyncadd.s32 $0xFFFFFF00  }
0x6f: {  	[tilespmem:s23], [sflag:$0x1] =	stream.indirect.gather [hbm4b:s4+s26], $0x80, s3, s26, $0xb8;
	[tilespmem:$0x1C400] =	vst v63  }
0x70: {  	_ =	swait.ge [sflag:s1], $0x4000  }
0x71: {  	[sflag:s1] =	ssyncset.done $0x0  }
0x72: {  	[sflag:s1] =	ssyncadd.s32 $0xFFFFC000  }
0x73: {  	[spmem:s2] =	stream.indirect.scatter.add.f32 [tilespmem:s29], [sflag:$0x7], $0x80, s9, s26, $0xb8;
	[tilespmem:$0x1C400] =	vst v63  }
0x74: {  	_ =	swait.ge [sflag:s24], $0x4000  }
0x75: {  	p0 =	sne.s32 s13, $0x1;
	[sflag:s24] =	ssyncset.done $0x0  }
.Ltmp1:
0x76: {  	[sflag:s24] =	ssyncadd.s32 $0xFFFFC000;
	(pc) =	sbr.rel @!p0 .LBB2_5-.Ltmp1, $4  }
0x77: {  	[tilespmem:s22], [sflag:$0x6] =	stream.linear.gather [hbm4b:s17+s3], $0x100, $0x38;
	[tilespmem:$0x1C400] =	vst v63  }
0x78: {  	_ =	swait.ge [sflag:s28], $0x100  }
0x79: {  	s11 =	sadd.s32 $0xFFFFFFFF, s13;
	s12 =	sadd.s32 $0x80, s19;
	[sflag:s28] =	ssyncset.done $0x0  }
0x7a: {  	s14 =	sadd.s32 $0x80, s17;
	s15 =	sadd.s32 $0x80, s18;
	[sflag:s28] =	ssyncadd.s32 $0xFFFFFF00  }
.LBB2_4:
0x7b: {  	[tilespmem:s29], [sflag:$0x2] =	stream.indirect.gather [hbm4b:s4+s26], $0x80, s20, s26, $0xb8;
	[tilespmem:$0x1C400] =	vst v63  }
0x7c: {  	p0 =	sne.s32 s11, $0x1;
	s11 =	sadd.s32 $0xFFFFFFFF, s11;
	_ =	swait.ge [sflag:s30], $0x4000  }
0x7d: {  	[sflag:s30] =	ssyncset.done $0x0  }
0x7e: {  	[sflag:s30] =	ssyncadd.s32 $0xFFFFC000  }
0x7f: {  	[spmem:s2] =	stream.indirect.scatter.add.f32 [tilespmem:s23], [sflag:$0x7], $0x80, s26, s26, $0xb8;
	[tilespmem:$0x1C400] =	vst v63  }
0x80: {  	_ =	swait.ge [sflag:s24], $0x4000  }
0x81: {  	[sflag:s24] =	ssyncset.done $0x0  }
0x82: {  	[sflag:s24] =	ssyncadd.s32 $0xFFFFC000  }
0x83: {  	[tilespmem:s3], [sflag:$0x3] =	stream.linear.gather [hbm4b:s12+s3], $0x100, $0x38;
	[tilespmem:$0x1C400] =	vst v63  }
0x84: {  	_ =	swait.ge [sflag:s31], $0x100  }
0x85: {  	[sflag:s31] =	ssyncset.done $0x0  }
0x86: {  	[sflag:s31] =	ssyncadd.s32 $0xFFFFFF00  }
0x87: {  	[tilespmem:s23], [sflag:$0x1] =	stream.indirect.gather [hbm4b:s4+s26], $0x80, s21, s26, $0xb8;
	[tilespmem:$0x1C400] =	vst v63  }
0x88: {  	_ =	swait.ge [sflag:s1], $0x4000  }
0x89: {  	[sflag:s1] =	ssyncset.done $0x0  }
0x8a: {  	[sflag:s1] =	ssyncadd.s32 $0xFFFFC000  }
0x8b: {  	[spmem:s2] =	stream.indirect.scatter.add.f32 [tilespmem:s29], [sflag:$0x7], $0x80, s0, s26, $0xb8;
	[tilespmem:$0x1C400] =	vst v63  }
0x8c: {  	_ =	swait.ge [sflag:s24], $0x4000  }
0x8d: {  	[sflag:s24] =	ssyncset.done $0x0  }
0x8e: {  	s16 =	sadd.s32 $0xFFFFFFC0, s14;
	[sflag:s24] =	ssyncadd.s32 $0xFFFFC000  }
0x8f: {  	[tilespmem:s20], [sflag:$0x4] =	stream.linear.gather [hbm4b:s16+s3], $0x100, $0x38;
	[tilespmem:$0x1C400] =	vst v63  }
0x90: {  	_ =	swait.ge [sflag:s6], $0x100  }
0x91: {  	[sflag:s6] =	ssyncset.done $0x0  }
0x92: {  	[sflag:s6] =	ssyncadd.s32 $0xFFFFFF00  }
0x93: {  	[tilespmem:s29], [sflag:$0x2] =	stream.indirect.gather [hbm4b:s4+s26], $0x80, s22, s26, $0xb8;
	[tilespmem:$0x1C400] =	vst v63  }
0x94: {  	_ =	swait.ge [sflag:s30], $0x4000  }
0x95: {  	[sflag:s30] =	ssyncset.done $0x0  }
0x96: {  	[sflag:s30] =	ssyncadd.s32 $0xFFFFC000  }
0x97: {  	[spmem:s2] =	stream.indirect.scatter.add.f32 [tilespmem:s23], [sflag:$0x7], $0x80, s8, s26, $0xb8;
	[tilespmem:$0x1C400] =	vst v63  }
0x98: {  	_ =	swait.ge [sflag:s24], $0x4000  }
0x99: {  	[sflag:s24] =	ssyncset.done $0x0  }
0x9a: {  	[sflag:s24] =	ssyncadd.s32 $0xFFFFC000  }
0x9b: {  	[tilespmem:s21], [sflag:$0x5] =	stream.linear.gather [hbm4b:s15+s3], $0x100, $0x38;
	[tilespmem:$0x1C400] =	vst v63  }
0x9c: {  	_ =	swait.ge [sflag:s25], $0x100  }
0x9d: {  	[sflag:s25] =	ssyncset.done $0x0  }
0x9e: {  	[sflag:s25] =	ssyncadd.s32 $0xFFFFFF00  }
0x9f: {  	[tilespmem:s23], [sflag:$0x1] =	stream.indirect.gather [hbm4b:s4+s26], $0x80, s3, s26, $0xb8;
	[tilespmem:$0x1C400] =	vst v63  }
0xa0: {  	_ =	swait.ge [sflag:s1], $0x4000  }
0xa1: {  	[sflag:s1] =	ssyncset.done $0x0  }
0xa2: {  	[sflag:s1] =	ssyncadd.s32 $0xFFFFC000  }
0xa3: {  	[spmem:s2] =	stream.indirect.scatter.add.f32 [tilespmem:s29], [sflag:$0x7], $0x80, s9, s26, $0xb8;
	[tilespmem:$0x1C400] =	vst v63  }
0xa4: {  	_ =	swait.ge [sflag:s24], $0x4000  }
0xa5: {  	[sflag:s24] =	ssyncset.done $0x0  }
.Ltmp2:
0xa6: {  	[sflag:s24] =	ssyncadd.s32 $0xFFFFC000;
	(pc) =	sbr.rel @p0 .LBB2_4-.Ltmp2, $4  }
0xa7: {  	[tilespmem:s22], [sflag:$0x6] =	stream.linear.gather [hbm4b:s14+s3], $0x100, $0x38;
	[tilespmem:$0x1C400] =	vst v63  }
0xa8: {  	_ =	swait.ge [sflag:s28], $0x100  }
0xa9: {  	s12 =	sadd.s32 $0x80, s12;
	[sflag:s28] =	ssyncset.done $0x0  }
0xaa: {  	s15 =	sadd.s32 $0x80, s15;
	s14 =	sadd.s32 $0x80, s14;
	[sflag:s28] =	ssyncadd.s32 $0xFFFFFF00  }
.LBB2_5:
0xab: {  	[tilespmem:s29], [sflag:$0x2] =	stream.indirect.gather [hbm4b:s4+s26], $0x80, s20, s26, $0xb8;
	[tilespmem:$0x1C400] =	vst v63  }
0xac: {  	_ =	swait.ge [sflag:s30], $0x4000  }
0xad: {  	[sflag:s30] =	ssyncset.done $0x0  }
0xae: {  	[sflag:s30] =	ssyncadd.s32 $0xFFFFC000  }
0xaf: {  	[spmem:s2] =	stream.indirect.scatter.add.f32 [tilespmem:s23], [sflag:$0x7], $0x80, s26, s26, $0xb8;
	[tilespmem:$0x1C400] =	vst v63  }
0xb0: {  	_ =	swait.ge [sflag:s24], $0x4000  }
0xb1: {  	[sflag:s24] =	ssyncset.done $0x0  }
0xb2: {  	[sflag:s24] =	ssyncadd.s32 $0xFFFFC000  }
0xb3: {  	_ =	swait.ge [sflag:s31], $0x100  }
0xb4: {  	[sflag:s31] =	ssyncset.done $0x0  }
0xb5: {  	[sflag:s31] =	ssyncadd.s32 $0xFFFFFF00  }
0xb6: {  	[tilespmem:s23], [sflag:$0x1] =	stream.indirect.gather [hbm4b:s4+s26], $0x80, s21, s26, $0xb8;
	[tilespmem:$0x1C400] =	vst v63  }
0xb7: {  	_ =	swait.ge [sflag:s1], $0x4000  }
0xb8: {  	[sflag:s1] =	ssyncset.done $0x0  }
0xb9: {  	[sflag:s1] =	ssyncadd.s32 $0xFFFFC000  }
0xba: {  	[spmem:s2] =	stream.indirect.scatter.add.f32 [tilespmem:s29], [sflag:$0x7], $0x80, s0, s26, $0xb8;
	[tilespmem:$0x1C400] =	vst v63  }
0xbb: {  	_ =	swait.ge [sflag:s24], $0x4000  }
0xbc: {  	[sflag:s24] =	ssyncset.done $0x0  }
0xbd: {  	[sflag:s24] =	ssyncadd.s32 $0xFFFFC000  }
0xbe: {  	_ =	swait.ge [sflag:s6], $0x100  }
0xbf: {  	[sflag:s6] =	ssyncset.done $0x0  }
0xc0: {  	[sflag:s6] =	ssyncadd.s32 $0xFFFFFF00  }
0xc1: {  	[tilespmem:s29], [sflag:$0x2] =	stream.indirect.gather [hbm4b:s4+s26], $0x80, s22, s26, $0xb8;
	[tilespmem:$0x1C400] =	vst v63  }
0xc2: {  	_ =	swait.ge [sflag:s30], $0x4000  }
0xc3: {  	[sflag:s30] =	ssyncset.done $0x0  }
0xc4: {  	[sflag:s30] =	ssyncadd.s32 $0xFFFFC000  }
0xc5: {  	[spmem:s2] =	stream.indirect.scatter.add.f32 [tilespmem:s23], [sflag:$0x7], $0x80, s8, s26, $0xb8;
	[tilespmem:$0x1C400] =	vst v63  }
0xc6: {  	_ =	swait.ge [sflag:s24], $0x4000  }
0xc7: {  	[sflag:s24] =	ssyncset.done $0x0  }
0xc8: {  	[sflag:s24] =	ssyncadd.s32 $0xFFFFC000  }
0xc9: {  	_ =	swait.ge [sflag:s1], $0x4000  }
0xca: {  	[sflag:s1] =	ssyncset.done $0x0  }
0xcb: {  	[sflag:s1] =	ssyncadd.s32 $0xFFFFC000  }
0xcc: {  	[spmem:s2] =	stream.indirect.scatter.add.f32 [tilespmem:s29], [sflag:$0x7], $0x80, s9, s26, $0xb8;
	[tilespmem:$0x1C400] =	vst v63  }
0xcd: {  	_ =	swait.ge [sflag:s24], $0x4000  }
0xce: {  	[sflag:s24] =	ssyncset.done $0x0  }
0xcf: {  	s11 =	stileid.u32;
	[sflag:s24] =	ssyncadd.s32 $0xFFFFC000  }
0xd0: {  	s11 =	sshll.u32 s11, $0x6;
	[bflag:$0x0] =	sbarrier.arrive $0xFFFF  }
0xd1: {  	s12 =	sshrl.u32 s7, $0x3;
	s11 =	sor.u32 $0x1C07, s11;
	s14 =	rddreg [dreg:$0xb]  }
0xd2: {  	[hbm:s14], [sflag:s11] =	dma.local [spmem:s12], $0x2800  }
0xd3: {  	_ =	swait.ge [sflag:s24], $0x2800  }
0xd4: {  	s10 =	sadd.s32 $0x1, s10;
	s16 =	rddreg [dreg:$0xc]  }
0xd5: {  	p0 =	sne.s32 s10, s16  }
.Ltmp3:
0xd6: {  	_ = 	snop;
	(pc) =	sbr.rel @p0 .LBB2_1-.Ltmp3, $3  }
0xd7: {  	_ =	sdelay $0x1  }
0xd8: {  	[sflag:s24] =	ssyncset.done $0x0  }
0xd9: {  	[sflag:s24] =	ssyncadd.s32 $0xFFFFD800  }
0xda: {  	_ =	sfence.sel $0x180000  }
0xdb: {  	[bflag:$0x0] =	sbarrier.arrive $0xFFFF  }
0xdc: {  	_ =	strace $0x9000004D  }
0xdd: {  	s0 =	stileid.u32;
	[bflag:$0x2] =	sbarrier.arrive $0xFFFF  }
0xde: {  	p0 =	sne.s32 s0, $0x0;
	s0 =	rddreg [dreg:$0x3]  }
0xdf: {  	s0 =	sadd.s32 @!p0 $0x100000, s0  }
0xe0: {  	[sflag:s0] =	ssyncadd.tile.s32 @!p0 $0x1;
	_ =	shalt  }
.Lfunc_end2:
_tile_overlayer_lowered:
.L_overlay_start_2:
0xe1: {  	(tag) =	ssettag $0x2  }
0xe2: {  	s0 =	rddreg [dreg:$0x0];
	s2 =	stileid.u32  }
0xe3: {  	s1 =	rddreg [dreg:$0x1];
	p0 =	sne.s32 s2, $0x0  }
0xe4: {  	s3 =	rddreg [dreg:$0x2];
	[bflag:$0x3] =	sbarrier.arrive $0xFFFF;
	s2 =	simm.s32 @!p0 $0x1C07  }
0xe5: {  	[timem:s3], [sflag:s2] =	dma.local @!p0 [hbm:s0], s1  }
0xe6: {  	s0 =	simm.s32 @!p0 $0x7  }
0xe7: {  	_ =	swait.ge @!p0 [sflag:s0], s1  }
0xe8: {  	s1 =	ssub.s32 @!p0 $0x0, s1;
	[sflag:s0] =	ssyncset.done @!p0 $0x0  }
0xe9: {  	[sflag:s0] =	ssyncadd.s32 @!p0 s1  }
0xea: {  	[bflag:$0x3] =	sbarrier.arrive $0xFFFF  }
0xeb: {  	_ =	shalt  }

// kernel: kernel.7.cloned.1.call-start
scs
__scs_entry_jumppad:
0x0: {  	(pc) =	sbr.rel $0x88, $3  }
0x1: {  	(tag) =	ssettag $0x0;
	lr =	simm.s32 $0x1  }
0x2: {  	[smem:$0x3F9A] =	sst lr;
	_ =	strace $0xD0000000  }
0x3: {  	_ = 	snop  }
0x4: {  	_ = 	snop  }
0x5: {  	_ = 	snop  }
0x6: {  	_ = 	snop  }
0x7: {  	_ = 	snop  }
__scs_overlays_trampoline_lowered:
0x8: {  	[smem:$0x3FA9] =	sst s0  }
0x9: {  	[smem:$0x3FAA] =	sst s1  }
0xa: {  	[smem:$0x3FAB] =	sst s2  }
0xb: {  	[smem:$0x3FAC] =	sst s3  }
0xc: {  	[smem:$0x3FAD] =	sst s4  }
0xd: {  	[smem:$0x3FAE] =	sst s5  }
0xe: {  	[smem:$0x3FAF] =	sst s6  }
0xf: {  	[smem:$0x3FB0] =	sst s7  }
0x10: {  	[smem:$0x3FB1] =	sst s8  }
0x11: {  	[smem:$0x3FB2] =	sst s9;
	s0 =	simm.s32 @!p0 $0x0  }
0x12: {  	s1 =	sld [smem:$0x3F98];
	s0 =	simm.s32 @p0 $0x1  }
0x13: {  	[smem:$0x3FB3] =	sst s0;
	s0 =	simm.s32 @!p1 $0x0  }
0x14: {  	s2 =	sld [smem:$0x3F97];
	s0 =	simm.s32 @p1 $0x1  }
0x15: {  	[smem:$0x3FB4] =	sst s0;
	s0 =	simm.s32 @!p2 $0x0  }
0x16: {  	s3 =	sld [smem:$0x3FDB];
	s0 =	simm.s32 @p2 $0x1  }
0x17: {  	s4 =	simm.s32 $0x1BF5;
	[smem:$0x3FB6] =	sst s0  }
0x18: {  	s0 =	sld [smem:$0x3F99];
	_ =	swait.ge [sflag:s4], $0x0  }
0x19: {  	s7 =	sld [smem:$0x3F9A]  }
0x1a: {  	s8 =	sadd.s32 $0xFFFFE003, lr  }
0x1b: {  	s9 =	sadd.s32 $0xFFFFFEF7, lr;
	s5 =	simm.s32 $0xFFFFFFFF;
	p2 =	slt.u32 s8, $0xFFFFF086  }
0x1c: {  	p1 =	slt.u32 s9, $0xF7A;
	s5 =	simm.s32 @!p2 $0x0  }
0x1d: {  	s5 =	simm.s32 @p1 $0x1;
	p0 =	seq.s32 s7, s2  }
0x1e: {  	s7 =	smul.u32 @!p0 $0xF7A, s2;
	p2 =	seq.s32 @!p0 s5, $0x0  }
0x1f: {  	s9 =	smul.u32 $0xF7A, s1;
	s8 =	simm.s32 @!p0 $0x1BF5;
	p2 =	por !p2, p0  }
0x20: {  	[sflag:s8] =	ssyncset.s32 @!p0 $0xFFFFF086;
	s6 =	sadd.s32 @!p0 s3, s7;
	s7 =	simm.s32 @!p0 $0x108  }
0x21: {  	s3 =	sadd.s32 s3, s9;
	s6 =	sadd.s32 @!p0 $0x88, s6;
	s7 =	simm.s32 @p2 $0x1082  }
0x22: {  	[simem:s7], [sflag:s8] =	dma.local @!p0 [hbm:s6], $0xF7A  }
0x23: {  	s9 =	sor.u32 $0xD0000000, s2;
	s6 =	simm.s32 $0x108;
	_ =	swait.ge @!p0 [sflag:s8], $0x0  }
0x24: {  	s3 =	sadd.s32 $0x88, s3;
	s6 =	simm.s32 @!p1 $0x1082;
	[sflag:s4] =	ssyncset.s32 $0xFFFFF086  }
0x25: {  	[simem:s6], [sflag:s4] =	dma.local [hbm:s3], $0xF7A  }
0x26: {  	[smem:$0x3F9A] =	sst s1;
	(tag) =	ssettag s2;
	_ =	strace s9  }
0x27: {  	s1 =	sld [smem:$0x3FAA]  }
0x28: {  	s2 =	sld [smem:$0x3FAB]  }
0x29: {  	s4 =	sld [smem:$0x3FAD]  }
0x2a: {  	p0 =	seq.s32 s5, $0x0;
	s5 =	sld [smem:$0x3FAE]  }
0x2b: {  	s6 =	sld [smem:$0x3FAF]  }
0x2c: {  	s7 =	sld [smem:$0x3FB0]  }
0x2d: {  	s3 =	simm.s32 $0x108;
	s8 =	sld [smem:$0x3FB1]  }
0x2e: {  	s3 =	simm.s32 @!p0 $0x1082;
	s9 =	sld [smem:$0x3FB2]  }
0x2f: {  	lr =	sadd.s32 s0, s3;
	s0 =	sld [smem:$0x3FA9]  }
0x30: {  	s3 =	sld [smem:$0x3FAC]  }
0x31: {  	[smem:$0x3FB5] =	sst s10  }
0x32: {  	s10 =	sld [smem:$0x3FB3];
	_ =	sdelay $0x3  }
0x33: {  	p0 =	seq.s32 s10, $0x1;
	s10 =	sld [smem:$0x3FB5];
	_ =	sdelay $0x3  }
0x34: {  	[smem:$0x3FB5] =	sst s10  }
0x35: {  	s10 =	sld [smem:$0x3FB4];
	_ =	sdelay $0x3  }
0x36: {  	p1 =	seq.s32 s10, $0x1;
	s10 =	sld [smem:$0x3FB5];
	_ =	sdelay $0x3  }
0x37: {  	[smem:$0x3FB5] =	sst s10  }
0x38: {  	s10 =	sld [smem:$0x3FB6]  }
0x39: {  	_ = 	snop;
	(pc) =	sbr.ind lr, $3  }
0x3a: {  	_ = 	snop  }
0x3b: {  	_ = 	snop  }
0x3c: {  	p2 =	seq.s32 s10, $0x1;
	s10 =	sld [smem:$0x3FB5]  }
0x3d: {  	_ =	shalt  }
0x3e: {  	_ =	shalt  }
0x3f: {  	_ =	shalt  }
0x40: {  	_ =	shalt  }
0x41: {  	_ =	shalt  }
0x42: {  	_ =	shalt  }
0x43: {  	_ =	shalt  }
0x44: {  	_ =	shalt  }
0x45: {  	_ =	shalt  }
0x46: {  	_ =	shalt  }
0x47: {  	_ =	shalt  }
0x48: {  	_ =	shalt  }
0x49: {  	_ =	shalt  }
0x4a: {  	_ =	shalt  }
0x4b: {  	_ =	shalt  }
0x4c: {  	_ =	shalt  }
0x4d: {  	_ =	shalt  }
0x4e: {  	_ =	shalt  }
0x4f: {  	_ =	shalt  }
0x50: {  	_ =	shalt  }
0x51: {  	_ =	shalt  }
0x52: {  	_ =	shalt  }
0x53: {  	_ =	shalt  }
0x54: {  	_ =	shalt  }
0x55: {  	_ =	shalt  }
0x56: {  	_ =	shalt  }
0x57: {  	_ =	shalt  }
0x58: {  	_ =	shalt  }
0x59: {  	_ =	shalt  }
0x5a: {  	_ =	shalt  }
0x5b: {  	_ =	shalt  }
0x5c: {  	_ =	shalt  }
0x5d: {  	_ =	shalt  }
0x5e: {  	_ =	shalt  }
0x5f: {  	_ =	shalt  }
0x60: {  	_ =	shalt  }
0x61: {  	_ =	shalt  }
0x62: {  	_ =	shalt  }
0x63: {  	_ =	shalt  }
0x64: {  	_ =	shalt  }
0x65: {  	_ =	shalt  }
0x66: {  	_ =	shalt  }
0x67: {  	_ =	shalt  }
0x68: {  	_ =	shalt  }
0x69: {  	_ =	shalt  }
0x6a: {  	_ =	shalt  }
0x6b: {  	_ =	shalt  }
0x6c: {  	_ =	shalt  }
0x6d: {  	_ =	shalt  }
0x6e: {  	_ =	shalt  }
0x6f: {  	_ =	shalt  }
0x70: {  	_ =	shalt  }
0x71: {  	_ =	shalt  }
0x72: {  	_ =	shalt  }
0x73: {  	_ =	shalt  }
0x74: {  	_ =	shalt  }
0x75: {  	_ =	shalt  }
0x76: {  	_ =	shalt  }
0x77: {  	_ =	shalt  }
0x78: {  	_ =	shalt  }
0x79: {  	_ =	shalt  }
0x7a: {  	_ =	shalt  }
0x7b: {  	_ =	shalt  }
0x7c: {  	_ =	shalt  }
0x7d: {  	_ =	shalt  }
0x7e: {  	_ =	shalt  }
0x7f: {  	_ =	shalt  }
0x80: {  	_ =	shalt  }
0x81: {  	_ =	shalt  }
0x82: {  	_ =	shalt  }
0x83: {  	_ =	shalt  }
0x84: {  	_ =	shalt  }
0x85: {  	_ =	shalt  }
0x86: {  	_ =	shalt  }
0x87: {  	_ =	shalt  }
.Lfunc_end0:
.L_simem_size_0:
called_computation_lowered:
.L_overlay_start_0:
0x88: {  	s2 =	sld [smem:$0x3FD9]  }
0x89: {  	s3 =	sld [smem:$0x3FFE];
	_ =	sdelay $0x1  }
0x8a: {  	s1 =	srdreg.scid  }
0x8b: {  	s0 =	sand.u32 $0x1, s1  }
0x8c: {  	s17 =	sshll.u32 s0, $0xA;
	s2 =	sadd.s32 s3, s2  }
0x8d: {  	s2 =	sadd.s32 s2, s17  }
0x8e: {  	[smem:$0x3FC1] =	sst s2  }
0x8f: {  	_ = 	snop  }
0x90: {  	s2 =	sld [smem:$0x3FC7];
	(tm) =	ssettm $0x1  }
0x91: {  	s18 =	sld [smem:$0x3FFB];
	_ =	sdelay $0x3  }
0x92: {  	_ =	strace s18  }
0x93: {  	s3 =	sld [smem:$0x3FFC];
	_ =	sdelay $0x3  }
0x94: {  	_ =	strace s3  }
0x95: {  	s3 =	sld [smem:$0x3FFD];
	_ =	sdelay $0x3  }
0x96: {  	_ =	strace s3  }
0x97: {  	_ =	strace $0x8FFFFFFF  }
0x98: {  	s19 =	sld [smem:$0x3FDB];
	_ =	sdelay $0x1  }
0x99: {  	s4 =	simm.s32 $_scs_section_size  }
0x9a: {  	s5 =	simm.s32 $_size__tile_overlayer_lowered;
	s6 =	simm.s32 $_tile_overlayer_lowered  }
0x9b: {  	s22 =	simm.s32 $0x1BFF;
	s21 =	sshll.u32 s6, $0x1;
	s3 =	sadd.s32 s4, s19  }
0x9c: {  	s7 =	simm.s32 $0x0;
	s20 =	sshll.u32 s5, $0x1;
	s5 =	sadd.s32 s21, s3  }
0x9d: {  	[timem:s7], [sflag:s22] =	dma.local [hbm:s5], s20  }
0x9e: {  	_ =	swait.ge [sflag:s22], s20  }
0x9f: {  	s4 =	ssub.s32 $0x0, s20;
	[sflag:s22] =	ssyncset.done $0x0  }
0xa0: {  	[sflag:s22] =	ssyncadd.s32 s4;
	_ =	sdelay $0x1  }
0xa1: {  	s23 =	simm.s32 $0x1B8B  }
0xa2: {  	_ =	swait.ge [sflag:s23], $0x1  }
0xa3: {  	[sflag:s23] =	ssyncset.done $0x0  }
0xa4: {  	s25 =	simm.s32 $0x1B8E;
	s24 =	sld [smem:$0x3FFE];
	[sflag:s23] =	ssyncadd.s32 $0xFFFFFFFF  }
0xa5: {  	s26 =	simm.s32 $execute0_lowered;
	[smem:$0x3FD2] =	sst s25  }
0xa6: {  	s5 =	sshll.u32 s26, $0x1;
	_ =	strace $0x80000046;
	[dreg:$0x1] =	wrdreg $0xFFFFFFFF  }
0xa7: {  	s28 =	simm.s32 $_size_execute0_lowered;
	s3 =	sadd.s32 s3, s5;
	[dreg:$0x0] =	wrdreg $0x0  }
0xa8: {  	s5 =	sshll.u32 s28, $0x1;
	[dreg:$0x2] =	wrdreg s3  }
0xa9: {  	[dreg:$0x3] =	wrdreg s5  }
0xaa: {  	[dreg:$0x4] =	wrdreg $0xC0  }
0xab: {  	_ =	task [dreg:s7], $0x5FFFF  }
0xac: {  	[dreg:$0x1] =	wrdreg $0xFFFFFFFF  }
0xad: {  	[dreg:$0x0] =	wrdreg $0x60  }
0xae: {  	[dreg:$0x2] =	wrdreg s2  }
0xaf: {  	[dreg:$0x3] =	wrdreg s24  }
0xb0: {  	[dreg:$0x4] =	wrdreg $0x9  }
0xb1: {  	_ =	task.clear_ibuf [dreg:s7], $0x5FFFF;
	_ =	strace $0x90000046  }
0xb2: {  	s29 =	simm.s32 $0x9;
	_ =	strace $0x80000048  }
0xb3: {  	_ =	swait.ge [sflag:s29], $0x1  }
0xb4: {  	[sflag:s29] =	ssyncadd.s32 $0xFFFFFFFF  }
0xb5: {  	_ =	strace $0x90000048  }
0xb6: {  	_ =	sfence  }
0xb7: {  	s30 =	sld [smem:$0x0];
	_ =	sdelay $0x2  }
0xb8: {  	s31 =	sshll.u32 s1, $0xD;
	s1 =	sshrl.u32 s1, $0x2  }
0xb9: {  	s3 =	sand.u32 $0x4000, s31;
	s1 =	sadd.s32 s1, s30  }
0xba: {  	s0 =	sor.u32 s3, s0;
	s1 =	sshll.u32 s1, $0x11  }
0xbb: {  	s0 =	sor.u32 s1, s0  }
0xbc: {  	s0 =	sadd.s32 $0x8F2B, s0  }
0xbd: {  	[sflag:s0] =	ssyncadd.remote.s32 $0x1  }
0xbe: {  	_ =	sfence.sel $0xFFFF  }
0xbf: {  	[dreg:$0x0] =	wrdreg $0xFFFFFFFF;
	(pc) =	sbr.abs _section_cstart, $3  }
0xc0: {  	[dreg:$0x1] =	wrdreg $0xFFFFFFFF  }
0xc1: {  	_ =	task.clear_ibuf [dreg:s7], $0x2FFFF;
	_ =	strace $0x9FFFFFFF  }
0xc2: {  	(tm) =	ssettm $0x7FFFFFFF  }
0xc3: {  	_ =	shalt  }
tec
execute0_lowered:
.L_overlay_start_1:
0x0: {  	(tag) =	ssettag $0x1  }
0x1: {  	s4 =	srdreg.scid  }
0x2: {  	s4 =	sand.u32 $0x1, s4  }
0x3: {  	s5 =	ssub.s32 $0x2, s4  }
0x4: {  	s3 =	rddreg [dreg:$0x1];
	s26 =	sshrl.u32 s5, $0x1  }
0x5: {  	s7 =	sadd.s32 $0x1400, s3;
	s8 =	sadd.s32 $0x1A00, s3;
	s3 =	ssub.s32 s5, s26  }
0x6: {  	s1 =	simm.s32 $0x0;
	s29 =	smax.u32 s3, $0x1  }
0x7: {  	[smem:$0x7FF] =	sst s1;
	s1 =	stileid.u32;
	s17 =	sadd.s32 $0xFFFFFFFF, s29  }
0x8: {  	s2 =	rddreg [dreg:$0x0];
	s6 =	smul.u32 $0x280, s1;
	p2 =	sne.s32 s17, $0x0  }
.Ltmp0:
0x9: {  	s0 =	rddreg [dreg:$0x2];
	(pc) =	sbr.rel @!p2 .LBB2_3-.Ltmp0, $4  }
0xa: {  	p1 =	por $0x0, $0x0;
	_ =	strace $0x80000047;
	s9 =	smul.u32 $0x2800, s1  }
0xb: {  	p0 =	seq.s32 s4, $0x1;
	s28 =	sshrl.u32 s6, $0x3;
	s6 =	sadd.s32 $0x1D8, s6  }
0xc: {  	s4 =	sadd.s32 s7, s28;
	s30 =	sshrl.u32 s6, $0x3;
	s31 =	sshll.u32 s6, $0x4  }
0xd: {  	s3 =	sadd.s32 s8, s9;
	s6 =	sadd.s32 s7, s30;
	s5 =	sadd.s32 s8, s31  }
0xe: {  	s7 =	simm.s32 @p0 $0x0;
	s8 =	simm.s32 @p0 $0x2  }
0xf: {  	[tilespmem:s7], [sflag:$0x2] =	stream.linear.gather @p0 [hbm4b:s6+s7], $0xA8, $0x38;
	[tilespmem:$0xEE00] =	vst v63  }
0x10: {  	_ =	swait.ge @p0 [sflag:s8], $0xA8  }
0x11: {  	s9 =	simm.s32 @p0 $0x1;
	[sflag:s8] =	ssyncset.done @p0 $0x0  }
0x12: {  	s10 =	simm.s32 @p0 $0xA8;
	s11 =	simm.s32 @p0 $0x200;
	[sflag:s8] =	ssyncadd.s32 @p0 $0xFFFFFF58  }
0x13: {  	[tilespmem:s11], [sflag:$0x1] =	stream.indirect.gather @p0 [hbm4b:s2+s10], $0x80, s7, s10, $0xb8;
	[tilespmem:$0xEE00] =	vst v63  }
0x14: {  	_ =	swait.ge @p0 [sflag:s9], $0x5400  }
0x15: {  	[sflag:s9] =	ssyncset.done @p0 $0x0  }
0x16: {  	[sflag:s9] =	ssyncadd.s32 @p0 $0xFFFFAC00  }
0x17: {  	[hbm4b:s5+s7] =	stream.linear.scatter @p0 [tilespmem:s11], [sflag:$0x2], $0x5400, $0x38;
	[tilespmem:$0xEE00] =	vst v63  }
0x18: {  	_ =	swait.ge @p0 [sflag:s8], $0x5400  }
0x19: {  	[sflag:s8] =	ssyncset.done @p0 $0x0  }
0x1a: {  	s13 =	simm.s32 @!p0 $0x0;
	s12 =	simm.s32 @!p0 $0x2;
	[sflag:s8] =	ssyncadd.s32 @p0 $0xFFFFAC00  }
0x1b: {  	[tilespmem:s13], [sflag:$0x2] =	stream.linear.gather @!p0 [hbm4b:s4+s13], $0x1D8, $0x38;
	[tilespmem:$0xEE00] =	vst v63  }
0x1c: {  	_ =	swait.ge @!p0 [sflag:s12], $0x1D8  }
0x1d: {  	s14 =	simm.s32 @!p0 $0x1;
	s15 =	simm.s32 @!p0 $0x1D8;
	[sflag:s12] =	ssyncset.done @!p0 $0x0  }
0x1e: {  	s16 =	simm.s32 @!p0 $0x200;
	s17 =	sadd.s32 $0xFFFFFFFF, s17;
	[sflag:s12] =	ssyncadd.s32 @!p0 $0xFFFFFE28  }
0x1f: {  	[tilespmem:s16], [sflag:$0x1] =	stream.indirect.gather @!p0 [hbm4b:s2+s15], $0x80, s13, s15, $0xb8;
	[tilespmem:$0xEE00] =	vst v63  }
0x20: {  	p2 =	sne.s32 s17, $0x0;
	_ =	swait.ge @!p0 [sflag:s14], $0xEC00  }
.Ltmp1:
0x21: {  	[sflag:s14] =	ssyncset.done @!p0 $0x0;
	(pc) =	sbr.rel @!p2 .LBB2_3-.Ltmp1, $4  }
0x22: {  	[sflag:s14] =	ssyncadd.s32 @!p0 $0xFFFF1400  }
0x23: {  	[hbm4b:s3+s13] =	stream.linear.scatter @!p0 [tilespmem:s16], [sflag:$0x2], $0xEC00, $0x38;
	[tilespmem:$0xEE00] =	vst v63  }
0x24: {  	_ =	swait.ge @!p0 [sflag:s12], $0xEC00  }
0x25: {  	p1 =	por $0x1, $0x1;
	[sflag:s12] =	ssyncset.done @!p0 $0x0  }
.LBB2_2:
0x26: {  	[sflag:s12] =	ssyncadd.s32 @!p0 $0xFFFF1400  }
0x27: {  	[tilespmem:s7], [sflag:$0x2] =	stream.linear.gather @p0 [hbm4b:s6+s7], $0xA8, $0x38;
	[tilespmem:$0xEE00] =	vst v63  }
0x28: {  	s17 =	sadd.s32 $0xFFFFFFFF, s17;
	_ =	swait.ge @p0 [sflag:s8], $0xA8  }
0x29: {  	p2 =	sne.s32 s17, $0x0;
	[sflag:s8] =	ssyncset.done @p0 $0x0  }
0x2a: {  	[sflag:s8] =	ssyncadd.s32 @p0 $0xFFFFFF58  }
0x2b: {  	[tilespmem:s11], [sflag:$0x1] =	stream.indirect.gather @p0 [hbm4b:s2+s10], $0x80, s7, s10, $0xb8;
	[tilespmem:$0xEE00] =	vst v63  }
0x2c: {  	_ =	swait.ge @p0 [sflag:s9], $0x5400  }
0x2d: {  	[sflag:s9] =	ssyncset.done @p0 $0x0  }
0x2e: {  	[sflag:s9] =	ssyncadd.s32 @p0 $0xFFFFAC00  }
0x2f: {  	[hbm4b:s5+s7] =	stream.linear.scatter @p0 [tilespmem:s11], [sflag:$0x2], $0x5400, $0x38;
	[tilespmem:$0xEE00] =	vst v63  }
0x30: {  	_ =	swait.ge @p0 [sflag:s8], $0x5400  }
0x31: {  	[sflag:s8] =	ssyncset.done @p0 $0x0  }
0x32: {  	[sflag:s8] =	ssyncadd.s32 @p0 $0xFFFFAC00  }
0x33: {  	[tilespmem:s13], [sflag:$0x2] =	stream.linear.gather @!p0 [hbm4b:s4+s13], $0x1D8, $0x38;
	[tilespmem:$0xEE00] =	vst v63  }
0x34: {  	_ =	swait.ge @!p0 [sflag:s12], $0x1D8  }
0x35: {  	[sflag:s12] =	ssyncset.done @!p0 $0x0  }
0x36: {  	[sflag:s12] =	ssyncadd.s32 @!p0 $0xFFFFFE28  }
0x37: {  	[tilespmem:s16], [sflag:$0x1] =	stream.indirect.gather @!p0 [hbm4b:s2+s15], $0x80, s13, s15, $0xb8;
	[tilespmem:$0xEE00] =	vst v63  }
0x38: {  	_ =	swait.ge @!p0 [sflag:s14], $0xEC00  }
.Ltmp2:
0x39: {  	[sflag:s14] =	ssyncset.done @!p0 $0x0;
	(pc) =	sbr.rel @p2 .LBB2_2-.Ltmp2, $4  }
0x3a: {  	[sflag:s14] =	ssyncadd.s32 @!p0 $0xFFFF1400  }
0x3b: {  	[hbm4b:s3+s13] =	stream.linear.scatter @!p0 [tilespmem:s16], [sflag:$0x2], $0xEC00, $0x38;
	[tilespmem:$0xEE00] =	vst v63  }
0x3c: {  	_ =	swait.ge @!p0 [sflag:s12], $0xEC00  }
0x3d: {  	[sflag:s12] =	ssyncset.done @!p0 $0x0  }
.LBB2_3:
0x3e: {  	p1 =	por p0, !p1  }
0x3f: {  	s7 =	simm.s32 @p0 $0x0;
	s8 =	simm.s32 @p0 $0x2;
	[sflag:s12] =	ssyncadd.s32 @!p1 $0xFFFF1400  }
0x40: {  	[tilespmem:s7], [sflag:$0x2] =	stream.linear.gather @p0 [hbm4b:s6+s7], $0xA8, $0x38;
	[tilespmem:$0xEE00] =	vst v63  }
0x41: {  	_ =	swait.ge @p0 [sflag:s8], $0xA8  }
0x42: {  	s9 =	simm.s32 @p0 $0xA8;
	[sflag:s8] =	ssyncset.done @p0 $0x0  }
0x43: {  	s10 =	simm.s32 @p0 $0x200;
	s6 =	simm.s32 @p0 $0x1;
	[sflag:s8] =	ssyncadd.s32 @p0 $0xFFFFFF58  }
0x44: {  	[tilespmem:s10], [sflag:$0x1] =	stream.indirect.gather @p0 [hbm4b:s2+s9], $0x80, s7, s9, $0xb8;
	[tilespmem:$0xEE00] =	vst v63  }
0x45: {  	_ =	swait.ge @p0 [sflag:s6], $0x5400  }
0x46: {  	[sflag:s6] =	ssyncset.done @p0 $0x0  }
0x47: {  	[sflag:s6] =	ssyncadd.s32 @p0 $0xFFFFAC00  }
0x48: {  	[hbm4b:s5+s7] =	stream.linear.scatter @p0 [tilespmem:s10], [sflag:$0x2], $0x5400, $0x38;
	[tilespmem:$0xEE00] =	vst v63  }
0x49: {  	_ =	swait.ge @p0 [sflag:s8], $0x5400  }
0x4a: {  	[sflag:s8] =	ssyncset.done @p0 $0x0  }
0x4b: {  	s6 =	simm.s32 @!p0 $0x2;
	s5 =	simm.s32 @!p0 $0x0;
	[sflag:s8] =	ssyncadd.s32 @p0 $0xFFFFAC00  }
0x4c: {  	[tilespmem:s5], [sflag:$0x2] =	stream.linear.gather @!p0 [hbm4b:s4+s5], $0x1D8, $0x38;
	[tilespmem:$0xEE00] =	vst v63  }
0x4d: {  	_ =	swait.ge @!p0 [sflag:s6], $0x1D8  }
0x4e: {  	s7 =	simm.s32 @!p0 $0x1D8;
	[sflag:s6] =	ssyncset.done @!p0 $0x0  }
0x4f: {  	s8 =	simm.s32 @!p0 $0x200;
	s4 =	simm.s32 @!p0 $0x1;
	[sflag:s6] =	ssyncadd.s32 @!p0 $0xFFFFFE28  }
0x50: {  	[tilespmem:s8], [sflag:$0x1] =	stream.indirect.gather @!p0 [hbm4b:s2+s7], $0x80, s5, s7, $0xb8;
	[tilespmem:$0xEE00] =	vst v63  }
0x51: {  	_ =	swait.ge @!p0 [sflag:s4], $0xEC00  }
0x52: {  	[sflag:s4] =	ssyncset.done @!p0 $0x0  }
0x53: {  	[sflag:s4] =	ssyncadd.s32 @!p0 $0xFFFF1400  }
0x54: {  	[hbm4b:s3+s5] =	stream.linear.scatter @!p0 [tilespmem:s8], [sflag:$0x2], $0xEC00, $0x38;
	[tilespmem:$0xEE00] =	vst v63  }
0x55: {  	_ =	swait.ge @!p0 [sflag:s6], $0xEC00  }
0x56: {  	[sflag:s6] =	ssyncset.done @!p0 $0x0  }
0x57: {  	[sflag:s6] =	ssyncadd.s32 @!p0 $0xFFFF1400  }
0x58: {  	_ =	sfence.sel $0x180000  }
0x59: {  	[bflag:$0x0] =	sbarrier.arrive $0xFFFF  }
0x5a: {  	p0 =	sne.s32 s1, $0x0;
	_ =	strace $0x90000047  }
0x5b: {  	s0 =	sadd.s32 @!p0 $0x100000, s0;
	[bflag:$0x2] =	sbarrier.arrive $0xFFFF  }
0x5c: {  	[sflag:s0] =	ssyncadd.tile.s32 @!p0 $0x1;
	_ =	shalt  }
.Lfunc_end2:
_tile_overlayer_lowered:
.L_overlay_start_2:
0x5d: {  	(tag) =	ssettag $0x2  }
0x5e: {  	s0 =	rddreg [dreg:$0x0];
	s2 =	stileid.u32  }
0x5f: {  	s1 =	rddreg [dreg:$0x1];
	p0 =	sne.s32 s2, $0x0  }
0x60: {  	s3 =	rddreg [dreg:$0x2];
	[bflag:$0x3] =	sbarrier.arrive $0xFFFF;
	s2 =	simm.s32 @!p0 $0x1C02  }
0x61: {  	[timem:s3], [sflag:s2] =	dma.local @!p0 [hbm:s0], s1  }
0x62: {  	s0 =	simm.s32 @!p0 $0x2  }
0x63: {  	_ =	swait.ge @!p0 [sflag:s0], s1  }
0x64: {  	s1 =	ssub.s32 @!p0 $0x0, s1;
	[sflag:s0] =	ssyncset.done @!p0 $0x0  }
0x65: {  	[sflag:s0] =	ssyncadd.s32 @!p0 s1  }
0x66: {  	[bflag:$0x3] =	sbarrier.arrive $0xFFFF  }
0x67: {  	_ =	shalt  }

</sc_bundles>
